<compile_context>
chip_gen: v7x
topology: tpu7x:2x2x1
jax: 0.10.2.dev20260603
libtpu: 0.0.44.dev20260713+nightly
codegen_flags: <defaults>
</compile_context>

<pallas_src>
import functools

import jax
import jax.numpy as jnp
import numpy as np
from jax import lax
from jax.experimental import pallas as pl
from jax.experimental.pallas import tpu as pltpu
from jax.experimental.pallas import tpu_sc as plsc

_PATCH = 32
_GRID = 10
_H2 = 16
_W2 = 16
_E = _PATCH * _PATCH * 3
_WHALF = 256


def _hash_rows():
    i = np.arange(_H2)
    j = np.arange(_W2)
    hi = np.floor(i.astype(np.float32) * _GRID / _H2).astype(np.int32)
    hj = np.floor(j.astype(np.float32) * _GRID / _W2).astype(np.int32)
    return (hi[:, None] * _GRID + hj[None, :]).reshape(-1)


def _sc_body(x_hbm, tab_hbm, idx_hbm, out_hbm,
             in0, in1, out0, out1, shared, idx8_v,
             sem_i0, sem_i1, sem_o0, sem_o1, sem_p0, sem_p1, sem_t):
    cidx = lax.axis_index("c")
    sidx = lax.axis_index("s")
    wid = sidx * 2 + cidx
    ph = wid // 2
    half = wid % 2
    p0 = ph * _W2 + half * 8
    row0 = ph * _PATCH
    w0 = half * _WHALF
    nb = x_hbm.shape[0]

    def din(b, buf, sem):
        return pltpu.make_async_copy(
            x_hbm.at[b, :, pl.ds(row0, _PATCH), pl.ds(w0, _WHALF)], buf, sem)

    def dout(b, buf, sem):
        return pltpu.make_async_copy(buf, out_hbm.at[b, pl.ds(p0, 8)], sem)

    def prefill(buf, sem):
        return pltpu.make_async_copy(shared.at[sidx], buf, sem)

    din(0, in0, sem_i0).start()
    din(1, in1, sem_i1).start()

    pltpu.sync_copy(idx_hbm.at[pl.ds(p0, 8)], idx8_v)
    pltpu.async_copy(tab_hbm.at[idx8_v], out0, sem_t).wait()
    pltpu.sync_copy(out0, shared.at[sidx])

    prefill(out0, sem_p0).start()
    prefill(out1, sem_p1).start()

    iota3 = lax.iota(jnp.int32, 16) * 3
    rows = [jnp.full((16,), pw, jnp.int32) for pw in range(8)]

    def compute(in_v, out_v):
        for c in range(3):
            @plsc.parallel_loop(0, _PATCH, unroll=1)
            def _(kh, c=c):
                col0 = iota3 + (kh * 96 + c)
                col1 = col0 + 48
                for s in range(16):
                    row = rows[s // 2]
                    col = col0 if s % 2 == 0 else col1
                    v = in_v[c, kh, pl.ds(s * 16, 16)]
                    plsc.addupdate_scatter(out_v, [row, col], v)

    def phase(b, in_v, out_v, sem_i, sem_o, sem_p):
        din(0, in_v, sem_i).wait()
        prefill(out_v, sem_p).wait()
        compute(in_v, out_v)
        dout(b, out_v, sem_o).start()

        @pl.when(b + 2 < nb)
        def _():
            din(b + 2, in_v, sem_i).start()

    phase(0, in0, out0, sem_i0, sem_o0, sem_p0)
    phase(1, in1, out1, sem_i1, sem_o1, sem_p1)

    def steady(i, carry):
        dout(0, out0, sem_o0).wait()
        prefill(out0, sem_p0).start()
        dout(0, out1, sem_o1).wait()
        prefill(out1, sem_p1).start()
        phase(2 * i, in0, out0, sem_i0, sem_o0, sem_p0)
        phase(2 * i + 1, in1, out1, sem_i1, sem_o1, sem_p1)
        return carry

    lax.fori_loop(1, nb // 2, steady, 0)

    dout(0, out0, sem_o0).wait()
    dout(0, out1, sem_o1).wait()


def kernel(x, position_embeddings):
    b = x.shape[0]
    table = position_embeddings.reshape(_GRID * _GRID, _E)
    idx = jnp.asarray(_hash_rows())

    mesh = plsc.VectorSubcoreMesh(core_axis_name="c", subcore_axis_name="s")
    run = functools.partial(
        pl.kernel,
        out_type=jax.ShapeDtypeStruct((b, _H2 * _W2, _E), x.dtype),
        mesh=mesh,
        compiler_params=pltpu.CompilerParams(needs_layout_passes=False),
        scratch_types=[
            pltpu.VMEM((3, _PATCH, _WHALF), jnp.float32),
            pltpu.VMEM((3, _PATCH, _WHALF), jnp.float32),
            pltpu.VMEM((8, _E), jnp.float32),
            pltpu.VMEM((8, _E), jnp.float32),
            pltpu.VMEM_SHARED((16, 8, _E), jnp.float32),
            pltpu.VMEM((8,), jnp.int32),
            pltpu.SemaphoreType.DMA,
            pltpu.SemaphoreType.DMA,
            pltpu.SemaphoreType.DMA,
            pltpu.SemaphoreType.DMA,
            pltpu.SemaphoreType.DMA,
            pltpu.SemaphoreType.DMA,
            pltpu.SemaphoreType.DMA,
        ],
    )(_sc_body)
    return run(x, table, idx)

# --- scband reference (transcript-rebuilt; emitter-appended) ---
"""Pipeline reference for scband-hash-spatial-position-embeddings-42150809043026 (READ-ONLY COPY).

The authoritative reference and input builder live on the scoring server;
editing this copy changes nothing except your own understanding.
"""

import math
import jax
import jax.numpy as jnp
import numpy as np

PATCH = 32
GRID = 10


def _extract_image_patches(x, kernel, stride):
    b, c, h, w = x.shape
    h2 = math.ceil(h / stride)
    w2 = math.ceil(w / stride)
    pad_row = (h2 - 1) * stride + kernel - h
    pad_col = (w2 - 1) * stride + kernel - w
    x = jnp.pad(x, ((0, 0), (0, 0), (pad_row // 2, pad_row - pad_row // 2), (pad_col // 2, pad_col - pad_col // 2)))
    # stride == kernel (non-overlapping), so unfold is an exact reshape
    x = x.reshape(b, c, h2, kernel, w2, kernel)
    # match torch permute(0,4,5,1,2,3) channel ordering (k_h, k_w, c), flattened per patch
    patches = jnp.transpose(x, (0, 2, 4, 3, 5, 1)).reshape(b, h2 * w2, kernel * kernel * c)
    return patches, h2, w2


def _hash_indices(h2, w2, grid):
    # hashed spatial position embedding index (MUSIQ-style): map patch grid (h2,w2) onto a
    # fixed grid x grid table of learned embeddings
    i = jnp.arange(h2)
    j = jnp.arange(w2)
    hi = jnp.floor(i.astype(jnp.float32) * grid / h2).astype(jnp.int32)
    hj = jnp.floor(j.astype(jnp.float32) * grid / w2).astype(jnp.int32)
    return (hi[:, None] * grid + hj[None, :]).reshape(-1)


def setup_inputs(seed: int = 0) -> dict:
    key = jax.random.key(seed)
    k1, k2 = jax.random.split(key)
    x = jax.random.normal(k1, (32, 3, 512, 512), dtype=jnp.float32)
    position_embeddings = 0.02 * jax.random.normal(k2, (1, GRID * GRID, PATCH * PATCH * 3), dtype=jnp.float32)
    return {"x": x, "position_embeddings": position_embeddings}


def reference(x, position_embeddings):
    patches, h2, w2 = _extract_image_patches(x, PATCH, PATCH)
    idx = _hash_indices(h2, w2, GRID)
    pos = jnp.take(position_embeddings[0], idx, axis=0)
    return patches + pos[None, :, :]

if __name__ == "__main__":
    import jax
    _d = setup_inputs()
    print(jax.jit(kernel)(*tuple(_d.values())))

</pallas_src>

<mosaic_0001>
#map = affine_map<(d0, d1) -> (0, 0, 0, 0)>
#map1 = affine_map<(d0, d1) -> (0, 0)>
#map2 = affine_map<(d0, d1) -> (0)>
#map3 = affine_map<(d0, d1) -> (0, 0, 0)>
module attributes {stable_mosaic.version = 14 : i64} {
  func.func @_sc_body(%arg0: i32, %arg1: i32, %arg2: memref<32x3x512x512xf32, #tpu.memory_space<hbm>>, %arg3: memref<100x3072xf32, #tpu.memory_space<hbm>>, %arg4: memref<256xi32, #tpu.memory_space<hbm>>, %arg5: memref<32x256x3072xf32, #tpu.memory_space<hbm>>, %arg6: memref<3x32x256xf32, #tpu.memory_space<vmem>>, %arg7: memref<3x32x256xf32, #tpu.memory_space<vmem>>, %arg8: memref<8x3072xf32, #tpu.memory_space<vmem>>, %arg9: memref<8x3072xf32, #tpu.memory_space<vmem>>, %arg10: memref<16x8x3072xf32, #tpu.memory_space<vmem_shared>>, %arg11: memref<8xi32, #tpu.memory_space<vmem>>, %arg12: memref<!tpu.dma_semaphore, #tpu.memory_space<semaphore_mem>>, %arg13: memref<!tpu.dma_semaphore, #tpu.memory_space<semaphore_mem>>, %arg14: memref<!tpu.dma_semaphore, #tpu.memory_space<semaphore_mem>>, %arg15: memref<!tpu.dma_semaphore, #tpu.memory_space<semaphore_mem>>, %arg16: memref<!tpu.dma_semaphore, #tpu.memory_space<semaphore_mem>>, %arg17: memref<!tpu.dma_semaphore, #tpu.memory_space<semaphore_mem>>, %arg18: memref<!tpu.dma_semaphore, #tpu.memory_space<semaphore_mem>>) attributes {dimension_semantics = [#tpu.dimension_semantics<core_parallel>, #tpu.dimension_semantics<subcore_parallel>], iteration_bounds = array<i64: 2, 16>, scalar_prefetch = 0 : i64, scratch_operands = 13 : i64, tpu.core_type = #tpu.core_type<sc_vector_subcore>, window_params = [{transform_indices = #map}, {transform_indices = #map1}, {transform_indices = #map2}, {transform_indices = #map3}]} {
    %mul3A = arith.constant 2 : i32
    %mul3A_0 = arith.muli %arg1, %mul3A : i32
    %add3A = arith.addi %mul3A_0, %arg0 : i32
    %jit3A = arith.constant 2 : i32
    %div3A = arith.divsi %add3A, %jit3A : i32
    %sign3A = arith.constant 0 : i32
    %sign3A_1 = arith.cmpi sgt, %add3A, %sign3A : i32
    %sign3A_2 = arith.extui %sign3A_1 : i1 to i32
    %sign3A_3 = arith.constant 0 : i32
    %sign3A_4 = arith.cmpi slt, %add3A, %sign3A_3 : i32
    %sign3A_5 = arith.extui %sign3A_4 : i1 to i32
    %sign3A_6 = arith.subi %sign3A_2, %sign3A_5 : i32
    %sign3A_7 = arith.constant 0 : i32
    %sign3A_8 = arith.cmpi sgt, %jit3A, %sign3A_7 : i32
    %sign3A_9 = arith.extui %sign3A_8 : i1 to i32
    %sign3A_10 = arith.constant 0 : i32
    %sign3A_11 = arith.cmpi slt, %jit3A, %sign3A_10 : i32
    %sign3A_12 = arith.extui %sign3A_11 : i1 to i32
    %sign3A_13 = arith.subi %sign3A_9, %sign3A_12 : i32
    %ne3A = arith.cmpi ne, %sign3A_6, %sign3A_13 : i32
    %rem3A = arith.remsi %add3A, %jit3A : i32
    %ne3A_14 = arith.constant 0 : i32
    %ne3A_15 = arith.cmpi ne, %rem3A, %ne3A_14 : i32
    %and3A = arith.andi %ne3A, %ne3A_15 : i1
    %sub3A = arith.constant 1 : i32
    %sub3A_16 = arith.subi %div3A, %sub3A : i32
    %select_n3A = arith.select %and3A, %sub3A_16, %div3A : i32
    %jit3A_17 = arith.constant 2 : i32
    %eq3A = arith.constant 0 : i32
    %eq3A_18 = arith.cmpi eq, %jit3A_17, %eq3A : i32
    %jit3A_19 = arith.constant 1 : i32
    %select_n3A_20 = arith.select %eq3A_18, %jit3A_19, %jit3A_17 : i32
    %rem3A_21 = arith.remsi %add3A, %select_n3A_20 : i32
    %ne3A_22 = arith.constant 0 : i32
    %ne3A_23 = arith.cmpi ne, %rem3A_21, %ne3A_22 : i32
    %lt3A = arith.constant 0 : i32
    %lt3A_24 = arith.cmpi slt, %rem3A_21, %lt3A : i32
    %lt3A_25 = arith.constant 0 : i32
    %lt3A_26 = arith.cmpi slt, %select_n3A_20, %lt3A_25 : i32
    %ne3A_27 = arith.xori %lt3A_24, %lt3A_26 : i1
    %and3A_28 = arith.andi %ne3A_27, %ne3A_23 : i1
    %add3A_29 = arith.addi %rem3A_21, %select_n3A_20 : i32
    %select_n3A_30 = arith.select %and3A_28, %add3A_29, %rem3A_21 : i32
    %mul3A_31 = arith.constant 16 : i32
    %mul3A_32 = arith.muli %select_n3A, %mul3A_31 : i32
    %mul3A_33 = arith.constant 8 : i32
    %mul3A_34 = arith.muli %select_n3A_30, %mul3A_33 : i32
    %add3A_35 = arith.addi %mul3A_32, %mul3A_34 : i32
    %mul3A_36 = arith.constant 32 : i32
    %mul3A_37 = arith.muli %select_n3A, %mul3A_36 : i32
    %mul3A_38 = arith.constant 256 : i32
    %mul3A_39 = arith.muli %select_n3A_30, %mul3A_38 : i32
    %dma_start3A = arith.constant 0 : i32
    %dma_start3A_40 = arith.constant 0 : i32
    %dma_start3A_41 = tpu.memref_slice %arg2[%dma_start3A, %dma_start3A_40, %mul3A_37, %mul3A_39] : memref<32x3x512x512xf32, #tpu.memory_space<hbm>> -> memref<1x3x32x256xf32, #tpu.memory_space<hbm>>
    %dma_start3A_42 = tpu.memref_squeeze %dma_start3A_41 : memref<1x3x32x256xf32, #tpu.memory_space<hbm>> -> memref<3x32x256xf32, #tpu.memory_space<hbm>>
    %dma_start3A_43 = arith.constant 0 : i32
    %dma_start3A_44 = tpu.memref_slice %arg2[%dma_start3A, %dma_start3A_43, %mul3A_37, %mul3A_39] : memref<32x3x512x512xf32, #tpu.memory_space<hbm>> -> memref<1x3x32x256xf32, #tpu.memory_space<hbm>>
    %dma_start3A_45 = tpu.memref_squeeze %dma_start3A_44 : memref<1x3x32x256xf32, #tpu.memory_space<hbm>> -> memref<3x32x256xf32, #tpu.memory_space<hbm>>
    tpu.enqueue_dma source(%dma_start3A_45 : memref<3x32x256xf32, #tpu.memory_space<hbm>>) target(%arg6 : memref<3x32x256xf32, #tpu.memory_space<vmem>>) target_semaphore(%arg12 : memref<!tpu.dma_semaphore, #tpu.memory_space<semaphore_mem>>)
    %dma_start3A_46 = arith.constant 1 : i32
    %dma_start3A_47 = arith.constant 0 : i32
    %dma_start3A_48 = tpu.memref_slice %arg2[%dma_start3A_46, %dma_start3A_47, %mul3A_37, %mul3A_39] : memref<32x3x512x512xf32, #tpu.memory_space<hbm>> -> memref<1x3x32x256xf32, #tpu.memory_space<hbm>>
    %dma_start3A_49 = tpu.memref_squeeze %dma_start3A_48 : memref<1x3x32x256xf32, #tpu.memory_space<hbm>> -> memref<3x32x256xf32, #tpu.memory_space<hbm>>
    %dma_start3A_50 = arith.constant 0 : i32
    %dma_start3A_51 = tpu.memref_slice %arg2[%dma_start3A_46, %dma_start3A_50, %mul3A_37, %mul3A_39] : memref<32x3x512x512xf32, #tpu.memory_space<hbm>> -> memref<1x3x32x256xf32, #tpu.memory_space<hbm>>
    %dma_start3A_52 = tpu.memref_squeeze %dma_start3A_51 : memref<1x3x32x256xf32, #tpu.memory_space<hbm>> -> memref<3x32x256xf32, #tpu.memory_space<hbm>>
    tpu.enqueue_dma source(%dma_start3A_52 : memref<3x32x256xf32, #tpu.memory_space<hbm>>) target(%arg7 : memref<3x32x256xf32, #tpu.memory_space<vmem>>) target_semaphore(%arg13 : memref<!tpu.dma_semaphore, #tpu.memory_space<semaphore_mem>>)
    "tpu.region"() ({
      %run_scoped3A = tpu.sem_alloc : memref<!tpu.dma_semaphore, #tpu.memory_space<semaphore_mem>>
      %dma_start3A_186 = tpu.memref_slice %arg4[%add3A_35] : memref<256xi32, #tpu.memory_space<hbm>> -> memref<8xi32, #tpu.memory_space<hbm>>
      %dma_start3A_187 = tpu.memref_slice %arg4[%add3A_35] : memref<256xi32, #tpu.memory_space<hbm>> -> memref<8xi32, #tpu.memory_space<hbm>>
      tpu.enqueue_dma source(%dma_start3A_187 : memref<8xi32, #tpu.memory_space<hbm>>) target(%arg11 : memref<8xi32, #tpu.memory_space<vmem>>) target_semaphore(%run_scoped3A : memref<!tpu.dma_semaphore, #tpu.memory_space<semaphore_mem>>)
      %dma_wait3A_188 = tpu.memref_slice %arg4[%add3A_35] : memref<256xi32, #tpu.memory_space<hbm>> -> memref<8xi32, #tpu.memory_space<hbm>>
      %dma_wait3A_189 = tpu.memref_slice %arg4[%add3A_35] : memref<256xi32, #tpu.memory_space<hbm>> -> memref<8xi32, #tpu.memory_space<hbm>>
      tpu.wait_dma2 semaphore(%run_scoped3A : memref<!tpu.dma_semaphore, #tpu.memory_space<semaphore_mem>>) src(%dma_wait3A_189 : memref<8xi32, #tpu.memory_space<hbm>>) dst(%arg11 : memref<8xi32, #tpu.memory_space<vmem>>)
      tpu.yield
    }) : () -> ()
    %dma_start3A_53 = arith.constant 0 : i32
    %dma_start3A_54 = arith.constant 0 : i32
    %dma_start3A_55 = tpu.memref_slice %arg3[%dma_start3A_53, %dma_start3A_54] : memref<100x3072xf32, #tpu.memory_space<hbm>> -> memref<100x3072xf32, #tpu.memory_space<hbm>>
    tpu.enqueue_indirect_dma source(%dma_start3A_55 : memref<100x3072xf32, #tpu.memory_space<hbm>>) target(%arg8 : memref<8x3072xf32, #tpu.memory_space<vmem>>) offsets(%arg11 : memref<8xi32, #tpu.memory_space<vmem>>) semaphore(%arg18 : memref<!tpu.dma_semaphore, #tpu.memory_space<semaphore_mem>>)
    %dma_wait3A = arith.constant 0 : i32
    %dma_wait3A_56 = arith.constant 0 : i32
    %dma_wait3A_57 = tpu.memref_slice %arg3[%dma_wait3A, %dma_wait3A_56] : memref<100x3072xf32, #tpu.memory_space<hbm>> -> memref<100x3072xf32, #tpu.memory_space<hbm>>
    tpu.wait_indirect_dma semaphore(%arg18 : memref<!tpu.dma_semaphore, #tpu.memory_space<semaphore_mem>>) src(%dma_wait3A_57 : memref<100x3072xf32, #tpu.memory_space<hbm>>) dst(%arg8 : memref<8x3072xf32, #tpu.memory_space<vmem>>)
    "tpu.region"() ({
      %run_scoped3A = tpu.sem_alloc : memref<!tpu.dma_semaphore, #tpu.memory_space<semaphore_mem>>
      %dma_start3A_186 = arith.constant 0 : i32
      %dma_start3A_187 = arith.constant 0 : i32
      %dma_start3A_188 = tpu.memref_slice %arg10[%arg1, %dma_start3A_186, %dma_start3A_187] : memref<16x8x3072xf32, #tpu.memory_space<vmem_shared>> -> memref<1x8x3072xf32, #tpu.memory_space<vmem_shared>>
      %dma_start3A_189 = tpu.memref_squeeze %dma_start3A_188 : memref<1x8x3072xf32, #tpu.memory_space<vmem_shared>> -> memref<8x3072xf32, #tpu.memory_space<vmem_shared>>
      %dma_start3A_190 = arith.constant 0 : i32
      %dma_start3A_191 = arith.constant 0 : i32
      %dma_start3A_192 = tpu.memref_slice %arg10[%arg1, %dma_start3A_190, %dma_start3A_191] : memref<16x8x3072xf32, #tpu.memory_space<vmem_shared>> -> memref<1x8x3072xf32, #tpu.memory_space<vmem_shared>>
      %dma_start3A_193 = tpu.memref_squeeze %dma_start3A_192 : memref<1x8x3072xf32, #tpu.memory_space<vmem_shared>> -> memref<8x3072xf32, #tpu.memory_space<vmem_shared>>
      tpu.enqueue_dma source(%arg8 : memref<8x3072xf32, #tpu.memory_space<vmem>>) target(%dma_start3A_193 : memref<8x3072xf32, #tpu.memory_space<vmem_shared>>) target_semaphore(%run_scoped3A : memref<!tpu.dma_semaphore, #tpu.memory_space<semaphore_mem>>)
      %dma_wait3A_194 = arith.constant 0 : i32
      %dma_wait3A_195 = arith.constant 0 : i32
      %dma_wait3A_196 = tpu.memref_slice %arg10[%arg1, %dma_wait3A_194, %dma_wait3A_195] : memref<16x8x3072xf32, #tpu.memory_space<vmem_shared>> -> memref<1x8x3072xf32, #tpu.memory_space<vmem_shared>>
      %dma_wait3A_197 = tpu.memref_squeeze %dma_wait3A_196 : memref<1x8x3072xf32, #tpu.memory_space<vmem_shared>> -> memref<8x3072xf32, #tpu.memory_space<vmem_shared>>
      %dma_wait3A_198 = arith.constant 0 : i32
      %dma_wait3A_199 = arith.constant 0 : i32
      %dma_wait3A_200 = tpu.memref_slice %arg10[%arg1, %dma_wait3A_198, %dma_wait3A_199] : memref<16x8x3072xf32, #tpu.memory_space<vmem_shared>> -> memref<1x8x3072xf32, #tpu.memory_space<vmem_shared>>
      %dma_wait3A_201 = tpu.memref_squeeze %dma_wait3A_200 : memref<1x8x3072xf32, #tpu.memory_space<vmem_shared>> -> memref<8x3072xf32, #tpu.memory_space<vmem_shared>>
      tpu.wait_dma2 semaphore(%run_scoped3A : memref<!tpu.dma_semaphore, #tpu.memory_space<semaphore_mem>>) src(%arg8 : memref<8x3072xf32, #tpu.memory_space<vmem>>) dst(%dma_wait3A_201 : memref<8x3072xf32, #tpu.memory_space<vmem_shared>>)
      tpu.yield
    }) : () -> ()
    %dma_start3A_58 = arith.constant 0 : i32
    %dma_start3A_59 = arith.constant 0 : i32
    %dma_start3A_60 = tpu.memref_slice %arg10[%arg1, %dma_start3A_58, %dma_start3A_59] : memref<16x8x3072xf32, #tpu.memory_space<vmem_shared>> -> memref<1x8x3072xf32, #tpu.memory_space<vmem_shared>>
    %dma_start3A_61 = tpu.memref_squeeze %dma_start3A_60 : memref<1x8x3072xf32, #tpu.memory_space<vmem_shared>> -> memref<8x3072xf32, #tpu.memory_space<vmem_shared>>
    %dma_start3A_62 = arith.constant 0 : i32
    %dma_start3A_63 = arith.constant 0 : i32
    %dma_start3A_64 = tpu.memref_slice %arg10[%arg1, %dma_start3A_62, %dma_start3A_63] : memref<16x8x3072xf32, #tpu.memory_space<vmem_shared>> -> memref<1x8x3072xf32, #tpu.memory_space<vmem_shared>>
    %dma_start3A_65 = tpu.memref_squeeze %dma_start3A_64 : memref<1x8x3072xf32, #tpu.memory_space<vmem_shared>> -> memref<8x3072xf32, #tpu.memory_space<vmem_shared>>
    tpu.enqueue_dma source(%dma_start3A_65 : memref<8x3072xf32, #tpu.memory_space<vmem_shared>>) target(%arg8 : memref<8x3072xf32, #tpu.memory_space<vmem>>) target_semaphore(%arg16 : memref<!tpu.dma_semaphore, #tpu.memory_space<semaphore_mem>>)
    %dma_start3A_66 = arith.constant 0 : i32
    %dma_start3A_67 = arith.constant 0 : i32
    %dma_start3A_68 = tpu.memref_slice %arg10[%arg1, %dma_start3A_66, %dma_start3A_67] : memref<16x8x3072xf32, #tpu.memory_space<vmem_shared>> -> memref<1x8x3072xf32, #tpu.memory_space<vmem_shared>>
    %dma_start3A_69 = tpu.memref_squeeze %dma_start3A_68 : memref<1x8x3072xf32, #tpu.memory_space<vmem_shared>> -> memref<8x3072xf32, #tpu.memory_space<vmem_shared>>
    %dma_start3A_70 = arith.constant 0 : i32
    %dma_start3A_71 = arith.constant 0 : i32
    %dma_start3A_72 = tpu.memref_slice %arg10[%arg1, %dma_start3A_70, %dma_start3A_71] : memref<16x8x3072xf32, #tpu.memory_space<vmem_shared>> -> memref<1x8x3072xf32, #tpu.memory_space<vmem_shared>>
    %dma_start3A_73 = tpu.memref_squeeze %dma_start3A_72 : memref<1x8x3072xf32, #tpu.memory_space<vmem_shared>> -> memref<8x3072xf32, #tpu.memory_space<vmem_shared>>
    tpu.enqueue_dma source(%dma_start3A_73 : memref<8x3072xf32, #tpu.memory_space<vmem_shared>>) target(%arg9 : memref<8x3072xf32, #tpu.memory_space<vmem>>) target_semaphore(%arg17 : memref<!tpu.dma_semaphore, #tpu.memory_space<semaphore_mem>>)
    %iota3A = tpu.iota {dimensions = array<i32: 0>} : vector<16xi32>
    %mul3A_74 = arith.constant 3 : i32
    %mul3A_75 = vector.broadcast %mul3A_74 : i32 to vector<16xi32>
    %mul3A_76 = arith.muli %iota3A, %mul3A_75 : vector<16xi32>
    %broadcast_in_dim3A = arith.constant 0 : i32
    %broadcast_in_dim3A_77 = vector.broadcast %broadcast_in_dim3A : i32 to vector<16xi32>
    %broadcast_in_dim3A_78 = arith.constant 1 : i32
    %broadcast_in_dim3A_79 = vector.broadcast %broadcast_in_dim3A_78 : i32 to vector<16xi32>
    %broadcast_in_dim3A_80 = arith.constant 2 : i32
    %broadcast_in_dim3A_81 = vector.broadcast %broadcast_in_dim3A_80 : i32 to vector<16xi32>
    %broadcast_in_dim3A_82 = arith.constant 3 : i32
    %broadcast_in_dim3A_83 = vector.broadcast %broadcast_in_dim3A_82 : i32 to vector<16xi32>
    %broadcast_in_dim3A_84 = arith.constant 4 : i32
    %broadcast_in_dim3A_85 = vector.broadcast %broadcast_in_dim3A_84 : i32 to vector<16xi32>
    %broadcast_in_dim3A_86 = arith.constant 5 : i32
    %broadcast_in_dim3A_87 = vector.broadcast %broadcast_in_dim3A_86 : i32 to vector<16xi32>
    %broadcast_in_dim3A_88 = arith.constant 6 : i32
    %broadcast_in_dim3A_89 = vector.broadcast %broadcast_in_dim3A_88 : i32 to vector<16xi32>
    %broadcast_in_dim3A_90 = arith.constant 7 : i32
    %broadcast_in_dim3A_91 = vector.broadcast %broadcast_in_dim3A_90 : i32 to vector<16xi32>
    %dma_wait3A_92 = arith.constant 0 : i32
    %dma_wait3A_93 = arith.constant 0 : i32
    %dma_wait3A_94 = tpu.memref_slice %arg2[%dma_wait3A_92, %dma_wait3A_93, %mul3A_37, %mul3A_39] : memref<32x3x512x512xf32, #tpu.memory_space<hbm>> -> memref<1x3x32x256xf32, #tpu.memory_space<hbm>>
    %dma_wait3A_95 = tpu.memref_squeeze %dma_wait3A_94 : memref<1x3x32x256xf32, #tpu.memory_space<hbm>> -> memref<3x32x256xf32, #tpu.memory_space<hbm>>
    %dma_wait3A_96 = arith.constant 0 : i32
    %dma_wait3A_97 = tpu.memref_slice %arg2[%dma_wait3A_92, %dma_wait3A_96, %mul3A_37, %mul3A_39] : memref<32x3x512x512xf32, #tpu.memory_space<hbm>> -> memref<1x3x32x256xf32, #tpu.memory_space<hbm>>
    %dma_wait3A_98 = tpu.memref_squeeze %dma_wait3A_97 : memref<1x3x32x256xf32, #tpu.memory_space<hbm>> -> memref<3x32x256xf32, #tpu.memory_space<hbm>>
    tpu.wait_dma2 semaphore(%arg12 : memref<!tpu.dma_semaphore, #tpu.memory_space<semaphore_mem>>) src(%dma_wait3A_98 : memref<3x32x256xf32, #tpu.memory_space<hbm>>) dst(%arg6 : memref<3x32x256xf32, #tpu.memory_space<vmem>>)
    %dma_wait3A_99 = arith.constant 0 : i32
    %dma_wait3A_100 = arith.constant 0 : i32
    %dma_wait3A_101 = tpu.memref_slice %arg10[%arg1, %dma_wait3A_99, %dma_wait3A_100] : memref<16x8x3072xf32, #tpu.memory_space<vmem_shared>> -> memref<1x8x3072xf32, #tpu.memory_space<vmem_shared>>
    %dma_wait3A_102 = tpu.memref_squeeze %dma_wait3A_101 : memref<1x8x3072xf32, #tpu.memory_space<vmem_shared>> -> memref<8x3072xf32, #tpu.memory_space<vmem_shared>>
    %dma_wait3A_103 = arith.constant 0 : i32
    %dma_wait3A_104 = arith.constant 0 : i32
    %dma_wait3A_105 = tpu.memref_slice %arg10[%arg1, %dma_wait3A_103, %dma_wait3A_104] : memref<16x8x3072xf32, #tpu.memory_space<vmem_shared>> -> memref<1x8x3072xf32, #tpu.memory_space<vmem_shared>>
    %dma_wait3A_106 = tpu.memref_squeeze %dma_wait3A_105 : memref<1x8x3072xf32, #tpu.memory_space<vmem_shared>> -> memref<8x3072xf32, #tpu.memory_space<vmem_shared>>
    tpu.wait_dma2 semaphore(%arg16 : memref<!tpu.dma_semaphore, #tpu.memory_space<semaphore_mem>>) src(%dma_wait3A_106 : memref<8x3072xf32, #tpu.memory_space<vmem_shared>>) dst(%arg8 : memref<8x3072xf32, #tpu.memory_space<vmem>>)
    %parallel_loop3A = arith.constant 0 : i32
    %parallel_loop3A_107 = arith.constant 32 : i32
    %parallel_loop3A_108 = arith.constant 1 : i32
    scf.for %parallel_loop3A_186 = %parallel_loop3A to %parallel_loop3A_107 step %parallel_loop3A_108  : i32 {
      %parallel_loop3A_187 = arith.constant 96 : i32
      %parallel_loop3A_188 = arith.muli %parallel_loop3A_186, %parallel_loop3A_187 : i32
      %parallel_loop3A_189 = arith.constant 0 : i32
      %parallel_loop3A_190 = arith.addi %parallel_loop3A_188, %parallel_loop3A_189 : i32
      %parallel_loop3A_191 = vector.broadcast %parallel_loop3A_190 : i32 to vector<16xi32>
      %parallel_loop3A_192 = arith.addi %mul3A_76, %parallel_loop3A_191 : vector<16xi32>
      %parallel_loop3A_193 = arith.constant 48 : i32
      %parallel_loop3A_194 = vector.broadcast %parallel_loop3A_193 : i32 to vector<16xi32>
      %parallel_loop3A_195 = arith.addi %parallel_loop3A_192, %parallel_loop3A_194 : vector<16xi32>
      %parallel_loop3A_196 = arith.constant 0 : i32
      %parallel_loop3A_197 = arith.index_cast %parallel_loop3A_196 : i32 to index
      %parallel_loop3A_198 = arith.index_cast %parallel_loop3A_186 : i32 to index
      %parallel_loop3A_199 = arith.constant 0 : index
      %parallel_loop3A_200 = tpu.vector_load %arg6[%parallel_loop3A_197, %parallel_loop3A_198, %parallel_loop3A_199] {strides = array<i32>} : memref<3x32x256xf32, #tpu.memory_space<vmem>>, vector<16xf32>,
      tpu.vector_store_idx %arg8[%broadcast_in_dim3A_77, %parallel_loop3A_192], %parallel_loop3A_200 {add = true} : memref<8x3072xf32, #tpu.memory_space<vmem>>[vector<16xi32>, vector<16xi32>], vector<16xf32>,
      %parallel_loop3A_201 = arith.constant 0 : i32
      %parallel_loop3A_202 = arith.index_cast %parallel_loop3A_201 : i32 to index
      %parallel_loop3A_203 = arith.index_cast %parallel_loop3A_186 : i32 to index
      %parallel_loop3A_204 = arith.constant 16 : index
      %parallel_loop3A_205 = tpu.vector_load %arg6[%parallel_loop3A_202, %parallel_loop3A_203, %parallel_loop3A_204] {strides = array<i32>} : memref<3x32x256xf32, #tpu.memory_space<vmem>>, vector<16xf32>,
      tpu.vector_store_idx %arg8[%broadcast_in_dim3A_77, %parallel_loop3A_195], %parallel_loop3A_205 {add = true} : memref<8x3072xf32, #tpu.memory_space<vmem>>[vector<16xi32>, vector<16xi32>], vector<16xf32>,
      %parallel_loop3A_206 = arith.constant 0 : i32
      %parallel_loop3A_207 = arith.index_cast %parallel_loop3A_206 : i32 to index
      %parallel_loop3A_208 = arith.index_cast %parallel_loop3A_186 : i32 to index
      %parallel_loop3A_209 = arith.constant 32 : index
      %parallel_loop3A_210 = tpu.vector_load %arg6[%parallel_loop3A_207, %parallel_loop3A_208, %parallel_loop3A_209] {strides = array<i32>} : memref<3x32x256xf32, #tpu.memory_space<vmem>>, vector<16xf32>,
      tpu.vector_store_idx %arg8[%broadcast_in_dim3A_79, %parallel_loop3A_192], %parallel_loop3A_210 {add = true} : memref<8x3072xf32, #tpu.memory_space<vmem>>[vector<16xi32>, vector<16xi32>], vector<16xf32>,
      %parallel_loop3A_211 = arith.constant 0 : i32
      %parallel_loop3A_212 = arith.index_cast %parallel_loop3A_211 : i32 to index
      %parallel_loop3A_213 = arith.index_cast %parallel_loop3A_186 : i32 to index
      %parallel_loop3A_214 = arith.constant 48 : index
      %parallel_loop3A_215 = tpu.vector_load %arg6[%parallel_loop3A_212, %parallel_loop3A_213, %parallel_loop3A_214] {strides = array<i32>} : memref<3x32x256xf32, #tpu.memory_space<vmem>>, vector<16xf32>,
      tpu.vector_store_idx %arg8[%broadcast_in_dim3A_79, %parallel_loop3A_195], %parallel_loop3A_215 {add = true} : memref<8x3072xf32, #tpu.memory_space<vmem>>[vector<16xi32>, vector<16xi32>], vector<16xf32>,
      %parallel_loop3A_216 = arith.constant 0 : i32
      %parallel_loop3A_217 = arith.index_cast %parallel_loop3A_216 : i32 to index
      %parallel_loop3A_218 = arith.index_cast %parallel_loop3A_186 : i32 to index
      %parallel_loop3A_219 = arith.constant 64 : index
      %parallel_loop3A_220 = tpu.vector_load %arg6[%parallel_loop3A_217, %parallel_loop3A_218, %parallel_loop3A_219] {strides = array<i32>} : memref<3x32x256xf32, #tpu.memory_space<vmem>>, vector<16xf32>,
      tpu.vector_store_idx %arg8[%broadcast_in_dim3A_81, %parallel_loop3A_192], %parallel_loop3A_220 {add = true} : memref<8x3072xf32, #tpu.memory_space<vmem>>[vector<16xi32>, vector<16xi32>], vector<16xf32>,
      %parallel_loop3A_221 = arith.constant 0 : i32
      %parallel_loop3A_222 = arith.index_cast %parallel_loop3A_221 : i32 to index
      %parallel_loop3A_223 = arith.index_cast %parallel_loop3A_186 : i32 to index
      %parallel_loop3A_224 = arith.constant 80 : index
      %parallel_loop3A_225 = tpu.vector_load %arg6[%parallel_loop3A_222, %parallel_loop3A_223, %parallel_loop3A_224] {strides = array<i32>} : memref<3x32x256xf32, #tpu.memory_space<vmem>>, vector<16xf32>,
      tpu.vector_store_idx %arg8[%broadcast_in_dim3A_81, %parallel_loop3A_195], %parallel_loop3A_225 {add = true} : memref<8x3072xf32, #tpu.memory_space<vmem>>[vector<16xi32>, vector<16xi32>], vector<16xf32>,
      %parallel_loop3A_226 = arith.constant 0 : i32
      %parallel_loop3A_227 = arith.index_cast %parallel_loop3A_226 : i32 to index
      %parallel_loop3A_228 = arith.index_cast %parallel_loop3A_186 : i32 to index
      %parallel_loop3A_229 = arith.constant 96 : index
      %parallel_loop3A_230 = tpu.vector_load %arg6[%parallel_loop3A_227, %parallel_loop3A_228, %parallel_loop3A_229] {strides = array<i32>} : memref<3x32x256xf32, #tpu.memory_space<vmem>>, vector<16xf32>,
      tpu.vector_store_idx %arg8[%broadcast_in_dim3A_83, %parallel_loop3A_192], %parallel_loop3A_230 {add = true} : memref<8x3072xf32, #tpu.memory_space<vmem>>[vector<16xi32>, vector<16xi32>], vector<16xf32>,
      %parallel_loop3A_231 = arith.constant 0 : i32
      %parallel_loop3A_232 = arith.index_cast %parallel_loop3A_231 : i32 to index
      %parallel_loop3A_233 = arith.index_cast %parallel_loop3A_186 : i32 to index
      %parallel_loop3A_234 = arith.constant 112 : index
      %parallel_loop3A_235 = tpu.vector_load %arg6[%parallel_loop3A_232, %parallel_loop3A_233, %parallel_loop3A_234] {strides = array<i32>} : memref<3x32x256xf32, #tpu.memory_space<vmem>>, vector<16xf32>,
      tpu.vector_store_idx %arg8[%broadcast_in_dim3A_83, %parallel_loop3A_195], %parallel_loop3A_235 {add = true} : memref<8x3072xf32, #tpu.memory_space<vmem>>[vector<16xi32>, vector<16xi32>], vector<16xf32>,
      %parallel_loop3A_236 = arith.constant 0 : i32
      %parallel_loop3A_237 = arith.index_cast %parallel_loop3A_236 : i32 to index
      %parallel_loop3A_238 = arith.index_cast %parallel_loop3A_186 : i32 to index
      %parallel_loop3A_239 = arith.constant 128 : index
      %parallel_loop3A_240 = tpu.vector_load %arg6[%parallel_loop3A_237, %parallel_loop3A_238, %parallel_loop3A_239] {strides = array<i32>} : memref<3x32x256xf32, #tpu.memory_space<vmem>>, vector<16xf32>,
      tpu.vector_store_idx %arg8[%broadcast_in_dim3A_85, %parallel_loop3A_192], %parallel_loop3A_240 {add = true} : memref<8x3072xf32, #tpu.memory_space<vmem>>[vector<16xi32>, vector<16xi32>], vector<16xf32>,
      %parallel_loop3A_241 = arith.constant 0 : i32
      %parallel_loop3A_242 = arith.index_cast %parallel_loop3A_241 : i32 to index
      %parallel_loop3A_243 = arith.index_cast %parallel_loop3A_186 : i32 to index
      %parallel_loop3A_244 = arith.constant 144 : index
      %parallel_loop3A_245 = tpu.vector_load %arg6[%parallel_loop3A_242, %parallel_loop3A_243, %parallel_loop3A_244] {strides = array<i32>} : memref<3x32x256xf32, #tpu.memory_space<vmem>>, vector<16xf32>,
      tpu.vector_store_idx %arg8[%broadcast_in_dim3A_85, %parallel_loop3A_195], %parallel_loop3A_245 {add = true} : memref<8x3072xf32, #tpu.memory_space<vmem>>[vector<16xi32>, vector<16xi32>], vector<16xf32>,
      %parallel_loop3A_246 = arith.constant 0 : i32
      %parallel_loop3A_247 = arith.index_cast %parallel_loop3A_246 : i32 to index
      %parallel_loop3A_248 = arith.index_cast %parallel_loop3A_186 : i32 to index
      %parallel_loop3A_249 = arith.constant 160 : index
      %parallel_loop3A_250 = tpu.vector_load %arg6[%parallel_loop3A_247, %parallel_loop3A_248, %parallel_loop3A_249] {strides = array<i32>} : memref<3x32x256xf32, #tpu.memory_space<vmem>>, vector<16xf32>,
      tpu.vector_store_idx %arg8[%broadcast_in_dim3A_87, %parallel_loop3A_192], %parallel_loop3A_250 {add = true} : memref<8x3072xf32, #tpu.memory_space<vmem>>[vector<16xi32>, vector<16xi32>], vector<16xf32>,
      %parallel_loop3A_251 = arith.constant 0 : i32
      %parallel_loop3A_252 = arith.index_cast %parallel_loop3A_251 : i32 to index
      %parallel_loop3A_253 = arith.index_cast %parallel_loop3A_186 : i32 to index
      %parallel_loop3A_254 = arith.constant 176 : index
      %parallel_loop3A_255 = tpu.vector_load %arg6[%parallel_loop3A_252, %parallel_loop3A_253, %parallel_loop3A_254] {strides = array<i32>} : memref<3x32x256xf32, #tpu.memory_space<vmem>>, vector<16xf32>,
      tpu.vector_store_idx %arg8[%broadcast_in_dim3A_87, %parallel_loop3A_195], %parallel_loop3A_255 {add = true} : memref<8x3072xf32, #tpu.memory_space<vmem>>[vector<16xi32>, vector<16xi32>], vector<16xf32>,
      %parallel_loop3A_256 = arith.constant 0 : i32
      %parallel_loop3A_257 = arith.index_cast %parallel_loop3A_256 : i32 to index
      %parallel_loop3A_258 = arith.index_cast %parallel_loop3A_186 : i32 to index
      %parallel_loop3A_259 = arith.constant 192 : index
      %parallel_loop3A_260 = tpu.vector_load %arg6[%parallel_loop3A_257, %parallel_loop3A_258, %parallel_loop3A_259] {strides = array<i32>} : memref<3x32x256xf32, #tpu.memory_space<vmem>>, vector<16xf32>,
      tpu.vector_store_idx %arg8[%broadcast_in_dim3A_89, %parallel_loop3A_192], %parallel_loop3A_260 {add = true} : memref<8x3072xf32, #tpu.memory_space<vmem>>[vector<16xi32>, vector<16xi32>], vector<16xf32>,
      %parallel_loop3A_261 = arith.constant 0 : i32
      %parallel_loop3A_262 = arith.index_cast %parallel_loop3A_261 : i32 to index
      %parallel_loop3A_263 = arith.index_cast %parallel_loop3A_186 : i32 to index
      %parallel_loop3A_264 = arith.constant 208 : index
      %parallel_loop3A_265 = tpu.vector_load %arg6[%parallel_loop3A_262, %parallel_loop3A_263, %parallel_loop3A_264] {strides = array<i32>} : memref<3x32x256xf32, #tpu.memory_space<vmem>>, vector<16xf32>,
      tpu.vector_store_idx %arg8[%broadcast_in_dim3A_89, %parallel_loop3A_195], %parallel_loop3A_265 {add = true} : memref<8x3072xf32, #tpu.memory_space<vmem>>[vector<16xi32>, vector<16xi32>], vector<16xf32>,
      %parallel_loop3A_266 = arith.constant 0 : i32
      %parallel_loop3A_267 = arith.index_cast %parallel_loop3A_266 : i32 to index
      %parallel_loop3A_268 = arith.index_cast %parallel_loop3A_186 : i32 to index
      %parallel_loop3A_269 = arith.constant 224 : index
      %parallel_loop3A_270 = tpu.vector_load %arg6[%parallel_loop3A_267, %parallel_loop3A_268, %parallel_loop3A_269] {strides = array<i32>} : memref<3x32x256xf32, #tpu.memory_space<vmem>>, vector<16xf32>,
      tpu.vector_store_idx %arg8[%broadcast_in_dim3A_91, %parallel_loop3A_192], %parallel_loop3A_270 {add = true} : memref<8x3072xf32, #tpu.memory_space<vmem>>[vector<16xi32>, vector<16xi32>], vector<16xf32>,
      %parallel_loop3A_271 = arith.constant 0 : i32
      %parallel_loop3A_272 = arith.index_cast %parallel_loop3A_271 : i32 to index
      %parallel_loop3A_273 = arith.index_cast %parallel_loop3A_186 : i32 to index
      %parallel_loop3A_274 = arith.constant 240 : index
      %parallel_loop3A_275 = tpu.vector_load %arg6[%parallel_loop3A_272, %parallel_loop3A_273, %parallel_loop3A_274] {strides = array<i32>} : memref<3x32x256xf32, #tpu.memory_space<vmem>>, vector<16xf32>,
      tpu.vector_store_idx %arg8[%broadcast_in_dim3A_91, %parallel_loop3A_195], %parallel_loop3A_275 {add = true} : memref<8x3072xf32, #tpu.memory_space<vmem>>[vector<16xi32>, vector<16xi32>], vector<16xf32>,
    } {sc.loop_unroll_factor = 1 : i64, sc.parallel_access}
    %parallel_loop3A_109 = arith.constant 0 : i32
    %parallel_loop3A_110 = arith.constant 32 : i32
    %parallel_loop3A_111 = arith.constant 1 : i32
    scf.for %parallel_loop3A_186 = %parallel_loop3A_109 to %parallel_loop3A_110 step %parallel_loop3A_111  : i32 {
      %parallel_loop3A_187 = arith.constant 96 : i32
      %parallel_loop3A_188 = arith.muli %parallel_loop3A_186, %parallel_loop3A_187 : i32
      %parallel_loop3A_189 = arith.constant 1 : i32
      %parallel_loop3A_190 = arith.addi %parallel_loop3A_188, %parallel_loop3A_189 : i32
      %parallel_loop3A_191 = vector.broadcast %parallel_loop3A_190 : i32 to vector<16xi32>
      %parallel_loop3A_192 = arith.addi %mul3A_76, %parallel_loop3A_191 : vector<16xi32>
      %parallel_loop3A_193 = arith.constant 48 : i32
      %parallel_loop3A_194 = vector.broadcast %parallel_loop3A_193 : i32 to vector<16xi32>
      %parallel_loop3A_195 = arith.addi %parallel_loop3A_192, %parallel_loop3A_194 : vector<16xi32>
      %parallel_loop3A_196 = arith.constant 1 : i32
      %parallel_loop3A_197 = arith.index_cast %parallel_loop3A_196 : i32 to index
      %parallel_loop3A_198 = arith.index_cast %parallel_loop3A_186 : i32 to index
      %parallel_loop3A_199 = arith.constant 0 : index
      %parallel_loop3A_200 = tpu.vector_load %arg6[%parallel_loop3A_197, %parallel_loop3A_198, %parallel_loop3A_199] {strides = array<i32>} : memref<3x32x256xf32, #tpu.memory_space<vmem>>, vector<16xf32>,
      tpu.vector_store_idx %arg8[%broadcast_in_dim3A_77, %parallel_loop3A_192], %parallel_loop3A_200 {add = true} : memref<8x3072xf32, #tpu.memory_space<vmem>>[vector<16xi32>, vector<16xi32>], vector<16xf32>,
      %parallel_loop3A_201 = arith.constant 1 : i32
      %parallel_loop3A_202 = arith.index_cast %parallel_loop3A_201 : i32 to index
      %parallel_loop3A_203 = arith.index_cast %parallel_loop3A_186 : i32 to index
      %parallel_loop3A_204 = arith.constant 16 : index
      %parallel_loop3A_205 = tpu.vector_load %arg6[%parallel_loop3A_202, %parallel_loop3A_203, %parallel_loop3A_204] {strides = array<i32>} : memref<3x32x256xf32, #tpu.memory_space<vmem>>, vector<16xf32>,
      tpu.vector_store_idx %arg8[%broadcast_in_dim3A_77, %parallel_loop3A_195], %parallel_loop3A_205 {add = true} : memref<8x3072xf32, #tpu.memory_space<vmem>>[vector<16xi32>, vector<16xi32>], vector<16xf32>,
      %parallel_loop3A_206 = arith.constant 1 : i32
      %parallel_loop3A_207 = arith.index_cast %parallel_loop3A_206 : i32 to index
      %parallel_loop3A_208 = arith.index_cast %parallel_loop3A_186 : i32 to index
      %parallel_loop3A_209 = arith.constant 32 : index
      %parallel_loop3A_210 = tpu.vector_load %arg6[%parallel_loop3A_207, %parallel_loop3A_208, %parallel_loop3A_209] {strides = array<i32>} : memref<3x32x256xf32, #tpu.memory_space<vmem>>, vector<16xf32>,
      tpu.vector_store_idx %arg8[%broadcast_in_dim3A_79, %parallel_loop3A_192], %parallel_loop3A_210 {add = true} : memref<8x3072xf32, #tpu.memory_space<vmem>>[vector<16xi32>, vector<16xi32>], vector<16xf32>,
      %parallel_loop3A_211 = arith.constant 1 : i32
      %parallel_loop3A_212 = arith.index_cast %parallel_loop3A_211 : i32 to index
      %parallel_loop3A_213 = arith.index_cast %parallel_loop3A_186 : i32 to index
      %parallel_loop3A_214 = arith.constant 48 : index
      %parallel_loop3A_215 = tpu.vector_load %arg6[%parallel_loop3A_212, %parallel_loop3A_213, %parallel_loop3A_214] {strides = array<i32>} : memref<3x32x256xf32, #tpu.memory_space<vmem>>, vector<16xf32>,
      tpu.vector_store_idx %arg8[%broadcast_in_dim3A_79, %parallel_loop3A_195], %parallel_loop3A_215 {add = true} : memref<8x3072xf32, #tpu.memory_space<vmem>>[vector<16xi32>, vector<16xi32>], vector<16xf32>,
      %parallel_loop3A_216 = arith.constant 1 : i32
      %parallel_loop3A_217 = arith.index_cast %parallel_loop3A_216 : i32 to index
      %parallel_loop3A_218 = arith.index_cast %parallel_loop3A_186 : i32 to index
      %parallel_loop3A_219 = arith.constant 64 : index
      %parallel_loop3A_220 = tpu.vector_load %arg6[%parallel_loop3A_217, %parallel_loop3A_218, %parallel_loop3A_219] {strides = array<i32>} : memref<3x32x256xf32, #tpu.memory_space<vmem>>, vector<16xf32>,
      tpu.vector_store_idx %arg8[%broadcast_in_dim3A_81, %parallel_loop3A_192], %parallel_loop3A_220 {add = true} : memref<8x3072xf32, #tpu.memory_space<vmem>>[vector<16xi32>, vector<16xi32>], vector<16xf32>,
      %parallel_loop3A_221 = arith.constant 1 : i32
      %parallel_loop3A_222 = arith.index_cast %parallel_loop3A_221 : i32 to index
      %parallel_loop3A_223 = arith.index_cast %parallel_loop3A_186 : i32 to index
      %parallel_loop3A_224 = arith.constant 80 : index
      %parallel_loop3A_225 = tpu.vector_load %arg6[%parallel_loop3A_222, %parallel_loop3A_223, %parallel_loop3A_224] {strides = array<i32>} : memref<3x32x256xf32, #tpu.memory_space<vmem>>, vector<16xf32>,
      tpu.vector_store_idx %arg8[%broadcast_in_dim3A_81, %parallel_loop3A_195], %parallel_loop3A_225 {add = true} : memref<8x3072xf32, #tpu.memory_space<vmem>>[vector<16xi32>, vector<16xi32>], vector<16xf32>,
      %parallel_loop3A_226 = arith.constant 1 : i32
      %parallel_loop3A_227 = arith.index_cast %parallel_loop3A_226 : i32 to index
      %parallel_loop3A_228 = arith.index_cast %parallel_loop3A_186 : i32 to index
      %parallel_loop3A_229 = arith.constant 96 : index
      %parallel_loop3A_230 = tpu.vector_load %arg6[%parallel_loop3A_227, %parallel_loop3A_228, %parallel_loop3A_229] {strides = array<i32>} : memref<3x32x256xf32, #tpu.memory_space<vmem>>, vector<16xf32>,
      tpu.vector_store_idx %arg8[%broadcast_in_dim3A_83, %parallel_loop3A_192], %parallel_loop3A_230 {add = true} : memref<8x3072xf32, #tpu.memory_space<vmem>>[vector<16xi32>, vector<16xi32>], vector<16xf32>,
      %parallel_loop3A_231 = arith.constant 1 : i32
      %parallel_loop3A_232 = arith.index_cast %parallel_loop3A_231 : i32 to index
      %parallel_loop3A_233 = arith.index_cast %parallel_loop3A_186 : i32 to index
      %parallel_loop3A_234 = arith.constant 112 : index
      %parallel_loop3A_235 = tpu.vector_load %arg6[%parallel_loop3A_232, %parallel_loop3A_233, %parallel_loop3A_234] {strides = array<i32>} : memref<3x32x256xf32, #tpu.memory_space<vmem>>, vector<16xf32>,
      tpu.vector_store_idx %arg8[%broadcast_in_dim3A_83, %parallel_loop3A_195], %parallel_loop3A_235 {add = true} : memref<8x3072xf32, #tpu.memory_space<vmem>>[vector<16xi32>, vector<16xi32>], vector<16xf32>,
      %parallel_loop3A_236 = arith.constant 1 : i32
      %parallel_loop3A_237 = arith.index_cast %parallel_loop3A_236 : i32 to index
      %parallel_loop3A_238 = arith.index_cast %parallel_loop3A_186 : i32 to index
      %parallel_loop3A_239 = arith.constant 128 : index
      %parallel_loop3A_240 = tpu.vector_load %arg6[%parallel_loop3A_237, %parallel_loop3A_238, %parallel_loop3A_239] {strides = array<i32>} : memref<3x32x256xf32, #tpu.memory_space<vmem>>, vector<16xf32>,
      tpu.vector_store_idx %arg8[%broadcast_in_dim3A_85, %parallel_loop3A_192], %parallel_loop3A_240 {add = true} : memref<8x3072xf32, #tpu.memory_space<vmem>>[vector<16xi32>, vector<16xi32>], vector<16xf32>,
      %parallel_loop3A_241 = arith.constant 1 : i32
      %parallel_loop3A_242 = arith.index_cast %parallel_loop3A_241 : i32 to index
      %parallel_loop3A_243 = arith.index_cast %parallel_loop3A_186 : i32 to index
      %parallel_loop3A_244 = arith.constant 144 : index
      %parallel_loop3A_245 = tpu.vector_load %arg6[%parallel_loop3A_242, %parallel_loop3A_243, %parallel_loop3A_244] {strides = array<i32>} : memref<3x32x256xf32, #tpu.memory_space<vmem>>, vector<16xf32>,
      tpu.vector_store_idx %arg8[%broadcast_in_dim3A_85, %parallel_loop3A_195], %parallel_loop3A_245 {add = true} : memref<8x3072xf32, #tpu.memory_space<vmem>>[vector<16xi32>, vector<16xi32>], vector<16xf32>,
      %parallel_loop3A_246 = arith.constant 1 : i32
      %parallel_loop3A_247 = arith.index_cast %parallel_loop3A_246 : i32 to index
      %parallel_loop3A_248 = arith.index_cast %parallel_loop3A_186 : i32 to index
      %parallel_loop3A_249 = arith.constant 160 : index
      %parallel_loop3A_250 = tpu.vector_load %arg6[%parallel_loop3A_247, %parallel_loop3A_248, %parallel_loop3A_249] {strides = array<i32>} : memref<3x32x256xf32, #tpu.memory_space<vmem>>, vector<16xf32>,
      tpu.vector_store_idx %arg8[%broadcast_in_dim3A_87, %parallel_loop3A_192], %parallel_loop3A_250 {add = true} : memref<8x3072xf32, #tpu.memory_space<vmem>>[vector<16xi32>, vector<16xi32>], vector<16xf32>,
      %parallel_loop3A_251 = arith.constant 1 : i32
      %parallel_loop3A_252 = arith.index_cast %parallel_loop3A_251 : i32 to index
      %parallel_loop3A_253 = arith.index_cast %parallel_loop3A_186 : i32 to index
      %parallel_loop3A_254 = arith.constant 176 : index
      %parallel_loop3A_255 = tpu.vector_load %arg6[%parallel_loop3A_252, %parallel_loop3A_253, %parallel_loop3A_254] {strides = array<i32>} : memref<3x32x256xf32, #tpu.memory_space<vmem>>, vector<16xf32>,
      tpu.vector_store_idx %arg8[%broadcast_in_dim3A_87, %parallel_loop3A_195], %parallel_loop3A_255 {add = true} : memref<8x3072xf32, #tpu.memory_space<vmem>>[vector<16xi32>, vector<16xi32>], vector<16xf32>,
      %parallel_loop3A_256 = arith.constant 1 : i32
      %parallel_loop3A_257 = arith.index_cast %parallel_loop3A_256 : i32 to index
      %parallel_loop3A_258 = arith.index_cast %parallel_loop3A_186 : i32 to index
      %parallel_loop3A_259 = arith.constant 192 : index
      %parallel_loop3A_260 = tpu.vector_load %arg6[%parallel_loop3A_257, %parallel_loop3A_258, %parallel_loop3A_259] {strides = array<i32>} : memref<3x32x256xf32, #tpu.memory_space<vmem>>, vector<16xf32>,
      tpu.vector_store_idx %arg8[%broadcast_in_dim3A_89, %parallel_loop3A_192], %parallel_loop3A_260 {add = true} : memref<8x3072xf32, #tpu.memory_space<vmem>>[vector<16xi32>, vector<16xi32>], vector<16xf32>,
      %parallel_loop3A_261 = arith.constant 1 : i32
      %parallel_loop3A_262 = arith.index_cast %parallel_loop3A_261 : i32 to index
      %parallel_loop3A_263 = arith.index_cast %parallel_loop3A_186 : i32 to index
      %parallel_loop3A_264 = arith.constant 208 : index
      %parallel_loop3A_265 = tpu.vector_load %arg6[%parallel_loop3A_262, %parallel_loop3A_263, %parallel_loop3A_264] {strides = array<i32>} : memref<3x32x256xf32, #tpu.memory_space<vmem>>, vector<16xf32>,
      tpu.vector_store_idx %arg8[%broadcast_in_dim3A_89, %parallel_loop3A_195], %parallel_loop3A_265 {add = true} : memref<8x3072xf32, #tpu.memory_space<vmem>>[vector<16xi32>, vector<16xi32>], vector<16xf32>,
      %parallel_loop3A_266 = arith.constant 1 : i32
      %parallel_loop3A_267 = arith.index_cast %parallel_loop3A_266 : i32 to index
      %parallel_loop3A_268 = arith.index_cast %parallel_loop3A_186 : i32 to index
      %parallel_loop3A_269 = arith.constant 224 : index
      %parallel_loop3A_270 = tpu.vector_load %arg6[%parallel_loop3A_267, %parallel_loop3A_268, %parallel_loop3A_269] {strides = array<i32>} : memref<3x32x256xf32, #tpu.memory_space<vmem>>, vector<16xf32>,
      tpu.vector_store_idx %arg8[%broadcast_in_dim3A_91, %parallel_loop3A_192], %parallel_loop3A_270 {add = true} : memref<8x3072xf32, #tpu.memory_space<vmem>>[vector<16xi32>, vector<16xi32>], vector<16xf32>,
      %parallel_loop3A_271 = arith.constant 1 : i32
      %parallel_loop3A_272 = arith.index_cast %parallel_loop3A_271 : i32 to index
      %parallel_loop3A_273 = arith.index_cast %parallel_loop3A_186 : i32 to index
      %parallel_loop3A_274 = arith.constant 240 : index
      %parallel_loop3A_275 = tpu.vector_load %arg6[%parallel_loop3A_272, %parallel_loop3A_273, %parallel_loop3A_274] {strides = array<i32>} : memref<3x32x256xf32, #tpu.memory_space<vmem>>, vector<16xf32>,
      tpu.vector_store_idx %arg8[%broadcast_in_dim3A_91, %parallel_loop3A_195], %parallel_loop3A_275 {add = true} : memref<8x3072xf32, #tpu.memory_space<vmem>>[vector<16xi32>, vector<16xi32>], vector<16xf32>,
    } {sc.loop_unroll_factor = 1 : i64, sc.parallel_access}
    %parallel_loop3A_112 = arith.constant 0 : i32
    %parallel_loop3A_113 = arith.constant 32 : i32
    %parallel_loop3A_114 = arith.constant 1 : i32
    scf.for %parallel_loop3A_186 = %parallel_loop3A_112 to %parallel_loop3A_113 step %parallel_loop3A_114  : i32 {
      %parallel_loop3A_187 = arith.constant 96 : i32
      %parallel_loop3A_188 = arith.muli %parallel_loop3A_186, %parallel_loop3A_187 : i32
      %parallel_loop3A_189 = arith.constant 2 : i32
      %parallel_loop3A_190 = arith.addi %parallel_loop3A_188, %parallel_loop3A_189 : i32
      %parallel_loop3A_191 = vector.broadcast %parallel_loop3A_190 : i32 to vector<16xi32>
      %parallel_loop3A_192 = arith.addi %mul3A_76, %parallel_loop3A_191 : vector<16xi32>
      %parallel_loop3A_193 = arith.constant 48 : i32
      %parallel_loop3A_194 = vector.broadcast %parallel_loop3A_193 : i32 to vector<16xi32>
      %parallel_loop3A_195 = arith.addi %parallel_loop3A_192, %parallel_loop3A_194 : vector<16xi32>
      %parallel_loop3A_196 = arith.constant 2 : i32
      %parallel_loop3A_197 = arith.index_cast %parallel_loop3A_196 : i32 to index
      %parallel_loop3A_198 = arith.index_cast %parallel_loop3A_186 : i32 to index
      %parallel_loop3A_199 = arith.constant 0 : index
      %parallel_loop3A_200 = tpu.vector_load %arg6[%parallel_loop3A_197, %parallel_loop3A_198, %parallel_loop3A_199] {strides = array<i32>} : memref<3x32x256xf32, #tpu.memory_space<vmem>>, vector<16xf32>,
      tpu.vector_store_idx %arg8[%broadcast_in_dim3A_77, %parallel_loop3A_192], %parallel_loop3A_200 {add = true} : memref<8x3072xf32, #tpu.memory_space<vmem>>[vector<16xi32>, vector<16xi32>], vector<16xf32>,
      %parallel_loop3A_201 = arith.constant 2 : i32
      %parallel_loop3A_202 = arith.index_cast %parallel_loop3A_201 : i32 to index
      %parallel_loop3A_203 = arith.index_cast %parallel_loop3A_186 : i32 to index
      %parallel_loop3A_204 = arith.constant 16 : index
      %parallel_loop3A_205 = tpu.vector_load %arg6[%parallel_loop3A_202, %parallel_loop3A_203, %parallel_loop3A_204] {strides = array<i32>} : memref<3x32x256xf32, #tpu.memory_space<vmem>>, vector<16xf32>,
      tpu.vector_store_idx %arg8[%broadcast_in_dim3A_77, %parallel_loop3A_195], %parallel_loop3A_205 {add = true} : memref<8x3072xf32, #tpu.memory_space<vmem>>[vector<16xi32>, vector<16xi32>], vector<16xf32>,
      %parallel_loop3A_206 = arith.constant 2 : i32
      %parallel_loop3A_207 = arith.index_cast %parallel_loop3A_206 : i32 to index
      %parallel_loop3A_208 = arith.index_cast %parallel_loop3A_186 : i32 to index
      %parallel_loop3A_209 = arith.constant 32 : index
      %parallel_loop3A_210 = tpu.vector_load %arg6[%parallel_loop3A_207, %parallel_loop3A_208, %parallel_loop3A_209] {strides = array<i32>} : memref<3x32x256xf32, #tpu.memory_space<vmem>>, vector<16xf32>,
      tpu.vector_store_idx %arg8[%broadcast_in_dim3A_79, %parallel_loop3A_192], %parallel_loop3A_210 {add = true} : memref<8x3072xf32, #tpu.memory_space<vmem>>[vector<16xi32>, vector<16xi32>], vector<16xf32>,
      %parallel_loop3A_211 = arith.constant 2 : i32
      %parallel_loop3A_212 = arith.index_cast %parallel_loop3A_211 : i32 to index
      %parallel_loop3A_213 = arith.index_cast %parallel_loop3A_186 : i32 to index
      %parallel_loop3A_214 = arith.constant 48 : index
      %parallel_loop3A_215 = tpu.vector_load %arg6[%parallel_loop3A_212, %parallel_loop3A_213, %parallel_loop3A_214] {strides = array<i32>} : memref<3x32x256xf32, #tpu.memory_space<vmem>>, vector<16xf32>,
      tpu.vector_store_idx %arg8[%broadcast_in_dim3A_79, %parallel_loop3A_195], %parallel_loop3A_215 {add = true} : memref<8x3072xf32, #tpu.memory_space<vmem>>[vector<16xi32>, vector<16xi32>], vector<16xf32>,
      %parallel_loop3A_216 = arith.constant 2 : i32
      %parallel_loop3A_217 = arith.index_cast %parallel_loop3A_216 : i32 to index
      %parallel_loop3A_218 = arith.index_cast %parallel_loop3A_186 : i32 to index
      %parallel_loop3A_219 = arith.constant 64 : index
      %parallel_loop3A_220 = tpu.vector_load %arg6[%parallel_loop3A_217, %parallel_loop3A_218, %parallel_loop3A_219] {strides = array<i32>} : memref<3x32x256xf32, #tpu.memory_space<vmem>>, vector<16xf32>,
      tpu.vector_store_idx %arg8[%broadcast_in_dim3A_81, %parallel_loop3A_192], %parallel_loop3A_220 {add = true} : memref<8x3072xf32, #tpu.memory_space<vmem>>[vector<16xi32>, vector<16xi32>], vector<16xf32>,
      %parallel_loop3A_221 = arith.constant 2 : i32
      %parallel_loop3A_222 = arith.index_cast %parallel_loop3A_221 : i32 to index
      %parallel_loop3A_223 = arith.index_cast %parallel_loop3A_186 : i32 to index
      %parallel_loop3A_224 = arith.constant 80 : index
      %parallel_loop3A_225 = tpu.vector_load %arg6[%parallel_loop3A_222, %parallel_loop3A_223, %parallel_loop3A_224] {strides = array<i32>} : memref<3x32x256xf32, #tpu.memory_space<vmem>>, vector<16xf32>,
      tpu.vector_store_idx %arg8[%broadcast_in_dim3A_81, %parallel_loop3A_195], %parallel_loop3A_225 {add = true} : memref<8x3072xf32, #tpu.memory_space<vmem>>[vector<16xi32>, vector<16xi32>], vector<16xf32>,
      %parallel_loop3A_226 = arith.constant 2 : i32
      %parallel_loop3A_227 = arith.index_cast %parallel_loop3A_226 : i32 to index
      %parallel_loop3A_228 = arith.index_cast %parallel_loop3A_186 : i32 to index
      %parallel_loop3A_229 = arith.constant 96 : index
      %parallel_loop3A_230 = tpu.vector_load %arg6[%parallel_loop3A_227, %parallel_loop3A_228, %parallel_loop3A_229] {strides = array<i32>} : memref<3x32x256xf32, #tpu.memory_space<vmem>>, vector<16xf32>,
      tpu.vector_store_idx %arg8[%broadcast_in_dim3A_83, %parallel_loop3A_192], %parallel_loop3A_230 {add = true} : memref<8x3072xf32, #tpu.memory_space<vmem>>[vector<16xi32>, vector<16xi32>], vector<16xf32>,
      %parallel_loop3A_231 = arith.constant 2 : i32
      %parallel_loop3A_232 = arith.index_cast %parallel_loop3A_231 : i32 to index
      %parallel_loop3A_233 = arith.index_cast %parallel_loop3A_186 : i32 to index
      %parallel_loop3A_234 = arith.constant 112 : index
      %parallel_loop3A_235 = tpu.vector_load %arg6[%parallel_loop3A_232, %parallel_loop3A_233, %parallel_loop3A_234] {strides = array<i32>} : memref<3x32x256xf32, #tpu.memory_space<vmem>>, vector<16xf32>,
      tpu.vector_store_idx %arg8[%broadcast_in_dim3A_83, %parallel_loop3A_195], %parallel_loop3A_235 {add = true} : memref<8x3072xf32, #tpu.memory_space<vmem>>[vector<16xi32>, vector<16xi32>], vector<16xf32>,
      %parallel_loop3A_236 = arith.constant 2 : i32
      %parallel_loop3A_237 = arith.index_cast %parallel_loop3A_236 : i32 to index
      %parallel_loop3A_238 = arith.index_cast %parallel_loop3A_186 : i32 to index
      %parallel_loop3A_239 = arith.constant 128 : index
      %parallel_loop3A_240 = tpu.vector_load %arg6[%parallel_loop3A_237, %parallel_loop3A_238, %parallel_loop3A_239] {strides = array<i32>} : memref<3x32x256xf32, #tpu.memory_space<vmem>>, vector<16xf32>,
      tpu.vector_store_idx %arg8[%broadcast_in_dim3A_85, %parallel_loop3A_192], %parallel_loop3A_240 {add = true} : memref<8x3072xf32, #tpu.memory_space<vmem>>[vector<16xi32>, vector<16xi32>], vector<16xf32>,
      %parallel_loop3A_241 = arith.constant 2 : i32
      %parallel_loop3A_242 = arith.index_cast %parallel_loop3A_241 : i32 to index
      %parallel_loop3A_243 = arith.index_cast %parallel_loop3A_186 : i32 to index
      %parallel_loop3A_244 = arith.constant 144 : index
      %parallel_loop3A_245 = tpu.vector_load %arg6[%parallel_loop3A_242, %parallel_loop3A_243, %parallel_loop3A_244] {strides = array<i32>} : memref<3x32x256xf32, #tpu.memory_space<vmem>>, vector<16xf32>,
      tpu.vector_store_idx %arg8[%broadcast_in_dim3A_85, %parallel_loop3A_195], %parallel_loop3A_245 {add = true} : memref<8x3072xf32, #tpu.memory_space<vmem>>[vector<16xi32>, vector<16xi32>], vector<16xf32>,
      %parallel_loop3A_246 = arith.constant 2 : i32
      %parallel_loop3A_247 = arith.index_cast %parallel_loop3A_246 : i32 to index
      %parallel_loop3A_248 = arith.index_cast %parallel_loop3A_186 : i32 to index
      %parallel_loop3A_249 = arith.constant 160 : index
      %parallel_loop3A_250 = tpu.vector_load %arg6[%parallel_loop3A_247, %parallel_loop3A_248, %parallel_loop3A_249] {strides = array<i32>} : memref<3x32x256xf32, #tpu.memory_space<vmem>>, vector<16xf32>,
      tpu.vector_store_idx %arg8[%broadcast_in_dim3A_87, %parallel_loop3A_192], %parallel_loop3A_250 {add = true} : memref<8x3072xf32, #tpu.memory_space<vmem>>[vector<16xi32>, vector<16xi32>], vector<16xf32>,
      %parallel_loop3A_251 = arith.constant 2 : i32
      %parallel_loop3A_252 = arith.index_cast %parallel_loop3A_251 : i32 to index
      %parallel_loop3A_253 = arith.index_cast %parallel_loop3A_186 : i32 to index
      %parallel_loop3A_254 = arith.constant 176 : index
      %parallel_loop3A_255 = tpu.vector_load %arg6[%parallel_loop3A_252, %parallel_loop3A_253, %parallel_loop3A_254] {strides = array<i32>} : memref<3x32x256xf32, #tpu.memory_space<vmem>>, vector<16xf32>,
      tpu.vector_store_idx %arg8[%broadcast_in_dim3A_87, %parallel_loop3A_195], %parallel_loop3A_255 {add = true} : memref<8x3072xf32, #tpu.memory_space<vmem>>[vector<16xi32>, vector<16xi32>], vector<16xf32>,
      %parallel_loop3A_256 = arith.constant 2 : i32
      %parallel_loop3A_257 = arith.index_cast %parallel_loop3A_256 : i32 to index
      %parallel_loop3A_258 = arith.index_cast %parallel_loop3A_186 : i32 to index
      %parallel_loop3A_259 = arith.constant 192 : index
      %parallel_loop3A_260 = tpu.vector_load %arg6[%parallel_loop3A_257, %parallel_loop3A_258, %parallel_loop3A_259] {strides = array<i32>} : memref<3x32x256xf32, #tpu.memory_space<vmem>>, vector<16xf32>,
      tpu.vector_store_idx %arg8[%broadcast_in_dim3A_89, %parallel_loop3A_192], %parallel_loop3A_260 {add = true} : memref<8x3072xf32, #tpu.memory_space<vmem>>[vector<16xi32>, vector<16xi32>], vector<16xf32>,
      %parallel_loop3A_261 = arith.constant 2 : i32
      %parallel_loop3A_262 = arith.index_cast %parallel_loop3A_261 : i32 to index
      %parallel_loop3A_263 = arith.index_cast %parallel_loop3A_186 : i32 to index
      %parallel_loop3A_264 = arith.constant 208 : index
      %parallel_loop3A_265 = tpu.vector_load %arg6[%parallel_loop3A_262, %parallel_loop3A_263, %parallel_loop3A_264] {strides = array<i32>} : memref<3x32x256xf32, #tpu.memory_space<vmem>>, vector<16xf32>,
      tpu.vector_store_idx %arg8[%broadcast_in_dim3A_89, %parallel_loop3A_195], %parallel_loop3A_265 {add = true} : memref<8x3072xf32, #tpu.memory_space<vmem>>[vector<16xi32>, vector<16xi32>], vector<16xf32>,
      %parallel_loop3A_266 = arith.constant 2 : i32
      %parallel_loop3A_267 = arith.index_cast %parallel_loop3A_266 : i32 to index
      %parallel_loop3A_268 = arith.index_cast %parallel_loop3A_186 : i32 to index
      %parallel_loop3A_269 = arith.constant 224 : index
      %parallel_loop3A_270 = tpu.vector_load %arg6[%parallel_loop3A_267, %parallel_loop3A_268, %parallel_loop3A_269] {strides = array<i32>} : memref<3x32x256xf32, #tpu.memory_space<vmem>>, vector<16xf32>,
      tpu.vector_store_idx %arg8[%broadcast_in_dim3A_91, %parallel_loop3A_192], %parallel_loop3A_270 {add = true} : memref<8x3072xf32, #tpu.memory_space<vmem>>[vector<16xi32>, vector<16xi32>], vector<16xf32>,
      %parallel_loop3A_271 = arith.constant 2 : i32
      %parallel_loop3A_272 = arith.index_cast %parallel_loop3A_271 : i32 to index
      %parallel_loop3A_273 = arith.index_cast %parallel_loop3A_186 : i32 to index
      %parallel_loop3A_274 = arith.constant 240 : index
      %parallel_loop3A_275 = tpu.vector_load %arg6[%parallel_loop3A_272, %parallel_loop3A_273, %parallel_loop3A_274] {strides = array<i32>} : memref<3x32x256xf32, #tpu.memory_space<vmem>>, vector<16xf32>,
      tpu.vector_store_idx %arg8[%broadcast_in_dim3A_91, %parallel_loop3A_195], %parallel_loop3A_275 {add = true} : memref<8x3072xf32, #tpu.memory_space<vmem>>[vector<16xi32>, vector<16xi32>], vector<16xf32>,
    } {sc.loop_unroll_factor = 1 : i64, sc.parallel_access}
    %dma_start3A_115 = arith.constant 0 : i32
    %dma_start3A_116 = arith.constant 0 : i32
    %dma_start3A_117 = tpu.memref_slice %arg5[%dma_start3A_115, %add3A_35, %dma_start3A_116] : memref<32x256x3072xf32, #tpu.memory_space<hbm>> -> memref<1x8x3072xf32, #tpu.memory_space<hbm>>
    %dma_start3A_118 = tpu.memref_squeeze %dma_start3A_117 : memref<1x8x3072xf32, #tpu.memory_space<hbm>> -> memref<8x3072xf32, #tpu.memory_space<hbm>>
    %dma_start3A_119 = arith.constant 0 : i32
    %dma_start3A_120 = tpu.memref_slice %arg5[%dma_start3A_115, %add3A_35, %dma_start3A_119] : memref<32x256x3072xf32, #tpu.memory_space<hbm>> -> memref<1x8x3072xf32, #tpu.memory_space<hbm>>
    %dma_start3A_121 = tpu.memref_squeeze %dma_start3A_120 : memref<1x8x3072xf32, #tpu.memory_space<hbm>> -> memref<8x3072xf32, #tpu.memory_space<hbm>>
    tpu.enqueue_dma source(%arg8 : memref<8x3072xf32, #tpu.memory_space<vmem>>) target(%dma_start3A_121 : memref<8x3072xf32, #tpu.memory_space<hbm>>) target_semaphore(%arg14 : memref<!tpu.dma_semaphore, #tpu.memory_space<semaphore_mem>>)
    %dma_start3A_122 = arith.constant 2 : i32
    %dma_start3A_123 = arith.constant 0 : i32
    %dma_start3A_124 = tpu.memref_slice %arg2[%dma_start3A_122, %dma_start3A_123, %mul3A_37, %mul3A_39] : memref<32x3x512x512xf32, #tpu.memory_space<hbm>> -> memref<1x3x32x256xf32, #tpu.memory_space<hbm>>
    %dma_start3A_125 = tpu.memref_squeeze %dma_start3A_124 : memref<1x3x32x256xf32, #tpu.memory_space<hbm>> -> memref<3x32x256xf32, #tpu.memory_space<hbm>>
    %dma_start3A_126 = arith.constant 0 : i32
    %dma_start3A_127 = tpu.memref_slice %arg2[%dma_start3A_122, %dma_start3A_126, %mul3A_37, %mul3A_39] : memref<32x3x512x512xf32, #tpu.memory_space<hbm>> -> memref<1x3x32x256xf32, #tpu.memory_space<hbm>>
    %dma_start3A_128 = tpu.memref_squeeze %dma_start3A_127 : memref<1x3x32x256xf32, #tpu.memory_space<hbm>> -> memref<3x32x256xf32, #tpu.memory_space<hbm>>
    tpu.enqueue_dma source(%dma_start3A_128 : memref<3x32x256xf32, #tpu.memory_space<hbm>>) target(%arg6 : memref<3x32x256xf32, #tpu.memory_space<vmem>>) target_semaphore(%arg12 : memref<!tpu.dma_semaphore, #tpu.memory_space<semaphore_mem>>)
    %dma_wait3A_129 = arith.constant 0 : i32
    %dma_wait3A_130 = arith.constant 0 : i32
    %dma_wait3A_131 = tpu.memref_slice %arg2[%dma_wait3A_129, %dma_wait3A_130, %mul3A_37, %mul3A_39] : memref<32x3x512x512xf32, #tpu.memory_space<hbm>> -> memref<1x3x32x256xf32, #tpu.memory_space<hbm>>
    %dma_wait3A_132 = tpu.memref_squeeze %dma_wait3A_131 : memref<1x3x32x256xf32, #tpu.memory_space<hbm>> -> memref<3x32x256xf32, #tpu.memory_space<hbm>>
    %dma_wait3A_133 = arith.constant 0 : i32
    %dma_wait3A_134 = tpu.memref_slice %arg2[%dma_wait3A_129, %dma_wait3A_133, %mul3A_37, %mul3A_39] : memref<32x3x512x512xf32, #tpu.memory_space<hbm>> -> memref<1x3x32x256xf32, #tpu.memory_space<hbm>>
    %dma_wait3A_135 = tpu.memref_squeeze %dma_wait3A_134 : memref<1x3x32x256xf32, #tpu.memory_space<hbm>> -> memref<3x32x256xf32, #tpu.memory_space<hbm>>
    tpu.wait_dma2 semaphore(%arg13 : memref<!tpu.dma_semaphore, #tpu.memory_space<semaphore_mem>>) src(%dma_wait3A_135 : memref<3x32x256xf32, #tpu.memory_space<hbm>>) dst(%arg7 : memref<3x32x256xf32, #tpu.memory_space<vmem>>)
    %dma_wait3A_136 = arith.constant 0 : i32
    %dma_wait3A_137 = arith.constant 0 : i32
    %dma_wait3A_138 = tpu.memref_slice %arg10[%arg1, %dma_wait3A_136, %dma_wait3A_137] : memref<16x8x3072xf32, #tpu.memory_space<vmem_shared>> -> memref<1x8x3072xf32, #tpu.memory_space<vmem_shared>>
    %dma_wait3A_139 = tpu.memref_squeeze %dma_wait3A_138 : memref<1x8x3072xf32, #tpu.memory_space<vmem_shared>> -> memref<8x3072xf32, #tpu.memory_space<vmem_shared>>
    %dma_wait3A_140 = arith.constant 0 : i32
    %dma_wait3A_141 = arith.constant 0 : i32
    %dma_wait3A_142 = tpu.memref_slice %arg10[%arg1, %dma_wait3A_140, %dma_wait3A_141] : memref<16x8x3072xf32, #tpu.memory_space<vmem_shared>> -> memref<1x8x3072xf32, #tpu.memory_space<vmem_shared>>
    %dma_wait3A_143 = tpu.memref_squeeze %dma_wait3A_142 : memref<1x8x3072xf32, #tpu.memory_space<vmem_shared>> -> memref<8x3072xf32, #tpu.memory_space<vmem_shared>>
    tpu.wait_dma2 semaphore(%arg17 : memref<!tpu.dma_semaphore, #tpu.memory_space<semaphore_mem>>) src(%dma_wait3A_143 : memref<8x3072xf32, #tpu.memory_space<vmem_shared>>) dst(%arg9 : memref<8x3072xf32, #tpu.memory_space<vmem>>)
    %parallel_loop3A_144 = arith.constant 0 : i32
    %parallel_loop3A_145 = arith.constant 32 : i32
    %parallel_loop3A_146 = arith.constant 1 : i32
    scf.for %parallel_loop3A_186 = %parallel_loop3A_144 to %parallel_loop3A_145 step %parallel_loop3A_146  : i32 {
      %parallel_loop3A_187 = arith.constant 96 : i32
      %parallel_loop3A_188 = arith.muli %parallel_loop3A_186, %parallel_loop3A_187 : i32
      %parallel_loop3A_189 = arith.constant 0 : i32
      %parallel_loop3A_190 = arith.addi %parallel_loop3A_188, %parallel_loop3A_189 : i32
      %parallel_loop3A_191 = vector.broadcast %parallel_loop3A_190 : i32 to vector<16xi32>
      %parallel_loop3A_192 = arith.addi %mul3A_76, %parallel_loop3A_191 : vector<16xi32>
      %parallel_loop3A_193 = arith.constant 48 : i32
      %parallel_loop3A_194 = vector.broadcast %parallel_loop3A_193 : i32 to vector<16xi32>
      %parallel_loop3A_195 = arith.addi %parallel_loop3A_192, %parallel_loop3A_194 : vector<16xi32>
      %parallel_loop3A_196 = arith.constant 0 : i32
      %parallel_loop3A_197 = arith.index_cast %parallel_loop3A_196 : i32 to index
      %parallel_loop3A_198 = arith.index_cast %parallel_loop3A_186 : i32 to index
      %parallel_loop3A_199 = arith.constant 0 : index
      %parallel_loop3A_200 = tpu.vector_load %arg7[%parallel_loop3A_197, %parallel_loop3A_198, %parallel_loop3A_199] {strides = array<i32>} : memref<3x32x256xf32, #tpu.memory_space<vmem>>, vector<16xf32>,
      tpu.vector_store_idx %arg9[%broadcast_in_dim3A_77, %parallel_loop3A_192], %parallel_loop3A_200 {add = true} : memref<8x3072xf32, #tpu.memory_space<vmem>>[vector<16xi32>, vector<16xi32>], vector<16xf32>,
      %parallel_loop3A_201 = arith.constant 0 : i32
      %parallel_loop3A_202 = arith.index_cast %parallel_loop3A_201 : i32 to index
      %parallel_loop3A_203 = arith.index_cast %parallel_loop3A_186 : i32 to index
      %parallel_loop3A_204 = arith.constant 16 : index
      %parallel_loop3A_205 = tpu.vector_load %arg7[%parallel_loop3A_202, %parallel_loop3A_203, %parallel_loop3A_204] {strides = array<i32>} : memref<3x32x256xf32, #tpu.memory_space<vmem>>, vector<16xf32>,
      tpu.vector_store_idx %arg9[%broadcast_in_dim3A_77, %parallel_loop3A_195], %parallel_loop3A_205 {add = true} : memref<8x3072xf32, #tpu.memory_space<vmem>>[vector<16xi32>, vector<16xi32>], vector<16xf32>,
      %parallel_loop3A_206 = arith.constant 0 : i32
      %parallel_loop3A_207 = arith.index_cast %parallel_loop3A_206 : i32 to index
      %parallel_loop3A_208 = arith.index_cast %parallel_loop3A_186 : i32 to index
      %parallel_loop3A_209 = arith.constant 32 : index
      %parallel_loop3A_210 = tpu.vector_load %arg7[%parallel_loop3A_207, %parallel_loop3A_208, %parallel_loop3A_209] {strides = array<i32>} : memref<3x32x256xf32, #tpu.memory_space<vmem>>, vector<16xf32>,
      tpu.vector_store_idx %arg9[%broadcast_in_dim3A_79, %parallel_loop3A_192], %parallel_loop3A_210 {add = true} : memref<8x3072xf32, #tpu.memory_space<vmem>>[vector<16xi32>, vector<16xi32>], vector<16xf32>,
      %parallel_loop3A_211 = arith.constant 0 : i32
      %parallel_loop3A_212 = arith.index_cast %parallel_loop3A_211 : i32 to index
      %parallel_loop3A_213 = arith.index_cast %parallel_loop3A_186 : i32 to index
      %parallel_loop3A_214 = arith.constant 48 : index
      %parallel_loop3A_215 = tpu.vector_load %arg7[%parallel_loop3A_212, %parallel_loop3A_213, %parallel_loop3A_214] {strides = array<i32>} : memref<3x32x256xf32, #tpu.memory_space<vmem>>, vector<16xf32>,
      tpu.vector_store_idx %arg9[%broadcast_in_dim3A_79, %parallel_loop3A_195], %parallel_loop3A_215 {add = true} : memref<8x3072xf32, #tpu.memory_space<vmem>>[vector<16xi32>, vector<16xi32>], vector<16xf32>,
      %parallel_loop3A_216 = arith.constant 0 : i32
      %parallel_loop3A_217 = arith.index_cast %parallel_loop3A_216 : i32 to index
      %parallel_loop3A_218 = arith.index_cast %parallel_loop3A_186 : i32 to index
      %parallel_loop3A_219 = arith.constant 64 : index
      %parallel_loop3A_220 = tpu.vector_load %arg7[%parallel_loop3A_217, %parallel_loop3A_218, %parallel_loop3A_219] {strides = array<i32>} : memref<3x32x256xf32, #tpu.memory_space<vmem>>, vector<16xf32>,
      tpu.vector_store_idx %arg9[%broadcast_in_dim3A_81, %parallel_loop3A_192], %parallel_loop3A_220 {add = true} : memref<8x3072xf32, #tpu.memory_space<vmem>>[vector<16xi32>, vector<16xi32>], vector<16xf32>,
      %parallel_loop3A_221 = arith.constant 0 : i32
      %parallel_loop3A_222 = arith.index_cast %parallel_loop3A_221 : i32 to index
      %parallel_loop3A_223 = arith.index_cast %parallel_loop3A_186 : i32 to index
      %parallel_loop3A_224 = arith.constant 80 : index
      %parallel_loop3A_225 = tpu.vector_load %arg7[%parallel_loop3A_222, %parallel_loop3A_223, %parallel_loop3A_224] {strides = array<i32>} : memref<3x32x256xf32, #tpu.memory_space<vmem>>, vector<16xf32>,
      tpu.vector_store_idx %arg9[%broadcast_in_dim3A_81, %parallel_loop3A_195], %parallel_loop3A_225 {add = true} : memref<8x3072xf32, #tpu.memory_space<vmem>>[vector<16xi32>, vector<16xi32>], vector<16xf32>,
      %parallel_loop3A_226 = arith.constant 0 : i32
      %parallel_loop3A_227 = arith.index_cast %parallel_loop3A_226 : i32 to index
      %parallel_loop3A_228 = arith.index_cast %parallel_loop3A_186 : i32 to index
      %parallel_loop3A_229 = arith.constant 96 : index
      %parallel_loop3A_230 = tpu.vector_load %arg7[%parallel_loop3A_227, %parallel_loop3A_228, %parallel_loop3A_229] {strides = array<i32>} : memref<3x32x256xf32, #tpu.memory_space<vmem>>, vector<16xf32>,
      tpu.vector_store_idx %arg9[%broadcast_in_dim3A_83, %parallel_loop3A_192], %parallel_loop3A_230 {add = true} : memref<8x3072xf32, #tpu.memory_space<vmem>>[vector<16xi32>, vector<16xi32>], vector<16xf32>,
      %parallel_loop3A_231 = arith.constant 0 : i32
      %parallel_loop3A_232 = arith.index_cast %parallel_loop3A_231 : i32 to index
      %parallel_loop3A_233 = arith.index_cast %parallel_loop3A_186 : i32 to index
      %parallel_loop3A_234 = arith.constant 112 : index
      %parallel_loop3A_235 = tpu.vector_load %arg7[%parallel_loop3A_232, %parallel_loop3A_233, %parallel_loop3A_234] {strides = array<i32>} : memref<3x32x256xf32, #tpu.memory_space<vmem>>, vector<16xf32>,
      tpu.vector_store_idx %arg9[%broadcast_in_dim3A_83, %parallel_loop3A_195], %parallel_loop3A_235 {add = true} : memref<8x3072xf32, #tpu.memory_space<vmem>>[vector<16xi32>, vector<16xi32>], vector<16xf32>,
      %parallel_loop3A_236 = arith.constant 0 : i32
      %parallel_loop3A_237 = arith.index_cast %parallel_loop3A_236 : i32 to index
      %parallel_loop3A_238 = arith.index_cast %parallel_loop3A_186 : i32 to index
      %parallel_loop3A_239 = arith.constant 128 : index
      %parallel_loop3A_240 = tpu.vector_load %arg7[%parallel_loop3A_237, %parallel_loop3A_238, %parallel_loop3A_239] {strides = array<i32>} : memref<3x32x256xf32, #tpu.memory_space<vmem>>, vector<16xf32>,
      tpu.vector_store_idx %arg9[%broadcast_in_dim3A_85, %parallel_loop3A_192], %parallel_loop3A_240 {add = true} : memref<8x3072xf32, #tpu.memory_space<vmem>>[vector<16xi32>, vector<16xi32>], vector<16xf32>,
      %parallel_loop3A_241 = arith.constant 0 : i32
      %parallel_loop3A_242 = arith.index_cast %parallel_loop3A_241 : i32 to index
      %parallel_loop3A_243 = arith.index_cast %parallel_loop3A_186 : i32 to index
      %parallel_loop3A_244 = arith.constant 144 : index
      %parallel_loop3A_245 = tpu.vector_load %arg7[%parallel_loop3A_242, %parallel_loop3A_243, %parallel_loop3A_244] {strides = array<i32>} : memref<3x32x256xf32, #tpu.memory_space<vmem>>, vector<16xf32>,
      tpu.vector_store_idx %arg9[%broadcast_in_dim3A_85, %parallel_loop3A_195], %parallel_loop3A_245 {add = true} : memref<8x3072xf32, #tpu.memory_space<vmem>>[vector<16xi32>, vector<16xi32>], vector<16xf32>,
      %parallel_loop3A_246 = arith.constant 0 : i32
      %parallel_loop3A_247 = arith.index_cast %parallel_loop3A_246 : i32 to index
      %parallel_loop3A_248 = arith.index_cast %parallel_loop3A_186 : i32 to index
      %parallel_loop3A_249 = arith.constant 160 : index
      %parallel_loop3A_250 = tpu.vector_load %arg7[%parallel_loop3A_247, %parallel_loop3A_248, %parallel_loop3A_249] {strides = array<i32>} : memref<3x32x256xf32, #tpu.memory_space<vmem>>, vector<16xf32>,
      tpu.vector_store_idx %arg9[%broadcast_in_dim3A_87, %parallel_loop3A_192], %parallel_loop3A_250 {add = true} : memref<8x3072xf32, #tpu.memory_space<vmem>>[vector<16xi32>, vector<16xi32>], vector<16xf32>,
      %parallel_loop3A_251 = arith.constant 0 : i32
      %parallel_loop3A_252 = arith.index_cast %parallel_loop3A_251 : i32 to index
      %parallel_loop3A_253 = arith.index_cast %parallel_loop3A_186 : i32 to index
      %parallel_loop3A_254 = arith.constant 176 : index
      %parallel_loop3A_255 = tpu.vector_load %arg7[%parallel_loop3A_252, %parallel_loop3A_253, %parallel_loop3A_254] {strides = array<i32>} : memref<3x32x256xf32, #tpu.memory_space<vmem>>, vector<16xf32>,
      tpu.vector_store_idx %arg9[%broadcast_in_dim3A_87, %parallel_loop3A_195], %parallel_loop3A_255 {add = true} : memref<8x3072xf32, #tpu.memory_space<vmem>>[vector<16xi32>, vector<16xi32>], vector<16xf32>,
      %parallel_loop3A_256 = arith.constant 0 : i32
      %parallel_loop3A_257 = arith.index_cast %parallel_loop3A_256 : i32 to index
      %parallel_loop3A_258 = arith.index_cast %parallel_loop3A_186 : i32 to index
      %parallel_loop3A_259 = arith.constant 192 : index
      %parallel_loop3A_260 = tpu.vector_load %arg7[%parallel_loop3A_257, %parallel_loop3A_258, %parallel_loop3A_259] {strides = array<i32>} : memref<3x32x256xf32, #tpu.memory_space<vmem>>, vector<16xf32>,
      tpu.vector_store_idx %arg9[%broadcast_in_dim3A_89, %parallel_loop3A_192], %parallel_loop3A_260 {add = true} : memref<8x3072xf32, #tpu.memory_space<vmem>>[vector<16xi32>, vector<16xi32>], vector<16xf32>,
      %parallel_loop3A_261 = arith.constant 0 : i32
      %parallel_loop3A_262 = arith.index_cast %parallel_loop3A_261 : i32 to index
      %parallel_loop3A_263 = arith.index_cast %parallel_loop3A_186 : i32 to index
      %parallel_loop3A_264 = arith.constant 208 : index
      %parallel_loop3A_265 = tpu.vector_load %arg7[%parallel_loop3A_262, %parallel_loop3A_263, %parallel_loop3A_264] {strides = array<i32>} : memref<3x32x256xf32, #tpu.memory_space<vmem>>, vector<16xf32>,
      tpu.vector_store_idx %arg9[%broadcast_in_dim3A_89, %parallel_loop3A_195], %parallel_loop3A_265 {add = true} : memref<8x3072xf32, #tpu.memory_space<vmem>>[vector<16xi32>, vector<16xi32>], vector<16xf32>,
      %parallel_loop3A_266 = arith.constant 0 : i32
      %parallel_loop3A_267 = arith.index_cast %parallel_loop3A_266 : i32 to index
      %parallel_loop3A_268 = arith.index_cast %parallel_loop3A_186 : i32 to index
      %parallel_loop3A_269 = arith.constant 224 : index
      %parallel_loop3A_270 = tpu.vector_load %arg7[%parallel_loop3A_267, %parallel_loop3A_268, %parallel_loop3A_269] {strides = array<i32>} : memref<3x32x256xf32, #tpu.memory_space<vmem>>, vector<16xf32>,
      tpu.vector_store_idx %arg9[%broadcast_in_dim3A_91, %parallel_loop3A_192], %parallel_loop3A_270 {add = true} : memref<8x3072xf32, #tpu.memory_space<vmem>>[vector<16xi32>, vector<16xi32>], vector<16xf32>,
      %parallel_loop3A_271 = arith.constant 0 : i32
      %parallel_loop3A_272 = arith.index_cast %parallel_loop3A_271 : i32 to index
      %parallel_loop3A_273 = arith.index_cast %parallel_loop3A_186 : i32 to index
      %parallel_loop3A_274 = arith.constant 240 : index
      %parallel_loop3A_275 = tpu.vector_load %arg7[%parallel_loop3A_272, %parallel_loop3A_273, %parallel_loop3A_274] {strides = array<i32>} : memref<3x32x256xf32, #tpu.memory_space<vmem>>, vector<16xf32>,
      tpu.vector_store_idx %arg9[%broadcast_in_dim3A_91, %parallel_loop3A_195], %parallel_loop3A_275 {add = true} : memref<8x3072xf32, #tpu.memory_space<vmem>>[vector<16xi32>, vector<16xi32>], vector<16xf32>,
    } {sc.loop_unroll_factor = 1 : i64, sc.parallel_access}
    %parallel_loop3A_147 = arith.constant 0 : i32
    %parallel_loop3A_148 = arith.constant 32 : i32
    %parallel_loop3A_149 = arith.constant 1 : i32
    scf.for %parallel_loop3A_186 = %parallel_loop3A_147 to %parallel_loop3A_148 step %parallel_loop3A_149  : i32 {
      %parallel_loop3A_187 = arith.constant 96 : i32
      %parallel_loop3A_188 = arith.muli %parallel_loop3A_186, %parallel_loop3A_187 : i32
      %parallel_loop3A_189 = arith.constant 1 : i32
      %parallel_loop3A_190 = arith.addi %parallel_loop3A_188, %parallel_loop3A_189 : i32
      %parallel_loop3A_191 = vector.broadcast %parallel_loop3A_190 : i32 to vector<16xi32>
      %parallel_loop3A_192 = arith.addi %mul3A_76, %parallel_loop3A_191 : vector<16xi32>
      %parallel_loop3A_193 = arith.constant 48 : i32
      %parallel_loop3A_194 = vector.broadcast %parallel_loop3A_193 : i32 to vector<16xi32>
      %parallel_loop3A_195 = arith.addi %parallel_loop3A_192, %parallel_loop3A_194 : vector<16xi32>
      %parallel_loop3A_196 = arith.constant 1 : i32
      %parallel_loop3A_197 = arith.index_cast %parallel_loop3A_196 : i32 to index
      %parallel_loop3A_198 = arith.index_cast %parallel_loop3A_186 : i32 to index
      %parallel_loop3A_199 = arith.constant 0 : index
      %parallel_loop3A_200 = tpu.vector_load %arg7[%parallel_loop3A_197, %parallel_loop3A_198, %parallel_loop3A_199] {strides = array<i32>} : memref<3x32x256xf32, #tpu.memory_space<vmem>>, vector<16xf32>,
      tpu.vector_store_idx %arg9[%broadcast_in_dim3A_77, %parallel_loop3A_192], %parallel_loop3A_200 {add = true} : memref<8x3072xf32, #tpu.memory_space<vmem>>[vector<16xi32>, vector<16xi32>], vector<16xf32>,
      %parallel_loop3A_201 = arith.constant 1 : i32
      %parallel_loop3A_202 = arith.index_cast %parallel_loop3A_201 : i32 to index
      %parallel_loop3A_203 = arith.index_cast %parallel_loop3A_186 : i32 to index
      %parallel_loop3A_204 = arith.constant 16 : index
      %parallel_loop3A_205 = tpu.vector_load %arg7[%parallel_loop3A_202, %parallel_loop3A_203, %parallel_loop3A_204] {strides = array<i32>} : memref<3x32x256xf32, #tpu.memory_space<vmem>>, vector<16xf32>,
      tpu.vector_store_idx %arg9[%broadcast_in_dim3A_77, %parallel_loop3A_195], %parallel_loop3A_205 {add = true} : memref<8x3072xf32, #tpu.memory_space<vmem>>[vector<16xi32>, vector<16xi32>], vector<16xf32>,
      %parallel_loop3A_206 = arith.constant 1 : i32
      %parallel_loop3A_207 = arith.index_cast %parallel_loop3A_206 : i32 to index
      %parallel_loop3A_208 = arith.index_cast %parallel_loop3A_186 : i32 to index
      %parallel_loop3A_209 = arith.constant 32 : index
      %parallel_loop3A_210 = tpu.vector_load %arg7[%parallel_loop3A_207, %parallel_loop3A_208, %parallel_loop3A_209] {strides = array<i32>} : memref<3x32x256xf32, #tpu.memory_space<vmem>>, vector<16xf32>,
      tpu.vector_store_idx %arg9[%broadcast_in_dim3A_79, %parallel_loop3A_192], %parallel_loop3A_210 {add = true} : memref<8x3072xf32, #tpu.memory_space<vmem>>[vector<16xi32>, vector<16xi32>], vector<16xf32>,
      %parallel_loop3A_211 = arith.constant 1 : i32
      %parallel_loop3A_212 = arith.index_cast %parallel_loop3A_211 : i32 to index
      %parallel_loop3A_213 = arith.index_cast %parallel_loop3A_186 : i32 to index
      %parallel_loop3A_214 = arith.constant 48 : index
      %parallel_loop3A_215 = tpu.vector_load %arg7[%parallel_loop3A_212, %parallel_loop3A_213, %parallel_loop3A_214] {strides = array<i32>} : memref<3x32x256xf32, #tpu.memory_space<vmem>>, vector<16xf32>,
      tpu.vector_store_idx %arg9[%broadcast_in_dim3A_79, %parallel_loop3A_195], %parallel_loop3A_215 {add = true} : memref<8x3072xf32, #tpu.memory_space<vmem>>[vector<16xi32>, vector<16xi32>], vector<16xf32>,
      %parallel_loop3A_216 = arith.constant 1 : i32
      %parallel_loop3A_217 = arith.index_cast %parallel_loop3A_216 : i32 to index
      %parallel_loop3A_218 = arith.index_cast %parallel_loop3A_186 : i32 to index
      %parallel_loop3A_219 = arith.constant 64 : index
      %parallel_loop3A_220 = tpu.vector_load %arg7[%parallel_loop3A_217, %parallel_loop3A_218, %parallel_loop3A_219] {strides = array<i32>} : memref<3x32x256xf32, #tpu.memory_space<vmem>>, vector<16xf32>,
      tpu.vector_store_idx %arg9[%broadcast_in_dim3A_81, %parallel_loop3A_192], %parallel_loop3A_220 {add = true} : memref<8x3072xf32, #tpu.memory_space<vmem>>[vector<16xi32>, vector<16xi32>], vector<16xf32>,
      %parallel_loop3A_221 = arith.constant 1 : i32
      %parallel_loop3A_222 = arith.index_cast %parallel_loop3A_221 : i32 to index
      %parallel_loop3A_223 = arith.index_cast %parallel_loop3A_186 : i32 to index
      %parallel_loop3A_224 = arith.constant 80 : index
      %parallel_loop3A_225 = tpu.vector_load %arg7[%parallel_loop3A_222, %parallel_loop3A_223, %parallel_loop3A_224] {strides = array<i32>} : memref<3x32x256xf32, #tpu.memory_space<vmem>>, vector<16xf32>,
      tpu.vector_store_idx %arg9[%broadcast_in_dim3A_81, %parallel_loop3A_195], %parallel_loop3A_225 {add = true} : memref<8x3072xf32, #tpu.memory_space<vmem>>[vector<16xi32>, vector<16xi32>], vector<16xf32>,
      %parallel_loop3A_226 = arith.constant 1 : i32
      %parallel_loop3A_227 = arith.index_cast %parallel_loop3A_226 : i32 to index
      %parallel_loop3A_228 = arith.index_cast %parallel_loop3A_186 : i32 to index
      %parallel_loop3A_229 = arith.constant 96 : index
      %parallel_loop3A_230 = tpu.vector_load %arg7[%parallel_loop3A_227, %parallel_loop3A_228, %parallel_loop3A_229] {strides = array<i32>} : memref<3x32x256xf32, #tpu.memory_space<vmem>>, vector<16xf32>,
      tpu.vector_store_idx %arg9[%broadcast_in_dim3A_83, %parallel_loop3A_192], %parallel_loop3A_230 {add = true} : memref<8x3072xf32, #tpu.memory_space<vmem>>[vector<16xi32>, vector<16xi32>], vector<16xf32>,
      %parallel_loop3A_231 = arith.constant 1 : i32
      %parallel_loop3A_232 = arith.index_cast %parallel_loop3A_231 : i32 to index
      %parallel_loop3A_233 = arith.index_cast %parallel_loop3A_186 : i32 to index
      %parallel_loop3A_234 = arith.constant 112 : index
      %parallel_loop3A_235 = tpu.vector_load %arg7[%parallel_loop3A_232, %parallel_loop3A_233, %parallel_loop3A_234] {strides = array<i32>} : memref<3x32x256xf32, #tpu.memory_space<vmem>>, vector<16xf32>,
      tpu.vector_store_idx %arg9[%broadcast_in_dim3A_83, %parallel_loop3A_195], %parallel_loop3A_235 {add = true} : memref<8x3072xf32, #tpu.memory_space<vmem>>[vector<16xi32>, vector<16xi32>], vector<16xf32>,
      %parallel_loop3A_236 = arith.constant 1 : i32
      %parallel_loop3A_237 = arith.index_cast %parallel_loop3A_236 : i32 to index
      %parallel_loop3A_238 = arith.index_cast %parallel_loop3A_186 : i32 to index
      %parallel_loop3A_239 = arith.constant 128 : index
      %parallel_loop3A_240 = tpu.vector_load %arg7[%parallel_loop3A_237, %parallel_loop3A_238, %parallel_loop3A_239] {strides = array<i32>} : memref<3x32x256xf32, #tpu.memory_space<vmem>>, vector<16xf32>,
      tpu.vector_store_idx %arg9[%broadcast_in_dim3A_85, %parallel_loop3A_192], %parallel_loop3A_240 {add = true} : memref<8x3072xf32, #tpu.memory_space<vmem>>[vector<16xi32>, vector<16xi32>], vector<16xf32>,
      %parallel_loop3A_241 = arith.constant 1 : i32
      %parallel_loop3A_242 = arith.index_cast %parallel_loop3A_241 : i32 to index
      %parallel_loop3A_243 = arith.index_cast %parallel_loop3A_186 : i32 to index
      %parallel_loop3A_244 = arith.constant 144 : index
      %parallel_loop3A_245 = tpu.vector_load %arg7[%parallel_loop3A_242, %parallel_loop3A_243, %parallel_loop3A_244] {strides = array<i32>} : memref<3x32x256xf32, #tpu.memory_space<vmem>>, vector<16xf32>,
      tpu.vector_store_idx %arg9[%broadcast_in_dim3A_85, %parallel_loop3A_195], %parallel_loop3A_245 {add = true} : memref<8x3072xf32, #tpu.memory_space<vmem>>[vector<16xi32>, vector<16xi32>], vector<16xf32>,
      %parallel_loop3A_246 = arith.constant 1 : i32
      %parallel_loop3A_247 = arith.index_cast %parallel_loop3A_246 : i32 to index
      %parallel_loop3A_248 = arith.index_cast %parallel_loop3A_186 : i32 to index
      %parallel_loop3A_249 = arith.constant 160 : index
      %parallel_loop3A_250 = tpu.vector_load %arg7[%parallel_loop3A_247, %parallel_loop3A_248, %parallel_loop3A_249] {strides = array<i32>} : memref<3x32x256xf32, #tpu.memory_space<vmem>>, vector<16xf32>,
      tpu.vector_store_idx %arg9[%broadcast_in_dim3A_87, %parallel_loop3A_192], %parallel_loop3A_250 {add = true} : memref<8x3072xf32, #tpu.memory_space<vmem>>[vector<16xi32>, vector<16xi32>], vector<16xf32>,
      %parallel_loop3A_251 = arith.constant 1 : i32
      %parallel_loop3A_252 = arith.index_cast %parallel_loop3A_251 : i32 to index
      %parallel_loop3A_253 = arith.index_cast %parallel_loop3A_186 : i32 to index
      %parallel_loop3A_254 = arith.constant 176 : index
      %parallel_loop3A_255 = tpu.vector_load %arg7[%parallel_loop3A_252, %parallel_loop3A_253, %parallel_loop3A_254] {strides = array<i32>} : memref<3x32x256xf32, #tpu.memory_space<vmem>>, vector<16xf32>,
      tpu.vector_store_idx %arg9[%broadcast_in_dim3A_87, %parallel_loop3A_195], %parallel_loop3A_255 {add = true} : memref<8x3072xf32, #tpu.memory_space<vmem>>[vector<16xi32>, vector<16xi32>], vector<16xf32>,
      %parallel_loop3A_256 = arith.constant 1 : i32
      %parallel_loop3A_257 = arith.index_cast %parallel_loop3A_256 : i32 to index
      %parallel_loop3A_258 = arith.index_cast %parallel_loop3A_186 : i32 to index
      %parallel_loop3A_259 = arith.constant 192 : index
      %parallel_loop3A_260 = tpu.vector_load %arg7[%parallel_loop3A_257, %parallel_loop3A_258, %parallel_loop3A_259] {strides = array<i32>} : memref<3x32x256xf32, #tpu.memory_space<vmem>>, vector<16xf32>,
      tpu.vector_store_idx %arg9[%broadcast_in_dim3A_89, %parallel_loop3A_192], %parallel_loop3A_260 {add = true} : memref<8x3072xf32, #tpu.memory_space<vmem>>[vector<16xi32>, vector<16xi32>], vector<16xf32>,
      %parallel_loop3A_261 = arith.constant 1 : i32
      %parallel_loop3A_262 = arith.index_cast %parallel_loop3A_261 : i32 to index
      %parallel_loop3A_263 = arith.index_cast %parallel_loop3A_186 : i32 to index
      %parallel_loop3A_264 = arith.constant 208 : index
      %parallel_loop3A_265 = tpu.vector_load %arg7[%parallel_loop3A_262, %parallel_loop3A_263, %parallel_loop3A_264] {strides = array<i32>} : memref<3x32x256xf32, #tpu.memory_space<vmem>>, vector<16xf32>,
      tpu.vector_store_idx %arg9[%broadcast_in_dim3A_89, %parallel_loop3A_195], %parallel_loop3A_265 {add = true} : memref<8x3072xf32, #tpu.memory_space<vmem>>[vector<16xi32>, vector<16xi32>], vector<16xf32>,
      %parallel_loop3A_266 = arith.constant 1 : i32
      %parallel_loop3A_267 = arith.index_cast %parallel_loop3A_266 : i32 to index
      %parallel_loop3A_268 = arith.index_cast %parallel_loop3A_186 : i32 to index
      %parallel_loop3A_269 = arith.constant 224 : index
      %parallel_loop3A_270 = tpu.vector_load %arg7[%parallel_loop3A_267, %parallel_loop3A_268, %parallel_loop3A_269] {strides = array<i32>} : memref<3x32x256xf32, #tpu.memory_space<vmem>>, vector<16xf32>,
      tpu.vector_store_idx %arg9[%broadcast_in_dim3A_91, %parallel_loop3A_192], %parallel_loop3A_270 {add = true} : memref<8x3072xf32, #tpu.memory_space<vmem>>[vector<16xi32>, vector<16xi32>], vector<16xf32>,
      %parallel_loop3A_271 = arith.constant 1 : i32
      %parallel_loop3A_272 = arith.index_cast %parallel_loop3A_271 : i32 to index
      %parallel_loop3A_273 = arith.index_cast %parallel_loop3A_186 : i32 to index
      %parallel_loop3A_274 = arith.constant 240 : index
      %parallel_loop3A_275 = tpu.vector_load %arg7[%parallel_loop3A_272, %parallel_loop3A_273, %parallel_loop3A_274] {strides = array<i32>} : memref<3x32x256xf32, #tpu.memory_space<vmem>>, vector<16xf32>,
      tpu.vector_store_idx %arg9[%broadcast_in_dim3A_91, %parallel_loop3A_195], %parallel_loop3A_275 {add = true} : memref<8x3072xf32, #tpu.memory_space<vmem>>[vector<16xi32>, vector<16xi32>], vector<16xf32>,
    } {sc.loop_unroll_factor = 1 : i64, sc.parallel_access}
    %parallel_loop3A_150 = arith.constant 0 : i32
    %parallel_loop3A_151 = arith.constant 32 : i32
    %parallel_loop3A_152 = arith.constant 1 : i32
    scf.for %parallel_loop3A_186 = %parallel_loop3A_150 to %parallel_loop3A_151 step %parallel_loop3A_152  : i32 {
      %parallel_loop3A_187 = arith.constant 96 : i32
      %parallel_loop3A_188 = arith.muli %parallel_loop3A_186, %parallel_loop3A_187 : i32
      %parallel_loop3A_189 = arith.constant 2 : i32
      %parallel_loop3A_190 = arith.addi %parallel_loop3A_188, %parallel_loop3A_189 : i32
      %parallel_loop3A_191 = vector.broadcast %parallel_loop3A_190 : i32 to vector<16xi32>
      %parallel_loop3A_192 = arith.addi %mul3A_76, %parallel_loop3A_191 : vector<16xi32>
      %parallel_loop3A_193 = arith.constant 48 : i32
      %parallel_loop3A_194 = vector.broadcast %parallel_loop3A_193 : i32 to vector<16xi32>
      %parallel_loop3A_195 = arith.addi %parallel_loop3A_192, %parallel_loop3A_194 : vector<16xi32>
      %parallel_loop3A_196 = arith.constant 2 : i32
      %parallel_loop3A_197 = arith.index_cast %parallel_loop3A_196 : i32 to index
      %parallel_loop3A_198 = arith.index_cast %parallel_loop3A_186 : i32 to index
      %parallel_loop3A_199 = arith.constant 0 : index
      %parallel_loop3A_200 = tpu.vector_load %arg7[%parallel_loop3A_197, %parallel_loop3A_198, %parallel_loop3A_199] {strides = array<i32>} : memref<3x32x256xf32, #tpu.memory_space<vmem>>, vector<16xf32>,
      tpu.vector_store_idx %arg9[%broadcast_in_dim3A_77, %parallel_loop3A_192], %parallel_loop3A_200 {add = true} : memref<8x3072xf32, #tpu.memory_space<vmem>>[vector<16xi32>, vector<16xi32>], vector<16xf32>,
      %parallel_loop3A_201 = arith.constant 2 : i32
      %parallel_loop3A_202 = arith.index_cast %parallel_loop3A_201 : i32 to index
      %parallel_loop3A_203 = arith.index_cast %parallel_loop3A_186 : i32 to index
      %parallel_loop3A_204 = arith.constant 16 : index
      %parallel_loop3A_205 = tpu.vector_load %arg7[%parallel_loop3A_202, %parallel_loop3A_203, %parallel_loop3A_204] {strides = array<i32>} : memref<3x32x256xf32, #tpu.memory_space<vmem>>, vector<16xf32>,
      tpu.vector_store_idx %arg9[%broadcast_in_dim3A_77, %parallel_loop3A_195], %parallel_loop3A_205 {add = true} : memref<8x3072xf32, #tpu.memory_space<vmem>>[vector<16xi32>, vector<16xi32>], vector<16xf32>,
      %parallel_loop3A_206 = arith.constant 2 : i32
      %parallel_loop3A_207 = arith.index_cast %parallel_loop3A_206 : i32 to index
      %parallel_loop3A_208 = arith.index_cast %parallel_loop3A_186 : i32 to index
      %parallel_loop3A_209 = arith.constant 32 : index
      %parallel_loop3A_210 = tpu.vector_load %arg7[%parallel_loop3A_207, %parallel_loop3A_208, %parallel_loop3A_209] {strides = array<i32>} : memref<3x32x256xf32, #tpu.memory_space<vmem>>, vector<16xf32>,
      tpu.vector_store_idx %arg9[%broadcast_in_dim3A_79, %parallel_loop3A_192], %parallel_loop3A_210 {add = true} : memref<8x3072xf32, #tpu.memory_space<vmem>>[vector<16xi32>, vector<16xi32>], vector<16xf32>,
      %parallel_loop3A_211 = arith.constant 2 : i32
      %parallel_loop3A_212 = arith.index_cast %parallel_loop3A_211 : i32 to index
      %parallel_loop3A_213 = arith.index_cast %parallel_loop3A_186 : i32 to index
      %parallel_loop3A_214 = arith.constant 48 : index
      %parallel_loop3A_215 = tpu.vector_load %arg7[%parallel_loop3A_212, %parallel_loop3A_213, %parallel_loop3A_214] {strides = array<i32>} : memref<3x32x256xf32, #tpu.memory_space<vmem>>, vector<16xf32>,
      tpu.vector_store_idx %arg9[%broadcast_in_dim3A_79, %parallel_loop3A_195], %parallel_loop3A_215 {add = true} : memref<8x3072xf32, #tpu.memory_space<vmem>>[vector<16xi32>, vector<16xi32>], vector<16xf32>,
      %parallel_loop3A_216 = arith.constant 2 : i32
      %parallel_loop3A_217 = arith.index_cast %parallel_loop3A_216 : i32 to index
      %parallel_loop3A_218 = arith.index_cast %parallel_loop3A_186 : i32 to index
      %parallel_loop3A_219 = arith.constant 64 : index
      %parallel_loop3A_220 = tpu.vector_load %arg7[%parallel_loop3A_217, %parallel_loop3A_218, %parallel_loop3A_219] {strides = array<i32>} : memref<3x32x256xf32, #tpu.memory_space<vmem>>, vector<16xf32>,
      tpu.vector_store_idx %arg9[%broadcast_in_dim3A_81, %parallel_loop3A_192], %parallel_loop3A_220 {add = true} : memref<8x3072xf32, #tpu.memory_space<vmem>>[vector<16xi32>, vector<16xi32>], vector<16xf32>,
      %parallel_loop3A_221 = arith.constant 2 : i32
      %parallel_loop3A_222 = arith.index_cast %parallel_loop3A_221 : i32 to index
      %parallel_loop3A_223 = arith.index_cast %parallel_loop3A_186 : i32 to index
      %parallel_loop3A_224 = arith.constant 80 : index
      %parallel_loop3A_225 = tpu.vector_load %arg7[%parallel_loop3A_222, %parallel_loop3A_223, %parallel_loop3A_224] {strides = array<i32>} : memref<3x32x256xf32, #tpu.memory_space<vmem>>, vector<16xf32>,
      tpu.vector_store_idx %arg9[%broadcast_in_dim3A_81, %parallel_loop3A_195], %parallel_loop3A_225 {add = true} : memref<8x3072xf32, #tpu.memory_space<vmem>>[vector<16xi32>, vector<16xi32>], vector<16xf32>,
      %parallel_loop3A_226 = arith.constant 2 : i32
      %parallel_loop3A_227 = arith.index_cast %parallel_loop3A_226 : i32 to index
      %parallel_loop3A_228 = arith.index_cast %parallel_loop3A_186 : i32 to index
      %parallel_loop3A_229 = arith.constant 96 : index
      %parallel_loop3A_230 = tpu.vector_load %arg7[%parallel_loop3A_227, %parallel_loop3A_228, %parallel_loop3A_229] {strides = array<i32>} : memref<3x32x256xf32, #tpu.memory_space<vmem>>, vector<16xf32>,
      tpu.vector_store_idx %arg9[%broadcast_in_dim3A_83, %parallel_loop3A_192], %parallel_loop3A_230 {add = true} : memref<8x3072xf32, #tpu.memory_space<vmem>>[vector<16xi32>, vector<16xi32>], vector<16xf32>,
      %parallel_loop3A_231 = arith.constant 2 : i32
      %parallel_loop3A_232 = arith.index_cast %parallel_loop3A_231 : i32 to index
      %parallel_loop3A_233 = arith.index_cast %parallel_loop3A_186 : i32 to index
      %parallel_loop3A_234 = arith.constant 112 : index
      %parallel_loop3A_235 = tpu.vector_load %arg7[%parallel_loop3A_232, %parallel_loop3A_233, %parallel_loop3A_234] {strides = array<i32>} : memref<3x32x256xf32, #tpu.memory_space<vmem>>, vector<16xf32>,
      tpu.vector_store_idx %arg9[%broadcast_in_dim3A_83, %parallel_loop3A_195], %parallel_loop3A_235 {add = true} : memref<8x3072xf32, #tpu.memory_space<vmem>>[vector<16xi32>, vector<16xi32>], vector<16xf32>,
      %parallel_loop3A_236 = arith.constant 2 : i32
      %parallel_loop3A_237 = arith.index_cast %parallel_loop3A_236 : i32 to index
      %parallel_loop3A_238 = arith.index_cast %parallel_loop3A_186 : i32 to index
      %parallel_loop3A_239 = arith.constant 128 : index
      %parallel_loop3A_240 = tpu.vector_load %arg7[%parallel_loop3A_237, %parallel_loop3A_238, %parallel_loop3A_239] {strides = array<i32>} : memref<3x32x256xf32, #tpu.memory_space<vmem>>, vector<16xf32>,
      tpu.vector_store_idx %arg9[%broadcast_in_dim3A_85, %parallel_loop3A_192], %parallel_loop3A_240 {add = true} : memref<8x3072xf32, #tpu.memory_space<vmem>>[vector<16xi32>, vector<16xi32>], vector<16xf32>,
      %parallel_loop3A_241 = arith.constant 2 : i32
      %parallel_loop3A_242 = arith.index_cast %parallel_loop3A_241 : i32 to index
      %parallel_loop3A_243 = arith.index_cast %parallel_loop3A_186 : i32 to index
      %parallel_loop3A_244 = arith.constant 144 : index
      %parallel_loop3A_245 = tpu.vector_load %arg7[%parallel_loop3A_242, %parallel_loop3A_243, %parallel_loop3A_244] {strides = array<i32>} : memref<3x32x256xf32, #tpu.memory_space<vmem>>, vector<16xf32>,
      tpu.vector_store_idx %arg9[%broadcast_in_dim3A_85, %parallel_loop3A_195], %parallel_loop3A_245 {add = true} : memref<8x3072xf32, #tpu.memory_space<vmem>>[vector<16xi32>, vector<16xi32>], vector<16xf32>,
      %parallel_loop3A_246 = arith.constant 2 : i32
      %parallel_loop3A_247 = arith.index_cast %parallel_loop3A_246 : i32 to index
      %parallel_loop3A_248 = arith.index_cast %parallel_loop3A_186 : i32 to index
      %parallel_loop3A_249 = arith.constant 160 : index
      %parallel_loop3A_250 = tpu.vector_load %arg7[%parallel_loop3A_247, %parallel_loop3A_248, %parallel_loop3A_249] {strides = array<i32>} : memref<3x32x256xf32, #tpu.memory_space<vmem>>, vector<16xf32>,
      tpu.vector_store_idx %arg9[%broadcast_in_dim3A_87, %parallel_loop3A_192], %parallel_loop3A_250 {add = true} : memref<8x3072xf32, #tpu.memory_space<vmem>>[vector<16xi32>, vector<16xi32>], vector<16xf32>,
      %parallel_loop3A_251 = arith.constant 2 : i32
      %parallel_loop3A_252 = arith.index_cast %parallel_loop3A_251 : i32 to index
      %parallel_loop3A_253 = arith.index_cast %parallel_loop3A_186 : i32 to index
      %parallel_loop3A_254 = arith.constant 176 : index
      %parallel_loop3A_255 = tpu.vector_load %arg7[%parallel_loop3A_252, %parallel_loop3A_253, %parallel_loop3A_254] {strides = array<i32>} : memref<3x32x256xf32, #tpu.memory_space<vmem>>, vector<16xf32>,
      tpu.vector_store_idx %arg9[%broadcast_in_dim3A_87, %parallel_loop3A_195], %parallel_loop3A_255 {add = true} : memref<8x3072xf32, #tpu.memory_space<vmem>>[vector<16xi32>, vector<16xi32>], vector<16xf32>,
      %parallel_loop3A_256 = arith.constant 2 : i32
      %parallel_loop3A_257 = arith.index_cast %parallel_loop3A_256 : i32 to index
      %parallel_loop3A_258 = arith.index_cast %parallel_loop3A_186 : i32 to index
      %parallel_loop3A_259 = arith.constant 192 : index
      %parallel_loop3A_260 = tpu.vector_load %arg7[%parallel_loop3A_257, %parallel_loop3A_258, %parallel_loop3A_259] {strides = array<i32>} : memref<3x32x256xf32, #tpu.memory_space<vmem>>, vector<16xf32>,
      tpu.vector_store_idx %arg9[%broadcast_in_dim3A_89, %parallel_loop3A_192], %parallel_loop3A_260 {add = true} : memref<8x3072xf32, #tpu.memory_space<vmem>>[vector<16xi32>, vector<16xi32>], vector<16xf32>,
      %parallel_loop3A_261 = arith.constant 2 : i32
      %parallel_loop3A_262 = arith.index_cast %parallel_loop3A_261 : i32 to index
      %parallel_loop3A_263 = arith.index_cast %parallel_loop3A_186 : i32 to index
      %parallel_loop3A_264 = arith.constant 208 : index
      %parallel_loop3A_265 = tpu.vector_load %arg7[%parallel_loop3A_262, %parallel_loop3A_263, %parallel_loop3A_264] {strides = array<i32>} : memref<3x32x256xf32, #tpu.memory_space<vmem>>, vector<16xf32>,
      tpu.vector_store_idx %arg9[%broadcast_in_dim3A_89, %parallel_loop3A_195], %parallel_loop3A_265 {add = true} : memref<8x3072xf32, #tpu.memory_space<vmem>>[vector<16xi32>, vector<16xi32>], vector<16xf32>,
      %parallel_loop3A_266 = arith.constant 2 : i32
      %parallel_loop3A_267 = arith.index_cast %parallel_loop3A_266 : i32 to index
      %parallel_loop3A_268 = arith.index_cast %parallel_loop3A_186 : i32 to index
      %parallel_loop3A_269 = arith.constant 224 : index
      %parallel_loop3A_270 = tpu.vector_load %arg7[%parallel_loop3A_267, %parallel_loop3A_268, %parallel_loop3A_269] {strides = array<i32>} : memref<3x32x256xf32, #tpu.memory_space<vmem>>, vector<16xf32>,
      tpu.vector_store_idx %arg9[%broadcast_in_dim3A_91, %parallel_loop3A_192], %parallel_loop3A_270 {add = true} : memref<8x3072xf32, #tpu.memory_space<vmem>>[vector<16xi32>, vector<16xi32>], vector<16xf32>,
      %parallel_loop3A_271 = arith.constant 2 : i32
      %parallel_loop3A_272 = arith.index_cast %parallel_loop3A_271 : i32 to index
      %parallel_loop3A_273 = arith.index_cast %parallel_loop3A_186 : i32 to index
      %parallel_loop3A_274 = arith.constant 240 : index
      %parallel_loop3A_275 = tpu.vector_load %arg7[%parallel_loop3A_272, %parallel_loop3A_273, %parallel_loop3A_274] {strides = array<i32>} : memref<3x32x256xf32, #tpu.memory_space<vmem>>, vector<16xf32>,
      tpu.vector_store_idx %arg9[%broadcast_in_dim3A_91, %parallel_loop3A_195], %parallel_loop3A_275 {add = true} : memref<8x3072xf32, #tpu.memory_space<vmem>>[vector<16xi32>, vector<16xi32>], vector<16xf32>,
    } {sc.loop_unroll_factor = 1 : i64, sc.parallel_access}
    %dma_start3A_153 = arith.constant 1 : i32
    %dma_start3A_154 = arith.constant 0 : i32
    %dma_start3A_155 = tpu.memref_slice %arg5[%dma_start3A_153, %add3A_35, %dma_start3A_154] : memref<32x256x3072xf32, #tpu.memory_space<hbm>> -> memref<1x8x3072xf32, #tpu.memory_space<hbm>>
    %dma_start3A_156 = tpu.memref_squeeze %dma_start3A_155 : memref<1x8x3072xf32, #tpu.memory_space<hbm>> -> memref<8x3072xf32, #tpu.memory_space<hbm>>
    %dma_start3A_157 = arith.constant 0 : i32
    %dma_start3A_158 = tpu.memref_slice %arg5[%dma_start3A_153, %add3A_35, %dma_start3A_157] : memref<32x256x3072xf32, #tpu.memory_space<hbm>> -> memref<1x8x3072xf32, #tpu.memory_space<hbm>>
    %dma_start3A_159 = tpu.memref_squeeze %dma_start3A_158 : memref<1x8x3072xf32, #tpu.memory_space<hbm>> -> memref<8x3072xf32, #tpu.memory_space<hbm>>
    tpu.enqueue_dma source(%arg9 : memref<8x3072xf32, #tpu.memory_space<vmem>>) target(%dma_start3A_159 : memref<8x3072xf32, #tpu.memory_space<hbm>>) target_semaphore(%arg15 : memref<!tpu.dma_semaphore, #tpu.memory_space<semaphore_mem>>)
    %dma_start3A_160 = arith.constant 3 : i32
    %dma_start3A_161 = arith.constant 0 : i32
    %dma_start3A_162 = tpu.memref_slice %arg2[%dma_start3A_160, %dma_start3A_161, %mul3A_37, %mul3A_39] : memref<32x3x512x512xf32, #tpu.memory_space<hbm>> -> memref<1x3x32x256xf32, #tpu.memory_space<hbm>>
    %dma_start3A_163 = tpu.memref_squeeze %dma_start3A_162 : memref<1x3x32x256xf32, #tpu.memory_space<hbm>> -> memref<3x32x256xf32, #tpu.memory_space<hbm>>
    %dma_start3A_164 = arith.constant 0 : i32
    %dma_start3A_165 = tpu.memref_slice %arg2[%dma_start3A_160, %dma_start3A_164, %mul3A_37, %mul3A_39] : memref<32x3x512x512xf32, #tpu.memory_space<hbm>> -> memref<1x3x32x256xf32, #tpu.memory_space<hbm>>
    %dma_start3A_166 = tpu.memref_squeeze %dma_start3A_165 : memref<1x3x32x256xf32, #tpu.memory_space<hbm>> -> memref<3x32x256xf32, #tpu.memory_space<hbm>>
    tpu.enqueue_dma source(%dma_start3A_166 : memref<3x32x256xf32, #tpu.memory_space<hbm>>) target(%arg7 : memref<3x32x256xf32, #tpu.memory_space<vmem>>) target_semaphore(%arg13 : memref<!tpu.dma_semaphore, #tpu.memory_space<semaphore_mem>>)
    %scan3A = arith.constant 0 : i32
    %scan3A_167 = arith.constant 1 : i32
    %scan3A_168 = arith.constant 15 : i32
    %scan3A_169 = arith.addi %scan3A_167, %scan3A_168 : i32
    %scan3A_170 = arith.constant 1 : i32
    scf.for %scan3A_186 = %scan3A_167 to %scan3A_169 step %scan3A_170  : i32 {
      %dma_wait3A_187 = arith.constant 0 : i32
      %dma_wait3A_188 = arith.constant 0 : i32
      %dma_wait3A_189 = tpu.memref_slice %arg5[%dma_wait3A_187, %add3A_35, %dma_wait3A_188] : memref<32x256x3072xf32, #tpu.memory_space<hbm>> -> memref<1x8x3072xf32, #tpu.memory_space<hbm>>
      %dma_wait3A_190 = tpu.memref_squeeze %dma_wait3A_189 : memref<1x8x3072xf32, #tpu.memory_space<hbm>> -> memref<8x3072xf32, #tpu.memory_space<hbm>>
      %dma_wait3A_191 = arith.constant 0 : i32
      %dma_wait3A_192 = tpu.memref_slice %arg5[%dma_wait3A_187, %add3A_35, %dma_wait3A_191] : memref<32x256x3072xf32, #tpu.memory_space<hbm>> -> memref<1x8x3072xf32, #tpu.memory_space<hbm>>
      %dma_wait3A_193 = tpu.memref_squeeze %dma_wait3A_192 : memref<1x8x3072xf32, #tpu.memory_space<hbm>> -> memref<8x3072xf32, #tpu.memory_space<hbm>>
      tpu.wait_dma2 semaphore(%arg14 : memref<!tpu.dma_semaphore, #tpu.memory_space<semaphore_mem>>) src(%arg8 : memref<8x3072xf32, #tpu.memory_space<vmem>>) dst(%dma_wait3A_193 : memref<8x3072xf32, #tpu.memory_space<hbm>>)
      %dma_start3A_194 = arith.constant 0 : i32
      %dma_start3A_195 = arith.constant 0 : i32
      %dma_start3A_196 = tpu.memref_slice %arg10[%arg1, %dma_start3A_194, %dma_start3A_195] : memref<16x8x3072xf32, #tpu.memory_space<vmem_shared>> -> memref<1x8x3072xf32, #tpu.memory_space<vmem_shared>>
      %dma_start3A_197 = tpu.memref_squeeze %dma_start3A_196 : memref<1x8x3072xf32, #tpu.memory_space<vmem_shared>> -> memref<8x3072xf32, #tpu.memory_space<vmem_shared>>
      %dma_start3A_198 = arith.constant 0 : i32
      %dma_start3A_199 = arith.constant 0 : i32
      %dma_start3A_200 = tpu.memref_slice %arg10[%arg1, %dma_start3A_198, %dma_start3A_199] : memref<16x8x3072xf32, #tpu.memory_space<vmem_shared>> -> memref<1x8x3072xf32, #tpu.memory_space<vmem_shared>>
      %dma_start3A_201 = tpu.memref_squeeze %dma_start3A_200 : memref<1x8x3072xf32, #tpu.memory_space<vmem_shared>> -> memref<8x3072xf32, #tpu.memory_space<vmem_shared>>
      tpu.enqueue_dma source(%dma_start3A_201 : memref<8x3072xf32, #tpu.memory_space<vmem_shared>>) target(%arg8 : memref<8x3072xf32, #tpu.memory_space<vmem>>) target_semaphore(%arg16 : memref<!tpu.dma_semaphore, #tpu.memory_space<semaphore_mem>>)
      %dma_wait3A_202 = arith.constant 0 : i32
      %dma_wait3A_203 = arith.constant 0 : i32
      %dma_wait3A_204 = tpu.memref_slice %arg5[%dma_wait3A_202, %add3A_35, %dma_wait3A_203] : memref<32x256x3072xf32, #tpu.memory_space<hbm>> -> memref<1x8x3072xf32, #tpu.memory_space<hbm>>
      %dma_wait3A_205 = tpu.memref_squeeze %dma_wait3A_204 : memref<1x8x3072xf32, #tpu.memory_space<hbm>> -> memref<8x3072xf32, #tpu.memory_space<hbm>>
      %dma_wait3A_206 = arith.constant 0 : i32
      %dma_wait3A_207 = tpu.memref_slice %arg5[%dma_wait3A_202, %add3A_35, %dma_wait3A_206] : memref<32x256x3072xf32, #tpu.memory_space<hbm>> -> memref<1x8x3072xf32, #tpu.memory_space<hbm>>
      %dma_wait3A_208 = tpu.memref_squeeze %dma_wait3A_207 : memref<1x8x3072xf32, #tpu.memory_space<hbm>> -> memref<8x3072xf32, #tpu.memory_space<hbm>>
      tpu.wait_dma2 semaphore(%arg15 : memref<!tpu.dma_semaphore, #tpu.memory_space<semaphore_mem>>) src(%arg9 : memref<8x3072xf32, #tpu.memory_space<vmem>>) dst(%dma_wait3A_208 : memref<8x3072xf32, #tpu.memory_space<hbm>>)
      %dma_start3A_209 = arith.constant 0 : i32
      %dma_start3A_210 = arith.constant 0 : i32
      %dma_start3A_211 = tpu.memref_slice %arg10[%arg1, %dma_start3A_209, %dma_start3A_210] : memref<16x8x3072xf32, #tpu.memory_space<vmem_shared>> -> memref<1x8x3072xf32, #tpu.memory_space<vmem_shared>>
      %dma_start3A_212 = tpu.memref_squeeze %dma_start3A_211 : memref<1x8x3072xf32, #tpu.memory_space<vmem_shared>> -> memref<8x3072xf32, #tpu.memory_space<vmem_shared>>
      %dma_start3A_213 = arith.constant 0 : i32
      %dma_start3A_214 = arith.constant 0 : i32
      %dma_start3A_215 = tpu.memref_slice %arg10[%arg1, %dma_start3A_213, %dma_start3A_214] : memref<16x8x3072xf32, #tpu.memory_space<vmem_shared>> -> memref<1x8x3072xf32, #tpu.memory_space<vmem_shared>>
      %dma_start3A_216 = tpu.memref_squeeze %dma_start3A_215 : memref<1x8x3072xf32, #tpu.memory_space<vmem_shared>> -> memref<8x3072xf32, #tpu.memory_space<vmem_shared>>
      tpu.enqueue_dma source(%dma_start3A_216 : memref<8x3072xf32, #tpu.memory_space<vmem_shared>>) target(%arg9 : memref<8x3072xf32, #tpu.memory_space<vmem>>) target_semaphore(%arg17 : memref<!tpu.dma_semaphore, #tpu.memory_space<semaphore_mem>>)
      %mul3A_217 = arith.constant 2 : i32
      %mul3A_218 = arith.muli %mul3A_217, %scan3A_186 : i32
      %dma_wait3A_219 = arith.constant 0 : i32
      %dma_wait3A_220 = arith.constant 0 : i32
      %dma_wait3A_221 = tpu.memref_slice %arg2[%dma_wait3A_219, %dma_wait3A_220, %mul3A_37, %mul3A_39] : memref<32x3x512x512xf32, #tpu.memory_space<hbm>> -> memref<1x3x32x256xf32, #tpu.memory_space<hbm>>
      %dma_wait3A_222 = tpu.memref_squeeze %dma_wait3A_221 : memref<1x3x32x256xf32, #tpu.memory_space<hbm>> -> memref<3x32x256xf32, #tpu.memory_space<hbm>>
      %dma_wait3A_223 = arith.constant 0 : i32
      %dma_wait3A_224 = tpu.memref_slice %arg2[%dma_wait3A_219, %dma_wait3A_223, %mul3A_37, %mul3A_39] : memref<32x3x512x512xf32, #tpu.memory_space<hbm>> -> memref<1x3x32x256xf32, #tpu.memory_space<hbm>>
      %dma_wait3A_225 = tpu.memref_squeeze %dma_wait3A_224 : memref<1x3x32x256xf32, #tpu.memory_space<hbm>> -> memref<3x32x256xf32, #tpu.memory_space<hbm>>
      tpu.wait_dma2 semaphore(%arg12 : memref<!tpu.dma_semaphore, #tpu.memory_space<semaphore_mem>>) src(%dma_wait3A_225 : memref<3x32x256xf32, #tpu.memory_space<hbm>>) dst(%arg6 : memref<3x32x256xf32, #tpu.memory_space<vmem>>)
      %dma_wait3A_226 = arith.constant 0 : i32
      %dma_wait3A_227 = arith.constant 0 : i32
      %dma_wait3A_228 = tpu.memref_slice %arg10[%arg1, %dma_wait3A_226, %dma_wait3A_227] : memref<16x8x3072xf32, #tpu.memory_space<vmem_shared>> -> memref<1x8x3072xf32, #tpu.memory_space<vmem_shared>>
      %dma_wait3A_229 = tpu.memref_squeeze %dma_wait3A_228 : memref<1x8x3072xf32, #tpu.memory_space<vmem_shared>> -> memref<8x3072xf32, #tpu.memory_space<vmem_shared>>
      %dma_wait3A_230 = arith.constant 0 : i32
      %dma_wait3A_231 = arith.constant 0 : i32
      %dma_wait3A_232 = tpu.memref_slice %arg10[%arg1, %dma_wait3A_230, %dma_wait3A_231] : memref<16x8x3072xf32, #tpu.memory_space<vmem_shared>> -> memref<1x8x3072xf32, #tpu.memory_space<vmem_shared>>
      %dma_wait3A_233 = tpu.memref_squeeze %dma_wait3A_232 : memref<1x8x3072xf32, #tpu.memory_space<vmem_shared>> -> memref<8x3072xf32, #tpu.memory_space<vmem_shared>>
      tpu.wait_dma2 semaphore(%arg16 : memref<!tpu.dma_semaphore, #tpu.memory_space<semaphore_mem>>) src(%dma_wait3A_233 : memref<8x3072xf32, #tpu.memory_space<vmem_shared>>) dst(%arg8 : memref<8x3072xf32, #tpu.memory_space<vmem>>)
      %parallel_loop3A_234 = arith.constant 0 : i32
      %parallel_loop3A_235 = arith.constant 32 : i32
      %parallel_loop3A_236 = arith.constant 1 : i32
      scf.for %parallel_loop3A_295 = %parallel_loop3A_234 to %parallel_loop3A_235 step %parallel_loop3A_236  : i32 {
        %parallel_loop3A_296 = arith.constant 96 : i32
        %parallel_loop3A_297 = arith.muli %parallel_loop3A_295, %parallel_loop3A_296 : i32
        %parallel_loop3A_298 = arith.constant 0 : i32
        %parallel_loop3A_299 = arith.addi %parallel_loop3A_297, %parallel_loop3A_298 : i32
        %parallel_loop3A_300 = vector.broadcast %parallel_loop3A_299 : i32 to vector<16xi32>
        %parallel_loop3A_301 = arith.addi %mul3A_76, %parallel_loop3A_300 : vector<16xi32>
        %parallel_loop3A_302 = arith.constant 48 : i32
        %parallel_loop3A_303 = vector.broadcast %parallel_loop3A_302 : i32 to vector<16xi32>
        %parallel_loop3A_304 = arith.addi %parallel_loop3A_301, %parallel_loop3A_303 : vector<16xi32>
        %parallel_loop3A_305 = arith.constant 0 : i32
        %parallel_loop3A_306 = arith.index_cast %parallel_loop3A_305 : i32 to index
        %parallel_loop3A_307 = arith.index_cast %parallel_loop3A_295 : i32 to index
        %parallel_loop3A_308 = arith.constant 0 : index
        %parallel_loop3A_309 = tpu.vector_load %arg6[%parallel_loop3A_306, %parallel_loop3A_307, %parallel_loop3A_308] {strides = array<i32>} : memref<3x32x256xf32, #tpu.memory_space<vmem>>, vector<16xf32>,
        tpu.vector_store_idx %arg8[%broadcast_in_dim3A_77, %parallel_loop3A_301], %parallel_loop3A_309 {add = true} : memref<8x3072xf32, #tpu.memory_space<vmem>>[vector<16xi32>, vector<16xi32>], vector<16xf32>,
        %parallel_loop3A_310 = arith.constant 0 : i32
        %parallel_loop3A_311 = arith.index_cast %parallel_loop3A_310 : i32 to index
        %parallel_loop3A_312 = arith.index_cast %parallel_loop3A_295 : i32 to index
        %parallel_loop3A_313 = arith.constant 16 : index
        %parallel_loop3A_314 = tpu.vector_load %arg6[%parallel_loop3A_311, %parallel_loop3A_312, %parallel_loop3A_313] {strides = array<i32>} : memref<3x32x256xf32, #tpu.memory_space<vmem>>, vector<16xf32>,
        tpu.vector_store_idx %arg8[%broadcast_in_dim3A_77, %parallel_loop3A_304], %parallel_loop3A_314 {add = true} : memref<8x3072xf32, #tpu.memory_space<vmem>>[vector<16xi32>, vector<16xi32>], vector<16xf32>,
        %parallel_loop3A_315 = arith.constant 0 : i32
        %parallel_loop3A_316 = arith.index_cast %parallel_loop3A_315 : i32 to index
        %parallel_loop3A_317 = arith.index_cast %parallel_loop3A_295 : i32 to index
        %parallel_loop3A_318 = arith.constant 32 : index
        %parallel_loop3A_319 = tpu.vector_load %arg6[%parallel_loop3A_316, %parallel_loop3A_317, %parallel_loop3A_318] {strides = array<i32>} : memref<3x32x256xf32, #tpu.memory_space<vmem>>, vector<16xf32>,
        tpu.vector_store_idx %arg8[%broadcast_in_dim3A_79, %parallel_loop3A_301], %parallel_loop3A_319 {add = true} : memref<8x3072xf32, #tpu.memory_space<vmem>>[vector<16xi32>, vector<16xi32>], vector<16xf32>,
        %parallel_loop3A_320 = arith.constant 0 : i32
        %parallel_loop3A_321 = arith.index_cast %parallel_loop3A_320 : i32 to index
        %parallel_loop3A_322 = arith.index_cast %parallel_loop3A_295 : i32 to index
        %parallel_loop3A_323 = arith.constant 48 : index
        %parallel_loop3A_324 = tpu.vector_load %arg6[%parallel_loop3A_321, %parallel_loop3A_322, %parallel_loop3A_323] {strides = array<i32>} : memref<3x32x256xf32, #tpu.memory_space<vmem>>, vector<16xf32>,
        tpu.vector_store_idx %arg8[%broadcast_in_dim3A_79, %parallel_loop3A_304], %parallel_loop3A_324 {add = true} : memref<8x3072xf32, #tpu.memory_space<vmem>>[vector<16xi32>, vector<16xi32>], vector<16xf32>,
        %parallel_loop3A_325 = arith.constant 0 : i32
        %parallel_loop3A_326 = arith.index_cast %parallel_loop3A_325 : i32 to index
        %parallel_loop3A_327 = arith.index_cast %parallel_loop3A_295 : i32 to index
        %parallel_loop3A_328 = arith.constant 64 : index
        %parallel_loop3A_329 = tpu.vector_load %arg6[%parallel_loop3A_326, %parallel_loop3A_327, %parallel_loop3A_328] {strides = array<i32>} : memref<3x32x256xf32, #tpu.memory_space<vmem>>, vector<16xf32>,
        tpu.vector_store_idx %arg8[%broadcast_in_dim3A_81, %parallel_loop3A_301], %parallel_loop3A_329 {add = true} : memref<8x3072xf32, #tpu.memory_space<vmem>>[vector<16xi32>, vector<16xi32>], vector<16xf32>,
        %parallel_loop3A_330 = arith.constant 0 : i32
        %parallel_loop3A_331 = arith.index_cast %parallel_loop3A_330 : i32 to index
        %parallel_loop3A_332 = arith.index_cast %parallel_loop3A_295 : i32 to index
        %parallel_loop3A_333 = arith.constant 80 : index
        %parallel_loop3A_334 = tpu.vector_load %arg6[%parallel_loop3A_331, %parallel_loop3A_332, %parallel_loop3A_333] {strides = array<i32>} : memref<3x32x256xf32, #tpu.memory_space<vmem>>, vector<16xf32>,
        tpu.vector_store_idx %arg8[%broadcast_in_dim3A_81, %parallel_loop3A_304], %parallel_loop3A_334 {add = true} : memref<8x3072xf32, #tpu.memory_space<vmem>>[vector<16xi32>, vector<16xi32>], vector<16xf32>,
        %parallel_loop3A_335 = arith.constant 0 : i32
        %parallel_loop3A_336 = arith.index_cast %parallel_loop3A_335 : i32 to index
        %parallel_loop3A_337 = arith.index_cast %parallel_loop3A_295 : i32 to index
        %parallel_loop3A_338 = arith.constant 96 : index
        %parallel_loop3A_339 = tpu.vector_load %arg6[%parallel_loop3A_336, %parallel_loop3A_337, %parallel_loop3A_338] {strides = array<i32>} : memref<3x32x256xf32, #tpu.memory_space<vmem>>, vector<16xf32>,
        tpu.vector_store_idx %arg8[%broadcast_in_dim3A_83, %parallel_loop3A_301], %parallel_loop3A_339 {add = true} : memref<8x3072xf32, #tpu.memory_space<vmem>>[vector<16xi32>, vector<16xi32>], vector<16xf32>,
        %parallel_loop3A_340 = arith.constant 0 : i32
        %parallel_loop3A_341 = arith.index_cast %parallel_loop3A_340 : i32 to index
        %parallel_loop3A_342 = arith.index_cast %parallel_loop3A_295 : i32 to index
        %parallel_loop3A_343 = arith.constant 112 : index
        %parallel_loop3A_344 = tpu.vector_load %arg6[%parallel_loop3A_341, %parallel_loop3A_342, %parallel_loop3A_343] {strides = array<i32>} : memref<3x32x256xf32, #tpu.memory_space<vmem>>, vector<16xf32>,
        tpu.vector_store_idx %arg8[%broadcast_in_dim3A_83, %parallel_loop3A_304], %parallel_loop3A_344 {add = true} : memref<8x3072xf32, #tpu.memory_space<vmem>>[vector<16xi32>, vector<16xi32>], vector<16xf32>,
        %parallel_loop3A_345 = arith.constant 0 : i32
        %parallel_loop3A_346 = arith.index_cast %parallel_loop3A_345 : i32 to index
        %parallel_loop3A_347 = arith.index_cast %parallel_loop3A_295 : i32 to index
        %parallel_loop3A_348 = arith.constant 128 : index
        %parallel_loop3A_349 = tpu.vector_load %arg6[%parallel_loop3A_346, %parallel_loop3A_347, %parallel_loop3A_348] {strides = array<i32>} : memref<3x32x256xf32, #tpu.memory_space<vmem>>, vector<16xf32>,
        tpu.vector_store_idx %arg8[%broadcast_in_dim3A_85, %parallel_loop3A_301], %parallel_loop3A_349 {add = true} : memref<8x3072xf32, #tpu.memory_space<vmem>>[vector<16xi32>, vector<16xi32>], vector<16xf32>,
        %parallel_loop3A_350 = arith.constant 0 : i32
        %parallel_loop3A_351 = arith.index_cast %parallel_loop3A_350 : i32 to index
        %parallel_loop3A_352 = arith.index_cast %parallel_loop3A_295 : i32 to index
        %parallel_loop3A_353 = arith.constant 144 : index
        %parallel_loop3A_354 = tpu.vector_load %arg6[%parallel_loop3A_351, %parallel_loop3A_352, %parallel_loop3A_353] {strides = array<i32>} : memref<3x32x256xf32, #tpu.memory_space<vmem>>, vector<16xf32>,
        tpu.vector_store_idx %arg8[%broadcast_in_dim3A_85, %parallel_loop3A_304], %parallel_loop3A_354 {add = true} : memref<8x3072xf32, #tpu.memory_space<vmem>>[vector<16xi32>, vector<16xi32>], vector<16xf32>,
        %parallel_loop3A_355 = arith.constant 0 : i32
        %parallel_loop3A_356 = arith.index_cast %parallel_loop3A_355 : i32 to index
        %parallel_loop3A_357 = arith.index_cast %parallel_loop3A_295 : i32 to index
        %parallel_loop3A_358 = arith.constant 160 : index
        %parallel_loop3A_359 = tpu.vector_load %arg6[%parallel_loop3A_356, %parallel_loop3A_357, %parallel_loop3A_358] {strides = array<i32>} : memref<3x32x256xf32, #tpu.memory_space<vmem>>, vector<16xf32>,
        tpu.vector_store_idx %arg8[%broadcast_in_dim3A_87, %parallel_loop3A_301], %parallel_loop3A_359 {add = true} : memref<8x3072xf32, #tpu.memory_space<vmem>>[vector<16xi32>, vector<16xi32>], vector<16xf32>,
        %parallel_loop3A_360 = arith.constant 0 : i32
        %parallel_loop3A_361 = arith.index_cast %parallel_loop3A_360 : i32 to index
        %parallel_loop3A_362 = arith.index_cast %parallel_loop3A_295 : i32 to index
        %parallel_loop3A_363 = arith.constant 176 : index
        %parallel_loop3A_364 = tpu.vector_load %arg6[%parallel_loop3A_361, %parallel_loop3A_362, %parallel_loop3A_363] {strides = array<i32>} : memref<3x32x256xf32, #tpu.memory_space<vmem>>, vector<16xf32>,
        tpu.vector_store_idx %arg8[%broadcast_in_dim3A_87, %parallel_loop3A_304], %parallel_loop3A_364 {add = true} : memref<8x3072xf32, #tpu.memory_space<vmem>>[vector<16xi32>, vector<16xi32>], vector<16xf32>,
        %parallel_loop3A_365 = arith.constant 0 : i32
        %parallel_loop3A_366 = arith.index_cast %parallel_loop3A_365 : i32 to index
        %parallel_loop3A_367 = arith.index_cast %parallel_loop3A_295 : i32 to index
        %parallel_loop3A_368 = arith.constant 192 : index
        %parallel_loop3A_369 = tpu.vector_load %arg6[%parallel_loop3A_366, %parallel_loop3A_367, %parallel_loop3A_368] {strides = array<i32>} : memref<3x32x256xf32, #tpu.memory_space<vmem>>, vector<16xf32>,
        tpu.vector_store_idx %arg8[%broadcast_in_dim3A_89, %parallel_loop3A_301], %parallel_loop3A_369 {add = true} : memref<8x3072xf32, #tpu.memory_space<vmem>>[vector<16xi32>, vector<16xi32>], vector<16xf32>,
        %parallel_loop3A_370 = arith.constant 0 : i32
        %parallel_loop3A_371 = arith.index_cast %parallel_loop3A_370 : i32 to index
        %parallel_loop3A_372 = arith.index_cast %parallel_loop3A_295 : i32 to index
        %parallel_loop3A_373 = arith.constant 208 : index
        %parallel_loop3A_374 = tpu.vector_load %arg6[%parallel_loop3A_371, %parallel_loop3A_372, %parallel_loop3A_373] {strides = array<i32>} : memref<3x32x256xf32, #tpu.memory_space<vmem>>, vector<16xf32>,
        tpu.vector_store_idx %arg8[%broadcast_in_dim3A_89, %parallel_loop3A_304], %parallel_loop3A_374 {add = true} : memref<8x3072xf32, #tpu.memory_space<vmem>>[vector<16xi32>, vector<16xi32>], vector<16xf32>,
        %parallel_loop3A_375 = arith.constant 0 : i32
        %parallel_loop3A_376 = arith.index_cast %parallel_loop3A_375 : i32 to index
        %parallel_loop3A_377 = arith.index_cast %parallel_loop3A_295 : i32 to index
        %parallel_loop3A_378 = arith.constant 224 : index
        %parallel_loop3A_379 = tpu.vector_load %arg6[%parallel_loop3A_376, %parallel_loop3A_377, %parallel_loop3A_378] {strides = array<i32>} : memref<3x32x256xf32, #tpu.memory_space<vmem>>, vector<16xf32>,
        tpu.vector_store_idx %arg8[%broadcast_in_dim3A_91, %parallel_loop3A_301], %parallel_loop3A_379 {add = true} : memref<8x3072xf32, #tpu.memory_space<vmem>>[vector<16xi32>, vector<16xi32>], vector<16xf32>,
        %parallel_loop3A_380 = arith.constant 0 : i32
        %parallel_loop3A_381 = arith.index_cast %parallel_loop3A_380 : i32 to index
        %parallel_loop3A_382 = arith.index_cast %parallel_loop3A_295 : i32 to index
        %parallel_loop3A_383 = arith.constant 240 : index
        %parallel_loop3A_384 = tpu.vector_load %arg6[%parallel_loop3A_381, %parallel_loop3A_382, %parallel_loop3A_383] {strides = array<i32>} : memref<3x32x256xf32, #tpu.memory_space<vmem>>, vector<16xf32>,
        tpu.vector_store_idx %arg8[%broadcast_in_dim3A_91, %parallel_loop3A_304], %parallel_loop3A_384 {add = true} : memref<8x3072xf32, #tpu.memory_space<vmem>>[vector<16xi32>, vector<16xi32>], vector<16xf32>,
      } {sc.loop_unroll_factor = 1 : i64, sc.parallel_access}
      %parallel_loop3A_237 = arith.constant 0 : i32
      %parallel_loop3A_238 = arith.constant 32 : i32
      %parallel_loop3A_239 = arith.constant 1 : i32
      scf.for %parallel_loop3A_295 = %parallel_loop3A_237 to %parallel_loop3A_238 step %parallel_loop3A_239  : i32 {
        %parallel_loop3A_296 = arith.constant 96 : i32
        %parallel_loop3A_297 = arith.muli %parallel_loop3A_295, %parallel_loop3A_296 : i32
        %parallel_loop3A_298 = arith.constant 1 : i32
        %parallel_loop3A_299 = arith.addi %parallel_loop3A_297, %parallel_loop3A_298 : i32
        %parallel_loop3A_300 = vector.broadcast %parallel_loop3A_299 : i32 to vector<16xi32>
        %parallel_loop3A_301 = arith.addi %mul3A_76, %parallel_loop3A_300 : vector<16xi32>
        %parallel_loop3A_302 = arith.constant 48 : i32
        %parallel_loop3A_303 = vector.broadcast %parallel_loop3A_302 : i32 to vector<16xi32>
        %parallel_loop3A_304 = arith.addi %parallel_loop3A_301, %parallel_loop3A_303 : vector<16xi32>
        %parallel_loop3A_305 = arith.constant 1 : i32
        %parallel_loop3A_306 = arith.index_cast %parallel_loop3A_305 : i32 to index
        %parallel_loop3A_307 = arith.index_cast %parallel_loop3A_295 : i32 to index
        %parallel_loop3A_308 = arith.constant 0 : index
        %parallel_loop3A_309 = tpu.vector_load %arg6[%parallel_loop3A_306, %parallel_loop3A_307, %parallel_loop3A_308] {strides = array<i32>} : memref<3x32x256xf32, #tpu.memory_space<vmem>>, vector<16xf32>,
        tpu.vector_store_idx %arg8[%broadcast_in_dim3A_77, %parallel_loop3A_301], %parallel_loop3A_309 {add = true} : memref<8x3072xf32, #tpu.memory_space<vmem>>[vector<16xi32>, vector<16xi32>], vector<16xf32>,
        %parallel_loop3A_310 = arith.constant 1 : i32
        %parallel_loop3A_311 = arith.index_cast %parallel_loop3A_310 : i32 to index
        %parallel_loop3A_312 = arith.index_cast %parallel_loop3A_295 : i32 to index
        %parallel_loop3A_313 = arith.constant 16 : index
        %parallel_loop3A_314 = tpu.vector_load %arg6[%parallel_loop3A_311, %parallel_loop3A_312, %parallel_loop3A_313] {strides = array<i32>} : memref<3x32x256xf32, #tpu.memory_space<vmem>>, vector<16xf32>,
        tpu.vector_store_idx %arg8[%broadcast_in_dim3A_77, %parallel_loop3A_304], %parallel_loop3A_314 {add = true} : memref<8x3072xf32, #tpu.memory_space<vmem>>[vector<16xi32>, vector<16xi32>], vector<16xf32>,
        %parallel_loop3A_315 = arith.constant 1 : i32
        %parallel_loop3A_316 = arith.index_cast %parallel_loop3A_315 : i32 to index
        %parallel_loop3A_317 = arith.index_cast %parallel_loop3A_295 : i32 to index
        %parallel_loop3A_318 = arith.constant 32 : index
        %parallel_loop3A_319 = tpu.vector_load %arg6[%parallel_loop3A_316, %parallel_loop3A_317, %parallel_loop3A_318] {strides = array<i32>} : memref<3x32x256xf32, #tpu.memory_space<vmem>>, vector<16xf32>,
        tpu.vector_store_idx %arg8[%broadcast_in_dim3A_79, %parallel_loop3A_301], %parallel_loop3A_319 {add = true} : memref<8x3072xf32, #tpu.memory_space<vmem>>[vector<16xi32>, vector<16xi32>], vector<16xf32>,
        %parallel_loop3A_320 = arith.constant 1 : i32
        %parallel_loop3A_321 = arith.index_cast %parallel_loop3A_320 : i32 to index
        %parallel_loop3A_322 = arith.index_cast %parallel_loop3A_295 : i32 to index
        %parallel_loop3A_323 = arith.constant 48 : index
        %parallel_loop3A_324 = tpu.vector_load %arg6[%parallel_loop3A_321, %parallel_loop3A_322, %parallel_loop3A_323] {strides = array<i32>} : memref<3x32x256xf32, #tpu.memory_space<vmem>>, vector<16xf32>,
        tpu.vector_store_idx %arg8[%broadcast_in_dim3A_79, %parallel_loop3A_304], %parallel_loop3A_324 {add = true} : memref<8x3072xf32, #tpu.memory_space<vmem>>[vector<16xi32>, vector<16xi32>], vector<16xf32>,
        %parallel_loop3A_325 = arith.constant 1 : i32
        %parallel_loop3A_326 = arith.index_cast %parallel_loop3A_325 : i32 to index
        %parallel_loop3A_327 = arith.index_cast %parallel_loop3A_295 : i32 to index
        %parallel_loop3A_328 = arith.constant 64 : index
        %parallel_loop3A_329 = tpu.vector_load %arg6[%parallel_loop3A_326, %parallel_loop3A_327, %parallel_loop3A_328] {strides = array<i32>} : memref<3x32x256xf32, #tpu.memory_space<vmem>>, vector<16xf32>,
        tpu.vector_store_idx %arg8[%broadcast_in_dim3A_81, %parallel_loop3A_301], %parallel_loop3A_329 {add = true} : memref<8x3072xf32, #tpu.memory_space<vmem>>[vector<16xi32>, vector<16xi32>], vector<16xf32>,
        %parallel_loop3A_330 = arith.constant 1 : i32
        %parallel_loop3A_331 = arith.index_cast %parallel_loop3A_330 : i32 to index
        %parallel_loop3A_332 = arith.index_cast %parallel_loop3A_295 : i32 to index
        %parallel_loop3A_333 = arith.constant 80 : index
        %parallel_loop3A_334 = tpu.vector_load %arg6[%parallel_loop3A_331, %parallel_loop3A_332, %parallel_loop3A_333] {strides = array<i32>} : memref<3x32x256xf32, #tpu.memory_space<vmem>>, vector<16xf32>,
        tpu.vector_store_idx %arg8[%broadcast_in_dim3A_81, %parallel_loop3A_304], %parallel_loop3A_334 {add = true} : memref<8x3072xf32, #tpu.memory_space<vmem>>[vector<16xi32>, vector<16xi32>], vector<16xf32>,
        %parallel_loop3A_335 = arith.constant 1 : i32
        %parallel_loop3A_336 = arith.index_cast %parallel_loop3A_335 : i32 to index
        %parallel_loop3A_337 = arith.index_cast %parallel_loop3A_295 : i32 to index
        %parallel_loop3A_338 = arith.constant 96 : index
        %parallel_loop3A_339 = tpu.vector_load %arg6[%parallel_loop3A_336, %parallel_loop3A_337, %parallel_loop3A_338] {strides = array<i32>} : memref<3x32x256xf32, #tpu.memory_space<vmem>>, vector<16xf32>,
        tpu.vector_store_idx %arg8[%broadcast_in_dim3A_83, %parallel_loop3A_301], %parallel_loop3A_339 {add = true} : memref<8x3072xf32, #tpu.memory_space<vmem>>[vector<16xi32>, vector<16xi32>], vector<16xf32>,
        %parallel_loop3A_340 = arith.constant 1 : i32
        %parallel_loop3A_341 = arith.index_cast %parallel_loop3A_340 : i32 to index
        %parallel_loop3A_342 = arith.index_cast %parallel_loop3A_295 : i32 to index
        %parallel_loop3A_343 = arith.constant 112 : index
        %parallel_loop3A_344 = tpu.vector_load %arg6[%parallel_loop3A_341, %parallel_loop3A_342, %parallel_loop3A_343] {strides = array<i32>} : memref<3x32x256xf32, #tpu.memory_space<vmem>>, vector<16xf32>,
        tpu.vector_store_idx %arg8[%broadcast_in_dim3A_83, %parallel_loop3A_304], %parallel_loop3A_344 {add = true} : memref<8x3072xf32, #tpu.memory_space<vmem>>[vector<16xi32>, vector<16xi32>], vector<16xf32>,
        %parallel_loop3A_345 = arith.constant 1 : i32
        %parallel_loop3A_346 = arith.index_cast %parallel_loop3A_345 : i32 to index
        %parallel_loop3A_347 = arith.index_cast %parallel_loop3A_295 : i32 to index
        %parallel_loop3A_348 = arith.constant 128 : index
        %parallel_loop3A_349 = tpu.vector_load %arg6[%parallel_loop3A_346, %parallel_loop3A_347, %parallel_loop3A_348] {strides = array<i32>} : memref<3x32x256xf32, #tpu.memory_space<vmem>>, vector<16xf32>,
        tpu.vector_store_idx %arg8[%broadcast_in_dim3A_85, %parallel_loop3A_301], %parallel_loop3A_349 {add = true} : memref<8x3072xf32, #tpu.memory_space<vmem>>[vector<16xi32>, vector<16xi32>], vector<16xf32>,
        %parallel_loop3A_350 = arith.constant 1 : i32
        %parallel_loop3A_351 = arith.index_cast %parallel_loop3A_350 : i32 to index
        %parallel_loop3A_352 = arith.index_cast %parallel_loop3A_295 : i32 to index
        %parallel_loop3A_353 = arith.constant 144 : index
        %parallel_loop3A_354 = tpu.vector_load %arg6[%parallel_loop3A_351, %parallel_loop3A_352, %parallel_loop3A_353] {strides = array<i32>} : memref<3x32x256xf32, #tpu.memory_space<vmem>>, vector<16xf32>,
        tpu.vector_store_idx %arg8[%broadcast_in_dim3A_85, %parallel_loop3A_304], %parallel_loop3A_354 {add = true} : memref<8x3072xf32, #tpu.memory_space<vmem>>[vector<16xi32>, vector<16xi32>], vector<16xf32>,
        %parallel_loop3A_355 = arith.constant 1 : i32
        %parallel_loop3A_356 = arith.index_cast %parallel_loop3A_355 : i32 to index
        %parallel_loop3A_357 = arith.index_cast %parallel_loop3A_295 : i32 to index
        %parallel_loop3A_358 = arith.constant 160 : index
        %parallel_loop3A_359 = tpu.vector_load %arg6[%parallel_loop3A_356, %parallel_loop3A_357, %parallel_loop3A_358] {strides = array<i32>} : memref<3x32x256xf32, #tpu.memory_space<vmem>>, vector<16xf32>,
        tpu.vector_store_idx %arg8[%broadcast_in_dim3A_87, %parallel_loop3A_301], %parallel_loop3A_359 {add = true} : memref<8x3072xf32, #tpu.memory_space<vmem>>[vector<16xi32>, vector<16xi32>], vector<16xf32>,
        %parallel_loop3A_360 = arith.constant 1 : i32
        %parallel_loop3A_361 = arith.index_cast %parallel_loop3A_360 : i32 to index
        %parallel_loop3A_362 = arith.index_cast %parallel_loop3A_295 : i32 to index
        %parallel_loop3A_363 = arith.constant 176 : index
        %parallel_loop3A_364 = tpu.vector_load %arg6[%parallel_loop3A_361, %parallel_loop3A_362, %parallel_loop3A_363] {strides = array<i32>} : memref<3x32x256xf32, #tpu.memory_space<vmem>>, vector<16xf32>,
        tpu.vector_store_idx %arg8[%broadcast_in_dim3A_87, %parallel_loop3A_304], %parallel_loop3A_364 {add = true} : memref<8x3072xf32, #tpu.memory_space<vmem>>[vector<16xi32>, vector<16xi32>], vector<16xf32>,
        %parallel_loop3A_365 = arith.constant 1 : i32
        %parallel_loop3A_366 = arith.index_cast %parallel_loop3A_365 : i32 to index
        %parallel_loop3A_367 = arith.index_cast %parallel_loop3A_295 : i32 to index
        %parallel_loop3A_368 = arith.constant 192 : index
        %parallel_loop3A_369 = tpu.vector_load %arg6[%parallel_loop3A_366, %parallel_loop3A_367, %parallel_loop3A_368] {strides = array<i32>} : memref<3x32x256xf32, #tpu.memory_space<vmem>>, vector<16xf32>,
        tpu.vector_store_idx %arg8[%broadcast_in_dim3A_89, %parallel_loop3A_301], %parallel_loop3A_369 {add = true} : memref<8x3072xf32, #tpu.memory_space<vmem>>[vector<16xi32>, vector<16xi32>], vector<16xf32>,
        %parallel_loop3A_370 = arith.constant 1 : i32
        %parallel_loop3A_371 = arith.index_cast %parallel_loop3A_370 : i32 to index
        %parallel_loop3A_372 = arith.index_cast %parallel_loop3A_295 : i32 to index
        %parallel_loop3A_373 = arith.constant 208 : index
        %parallel_loop3A_374 = tpu.vector_load %arg6[%parallel_loop3A_371, %parallel_loop3A_372, %parallel_loop3A_373] {strides = array<i32>} : memref<3x32x256xf32, #tpu.memory_space<vmem>>, vector<16xf32>,
        tpu.vector_store_idx %arg8[%broadcast_in_dim3A_89, %parallel_loop3A_304], %parallel_loop3A_374 {add = true} : memref<8x3072xf32, #tpu.memory_space<vmem>>[vector<16xi32>, vector<16xi32>], vector<16xf32>,
        %parallel_loop3A_375 = arith.constant 1 : i32
        %parallel_loop3A_376 = arith.index_cast %parallel_loop3A_375 : i32 to index
        %parallel_loop3A_377 = arith.index_cast %parallel_loop3A_295 : i32 to index
        %parallel_loop3A_378 = arith.constant 224 : index
        %parallel_loop3A_379 = tpu.vector_load %arg6[%parallel_loop3A_376, %parallel_loop3A_377, %parallel_loop3A_378] {strides = array<i32>} : memref<3x32x256xf32, #tpu.memory_space<vmem>>, vector<16xf32>,
        tpu.vector_store_idx %arg8[%broadcast_in_dim3A_91, %parallel_loop3A_301], %parallel_loop3A_379 {add = true} : memref<8x3072xf32, #tpu.memory_space<vmem>>[vector<16xi32>, vector<16xi32>], vector<16xf32>,
        %parallel_loop3A_380 = arith.constant 1 : i32
        %parallel_loop3A_381 = arith.index_cast %parallel_loop3A_380 : i32 to index
        %parallel_loop3A_382 = arith.index_cast %parallel_loop3A_295 : i32 to index
        %parallel_loop3A_383 = arith.constant 240 : index
        %parallel_loop3A_384 = tpu.vector_load %arg6[%parallel_loop3A_381, %parallel_loop3A_382, %parallel_loop3A_383] {strides = array<i32>} : memref<3x32x256xf32, #tpu.memory_space<vmem>>, vector<16xf32>,
        tpu.vector_store_idx %arg8[%broadcast_in_dim3A_91, %parallel_loop3A_304], %parallel_loop3A_384 {add = true} : memref<8x3072xf32, #tpu.memory_space<vmem>>[vector<16xi32>, vector<16xi32>], vector<16xf32>,
      } {sc.loop_unroll_factor = 1 : i64, sc.parallel_access}
      %parallel_loop3A_240 = arith.constant 0 : i32
      %parallel_loop3A_241 = arith.constant 32 : i32
      %parallel_loop3A_242 = arith.constant 1 : i32
      scf.for %parallel_loop3A_295 = %parallel_loop3A_240 to %parallel_loop3A_241 step %parallel_loop3A_242  : i32 {
        %parallel_loop3A_296 = arith.constant 96 : i32
        %parallel_loop3A_297 = arith.muli %parallel_loop3A_295, %parallel_loop3A_296 : i32
        %parallel_loop3A_298 = arith.constant 2 : i32
        %parallel_loop3A_299 = arith.addi %parallel_loop3A_297, %parallel_loop3A_298 : i32
        %parallel_loop3A_300 = vector.broadcast %parallel_loop3A_299 : i32 to vector<16xi32>
        %parallel_loop3A_301 = arith.addi %mul3A_76, %parallel_loop3A_300 : vector<16xi32>
        %parallel_loop3A_302 = arith.constant 48 : i32
        %parallel_loop3A_303 = vector.broadcast %parallel_loop3A_302 : i32 to vector<16xi32>
        %parallel_loop3A_304 = arith.addi %parallel_loop3A_301, %parallel_loop3A_303 : vector<16xi32>
        %parallel_loop3A_305 = arith.constant 2 : i32
        %parallel_loop3A_306 = arith.index_cast %parallel_loop3A_305 : i32 to index
        %parallel_loop3A_307 = arith.index_cast %parallel_loop3A_295 : i32 to index
        %parallel_loop3A_308 = arith.constant 0 : index
        %parallel_loop3A_309 = tpu.vector_load %arg6[%parallel_loop3A_306, %parallel_loop3A_307, %parallel_loop3A_308] {strides = array<i32>} : memref<3x32x256xf32, #tpu.memory_space<vmem>>, vector<16xf32>,
        tpu.vector_store_idx %arg8[%broadcast_in_dim3A_77, %parallel_loop3A_301], %parallel_loop3A_309 {add = true} : memref<8x3072xf32, #tpu.memory_space<vmem>>[vector<16xi32>, vector<16xi32>], vector<16xf32>,
        %parallel_loop3A_310 = arith.constant 2 : i32
        %parallel_loop3A_311 = arith.index_cast %parallel_loop3A_310 : i32 to index
        %parallel_loop3A_312 = arith.index_cast %parallel_loop3A_295 : i32 to index
        %parallel_loop3A_313 = arith.constant 16 : index
        %parallel_loop3A_314 = tpu.vector_load %arg6[%parallel_loop3A_311, %parallel_loop3A_312, %parallel_loop3A_313] {strides = array<i32>} : memref<3x32x256xf32, #tpu.memory_space<vmem>>, vector<16xf32>,
        tpu.vector_store_idx %arg8[%broadcast_in_dim3A_77, %parallel_loop3A_304], %parallel_loop3A_314 {add = true} : memref<8x3072xf32, #tpu.memory_space<vmem>>[vector<16xi32>, vector<16xi32>], vector<16xf32>,
        %parallel_loop3A_315 = arith.constant 2 : i32
        %parallel_loop3A_316 = arith.index_cast %parallel_loop3A_315 : i32 to index
        %parallel_loop3A_317 = arith.index_cast %parallel_loop3A_295 : i32 to index
        %parallel_loop3A_318 = arith.constant 32 : index
        %parallel_loop3A_319 = tpu.vector_load %arg6[%parallel_loop3A_316, %parallel_loop3A_317, %parallel_loop3A_318] {strides = array<i32>} : memref<3x32x256xf32, #tpu.memory_space<vmem>>, vector<16xf32>,
        tpu.vector_store_idx %arg8[%broadcast_in_dim3A_79, %parallel_loop3A_301], %parallel_loop3A_319 {add = true} : memref<8x3072xf32, #tpu.memory_space<vmem>>[vector<16xi32>, vector<16xi32>], vector<16xf32>,
        %parallel_loop3A_320 = arith.constant 2 : i32
        %parallel_loop3A_321 = arith.index_cast %parallel_loop3A_320 : i32 to index
        %parallel_loop3A_322 = arith.index_cast %parallel_loop3A_295 : i32 to index
        %parallel_loop3A_323 = arith.constant 48 : index
        %parallel_loop3A_324 = tpu.vector_load %arg6[%parallel_loop3A_321, %parallel_loop3A_322, %parallel_loop3A_323] {strides = array<i32>} : memref<3x32x256xf32, #tpu.memory_space<vmem>>, vector<16xf32>,
        tpu.vector_store_idx %arg8[%broadcast_in_dim3A_79, %parallel_loop3A_304], %parallel_loop3A_324 {add = true} : memref<8x3072xf32, #tpu.memory_space<vmem>>[vector<16xi32>, vector<16xi32>], vector<16xf32>,
        %parallel_loop3A_325 = arith.constant 2 : i32
        %parallel_loop3A_326 = arith.index_cast %parallel_loop3A_325 : i32 to index
        %parallel_loop3A_327 = arith.index_cast %parallel_loop3A_295 : i32 to index
        %parallel_loop3A_328 = arith.constant 64 : index
        %parallel_loop3A_329 = tpu.vector_load %arg6[%parallel_loop3A_326, %parallel_loop3A_327, %parallel_loop3A_328] {strides = array<i32>} : memref<3x32x256xf32, #tpu.memory_space<vmem>>, vector<16xf32>,
        tpu.vector_store_idx %arg8[%broadcast_in_dim3A_81, %parallel_loop3A_301], %parallel_loop3A_329 {add = true} : memref<8x3072xf32, #tpu.memory_space<vmem>>[vector<16xi32>, vector<16xi32>], vector<16xf32>,
        %parallel_loop3A_330 = arith.constant 2 : i32
        %parallel_loop3A_331 = arith.index_cast %parallel_loop3A_330 : i32 to index
        %parallel_loop3A_332 = arith.index_cast %parallel_loop3A_295 : i32 to index
        %parallel_loop3A_333 = arith.constant 80 : index
        %parallel_loop3A_334 = tpu.vector_load %arg6[%parallel_loop3A_331, %parallel_loop3A_332, %parallel_loop3A_333] {strides = array<i32>} : memref<3x32x256xf32, #tpu.memory_space<vmem>>, vector<16xf32>,
        tpu.vector_store_idx %arg8[%broadcast_in_dim3A_81, %parallel_loop3A_304], %parallel_loop3A_334 {add = true} : memref<8x3072xf32, #tpu.memory_space<vmem>>[vector<16xi32>, vector<16xi32>], vector<16xf32>,
        %parallel_loop3A_335 = arith.constant 2 : i32
        %parallel_loop3A_336 = arith.index_cast %parallel_loop3A_335 : i32 to index
        %parallel_loop3A_337 = arith.index_cast %parallel_loop3A_295 : i32 to index
        %parallel_loop3A_338 = arith.constant 96 : index
        %parallel_loop3A_339 = tpu.vector_load %arg6[%parallel_loop3A_336, %parallel_loop3A_337, %parallel_loop3A_338] {strides = array<i32>} : memref<3x32x256xf32, #tpu.memory_space<vmem>>, vector<16xf32>,
        tpu.vector_store_idx %arg8[%broadcast_in_dim3A_83, %parallel_loop3A_301], %parallel_loop3A_339 {add = true} : memref<8x3072xf32, #tpu.memory_space<vmem>>[vector<16xi32>, vector<16xi32>], vector<16xf32>,
        %parallel_loop3A_340 = arith.constant 2 : i32
        %parallel_loop3A_341 = arith.index_cast %parallel_loop3A_340 : i32 to index
        %parallel_loop3A_342 = arith.index_cast %parallel_loop3A_295 : i32 to index
        %parallel_loop3A_343 = arith.constant 112 : index
        %parallel_loop3A_344 = tpu.vector_load %arg6[%parallel_loop3A_341, %parallel_loop3A_342, %parallel_loop3A_343] {strides = array<i32>} : memref<3x32x256xf32, #tpu.memory_space<vmem>>, vector<16xf32>,
        tpu.vector_store_idx %arg8[%broadcast_in_dim3A_83, %parallel_loop3A_304], %parallel_loop3A_344 {add = true} : memref<8x3072xf32, #tpu.memory_space<vmem>>[vector<16xi32>, vector<16xi32>], vector<16xf32>,
        %parallel_loop3A_345 = arith.constant 2 : i32
        %parallel_loop3A_346 = arith.index_cast %parallel_loop3A_345 : i32 to index
        %parallel_loop3A_347 = arith.index_cast %parallel_loop3A_295 : i32 to index
        %parallel_loop3A_348 = arith.constant 128 : index
        %parallel_loop3A_349 = tpu.vector_load %arg6[%parallel_loop3A_346, %parallel_loop3A_347, %parallel_loop3A_348] {strides = array<i32>} : memref<3x32x256xf32, #tpu.memory_space<vmem>>, vector<16xf32>,
        tpu.vector_store_idx %arg8[%broadcast_in_dim3A_85, %parallel_loop3A_301], %parallel_loop3A_349 {add = true} : memref<8x3072xf32, #tpu.memory_space<vmem>>[vector<16xi32>, vector<16xi32>], vector<16xf32>,
        %parallel_loop3A_350 = arith.constant 2 : i32
        %parallel_loop3A_351 = arith.index_cast %parallel_loop3A_350 : i32 to index
        %parallel_loop3A_352 = arith.index_cast %parallel_loop3A_295 : i32 to index
        %parallel_loop3A_353 = arith.constant 144 : index
        %parallel_loop3A_354 = tpu.vector_load %arg6[%parallel_loop3A_351, %parallel_loop3A_352, %parallel_loop3A_353] {strides = array<i32>} : memref<3x32x256xf32, #tpu.memory_space<vmem>>, vector<16xf32>,
        tpu.vector_store_idx %arg8[%broadcast_in_dim3A_85, %parallel_loop3A_304], %parallel_loop3A_354 {add = true} : memref<8x3072xf32, #tpu.memory_space<vmem>>[vector<16xi32>, vector<16xi32>], vector<16xf32>,
        %parallel_loop3A_355 = arith.constant 2 : i32
        %parallel_loop3A_356 = arith.index_cast %parallel_loop3A_355 : i32 to index
        %parallel_loop3A_357 = arith.index_cast %parallel_loop3A_295 : i32 to index
        %parallel_loop3A_358 = arith.constant 160 : index
        %parallel_loop3A_359 = tpu.vector_load %arg6[%parallel_loop3A_356, %parallel_loop3A_357, %parallel_loop3A_358] {strides = array<i32>} : memref<3x32x256xf32, #tpu.memory_space<vmem>>, vector<16xf32>,
        tpu.vector_store_idx %arg8[%broadcast_in_dim3A_87, %parallel_loop3A_301], %parallel_loop3A_359 {add = true} : memref<8x3072xf32, #tpu.memory_space<vmem>>[vector<16xi32>, vector<16xi32>], vector<16xf32>,
        %parallel_loop3A_360 = arith.constant 2 : i32
        %parallel_loop3A_361 = arith.index_cast %parallel_loop3A_360 : i32 to index
        %parallel_loop3A_362 = arith.index_cast %parallel_loop3A_295 : i32 to index
        %parallel_loop3A_363 = arith.constant 176 : index
        %parallel_loop3A_364 = tpu.vector_load %arg6[%parallel_loop3A_361, %parallel_loop3A_362, %parallel_loop3A_363] {strides = array<i32>} : memref<3x32x256xf32, #tpu.memory_space<vmem>>, vector<16xf32>,
        tpu.vector_store_idx %arg8[%broadcast_in_dim3A_87, %parallel_loop3A_304], %parallel_loop3A_364 {add = true} : memref<8x3072xf32, #tpu.memory_space<vmem>>[vector<16xi32>, vector<16xi32>], vector<16xf32>,
        %parallel_loop3A_365 = arith.constant 2 : i32
        %parallel_loop3A_366 = arith.index_cast %parallel_loop3A_365 : i32 to index
        %parallel_loop3A_367 = arith.index_cast %parallel_loop3A_295 : i32 to index
        %parallel_loop3A_368 = arith.constant 192 : index
        %parallel_loop3A_369 = tpu.vector_load %arg6[%parallel_loop3A_366, %parallel_loop3A_367, %parallel_loop3A_368] {strides = array<i32>} : memref<3x32x256xf32, #tpu.memory_space<vmem>>, vector<16xf32>,
        tpu.vector_store_idx %arg8[%broadcast_in_dim3A_89, %parallel_loop3A_301], %parallel_loop3A_369 {add = true} : memref<8x3072xf32, #tpu.memory_space<vmem>>[vector<16xi32>, vector<16xi32>], vector<16xf32>,
        %parallel_loop3A_370 = arith.constant 2 : i32
        %parallel_loop3A_371 = arith.index_cast %parallel_loop3A_370 : i32 to index
        %parallel_loop3A_372 = arith.index_cast %parallel_loop3A_295 : i32 to index
        %parallel_loop3A_373 = arith.constant 208 : index
        %parallel_loop3A_374 = tpu.vector_load %arg6[%parallel_loop3A_371, %parallel_loop3A_372, %parallel_loop3A_373] {strides = array<i32>} : memref<3x32x256xf32, #tpu.memory_space<vmem>>, vector<16xf32>,
        tpu.vector_store_idx %arg8[%broadcast_in_dim3A_89, %parallel_loop3A_304], %parallel_loop3A_374 {add = true} : memref<8x3072xf32, #tpu.memory_space<vmem>>[vector<16xi32>, vector<16xi32>], vector<16xf32>,
        %parallel_loop3A_375 = arith.constant 2 : i32
        %parallel_loop3A_376 = arith.index_cast %parallel_loop3A_375 : i32 to index
        %parallel_loop3A_377 = arith.index_cast %parallel_loop3A_295 : i32 to index
        %parallel_loop3A_378 = arith.constant 224 : index
        %parallel_loop3A_379 = tpu.vector_load %arg6[%parallel_loop3A_376, %parallel_loop3A_377, %parallel_loop3A_378] {strides = array<i32>} : memref<3x32x256xf32, #tpu.memory_space<vmem>>, vector<16xf32>,
        tpu.vector_store_idx %arg8[%broadcast_in_dim3A_91, %parallel_loop3A_301], %parallel_loop3A_379 {add = true} : memref<8x3072xf32, #tpu.memory_space<vmem>>[vector<16xi32>, vector<16xi32>], vector<16xf32>,
        %parallel_loop3A_380 = arith.constant 2 : i32
        %parallel_loop3A_381 = arith.index_cast %parallel_loop3A_380 : i32 to index
        %parallel_loop3A_382 = arith.index_cast %parallel_loop3A_295 : i32 to index
        %parallel_loop3A_383 = arith.constant 240 : index
        %parallel_loop3A_384 = tpu.vector_load %arg6[%parallel_loop3A_381, %parallel_loop3A_382, %parallel_loop3A_383] {strides = array<i32>} : memref<3x32x256xf32, #tpu.memory_space<vmem>>, vector<16xf32>,
        tpu.vector_store_idx %arg8[%broadcast_in_dim3A_91, %parallel_loop3A_304], %parallel_loop3A_384 {add = true} : memref<8x3072xf32, #tpu.memory_space<vmem>>[vector<16xi32>, vector<16xi32>], vector<16xf32>,
      } {sc.loop_unroll_factor = 1 : i64, sc.parallel_access}
      %dma_start3A_243 = arith.constant 0 : i32
      %dma_start3A_244 = tpu.memref_slice %arg5[%mul3A_218, %add3A_35, %dma_start3A_243] : memref<32x256x3072xf32, #tpu.memory_space<hbm>> -> memref<1x8x3072xf32, #tpu.memory_space<hbm>>
      %dma_start3A_245 = tpu.memref_squeeze %dma_start3A_244 : memref<1x8x3072xf32, #tpu.memory_space<hbm>> -> memref<8x3072xf32, #tpu.memory_space<hbm>>
      %dma_start3A_246 = arith.constant 0 : i32
      %dma_start3A_247 = tpu.memref_slice %arg5[%mul3A_218, %add3A_35, %dma_start3A_246] : memref<32x256x3072xf32, #tpu.memory_space<hbm>> -> memref<1x8x3072xf32, #tpu.memory_space<hbm>>
      %dma_start3A_248 = tpu.memref_squeeze %dma_start3A_247 : memref<1x8x3072xf32, #tpu.memory_space<hbm>> -> memref<8x3072xf32, #tpu.memory_space<hbm>>
      tpu.enqueue_dma source(%arg8 : memref<8x3072xf32, #tpu.memory_space<vmem>>) target(%dma_start3A_248 : memref<8x3072xf32, #tpu.memory_space<hbm>>) target_semaphore(%arg14 : memref<!tpu.dma_semaphore, #tpu.memory_space<semaphore_mem>>)
      %add3A_249 = arith.constant 2 : i32
      %add3A_250 = arith.addi %mul3A_218, %add3A_249 : i32
      %lt3A_251 = arith.constant 32 : i32
      %lt3A_252 = arith.cmpi slt, %add3A_250, %lt3A_251 : i32
      %convert_element_type3A = arith.extui %lt3A_252 : i1 to i32
      %cond3A = arith.constant 0 : i32
      %cond3A_253 = arith.cmpi ne, %convert_element_type3A, %cond3A : i32
      scf.if %cond3A_253 {
        %add3A_295 = arith.constant 2 : i32
        %add3A_296 = arith.addi %mul3A_218, %add3A_295 : i32
        %dma_start3A_297 = arith.constant 0 : i32
        %dma_start3A_298 = tpu.memref_slice %arg2[%add3A_296, %dma_start3A_297, %mul3A_37, %mul3A_39] : memref<32x3x512x512xf32, #tpu.memory_space<hbm>> -> memref<1x3x32x256xf32, #tpu.memory_space<hbm>>
        %dma_start3A_299 = tpu.memref_squeeze %dma_start3A_298 : memref<1x3x32x256xf32, #tpu.memory_space<hbm>> -> memref<3x32x256xf32, #tpu.memory_space<hbm>>
        %dma_start3A_300 = arith.constant 0 : i32
        %dma_start3A_301 = tpu.memref_slice %arg2[%add3A_296, %dma_start3A_300, %mul3A_37, %mul3A_39] : memref<32x3x512x512xf32, #tpu.memory_space<hbm>> -> memref<1x3x32x256xf32, #tpu.memory_space<hbm>>
        %dma_start3A_302 = tpu.memref_squeeze %dma_start3A_301 : memref<1x3x32x256xf32, #tpu.memory_space<hbm>> -> memref<3x32x256xf32, #tpu.memory_space<hbm>>
        tpu.enqueue_dma source(%dma_start3A_302 : memref<3x32x256xf32, #tpu.memory_space<hbm>>) target(%arg6 : memref<3x32x256xf32, #tpu.memory_space<vmem>>) target_semaphore(%arg12 : memref<!tpu.dma_semaphore, #tpu.memory_space<semaphore_mem>>)
      } else {
      }
      %mul3A_254 = arith.constant 2 : i32
      %mul3A_255 = arith.muli %mul3A_254, %scan3A_186 : i32
      %add3A_256 = arith.constant 1 : i32
      %add3A_257 = arith.addi %mul3A_255, %add3A_256 : i32
      %dma_wait3A_258 = arith.constant 0 : i32
      %dma_wait3A_259 = arith.constant 0 : i32
      %dma_wait3A_260 = tpu.memref_slice %arg2[%dma_wait3A_258, %dma_wait3A_259, %mul3A_37, %mul3A_39] : memref<32x3x512x512xf32, #tpu.memory_space<hbm>> -> memref<1x3x32x256xf32, #tpu.memory_space<hbm>>
      %dma_wait3A_261 = tpu.memref_squeeze %dma_wait3A_260 : memref<1x3x32x256xf32, #tpu.memory_space<hbm>> -> memref<3x32x256xf32, #tpu.memory_space<hbm>>
      %dma_wait3A_262 = arith.constant 0 : i32
      %dma_wait3A_263 = tpu.memref_slice %arg2[%dma_wait3A_258, %dma_wait3A_262, %mul3A_37, %mul3A_39] : memref<32x3x512x512xf32, #tpu.memory_space<hbm>> -> memref<1x3x32x256xf32, #tpu.memory_space<hbm>>
      %dma_wait3A_264 = tpu.memref_squeeze %dma_wait3A_263 : memref<1x3x32x256xf32, #tpu.memory_space<hbm>> -> memref<3x32x256xf32, #tpu.memory_space<hbm>>
      tpu.wait_dma2 semaphore(%arg13 : memref<!tpu.dma_semaphore, #tpu.memory_space<semaphore_mem>>) src(%dma_wait3A_264 : memref<3x32x256xf32, #tpu.memory_space<hbm>>) dst(%arg7 : memref<3x32x256xf32, #tpu.memory_space<vmem>>)
      %dma_wait3A_265 = arith.constant 0 : i32
      %dma_wait3A_266 = arith.constant 0 : i32
      %dma_wait3A_267 = tpu.memref_slice %arg10[%arg1, %dma_wait3A_265, %dma_wait3A_266] : memref<16x8x3072xf32, #tpu.memory_space<vmem_shared>> -> memref<1x8x3072xf32, #tpu.memory_space<vmem_shared>>
      %dma_wait3A_268 = tpu.memref_squeeze %dma_wait3A_267 : memref<1x8x3072xf32, #tpu.memory_space<vmem_shared>> -> memref<8x3072xf32, #tpu.memory_space<vmem_shared>>
      %dma_wait3A_269 = arith.constant 0 : i32
      %dma_wait3A_270 = arith.constant 0 : i32
      %dma_wait3A_271 = tpu.memref_slice %arg10[%arg1, %dma_wait3A_269, %dma_wait3A_270] : memref<16x8x3072xf32, #tpu.memory_space<vmem_shared>> -> memref<1x8x3072xf32, #tpu.memory_space<vmem_shared>>
      %dma_wait3A_272 = tpu.memref_squeeze %dma_wait3A_271 : memref<1x8x3072xf32, #tpu.memory_space<vmem_shared>> -> memref<8x3072xf32, #tpu.memory_space<vmem_shared>>
      tpu.wait_dma2 semaphore(%arg17 : memref<!tpu.dma_semaphore, #tpu.memory_space<semaphore_mem>>) src(%dma_wait3A_272 : memref<8x3072xf32, #tpu.memory_space<vmem_shared>>) dst(%arg9 : memref<8x3072xf32, #tpu.memory_space<vmem>>)
      %parallel_loop3A_273 = arith.constant 0 : i32
      %parallel_loop3A_274 = arith.constant 32 : i32
      %parallel_loop3A_275 = arith.constant 1 : i32
      scf.for %parallel_loop3A_295 = %parallel_loop3A_273 to %parallel_loop3A_274 step %parallel_loop3A_275  : i32 {
        %parallel_loop3A_296 = arith.constant 96 : i32
        %parallel_loop3A_297 = arith.muli %parallel_loop3A_295, %parallel_loop3A_296 : i32
        %parallel_loop3A_298 = arith.constant 0 : i32
        %parallel_loop3A_299 = arith.addi %parallel_loop3A_297, %parallel_loop3A_298 : i32
        %parallel_loop3A_300 = vector.broadcast %parallel_loop3A_299 : i32 to vector<16xi32>
        %parallel_loop3A_301 = arith.addi %mul3A_76, %parallel_loop3A_300 : vector<16xi32>
        %parallel_loop3A_302 = arith.constant 48 : i32
        %parallel_loop3A_303 = vector.broadcast %parallel_loop3A_302 : i32 to vector<16xi32>
        %parallel_loop3A_304 = arith.addi %parallel_loop3A_301, %parallel_loop3A_303 : vector<16xi32>
        %parallel_loop3A_305 = arith.constant 0 : i32
        %parallel_loop3A_306 = arith.index_cast %parallel_loop3A_305 : i32 to index
        %parallel_loop3A_307 = arith.index_cast %parallel_loop3A_295 : i32 to index
        %parallel_loop3A_308 = arith.constant 0 : index
        %parallel_loop3A_309 = tpu.vector_load %arg7[%parallel_loop3A_306, %parallel_loop3A_307, %parallel_loop3A_308] {strides = array<i32>} : memref<3x32x256xf32, #tpu.memory_space<vmem>>, vector<16xf32>,
        tpu.vector_store_idx %arg9[%broadcast_in_dim3A_77, %parallel_loop3A_301], %parallel_loop3A_309 {add = true} : memref<8x3072xf32, #tpu.memory_space<vmem>>[vector<16xi32>, vector<16xi32>], vector<16xf32>,
        %parallel_loop3A_310 = arith.constant 0 : i32
        %parallel_loop3A_311 = arith.index_cast %parallel_loop3A_310 : i32 to index
        %parallel_loop3A_312 = arith.index_cast %parallel_loop3A_295 : i32 to index
        %parallel_loop3A_313 = arith.constant 16 : index
        %parallel_loop3A_314 = tpu.vector_load %arg7[%parallel_loop3A_311, %parallel_loop3A_312, %parallel_loop3A_313] {strides = array<i32>} : memref<3x32x256xf32, #tpu.memory_space<vmem>>, vector<16xf32>,
        tpu.vector_store_idx %arg9[%broadcast_in_dim3A_77, %parallel_loop3A_304], %parallel_loop3A_314 {add = true} : memref<8x3072xf32, #tpu.memory_space<vmem>>[vector<16xi32>, vector<16xi32>], vector<16xf32>,
        %parallel_loop3A_315 = arith.constant 0 : i32
        %parallel_loop3A_316 = arith.index_cast %parallel_loop3A_315 : i32 to index
        %parallel_loop3A_317 = arith.index_cast %parallel_loop3A_295 : i32 to index
        %parallel_loop3A_318 = arith.constant 32 : index
        %parallel_loop3A_319 = tpu.vector_load %arg7[%parallel_loop3A_316, %parallel_loop3A_317, %parallel_loop3A_318] {strides = array<i32>} : memref<3x32x256xf32, #tpu.memory_space<vmem>>, vector<16xf32>,
        tpu.vector_store_idx %arg9[%broadcast_in_dim3A_79, %parallel_loop3A_301], %parallel_loop3A_319 {add = true} : memref<8x3072xf32, #tpu.memory_space<vmem>>[vector<16xi32>, vector<16xi32>], vector<16xf32>,
        %parallel_loop3A_320 = arith.constant 0 : i32
        %parallel_loop3A_321 = arith.index_cast %parallel_loop3A_320 : i32 to index
        %parallel_loop3A_322 = arith.index_cast %parallel_loop3A_295 : i32 to index
        %parallel_loop3A_323 = arith.constant 48 : index
        %parallel_loop3A_324 = tpu.vector_load %arg7[%parallel_loop3A_321, %parallel_loop3A_322, %parallel_loop3A_323] {strides = array<i32>} : memref<3x32x256xf32, #tpu.memory_space<vmem>>, vector<16xf32>,
        tpu.vector_store_idx %arg9[%broadcast_in_dim3A_79, %parallel_loop3A_304], %parallel_loop3A_324 {add = true} : memref<8x3072xf32, #tpu.memory_space<vmem>>[vector<16xi32>, vector<16xi32>], vector<16xf32>,
        %parallel_loop3A_325 = arith.constant 0 : i32
        %parallel_loop3A_326 = arith.index_cast %parallel_loop3A_325 : i32 to index
        %parallel_loop3A_327 = arith.index_cast %parallel_loop3A_295 : i32 to index
        %parallel_loop3A_328 = arith.constant 64 : index
        %parallel_loop3A_329 = tpu.vector_load %arg7[%parallel_loop3A_326, %parallel_loop3A_327, %parallel_loop3A_328] {strides = array<i32>} : memref<3x32x256xf32, #tpu.memory_space<vmem>>, vector<16xf32>,
        tpu.vector_store_idx %arg9[%broadcast_in_dim3A_81, %parallel_loop3A_301], %parallel_loop3A_329 {add = true} : memref<8x3072xf32, #tpu.memory_space<vmem>>[vector<16xi32>, vector<16xi32>], vector<16xf32>,
        %parallel_loop3A_330 = arith.constant 0 : i32
        %parallel_loop3A_331 = arith.index_cast %parallel_loop3A_330 : i32 to index
        %parallel_loop3A_332 = arith.index_cast %parallel_loop3A_295 : i32 to index
        %parallel_loop3A_333 = arith.constant 80 : index
        %parallel_loop3A_334 = tpu.vector_load %arg7[%parallel_loop3A_331, %parallel_loop3A_332, %parallel_loop3A_333] {strides = array<i32>} : memref<3x32x256xf32, #tpu.memory_space<vmem>>, vector<16xf32>,
        tpu.vector_store_idx %arg9[%broadcast_in_dim3A_81, %parallel_loop3A_304], %parallel_loop3A_334 {add = true} : memref<8x3072xf32, #tpu.memory_space<vmem>>[vector<16xi32>, vector<16xi32>], vector<16xf32>,
        %parallel_loop3A_335 = arith.constant 0 : i32
        %parallel_loop3A_336 = arith.index_cast %parallel_loop3A_335 : i32 to index
        %parallel_loop3A_337 = arith.index_cast %parallel_loop3A_295 : i32 to index
        %parallel_loop3A_338 = arith.constant 96 : index
        %parallel_loop3A_339 = tpu.vector_load %arg7[%parallel_loop3A_336, %parallel_loop3A_337, %parallel_loop3A_338] {strides = array<i32>} : memref<3x32x256xf32, #tpu.memory_space<vmem>>, vector<16xf32>,
        tpu.vector_store_idx %arg9[%broadcast_in_dim3A_83, %parallel_loop3A_301], %parallel_loop3A_339 {add = true} : memref<8x3072xf32, #tpu.memory_space<vmem>>[vector<16xi32>, vector<16xi32>], vector<16xf32>,
        %parallel_loop3A_340 = arith.constant 0 : i32
        %parallel_loop3A_341 = arith.index_cast %parallel_loop3A_340 : i32 to index
        %parallel_loop3A_342 = arith.index_cast %parallel_loop3A_295 : i32 to index
        %parallel_loop3A_343 = arith.constant 112 : index
        %parallel_loop3A_344 = tpu.vector_load %arg7[%parallel_loop3A_341, %parallel_loop3A_342, %parallel_loop3A_343] {strides = array<i32>} : memref<3x32x256xf32, #tpu.memory_space<vmem>>, vector<16xf32>,
        tpu.vector_store_idx %arg9[%broadcast_in_dim3A_83, %parallel_loop3A_304], %parallel_loop3A_344 {add = true} : memref<8x3072xf32, #tpu.memory_space<vmem>>[vector<16xi32>, vector<16xi32>], vector<16xf32>,
        %parallel_loop3A_345 = arith.constant 0 : i32
        %parallel_loop3A_346 = arith.index_cast %parallel_loop3A_345 : i32 to index
        %parallel_loop3A_347 = arith.index_cast %parallel_loop3A_295 : i32 to index
        %parallel_loop3A_348 = arith.constant 128 : index
        %parallel_loop3A_349 = tpu.vector_load %arg7[%parallel_loop3A_346, %parallel_loop3A_347, %parallel_loop3A_348] {strides = array<i32>} : memref<3x32x256xf32, #tpu.memory_space<vmem>>, vector<16xf32>,
        tpu.vector_store_idx %arg9[%broadcast_in_dim3A_85, %parallel_loop3A_301], %parallel_loop3A_349 {add = true} : memref<8x3072xf32, #tpu.memory_space<vmem>>[vector<16xi32>, vector<16xi32>], vector<16xf32>,
        %parallel_loop3A_350 = arith.constant 0 : i32
        %parallel_loop3A_351 = arith.index_cast %parallel_loop3A_350 : i32 to index
        %parallel_loop3A_352 = arith.index_cast %parallel_loop3A_295 : i32 to index
        %parallel_loop3A_353 = arith.constant 144 : index
        %parallel_loop3A_354 = tpu.vector_load %arg7[%parallel_loop3A_351, %parallel_loop3A_352, %parallel_loop3A_353] {strides = array<i32>} : memref<3x32x256xf32, #tpu.memory_space<vmem>>, vector<16xf32>,
        tpu.vector_store_idx %arg9[%broadcast_in_dim3A_85, %parallel_loop3A_304], %parallel_loop3A_354 {add = true} : memref<8x3072xf32, #tpu.memory_space<vmem>>[vector<16xi32>, vector<16xi32>], vector<16xf32>,
        %parallel_loop3A_355 = arith.constant 0 : i32
        %parallel_loop3A_356 = arith.index_cast %parallel_loop3A_355 : i32 to index
        %parallel_loop3A_357 = arith.index_cast %parallel_loop3A_295 : i32 to index
        %parallel_loop3A_358 = arith.constant 160 : index
        %parallel_loop3A_359 = tpu.vector_load %arg7[%parallel_loop3A_356, %parallel_loop3A_357, %parallel_loop3A_358] {strides = array<i32>} : memref<3x32x256xf32, #tpu.memory_space<vmem>>, vector<16xf32>,
        tpu.vector_store_idx %arg9[%broadcast_in_dim3A_87, %parallel_loop3A_301], %parallel_loop3A_359 {add = true} : memref<8x3072xf32, #tpu.memory_space<vmem>>[vector<16xi32>, vector<16xi32>], vector<16xf32>,
        %parallel_loop3A_360 = arith.constant 0 : i32
        %parallel_loop3A_361 = arith.index_cast %parallel_loop3A_360 : i32 to index
        %parallel_loop3A_362 = arith.index_cast %parallel_loop3A_295 : i32 to index
        %parallel_loop3A_363 = arith.constant 176 : index
        %parallel_loop3A_364 = tpu.vector_load %arg7[%parallel_loop3A_361, %parallel_loop3A_362, %parallel_loop3A_363] {strides = array<i32>} : memref<3x32x256xf32, #tpu.memory_space<vmem>>, vector<16xf32>,
        tpu.vector_store_idx %arg9[%broadcast_in_dim3A_87, %parallel_loop3A_304], %parallel_loop3A_364 {add = true} : memref<8x3072xf32, #tpu.memory_space<vmem>>[vector<16xi32>, vector<16xi32>], vector<16xf32>,
        %parallel_loop3A_365 = arith.constant 0 : i32
        %parallel_loop3A_366 = arith.index_cast %parallel_loop3A_365 : i32 to index
        %parallel_loop3A_367 = arith.index_cast %parallel_loop3A_295 : i32 to index
        %parallel_loop3A_368 = arith.constant 192 : index
        %parallel_loop3A_369 = tpu.vector_load %arg7[%parallel_loop3A_366, %parallel_loop3A_367, %parallel_loop3A_368] {strides = array<i32>} : memref<3x32x256xf32, #tpu.memory_space<vmem>>, vector<16xf32>,
        tpu.vector_store_idx %arg9[%broadcast_in_dim3A_89, %parallel_loop3A_301], %parallel_loop3A_369 {add = true} : memref<8x3072xf32, #tpu.memory_space<vmem>>[vector<16xi32>, vector<16xi32>], vector<16xf32>,
        %parallel_loop3A_370 = arith.constant 0 : i32
        %parallel_loop3A_371 = arith.index_cast %parallel_loop3A_370 : i32 to index
        %parallel_loop3A_372 = arith.index_cast %parallel_loop3A_295 : i32 to index
        %parallel_loop3A_373 = arith.constant 208 : index
        %parallel_loop3A_374 = tpu.vector_load %arg7[%parallel_loop3A_371, %parallel_loop3A_372, %parallel_loop3A_373] {strides = array<i32>} : memref<3x32x256xf32, #tpu.memory_space<vmem>>, vector<16xf32>,
        tpu.vector_store_idx %arg9[%broadcast_in_dim3A_89, %parallel_loop3A_304], %parallel_loop3A_374 {add = true} : memref<8x3072xf32, #tpu.memory_space<vmem>>[vector<16xi32>, vector<16xi32>], vector<16xf32>,
        %parallel_loop3A_375 = arith.constant 0 : i32
        %parallel_loop3A_376 = arith.index_cast %parallel_loop3A_375 : i32 to index
        %parallel_loop3A_377 = arith.index_cast %parallel_loop3A_295 : i32 to index
        %parallel_loop3A_378 = arith.constant 224 : index
        %parallel_loop3A_379 = tpu.vector_load %arg7[%parallel_loop3A_376, %parallel_loop3A_377, %parallel_loop3A_378] {strides = array<i32>} : memref<3x32x256xf32, #tpu.memory_space<vmem>>, vector<16xf32>,
        tpu.vector_store_idx %arg9[%broadcast_in_dim3A_91, %parallel_loop3A_301], %parallel_loop3A_379 {add = true} : memref<8x3072xf32, #tpu.memory_space<vmem>>[vector<16xi32>, vector<16xi32>], vector<16xf32>,
        %parallel_loop3A_380 = arith.constant 0 : i32
        %parallel_loop3A_381 = arith.index_cast %parallel_loop3A_380 : i32 to index
        %parallel_loop3A_382 = arith.index_cast %parallel_loop3A_295 : i32 to index
        %parallel_loop3A_383 = arith.constant 240 : index
        %parallel_loop3A_384 = tpu.vector_load %arg7[%parallel_loop3A_381, %parallel_loop3A_382, %parallel_loop3A_383] {strides = array<i32>} : memref<3x32x256xf32, #tpu.memory_space<vmem>>, vector<16xf32>,
        tpu.vector_store_idx %arg9[%broadcast_in_dim3A_91, %parallel_loop3A_304], %parallel_loop3A_384 {add = true} : memref<8x3072xf32, #tpu.memory_space<vmem>>[vector<16xi32>, vector<16xi32>], vector<16xf32>,
      } {sc.loop_unroll_factor = 1 : i64, sc.parallel_access}
      %parallel_loop3A_276 = arith.constant 0 : i32
      %parallel_loop3A_277 = arith.constant 32 : i32
      %parallel_loop3A_278 = arith.constant 1 : i32
      scf.for %parallel_loop3A_295 = %parallel_loop3A_276 to %parallel_loop3A_277 step %parallel_loop3A_278  : i32 {
        %parallel_loop3A_296 = arith.constant 96 : i32
        %parallel_loop3A_297 = arith.muli %parallel_loop3A_295, %parallel_loop3A_296 : i32
        %parallel_loop3A_298 = arith.constant 1 : i32
        %parallel_loop3A_299 = arith.addi %parallel_loop3A_297, %parallel_loop3A_298 : i32
        %parallel_loop3A_300 = vector.broadcast %parallel_loop3A_299 : i32 to vector<16xi32>
        %parallel_loop3A_301 = arith.addi %mul3A_76, %parallel_loop3A_300 : vector<16xi32>
        %parallel_loop3A_302 = arith.constant 48 : i32
        %parallel_loop3A_303 = vector.broadcast %parallel_loop3A_302 : i32 to vector<16xi32>
        %parallel_loop3A_304 = arith.addi %parallel_loop3A_301, %parallel_loop3A_303 : vector<16xi32>
        %parallel_loop3A_305 = arith.constant 1 : i32
        %parallel_loop3A_306 = arith.index_cast %parallel_loop3A_305 : i32 to index
        %parallel_loop3A_307 = arith.index_cast %parallel_loop3A_295 : i32 to index
        %parallel_loop3A_308 = arith.constant 0 : index
        %parallel_loop3A_309 = tpu.vector_load %arg7[%parallel_loop3A_306, %parallel_loop3A_307, %parallel_loop3A_308] {strides = array<i32>} : memref<3x32x256xf32, #tpu.memory_space<vmem>>, vector<16xf32>,
        tpu.vector_store_idx %arg9[%broadcast_in_dim3A_77, %parallel_loop3A_301], %parallel_loop3A_309 {add = true} : memref<8x3072xf32, #tpu.memory_space<vmem>>[vector<16xi32>, vector<16xi32>], vector<16xf32>,
        %parallel_loop3A_310 = arith.constant 1 : i32
        %parallel_loop3A_311 = arith.index_cast %parallel_loop3A_310 : i32 to index
        %parallel_loop3A_312 = arith.index_cast %parallel_loop3A_295 : i32 to index
        %parallel_loop3A_313 = arith.constant 16 : index
        %parallel_loop3A_314 = tpu.vector_load %arg7[%parallel_loop3A_311, %parallel_loop3A_312, %parallel_loop3A_313] {strides = array<i32>} : memref<3x32x256xf32, #tpu.memory_space<vmem>>, vector<16xf32>,
        tpu.vector_store_idx %arg9[%broadcast_in_dim3A_77, %parallel_loop3A_304], %parallel_loop3A_314 {add = true} : memref<8x3072xf32, #tpu.memory_space<vmem>>[vector<16xi32>, vector<16xi32>], vector<16xf32>,
        %parallel_loop3A_315 = arith.constant 1 : i32
        %parallel_loop3A_316 = arith.index_cast %parallel_loop3A_315 : i32 to index
        %parallel_loop3A_317 = arith.index_cast %parallel_loop3A_295 : i32 to index
        %parallel_loop3A_318 = arith.constant 32 : index
        %parallel_loop3A_319 = tpu.vector_load %arg7[%parallel_loop3A_316, %parallel_loop3A_317, %parallel_loop3A_318] {strides = array<i32>} : memref<3x32x256xf32, #tpu.memory_space<vmem>>, vector<16xf32>,
        tpu.vector_store_idx %arg9[%broadcast_in_dim3A_79, %parallel_loop3A_301], %parallel_loop3A_319 {add = true} : memref<8x3072xf32, #tpu.memory_space<vmem>>[vector<16xi32>, vector<16xi32>], vector<16xf32>,
        %parallel_loop3A_320 = arith.constant 1 : i32
        %parallel_loop3A_321 = arith.index_cast %parallel_loop3A_320 : i32 to index
        %parallel_loop3A_322 = arith.index_cast %parallel_loop3A_295 : i32 to index
        %parallel_loop3A_323 = arith.constant 48 : index
        %parallel_loop3A_324 = tpu.vector_load %arg7[%parallel_loop3A_321, %parallel_loop3A_322, %parallel_loop3A_323] {strides = array<i32>} : memref<3x32x256xf32, #tpu.memory_space<vmem>>, vector<16xf32>,
        tpu.vector_store_idx %arg9[%broadcast_in_dim3A_79, %parallel_loop3A_304], %parallel_loop3A_324 {add = true} : memref<8x3072xf32, #tpu.memory_space<vmem>>[vector<16xi32>, vector<16xi32>], vector<16xf32>,
        %parallel_loop3A_325 = arith.constant 1 : i32
        %parallel_loop3A_326 = arith.index_cast %parallel_loop3A_325 : i32 to index
        %parallel_loop3A_327 = arith.index_cast %parallel_loop3A_295 : i32 to index
        %parallel_loop3A_328 = arith.constant 64 : index
        %parallel_loop3A_329 = tpu.vector_load %arg7[%parallel_loop3A_326, %parallel_loop3A_327, %parallel_loop3A_328] {strides = array<i32>} : memref<3x32x256xf32, #tpu.memory_space<vmem>>, vector<16xf32>,
        tpu.vector_store_idx %arg9[%broadcast_in_dim3A_81, %parallel_loop3A_301], %parallel_loop3A_329 {add = true} : memref<8x3072xf32, #tpu.memory_space<vmem>>[vector<16xi32>, vector<16xi32>], vector<16xf32>,
        %parallel_loop3A_330 = arith.constant 1 : i32
        %parallel_loop3A_331 = arith.index_cast %parallel_loop3A_330 : i32 to index
        %parallel_loop3A_332 = arith.index_cast %parallel_loop3A_295 : i32 to index
        %parallel_loop3A_333 = arith.constant 80 : index
        %parallel_loop3A_334 = tpu.vector_load %arg7[%parallel_loop3A_331, %parallel_loop3A_332, %parallel_loop3A_333] {strides = array<i32>} : memref<3x32x256xf32, #tpu.memory_space<vmem>>, vector<16xf32>,
        tpu.vector_store_idx %arg9[%broadcast_in_dim3A_81, %parallel_loop3A_304], %parallel_loop3A_334 {add = true} : memref<8x3072xf32, #tpu.memory_space<vmem>>[vector<16xi32>, vector<16xi32>], vector<16xf32>,
        %parallel_loop3A_335 = arith.constant 1 : i32
        %parallel_loop3A_336 = arith.index_cast %parallel_loop3A_335 : i32 to index
        %parallel_loop3A_337 = arith.index_cast %parallel_loop3A_295 : i32 to index
        %parallel_loop3A_338 = arith.constant 96 : index
        %parallel_loop3A_339 = tpu.vector_load %arg7[%parallel_loop3A_336, %parallel_loop3A_337, %parallel_loop3A_338] {strides = array<i32>} : memref<3x32x256xf32, #tpu.memory_space<vmem>>, vector<16xf32>,
        tpu.vector_store_idx %arg9[%broadcast_in_dim3A_83, %parallel_loop3A_301], %parallel_loop3A_339 {add = true} : memref<8x3072xf32, #tpu.memory_space<vmem>>[vector<16xi32>, vector<16xi32>], vector<16xf32>,
        %parallel_loop3A_340 = arith.constant 1 : i32
        %parallel_loop3A_341 = arith.index_cast %parallel_loop3A_340 : i32 to index
        %parallel_loop3A_342 = arith.index_cast %parallel_loop3A_295 : i32 to index
        %parallel_loop3A_343 = arith.constant 112 : index
        %parallel_loop3A_344 = tpu.vector_load %arg7[%parallel_loop3A_341, %parallel_loop3A_342, %parallel_loop3A_343] {strides = array<i32>} : memref<3x32x256xf32, #tpu.memory_space<vmem>>, vector<16xf32>,
        tpu.vector_store_idx %arg9[%broadcast_in_dim3A_83, %parallel_loop3A_304], %parallel_loop3A_344 {add = true} : memref<8x3072xf32, #tpu.memory_space<vmem>>[vector<16xi32>, vector<16xi32>], vector<16xf32>,
        %parallel_loop3A_345 = arith.constant 1 : i32
        %parallel_loop3A_346 = arith.index_cast %parallel_loop3A_345 : i32 to index
        %parallel_loop3A_347 = arith.index_cast %parallel_loop3A_295 : i32 to index
        %parallel_loop3A_348 = arith.constant 128 : index
        %parallel_loop3A_349 = tpu.vector_load %arg7[%parallel_loop3A_346, %parallel_loop3A_347, %parallel_loop3A_348] {strides = array<i32>} : memref<3x32x256xf32, #tpu.memory_space<vmem>>, vector<16xf32>,
        tpu.vector_store_idx %arg9[%broadcast_in_dim3A_85, %parallel_loop3A_301], %parallel_loop3A_349 {add = true} : memref<8x3072xf32, #tpu.memory_space<vmem>>[vector<16xi32>, vector<16xi32>], vector<16xf32>,
        %parallel_loop3A_350 = arith.constant 1 : i32
        %parallel_loop3A_351 = arith.index_cast %parallel_loop3A_350 : i32 to index
        %parallel_loop3A_352 = arith.index_cast %parallel_loop3A_295 : i32 to index
        %parallel_loop3A_353 = arith.constant 144 : index
        %parallel_loop3A_354 = tpu.vector_load %arg7[%parallel_loop3A_351, %parallel_loop3A_352, %parallel_loop3A_353] {strides = array<i32>} : memref<3x32x256xf32, #tpu.memory_space<vmem>>, vector<16xf32>,
        tpu.vector_store_idx %arg9[%broadcast_in_dim3A_85, %parallel_loop3A_304], %parallel_loop3A_354 {add = true} : memref<8x3072xf32, #tpu.memory_space<vmem>>[vector<16xi32>, vector<16xi32>], vector<16xf32>,
        %parallel_loop3A_355 = arith.constant 1 : i32
        %parallel_loop3A_356 = arith.index_cast %parallel_loop3A_355 : i32 to index
        %parallel_loop3A_357 = arith.index_cast %parallel_loop3A_295 : i32 to index
        %parallel_loop3A_358 = arith.constant 160 : index
        %parallel_loop3A_359 = tpu.vector_load %arg7[%parallel_loop3A_356, %parallel_loop3A_357, %parallel_loop3A_358] {strides = array<i32>} : memref<3x32x256xf32, #tpu.memory_space<vmem>>, vector<16xf32>,
        tpu.vector_store_idx %arg9[%broadcast_in_dim3A_87, %parallel_loop3A_301], %parallel_loop3A_359 {add = true} : memref<8x3072xf32, #tpu.memory_space<vmem>>[vector<16xi32>, vector<16xi32>], vector<16xf32>,
        %parallel_loop3A_360 = arith.constant 1 : i32
        %parallel_loop3A_361 = arith.index_cast %parallel_loop3A_360 : i32 to index
        %parallel_loop3A_362 = arith.index_cast %parallel_loop3A_295 : i32 to index
        %parallel_loop3A_363 = arith.constant 176 : index
        %parallel_loop3A_364 = tpu.vector_load %arg7[%parallel_loop3A_361, %parallel_loop3A_362, %parallel_loop3A_363] {strides = array<i32>} : memref<3x32x256xf32, #tpu.memory_space<vmem>>, vector<16xf32>,
        tpu.vector_store_idx %arg9[%broadcast_in_dim3A_87, %parallel_loop3A_304], %parallel_loop3A_364 {add = true} : memref<8x3072xf32, #tpu.memory_space<vmem>>[vector<16xi32>, vector<16xi32>], vector<16xf32>,
        %parallel_loop3A_365 = arith.constant 1 : i32
        %parallel_loop3A_366 = arith.index_cast %parallel_loop3A_365 : i32 to index
        %parallel_loop3A_367 = arith.index_cast %parallel_loop3A_295 : i32 to index
        %parallel_loop3A_368 = arith.constant 192 : index
        %parallel_loop3A_369 = tpu.vector_load %arg7[%parallel_loop3A_366, %parallel_loop3A_367, %parallel_loop3A_368] {strides = array<i32>} : memref<3x32x256xf32, #tpu.memory_space<vmem>>, vector<16xf32>,
        tpu.vector_store_idx %arg9[%broadcast_in_dim3A_89, %parallel_loop3A_301], %parallel_loop3A_369 {add = true} : memref<8x3072xf32, #tpu.memory_space<vmem>>[vector<16xi32>, vector<16xi32>], vector<16xf32>,
        %parallel_loop3A_370 = arith.constant 1 : i32
        %parallel_loop3A_371 = arith.index_cast %parallel_loop3A_370 : i32 to index
        %parallel_loop3A_372 = arith.index_cast %parallel_loop3A_295 : i32 to index
        %parallel_loop3A_373 = arith.constant 208 : index
        %parallel_loop3A_374 = tpu.vector_load %arg7[%parallel_loop3A_371, %parallel_loop3A_372, %parallel_loop3A_373] {strides = array<i32>} : memref<3x32x256xf32, #tpu.memory_space<vmem>>, vector<16xf32>,
        tpu.vector_store_idx %arg9[%broadcast_in_dim3A_89, %parallel_loop3A_304], %parallel_loop3A_374 {add = true} : memref<8x3072xf32, #tpu.memory_space<vmem>>[vector<16xi32>, vector<16xi32>], vector<16xf32>,
        %parallel_loop3A_375 = arith.constant 1 : i32
        %parallel_loop3A_376 = arith.index_cast %parallel_loop3A_375 : i32 to index
        %parallel_loop3A_377 = arith.index_cast %parallel_loop3A_295 : i32 to index
        %parallel_loop3A_378 = arith.constant 224 : index
        %parallel_loop3A_379 = tpu.vector_load %arg7[%parallel_loop3A_376, %parallel_loop3A_377, %parallel_loop3A_378] {strides = array<i32>} : memref<3x32x256xf32, #tpu.memory_space<vmem>>, vector<16xf32>,
        tpu.vector_store_idx %arg9[%broadcast_in_dim3A_91, %parallel_loop3A_301], %parallel_loop3A_379 {add = true} : memref<8x3072xf32, #tpu.memory_space<vmem>>[vector<16xi32>, vector<16xi32>], vector<16xf32>,
        %parallel_loop3A_380 = arith.constant 1 : i32
        %parallel_loop3A_381 = arith.index_cast %parallel_loop3A_380 : i32 to index
        %parallel_loop3A_382 = arith.index_cast %parallel_loop3A_295 : i32 to index
        %parallel_loop3A_383 = arith.constant 240 : index
        %parallel_loop3A_384 = tpu.vector_load %arg7[%parallel_loop3A_381, %parallel_loop3A_382, %parallel_loop3A_383] {strides = array<i32>} : memref<3x32x256xf32, #tpu.memory_space<vmem>>, vector<16xf32>,
        tpu.vector_store_idx %arg9[%broadcast_in_dim3A_91, %parallel_loop3A_304], %parallel_loop3A_384 {add = true} : memref<8x3072xf32, #tpu.memory_space<vmem>>[vector<16xi32>, vector<16xi32>], vector<16xf32>,
      } {sc.loop_unroll_factor = 1 : i64, sc.parallel_access}
      %parallel_loop3A_279 = arith.constant 0 : i32
      %parallel_loop3A_280 = arith.constant 32 : i32
      %parallel_loop3A_281 = arith.constant 1 : i32
      scf.for %parallel_loop3A_295 = %parallel_loop3A_279 to %parallel_loop3A_280 step %parallel_loop3A_281  : i32 {
        %parallel_loop3A_296 = arith.constant 96 : i32
        %parallel_loop3A_297 = arith.muli %parallel_loop3A_295, %parallel_loop3A_296 : i32
        %parallel_loop3A_298 = arith.constant 2 : i32
        %parallel_loop3A_299 = arith.addi %parallel_loop3A_297, %parallel_loop3A_298 : i32
        %parallel_loop3A_300 = vector.broadcast %parallel_loop3A_299 : i32 to vector<16xi32>
        %parallel_loop3A_301 = arith.addi %mul3A_76, %parallel_loop3A_300 : vector<16xi32>
        %parallel_loop3A_302 = arith.constant 48 : i32
        %parallel_loop3A_303 = vector.broadcast %parallel_loop3A_302 : i32 to vector<16xi32>
        %parallel_loop3A_304 = arith.addi %parallel_loop3A_301, %parallel_loop3A_303 : vector<16xi32>
        %parallel_loop3A_305 = arith.constant 2 : i32
        %parallel_loop3A_306 = arith.index_cast %parallel_loop3A_305 : i32 to index
        %parallel_loop3A_307 = arith.index_cast %parallel_loop3A_295 : i32 to index
        %parallel_loop3A_308 = arith.constant 0 : index
        %parallel_loop3A_309 = tpu.vector_load %arg7[%parallel_loop3A_306, %parallel_loop3A_307, %parallel_loop3A_308] {strides = array<i32>} : memref<3x32x256xf32, #tpu.memory_space<vmem>>, vector<16xf32>,
        tpu.vector_store_idx %arg9[%broadcast_in_dim3A_77, %parallel_loop3A_301], %parallel_loop3A_309 {add = true} : memref<8x3072xf32, #tpu.memory_space<vmem>>[vector<16xi32>, vector<16xi32>], vector<16xf32>,
        %parallel_loop3A_310 = arith.constant 2 : i32
        %parallel_loop3A_311 = arith.index_cast %parallel_loop3A_310 : i32 to index
        %parallel_loop3A_312 = arith.index_cast %parallel_loop3A_295 : i32 to index
        %parallel_loop3A_313 = arith.constant 16 : index
        %parallel_loop3A_314 = tpu.vector_load %arg7[%parallel_loop3A_311, %parallel_loop3A_312, %parallel_loop3A_313] {strides = array<i32>} : memref<3x32x256xf32, #tpu.memory_space<vmem>>, vector<16xf32>,
        tpu.vector_store_idx %arg9[%broadcast_in_dim3A_77, %parallel_loop3A_304], %parallel_loop3A_314 {add = true} : memref<8x3072xf32, #tpu.memory_space<vmem>>[vector<16xi32>, vector<16xi32>], vector<16xf32>,
        %parallel_loop3A_315 = arith.constant 2 : i32
        %parallel_loop3A_316 = arith.index_cast %parallel_loop3A_315 : i32 to index
        %parallel_loop3A_317 = arith.index_cast %parallel_loop3A_295 : i32 to index
        %parallel_loop3A_318 = arith.constant 32 : index
        %parallel_loop3A_319 = tpu.vector_load %arg7[%parallel_loop3A_316, %parallel_loop3A_317, %parallel_loop3A_318] {strides = array<i32>} : memref<3x32x256xf32, #tpu.memory_space<vmem>>, vector<16xf32>,
        tpu.vector_store_idx %arg9[%broadcast_in_dim3A_79, %parallel_loop3A_301], %parallel_loop3A_319 {add = true} : memref<8x3072xf32, #tpu.memory_space<vmem>>[vector<16xi32>, vector<16xi32>], vector<16xf32>,
        %parallel_loop3A_320 = arith.constant 2 : i32
        %parallel_loop3A_321 = arith.index_cast %parallel_loop3A_320 : i32 to index
        %parallel_loop3A_322 = arith.index_cast %parallel_loop3A_295 : i32 to index
        %parallel_loop3A_323 = arith.constant 48 : index
        %parallel_loop3A_324 = tpu.vector_load %arg7[%parallel_loop3A_321, %parallel_loop3A_322, %parallel_loop3A_323] {strides = array<i32>} : memref<3x32x256xf32, #tpu.memory_space<vmem>>, vector<16xf32>,
        tpu.vector_store_idx %arg9[%broadcast_in_dim3A_79, %parallel_loop3A_304], %parallel_loop3A_324 {add = true} : memref<8x3072xf32, #tpu.memory_space<vmem>>[vector<16xi32>, vector<16xi32>], vector<16xf32>,
        %parallel_loop3A_325 = arith.constant 2 : i32
        %parallel_loop3A_326 = arith.index_cast %parallel_loop3A_325 : i32 to index
        %parallel_loop3A_327 = arith.index_cast %parallel_loop3A_295 : i32 to index
        %parallel_loop3A_328 = arith.constant 64 : index
        %parallel_loop3A_329 = tpu.vector_load %arg7[%parallel_loop3A_326, %parallel_loop3A_327, %parallel_loop3A_328] {strides = array<i32>} : memref<3x32x256xf32, #tpu.memory_space<vmem>>, vector<16xf32>,
        tpu.vector_store_idx %arg9[%broadcast_in_dim3A_81, %parallel_loop3A_301], %parallel_loop3A_329 {add = true} : memref<8x3072xf32, #tpu.memory_space<vmem>>[vector<16xi32>, vector<16xi32>], vector<16xf32>,
        %parallel_loop3A_330 = arith.constant 2 : i32
        %parallel_loop3A_331 = arith.index_cast %parallel_loop3A_330 : i32 to index
        %parallel_loop3A_332 = arith.index_cast %parallel_loop3A_295 : i32 to index
        %parallel_loop3A_333 = arith.constant 80 : index
        %parallel_loop3A_334 = tpu.vector_load %arg7[%parallel_loop3A_331, %parallel_loop3A_332, %parallel_loop3A_333] {strides = array<i32>} : memref<3x32x256xf32, #tpu.memory_space<vmem>>, vector<16xf32>,
        tpu.vector_store_idx %arg9[%broadcast_in_dim3A_81, %parallel_loop3A_304], %parallel_loop3A_334 {add = true} : memref<8x3072xf32, #tpu.memory_space<vmem>>[vector<16xi32>, vector<16xi32>], vector<16xf32>,
        %parallel_loop3A_335 = arith.constant 2 : i32
        %parallel_loop3A_336 = arith.index_cast %parallel_loop3A_335 : i32 to index
        %parallel_loop3A_337 = arith.index_cast %parallel_loop3A_295 : i32 to index
        %parallel_loop3A_338 = arith.constant 96 : index
        %parallel_loop3A_339 = tpu.vector_load %arg7[%parallel_loop3A_336, %parallel_loop3A_337, %parallel_loop3A_338] {strides = array<i32>} : memref<3x32x256xf32, #tpu.memory_space<vmem>>, vector<16xf32>,
        tpu.vector_store_idx %arg9[%broadcast_in_dim3A_83, %parallel_loop3A_301], %parallel_loop3A_339 {add = true} : memref<8x3072xf32, #tpu.memory_space<vmem>>[vector<16xi32>, vector<16xi32>], vector<16xf32>,
        %parallel_loop3A_340 = arith.constant 2 : i32
        %parallel_loop3A_341 = arith.index_cast %parallel_loop3A_340 : i32 to index
        %parallel_loop3A_342 = arith.index_cast %parallel_loop3A_295 : i32 to index
        %parallel_loop3A_343 = arith.constant 112 : index
        %parallel_loop3A_344 = tpu.vector_load %arg7[%parallel_loop3A_341, %parallel_loop3A_342, %parallel_loop3A_343] {strides = array<i32>} : memref<3x32x256xf32, #tpu.memory_space<vmem>>, vector<16xf32>,
        tpu.vector_store_idx %arg9[%broadcast_in_dim3A_83, %parallel_loop3A_304], %parallel_loop3A_344 {add = true} : memref<8x3072xf32, #tpu.memory_space<vmem>>[vector<16xi32>, vector<16xi32>], vector<16xf32>,
        %parallel_loop3A_345 = arith.constant 2 : i32
        %parallel_loop3A_346 = arith.index_cast %parallel_loop3A_345 : i32 to index
        %parallel_loop3A_347 = arith.index_cast %parallel_loop3A_295 : i32 to index
        %parallel_loop3A_348 = arith.constant 128 : index
        %parallel_loop3A_349 = tpu.vector_load %arg7[%parallel_loop3A_346, %parallel_loop3A_347, %parallel_loop3A_348] {strides = array<i32>} : memref<3x32x256xf32, #tpu.memory_space<vmem>>, vector<16xf32>,
        tpu.vector_store_idx %arg9[%broadcast_in_dim3A_85, %parallel_loop3A_301], %parallel_loop3A_349 {add = true} : memref<8x3072xf32, #tpu.memory_space<vmem>>[vector<16xi32>, vector<16xi32>], vector<16xf32>,
        %parallel_loop3A_350 = arith.constant 2 : i32
        %parallel_loop3A_351 = arith.index_cast %parallel_loop3A_350 : i32 to index
        %parallel_loop3A_352 = arith.index_cast %parallel_loop3A_295 : i32 to index
        %parallel_loop3A_353 = arith.constant 144 : index
        %parallel_loop3A_354 = tpu.vector_load %arg7[%parallel_loop3A_351, %parallel_loop3A_352, %parallel_loop3A_353] {strides = array<i32>} : memref<3x32x256xf32, #tpu.memory_space<vmem>>, vector<16xf32>,
        tpu.vector_store_idx %arg9[%broadcast_in_dim3A_85, %parallel_loop3A_304], %parallel_loop3A_354 {add = true} : memref<8x3072xf32, #tpu.memory_space<vmem>>[vector<16xi32>, vector<16xi32>], vector<16xf32>,
        %parallel_loop3A_355 = arith.constant 2 : i32
        %parallel_loop3A_356 = arith.index_cast %parallel_loop3A_355 : i32 to index
        %parallel_loop3A_357 = arith.index_cast %parallel_loop3A_295 : i32 to index
        %parallel_loop3A_358 = arith.constant 160 : index
        %parallel_loop3A_359 = tpu.vector_load %arg7[%parallel_loop3A_356, %parallel_loop3A_357, %parallel_loop3A_358] {strides = array<i32>} : memref<3x32x256xf32, #tpu.memory_space<vmem>>, vector<16xf32>,
        tpu.vector_store_idx %arg9[%broadcast_in_dim3A_87, %parallel_loop3A_301], %parallel_loop3A_359 {add = true} : memref<8x3072xf32, #tpu.memory_space<vmem>>[vector<16xi32>, vector<16xi32>], vector<16xf32>,
        %parallel_loop3A_360 = arith.constant 2 : i32
        %parallel_loop3A_361 = arith.index_cast %parallel_loop3A_360 : i32 to index
        %parallel_loop3A_362 = arith.index_cast %parallel_loop3A_295 : i32 to index
        %parallel_loop3A_363 = arith.constant 176 : index
        %parallel_loop3A_364 = tpu.vector_load %arg7[%parallel_loop3A_361, %parallel_loop3A_362, %parallel_loop3A_363] {strides = array<i32>} : memref<3x32x256xf32, #tpu.memory_space<vmem>>, vector<16xf32>,
        tpu.vector_store_idx %arg9[%broadcast_in_dim3A_87, %parallel_loop3A_304], %parallel_loop3A_364 {add = true} : memref<8x3072xf32, #tpu.memory_space<vmem>>[vector<16xi32>, vector<16xi32>], vector<16xf32>,
        %parallel_loop3A_365 = arith.constant 2 : i32
        %parallel_loop3A_366 = arith.index_cast %parallel_loop3A_365 : i32 to index
        %parallel_loop3A_367 = arith.index_cast %parallel_loop3A_295 : i32 to index
        %parallel_loop3A_368 = arith.constant 192 : index
        %parallel_loop3A_369 = tpu.vector_load %arg7[%parallel_loop3A_366, %parallel_loop3A_367, %parallel_loop3A_368] {strides = array<i32>} : memref<3x32x256xf32, #tpu.memory_space<vmem>>, vector<16xf32>,
        tpu.vector_store_idx %arg9[%broadcast_in_dim3A_89, %parallel_loop3A_301], %parallel_loop3A_369 {add = true} : memref<8x3072xf32, #tpu.memory_space<vmem>>[vector<16xi32>, vector<16xi32>], vector<16xf32>,
        %parallel_loop3A_370 = arith.constant 2 : i32
        %parallel_loop3A_371 = arith.index_cast %parallel_loop3A_370 : i32 to index
        %parallel_loop3A_372 = arith.index_cast %parallel_loop3A_295 : i32 to index
        %parallel_loop3A_373 = arith.constant 208 : index
        %parallel_loop3A_374 = tpu.vector_load %arg7[%parallel_loop3A_371, %parallel_loop3A_372, %parallel_loop3A_373] {strides = array<i32>} : memref<3x32x256xf32, #tpu.memory_space<vmem>>, vector<16xf32>,
        tpu.vector_store_idx %arg9[%broadcast_in_dim3A_89, %parallel_loop3A_304], %parallel_loop3A_374 {add = true} : memref<8x3072xf32, #tpu.memory_space<vmem>>[vector<16xi32>, vector<16xi32>], vector<16xf32>,
        %parallel_loop3A_375 = arith.constant 2 : i32
        %parallel_loop3A_376 = arith.index_cast %parallel_loop3A_375 : i32 to index
        %parallel_loop3A_377 = arith.index_cast %parallel_loop3A_295 : i32 to index
        %parallel_loop3A_378 = arith.constant 224 : index
        %parallel_loop3A_379 = tpu.vector_load %arg7[%parallel_loop3A_376, %parallel_loop3A_377, %parallel_loop3A_378] {strides = array<i32>} : memref<3x32x256xf32, #tpu.memory_space<vmem>>, vector<16xf32>,
        tpu.vector_store_idx %arg9[%broadcast_in_dim3A_91, %parallel_loop3A_301], %parallel_loop3A_379 {add = true} : memref<8x3072xf32, #tpu.memory_space<vmem>>[vector<16xi32>, vector<16xi32>], vector<16xf32>,
        %parallel_loop3A_380 = arith.constant 2 : i32
        %parallel_loop3A_381 = arith.index_cast %parallel_loop3A_380 : i32 to index
        %parallel_loop3A_382 = arith.index_cast %parallel_loop3A_295 : i32 to index
        %parallel_loop3A_383 = arith.constant 240 : index
        %parallel_loop3A_384 = tpu.vector_load %arg7[%parallel_loop3A_381, %parallel_loop3A_382, %parallel_loop3A_383] {strides = array<i32>} : memref<3x32x256xf32, #tpu.memory_space<vmem>>, vector<16xf32>,
        tpu.vector_store_idx %arg9[%broadcast_in_dim3A_91, %parallel_loop3A_304], %parallel_loop3A_384 {add = true} : memref<8x3072xf32, #tpu.memory_space<vmem>>[vector<16xi32>, vector<16xi32>], vector<16xf32>,
      } {sc.loop_unroll_factor = 1 : i64, sc.parallel_access}
      %dma_start3A_282 = arith.constant 0 : i32
      %dma_start3A_283 = tpu.memref_slice %arg5[%add3A_257, %add3A_35, %dma_start3A_282] : memref<32x256x3072xf32, #tpu.memory_space<hbm>> -> memref<1x8x3072xf32, #tpu.memory_space<hbm>>
      %dma_start3A_284 = tpu.memref_squeeze %dma_start3A_283 : memref<1x8x3072xf32, #tpu.memory_space<hbm>> -> memref<8x3072xf32, #tpu.memory_space<hbm>>
      %dma_start3A_285 = arith.constant 0 : i32
      %dma_start3A_286 = tpu.memref_slice %arg5[%add3A_257, %add3A_35, %dma_start3A_285] : memref<32x256x3072xf32, #tpu.memory_space<hbm>> -> memref<1x8x3072xf32, #tpu.memory_space<hbm>>
      %dma_start3A_287 = tpu.memref_squeeze %dma_start3A_286 : memref<1x8x3072xf32, #tpu.memory_space<hbm>> -> memref<8x3072xf32, #tpu.memory_space<hbm>>
      tpu.enqueue_dma source(%arg9 : memref<8x3072xf32, #tpu.memory_space<vmem>>) target(%dma_start3A_287 : memref<8x3072xf32, #tpu.memory_space<hbm>>) target_semaphore(%arg15 : memref<!tpu.dma_semaphore, #tpu.memory_space<semaphore_mem>>)
      %add3A_288 = arith.constant 2 : i32
      %add3A_289 = arith.addi %add3A_257, %add3A_288 : i32
      %lt3A_290 = arith.constant 32 : i32
      %lt3A_291 = arith.cmpi slt, %add3A_289, %lt3A_290 : i32
      %convert_element_type3A_292 = arith.extui %lt3A_291 : i1 to i32
      %cond3A_293 = arith.constant 0 : i32
      %cond3A_294 = arith.cmpi ne, %convert_element_type3A_292, %cond3A_293 : i32
      scf.if %cond3A_294 {
        %add3A_295 = arith.constant 2 : i32
        %add3A_296 = arith.addi %add3A_257, %add3A_295 : i32
        %dma_start3A_297 = arith.constant 0 : i32
        %dma_start3A_298 = tpu.memref_slice %arg2[%add3A_296, %dma_start3A_297, %mul3A_37, %mul3A_39] : memref<32x3x512x512xf32, #tpu.memory_space<hbm>> -> memref<1x3x32x256xf32, #tpu.memory_space<hbm>>
        %dma_start3A_299 = tpu.memref_squeeze %dma_start3A_298 : memref<1x3x32x256xf32, #tpu.memory_space<hbm>> -> memref<3x32x256xf32, #tpu.memory_space<hbm>>
        %dma_start3A_300 = arith.constant 0 : i32
        %dma_start3A_301 = tpu.memref_slice %arg2[%add3A_296, %dma_start3A_300, %mul3A_37, %mul3A_39] : memref<32x3x512x512xf32, #tpu.memory_space<hbm>> -> memref<1x3x32x256xf32, #tpu.memory_space<hbm>>
        %dma_start3A_302 = tpu.memref_squeeze %dma_start3A_301 : memref<1x3x32x256xf32, #tpu.memory_space<hbm>> -> memref<3x32x256xf32, #tpu.memory_space<hbm>>
        tpu.enqueue_dma source(%dma_start3A_302 : memref<3x32x256xf32, #tpu.memory_space<hbm>>) target(%arg7 : memref<3x32x256xf32, #tpu.memory_space<vmem>>) target_semaphore(%arg13 : memref<!tpu.dma_semaphore, #tpu.memory_space<semaphore_mem>>)
      } else {
      }
    }
    %scan3A_171 = arith.constant 15 : i32
    %dma_wait3A_172 = arith.constant 0 : i32
    %dma_wait3A_173 = arith.constant 0 : i32
    %dma_wait3A_174 = tpu.memref_slice %arg5[%dma_wait3A_172, %add3A_35, %dma_wait3A_173] : memref<32x256x3072xf32, #tpu.memory_space<hbm>> -> memref<1x8x3072xf32, #tpu.memory_space<hbm>>
    %dma_wait3A_175 = tpu.memref_squeeze %dma_wait3A_174 : memref<1x8x3072xf32, #tpu.memory_space<hbm>> -> memref<8x3072xf32, #tpu.memory_space<hbm>>
    %dma_wait3A_176 = arith.constant 0 : i32
    %dma_wait3A_177 = tpu.memref_slice %arg5[%dma_wait3A_172, %add3A_35, %dma_wait3A_176] : memref<32x256x3072xf32, #tpu.memory_space<hbm>> -> memref<1x8x3072xf32, #tpu.memory_space<hbm>>
    %dma_wait3A_178 = tpu.memref_squeeze %dma_wait3A_177 : memref<1x8x3072xf32, #tpu.memory_space<hbm>> -> memref<8x3072xf32, #tpu.memory_space<hbm>>
    tpu.wait_dma2 semaphore(%arg14 : memref<!tpu.dma_semaphore, #tpu.memory_space<semaphore_mem>>) src(%arg8 : memref<8x3072xf32, #tpu.memory_space<vmem>>) dst(%dma_wait3A_178 : memref<8x3072xf32, #tpu.memory_space<hbm>>)
    %dma_wait3A_179 = arith.constant 0 : i32
    %dma_wait3A_180 = arith.constant 0 : i32
    %dma_wait3A_181 = tpu.memref_slice %arg5[%dma_wait3A_179, %add3A_35, %dma_wait3A_180] : memref<32x256x3072xf32, #tpu.memory_space<hbm>> -> memref<1x8x3072xf32, #tpu.memory_space<hbm>>
    %dma_wait3A_182 = tpu.memref_squeeze %dma_wait3A_181 : memref<1x8x3072xf32, #tpu.memory_space<hbm>> -> memref<8x3072xf32, #tpu.memory_space<hbm>>
    %dma_wait3A_183 = arith.constant 0 : i32
    %dma_wait3A_184 = tpu.memref_slice %arg5[%dma_wait3A_179, %add3A_35, %dma_wait3A_183] : memref<32x256x3072xf32, #tpu.memory_space<hbm>> -> memref<1x8x3072xf32, #tpu.memory_space<hbm>>
    %dma_wait3A_185 = tpu.memref_squeeze %dma_wait3A_184 : memref<1x8x3072xf32, #tpu.memory_space<hbm>> -> memref<8x3072xf32, #tpu.memory_space<hbm>>
    tpu.wait_dma2 semaphore(%arg15 : memref<!tpu.dma_semaphore, #tpu.memory_space<semaphore_mem>>) src(%arg9 : memref<8x3072xf32, #tpu.memory_space<vmem>>) dst(%dma_wait3A_185 : memref<8x3072xf32, #tpu.memory_space<hbm>>)
    return
  }
}

</mosaic_0001>

<sc_bundles>
// kernel: kernel.3.cloned.1.call-start
scs
__scs_entry_jumppad:
0x0: {  	(pc) =	sbr.rel $0x88, $3  }
0x1: {  	(tag) =	ssettag $0x0;
	lr =	simm.s32 $0x1  }
0x2: {  	[smem:$0x3F9F] =	sst lr;
	_ =	strace $0xD0000000  }
0x3: {  	_ = 	snop  }
0x4: {  	_ = 	snop  }
0x5: {  	_ = 	snop  }
0x6: {  	_ = 	snop  }
0x7: {  	_ = 	snop  }
__scs_overlays_trampoline_lowered:
0x8: {  	[smem:$0x3FAE] =	sst s0  }
0x9: {  	[smem:$0x3FAF] =	sst s1  }
0xa: {  	[smem:$0x3FB0] =	sst s2  }
0xb: {  	[smem:$0x3FB1] =	sst s3  }
0xc: {  	[smem:$0x3FB2] =	sst s4  }
0xd: {  	[smem:$0x3FB3] =	sst s5  }
0xe: {  	[smem:$0x3FB4] =	sst s6  }
0xf: {  	[smem:$0x3FB5] =	sst s7  }
0x10: {  	[smem:$0x3FB6] =	sst s8  }
0x11: {  	[smem:$0x3FB7] =	sst s9;
	s0 =	simm.s32 @!p0 $0x0  }
0x12: {  	s1 =	sld [smem:$0x3F9D];
	s0 =	simm.s32 @p0 $0x1  }
0x13: {  	[smem:$0x3FB8] =	sst s0;
	s0 =	simm.s32 @!p1 $0x0  }
0x14: {  	s2 =	sld [smem:$0x3F9C];
	s0 =	simm.s32 @p1 $0x1  }
0x15: {  	[smem:$0x3FB9] =	sst s0;
	s0 =	simm.s32 @!p2 $0x0  }
0x16: {  	s3 =	sld [smem:$0x3FDB];
	s0 =	simm.s32 @p2 $0x1  }
0x17: {  	s4 =	simm.s32 $0x1BF5;
	[smem:$0x3FBB] =	sst s0  }
0x18: {  	s0 =	sld [smem:$0x3F9E];
	_ =	swait.ge [sflag:s4], $0x0  }
0x19: {  	s7 =	sld [smem:$0x3F9F]  }
0x1a: {  	s8 =	sadd.s32 $0xFFFFE003, lr  }
0x1b: {  	s9 =	sadd.s32 $0xFFFFFEF7, lr;
	s5 =	simm.s32 $0xFFFFFFFF;
	p2 =	slt.u32 s8, $0xFFFFF086  }
0x1c: {  	p1 =	slt.u32 s9, $0xF7A;
	s5 =	simm.s32 @!p2 $0x0  }
0x1d: {  	s5 =	simm.s32 @p1 $0x1;
	p0 =	seq.s32 s7, s2  }
0x1e: {  	s7 =	smul.u32 @!p0 $0xF7A, s2;
	p2 =	seq.s32 @!p0 s5, $0x0  }
0x1f: {  	s9 =	smul.u32 $0xF7A, s1;
	s8 =	simm.s32 @!p0 $0x1BF5;
	p2 =	por !p2, p0  }
0x20: {  	[sflag:s8] =	ssyncset.s32 @!p0 $0xFFFFF086;
	s6 =	sadd.s32 @!p0 s3, s7;
	s7 =	simm.s32 @!p0 $0x108  }
0x21: {  	s3 =	sadd.s32 s3, s9;
	s6 =	sadd.s32 @!p0 $0x88, s6;
	s7 =	simm.s32 @p2 $0x1082  }
0x22: {  	[simem:s7], [sflag:s8] =	dma.local @!p0 [hbm:s6], $0xF7A  }
0x23: {  	s9 =	sor.u32 $0xD0000000, s2;
	s6 =	simm.s32 $0x108;
	_ =	swait.ge @!p0 [sflag:s8], $0x0  }
0x24: {  	s3 =	sadd.s32 $0x88, s3;
	s6 =	simm.s32 @!p1 $0x1082;
	[sflag:s4] =	ssyncset.s32 $0xFFFFF086  }
0x25: {  	[simem:s6], [sflag:s4] =	dma.local [hbm:s3], $0xF7A  }
0x26: {  	[smem:$0x3F9F] =	sst s1;
	(tag) =	ssettag s2;
	_ =	strace s9  }
0x27: {  	s1 =	sld [smem:$0x3FAF]  }
0x28: {  	s2 =	sld [smem:$0x3FB0]  }
0x29: {  	s4 =	sld [smem:$0x3FB2]  }
0x2a: {  	p0 =	seq.s32 s5, $0x0;
	s5 =	sld [smem:$0x3FB3]  }
0x2b: {  	s6 =	sld [smem:$0x3FB4]  }
0x2c: {  	s7 =	sld [smem:$0x3FB5]  }
0x2d: {  	s3 =	simm.s32 $0x108;
	s8 =	sld [smem:$0x3FB6]  }
0x2e: {  	s3 =	simm.s32 @!p0 $0x1082;
	s9 =	sld [smem:$0x3FB7]  }
0x2f: {  	lr =	sadd.s32 s0, s3;
	s0 =	sld [smem:$0x3FAE]  }
0x30: {  	s3 =	sld [smem:$0x3FB1]  }
0x31: {  	[smem:$0x3FBA] =	sst s10  }
0x32: {  	s10 =	sld [smem:$0x3FB8];
	_ =	sdelay $0x3  }
0x33: {  	p0 =	seq.s32 s10, $0x1;
	s10 =	sld [smem:$0x3FBA];
	_ =	sdelay $0x3  }
0x34: {  	[smem:$0x3FBA] =	sst s10  }
0x35: {  	s10 =	sld [smem:$0x3FB9];
	_ =	sdelay $0x3  }
0x36: {  	p1 =	seq.s32 s10, $0x1;
	s10 =	sld [smem:$0x3FBA];
	_ =	sdelay $0x3  }
0x37: {  	[smem:$0x3FBA] =	sst s10  }
0x38: {  	s10 =	sld [smem:$0x3FBB]  }
0x39: {  	_ = 	snop;
	(pc) =	sbr.ind lr, $3  }
0x3a: {  	_ = 	snop  }
0x3b: {  	_ = 	snop  }
0x3c: {  	p2 =	seq.s32 s10, $0x1;
	s10 =	sld [smem:$0x3FBA]  }
0x3d: {  	_ =	shalt  }
0x3e: {  	_ =	shalt  }
0x3f: {  	_ =	shalt  }
0x40: {  	_ =	shalt  }
0x41: {  	_ =	shalt  }
0x42: {  	_ =	shalt  }
0x43: {  	_ =	shalt  }
0x44: {  	_ =	shalt  }
0x45: {  	_ =	shalt  }
0x46: {  	_ =	shalt  }
0x47: {  	_ =	shalt  }
0x48: {  	_ =	shalt  }
0x49: {  	_ =	shalt  }
0x4a: {  	_ =	shalt  }
0x4b: {  	_ =	shalt  }
0x4c: {  	_ =	shalt  }
0x4d: {  	_ =	shalt  }
0x4e: {  	_ =	shalt  }
0x4f: {  	_ =	shalt  }
0x50: {  	_ =	shalt  }
0x51: {  	_ =	shalt  }
0x52: {  	_ =	shalt  }
0x53: {  	_ =	shalt  }
0x54: {  	_ =	shalt  }
0x55: {  	_ =	shalt  }
0x56: {  	_ =	shalt  }
0x57: {  	_ =	shalt  }
0x58: {  	_ =	shalt  }
0x59: {  	_ =	shalt  }
0x5a: {  	_ =	shalt  }
0x5b: {  	_ =	shalt  }
0x5c: {  	_ =	shalt  }
0x5d: {  	_ =	shalt  }
0x5e: {  	_ =	shalt  }
0x5f: {  	_ =	shalt  }
0x60: {  	_ =	shalt  }
0x61: {  	_ =	shalt  }
0x62: {  	_ =	shalt  }
0x63: {  	_ =	shalt  }
0x64: {  	_ =	shalt  }
0x65: {  	_ =	shalt  }
0x66: {  	_ =	shalt  }
0x67: {  	_ =	shalt  }
0x68: {  	_ =	shalt  }
0x69: {  	_ =	shalt  }
0x6a: {  	_ =	shalt  }
0x6b: {  	_ =	shalt  }
0x6c: {  	_ =	shalt  }
0x6d: {  	_ =	shalt  }
0x6e: {  	_ =	shalt  }
0x6f: {  	_ =	shalt  }
0x70: {  	_ =	shalt  }
0x71: {  	_ =	shalt  }
0x72: {  	_ =	shalt  }
0x73: {  	_ =	shalt  }
0x74: {  	_ =	shalt  }
0x75: {  	_ =	shalt  }
0x76: {  	_ =	shalt  }
0x77: {  	_ =	shalt  }
0x78: {  	_ =	shalt  }
0x79: {  	_ =	shalt  }
0x7a: {  	_ =	shalt  }
0x7b: {  	_ =	shalt  }
0x7c: {  	_ =	shalt  }
0x7d: {  	_ =	shalt  }
0x7e: {  	_ =	shalt  }
0x7f: {  	_ =	shalt  }
0x80: {  	_ =	shalt  }
0x81: {  	_ =	shalt  }
0x82: {  	_ =	shalt  }
0x83: {  	_ =	shalt  }
0x84: {  	_ =	shalt  }
0x85: {  	_ =	shalt  }
0x86: {  	_ =	shalt  }
0x87: {  	_ =	shalt  }
.Lfunc_end0:
.L_simem_size_0:
called_computation_lowered:
.L_overlay_start_0:
0x88: {  	s2 =	sld [smem:$0x3FD9]  }
0x89: {  	s3 =	sld [smem:$0x3FFE];
	_ =	sdelay $0x1  }
0x8a: {  	s1 =	srdreg.scid  }
0x8b: {  	s0 =	sand.u32 $0x1, s1  }
0x8c: {  	s17 =	sshll.u32 s0, $0xA;
	s2 =	sadd.s32 s3, s2  }
0x8d: {  	s2 =	sadd.s32 s2, s17  }
0x8e: {  	[smem:$0x3FC6] =	sst s2  }
0x8f: {  	_ = 	snop  }
0x90: {  	s2 =	sld [smem:$0x3FC9]  }
0x91: {  	s18 =	sld [smem:$0x3FD0];
	(tm) =	ssettm $0x1  }
0x92: {  	s4 =	sld [smem:$0x3FFB];
	_ =	sdelay $0x3  }
0x93: {  	_ =	strace s4  }
0x94: {  	s4 =	sld [smem:$0x3FFC];
	_ =	sdelay $0x3  }
0x95: {  	_ =	strace s4  }
0x96: {  	s4 =	sld [smem:$0x3FFD];
	_ =	sdelay $0x3  }
0x97: {  	_ =	strace s4  }
0x98: {  	_ =	strace $0x8FFFFFFF  }
0x99: {  	s19 =	sld [smem:$0x3FDB];
	_ =	sdelay $0x1  }
0x9a: {  	s5 =	simm.s32 $_scs_section_size  }
0x9b: {  	s6 =	simm.s32 $_size__tile_overlayer_lowered;
	s7 =	simm.s32 $_tile_overlayer_lowered  }
0x9c: {  	s22 =	simm.s32 $0x1BFF;
	s21 =	sshll.u32 s7, $0x1;
	s4 =	sadd.s32 s5, s19  }
0x9d: {  	s8 =	simm.s32 $0x0;
	s20 =	sshll.u32 s6, $0x1;
	s6 =	sadd.s32 s21, s4  }
0x9e: {  	[timem:s8], [sflag:s22] =	dma.local [hbm:s6], s20  }
0x9f: {  	_ =	swait.ge [sflag:s22], s20  }
0xa0: {  	s5 =	ssub.s32 $0x0, s20;
	[sflag:s22] =	ssyncset.done $0x0  }
0xa1: {  	[sflag:s22] =	ssyncadd.s32 s5;
	_ =	sdelay $0x1  }
0xa2: {  	s23 =	simm.s32 $0x1B8B  }
0xa3: {  	_ =	swait.ge [sflag:s23], $0x1  }
0xa4: {  	[sflag:s23] =	ssyncset.done $0x0  }
0xa5: {  	s25 =	simm.s32 $0x1B8E;
	s24 =	sld [smem:$0x3FFE];
	[sflag:s23] =	ssyncadd.s32 $0xFFFFFFFF  }
0xa6: {  	s26 =	simm.s32 $execute0_lowered;
	[smem:$0x3FD2] =	sst s25  }
0xa7: {  	s6 =	sshll.u32 s26, $0x1;
	_ =	strace $0x80000046;
	[dreg:$0x1] =	wrdreg $0xFFFFFFFF  }
0xa8: {  	s28 =	simm.s32 $_size_execute0_lowered;
	s4 =	sadd.s32 s4, s6;
	[dreg:$0x0] =	wrdreg $0x0  }
0xa9: {  	s6 =	sshll.u32 s28, $0x1;
	[dreg:$0x2] =	wrdreg s4  }
0xaa: {  	[dreg:$0x3] =	wrdreg s6  }
0xab: {  	[dreg:$0x4] =	wrdreg $0xC0  }
0xac: {  	_ =	task [dreg:s8], $0x5FFFF  }
0xad: {  	[dreg:$0x1] =	wrdreg $0xFFFFFFFF  }
0xae: {  	[dreg:$0x0] =	wrdreg $0x60  }
0xaf: {  	[dreg:$0x2] =	wrdreg s2  }
0xb0: {  	[dreg:$0x3] =	wrdreg s24  }
0xb1: {  	[dreg:$0x4] =	wrdreg s18  }
0xb2: {  	[dreg:$0x5] =	wrdreg $0x180000  }
0xb3: {  	[dreg:$0x6] =	wrdreg $0x9  }
0xb4: {  	_ =	task.clear_ibuf [dreg:s8], $0x7FFFF;
	_ =	strace $0x90000046  }
0xb5: {  	s29 =	simm.s32 $0x9;
	_ =	strace $0x80000048  }
0xb6: {  	_ =	swait.ge [sflag:s29], $0x1  }
0xb7: {  	[sflag:s29] =	ssyncadd.s32 $0xFFFFFFFF  }
0xb8: {  	_ =	strace $0x90000048  }
0xb9: {  	_ =	sfence  }
0xba: {  	s30 =	sld [smem:$0x0];
	_ =	sdelay $0x2  }
0xbb: {  	s31 =	sshll.u32 s1, $0xD;
	s1 =	sshrl.u32 s1, $0x2  }
0xbc: {  	s3 =	sand.u32 $0x4000, s31;
	s1 =	sadd.s32 s1, s30  }
0xbd: {  	s0 =	sor.u32 s3, s0;
	s1 =	sshll.u32 s1, $0x11  }
0xbe: {  	s0 =	sor.u32 s1, s0  }
0xbf: {  	s0 =	sadd.s32 $0x8F2B, s0  }
0xc0: {  	[sflag:s0] =	ssyncadd.remote.s32 $0x1  }
0xc1: {  	_ =	sfence.sel $0xFFFF  }
0xc2: {  	[dreg:$0x0] =	wrdreg $0xFFFFFFFF;
	(pc) =	sbr.abs _section_cstart, $3  }
0xc3: {  	[dreg:$0x1] =	wrdreg $0xFFFFFFFF  }
0xc4: {  	_ =	task.clear_ibuf [dreg:s8], $0x2FFFF;
	_ =	strace $0x9FFFFFFF  }
0xc5: {  	(tm) =	ssettm $0x7FFFFFFF  }
tec
execute0_lowered:
.L_overlay_start_1:
0x0: {  	(tag) =	ssettag $0x1  }
0x1: {  	s1 =	rddreg [dreg:$0x0]  }
0x2: {  	s5 =	rddreg [dreg:$0x1]  }
0x3: {  	s0 =	srdreg.scid;
	s3 =	rddreg [dreg:$0x2]  }
0x4: {  	s12 =	stileid.u32;
	s14 =	rddreg [dreg:$0x3]  }
0x5: {  	s6 =	simm.s32 $0x1;
	s4 =	simm.s32 $0x0;
	s31 =	simm.s32 $0x1  }
0x6: {  	s28 =	simm.s32 $0x3;
	s30 =	simm.s32 $0x4;
	s0 =	sand.u32 $0x1, s0  }
0x7: {  	[smem:$0x7FF] =	sst s4;
	s8 =	sadd.s32 $0x400, s5;
	s19 =	sadd.s32 $0x500, s5  }
0x8: {  	s20 =	sadd.s32 $0x600, s5;
	_ =	strace $0x80000047;
	[dreg:$0x5] =	wrdreg s8  }
0x9: {  	s21 =	sadd.s32 $0x700, s5;
	s22 =	sadd.s32 $0x800, s5;
	[dreg:$0x9] =	wrdreg s19  }
0xa: {  	s23 =	sadd.s32 $0x900, s5;
	s24 =	sadd.s32 $0xA00, s5;
	[dreg:$0xa] =	wrdreg s20  }
0xb: {  	s25 =	smul.u32 $0x18000, s12;
	s2 =	sor.u32 s0, s12;
	[dreg:$0xb] =	wrdreg s21  }
0xc: {  	p1 =	seq.s32 s0, $0x1;
	[dreg:$0xc] =	wrdreg s22;
	p0 =	seq.s32 s2, $0x0  }
0xd: {  	s26 =	sadd.s32 $0xB00, s5;
	[dreg:$0xd] =	wrdreg s23;
	p0 =	por !p0, !p1  }
0xe: {  	s29 =	sadd.s32 $0xC00, s5;
	[dreg:$0xe] =	wrdreg s24;
	p0 =	por !p0, !p0  }
0xf: {  	s15 =	sshll.u32 s0, $0xB;
	[dreg:$0xf] =	wrdreg s26;
	s6 =	simm.s32 @!p0 $0x0  }
0x10: {  	[dreg:$0x10] =	wrdreg s29;
	s13 =	sshrl.u32 s25, $0x2;
	s6 =	ssub.s32 s12, s6  }
0x11: {  	s21 =	sadd.s32 s13, s14;
	s12 =	sadd.s32 $0xE00, s5;
	s7 =	sshll.u32 s6, $0x1  }
0x12: {  	s6 =	sshll.u32 s6, $0xE;
	[dreg:$0x12] =	wrdreg s12;
	s7 =	sand.u32 $0x1FFFFFFE, s7  }
0x13: {  	s6 =	sor.u32 s15, s6;
	s7 =	sor.u32 s0, s7;
	s0 =	ssub.s32 $0x2, s0  }
0x14: {  	s10 =	sshrl.u32 s6, $0x3;
	s11 =	sadd.s32 $0xC0000, s6;
	s23 =	sadd.s32 $0x180000, s6  }
0x15: {  	s25 =	sadd.s32 $0x240000, s6;
	s9 =	sadd.s32 s7, s5;
	s16 =	sshrl.u32 s0, $0x1  }
0x16: {  	s10 =	sadd.s32 s1, s10;
	s17 =	sshrl.u32 s11, $0x3;
	s15 =	sshrl.u32 s23, $0x3  }
0x17: {  	s19 =	sshrl.u32 s25, $0x3;
	s18 =	sadd.s32 $0xA000, s9;
	[dreg:$0x6] =	wrdreg s10  }
0x18: {  	s0 =	ssub.s32 s0, s16;
	s9 =	sadd.s32 $0xD00, s5;
	[dreg:$0x8] =	wrdreg s18  }
0x19: {  	s11 =	sadd.s32 s1, s17;
	s5 =	sadd.s32 $0xF00, s5;
	[dreg:$0x11] =	wrdreg s9  }
0x1a: {  	s17 =	smul.u32 $0x6000, s7;
	s20 =	sadd.s32 $0x8000, s10;
	[dreg:$0x13] =	wrdreg s5  }
0x1b: {  	s22 =	sadd.s32 $0x10000, s10;
	s10 =	simm.s32 $0x1000;
	[dreg:$0x19] =	wrdreg s20  }
0x1c: {  	s0 =	smax.u32 s0, $0x1;
	[dreg:$0x1a] =	wrdreg s22;
	s26 =	sadd.s32 $0x8000, s11  }
0x1d: {  	[dreg:$0x7] =	wrdreg s11;
	s29 =	sadd.s32 $0x10000, s11;
	s9 =	simm.s32 $0x800  }
0x1e: {  	s20 =	simm.s32 $0x2;
	s22 =	simm.s32 $0x6;
	[dreg:$0x18] =	wrdreg s0  }
0x1f: {  	s14 =	sshrl.u32 s17, $0x3;
	s24 =	sadd.s32 $0xC0000, s17;
	[dreg:$0x1b] =	wrdreg s26  }
.Ltmp0:
0x20: {  	[dreg:$0x1c] =	wrdreg s29;
	s2 =	sadd.s32 s3, s14;
	(pc) =	sbr.rel .LBB2_1-.Ltmp0, $4  }
0x21: {  	v2 =	vlaneseq.u32;
	s16 =	sshrl.u32 s24, $0x3;
	[dreg:$0x14] =	wrdreg s2;
	s2 =	sadd.s32 s1, s15  }
0x22: {  	v0 =	vmul.u32 $0x3, v2;
	s18 =	sadd.s32 s3, s16;
	s15 =	simm.s32 $0xC000;
	[dreg:$0x15] =	wrdreg s2  }
0x23: {  	v1 =	vand.u32 $0x7, v2;
	v2 =	vshrl.u32 v2, $0x3;
	[dreg:$0x16] =	wrdreg s18;
	s2 =	sadd.s32 s1, s19;
	s18 =	simm.s32 $0x12000  }
0x24: {  	vm0 =	vmmov $0xffff;
	v2 =	vmul.u32 $0x8, v2;
	v3 =	vadd.s32 $0x30, v0;
	s19 =	simm.s32 $0x5;
	[dreg:$0x17] =	wrdreg s2;
	s2 =	simm.s32 $0x0  }
.LBB2_28:
0x25: {  	_ =	swait.ge [sflag:s28], $0x6000  }
0x26: {  	[sflag:s28] =	ssyncset.done $0x0  }
0x27: {  	[sflag:s28] =	ssyncadd.s32 $0xFFFFA000  }
0x28: {  	_ =	swait.ge [sflag:s30], $0x6000  }
0x29: {  	s2 =	rddreg [dreg:$0x1d]  }
0x2a: {  	s0 =	rddreg [dreg:$0x18];
	s2 =	sadd.s32 $0x1, s2  }
0x2b: {  	p0 =	sne.s32 s2, s0  }
.Ltmp1:
0x2c: {  	_ = 	snop;
	(pc) =	sbr.rel @!p0 .LBB2_29-.Ltmp1, $3  }
0x2d: {  	_ =	sdelay $0x1  }
0x2e: {  	[sflag:s30] =	ssyncset.done $0x0  }
0x2f: {  	[sflag:s30] =	ssyncadd.s32 $0xFFFFA000  }
.LBB2_1:
0x30: {  	[dreg:$0x1d] =	wrdreg s2  }
0x31: {  	s0 =	rddreg [dreg:$0x6]  }
0x32: {  	[tilespmem:s4], [sflag:$0x1] =	stream.strided.gather [hbm4b:s0+s9], $0x2000, s10, s9, $0x38;
	[tilespmem:$0x1E080] =	vst v63  }
0x33: {  	s6 =	rddreg [dreg:$0x19];
	s7 =	simm.s32 $0x2000  }
0x34: {  	[tilespmem:s7], [sflag:$0x1] =	stream.strided.gather [hbm4b:s6+s9], $0x2000, s10, s9, $0x38;
	[tilespmem:$0x1E080] =	vst v63  }
0x35: {  	s8 =	rddreg [dreg:$0x1a];
	s11 =	simm.s32 $0x4000  }
0x36: {  	[tilespmem:s11], [sflag:$0x1] =	stream.strided.gather [hbm4b:s8+s9], $0x2000, s10, s9, $0x38;
	[tilespmem:$0x1E080] =	vst v63  }
0x37: {  	s12 =	rddreg [dreg:$0x7];
	s13 =	simm.s32 $0x6000  }
0x38: {  	[tilespmem:s13], [sflag:$0x2] =	stream.strided.gather [hbm4b:s12+s9], $0x2000, s10, s9, $0x38;
	[tilespmem:$0x1E080] =	vst v63  }
0x39: {  	s14 =	rddreg [dreg:$0x1b];
	s16 =	simm.s32 $0x8000  }
0x3a: {  	[tilespmem:s16], [sflag:$0x2] =	stream.strided.gather [hbm4b:s14+s9], $0x2000, s10, s9, $0x38;
	[tilespmem:$0x1E080] =	vst v63  }
0x3b: {  	s26 =	rddreg [dreg:$0x1c];
	s29 =	simm.s32 $0xA000  }
0x3c: {  	[tilespmem:s29], [sflag:$0x2] =	stream.strided.gather [hbm4b:s26+s9], $0x2000, s10, s9, $0x38;
	[tilespmem:$0x1E080] =	vst v63  }
0x3d: {  	s2 =	rddreg [dreg:$0x8];
	s5 =	simm.s32 $0x1E000  }
0x3e: {  	[tilespmem:s5], [sflag:$0x8] =	stream.linear.gather [hbm4b:s2+s4], $0x8, $0x38;
	[tilespmem:$0x1E080] =	vst v63  }
0x3f: {  	s2 =	simm.s32 $0x8  }
0x40: {  	_ =	swait.ge [sflag:s2], $0x8  }
0x41: {  	[sflag:s2] =	ssyncset.done $0x0  }
0x42: {  	[sflag:s2] =	ssyncadd.s32 $0xFFFFFFF8  }
0x43: {  	v4 =	vld.msk [tilespmem:$0x1E000], $0xff;
	_ =	sdelay $0x4  }
0x44: {  	v5 =	vshrl.u32 v4, $0x3  }
0x45: {  	v5 =	vmul.u32 $0xC0, v5  }
0x46: {  	v4 =	vand.u32 $0x7, v4  }
0x47: {  	v4 =	vor.u32 v4, v5  }
0x48: {  	v4 =	vperm.xlane v4, v1;
	_ =	sdelay $0x1  }
0x49: {  	v4 =	vadd.s32 v2, v4;
	_ =	sdelay $0x3  }
0x4a: {  	s6 =	rddreg [dreg:$0x5]  }
0x4b: {  	[tilespmem:s15], [sflag:$0x7] =	stream.indirect_vreg.gather [hbm4b:s6+s4], $0x80, v4, vm0, $0xb8;
	[tilespmem:$0x1E080] =	vst v63  }
0x4c: {  	s5 =	simm.s32 $0xC800;
	s7 =	rddreg [dreg:$0x9]  }
0x4d: {  	[tilespmem:s5], [sflag:$0x7] =	stream.indirect_vreg.gather [hbm4b:s7+s4], $0x80, v4, vm0, $0xb8;
	[tilespmem:$0x1E080] =	vst v63  }
0x4e: {  	s11 =	simm.s32 $0xD000;
	s8 =	rddreg [dreg:$0xa]  }
0x4f: {  	[tilespmem:s11], [sflag:$0x7] =	stream.indirect_vreg.gather [hbm4b:s8+s4], $0x80, v4, vm0, $0xb8;
	[tilespmem:$0x1E080] =	vst v63  }
0x50: {  	s13 =	simm.s32 $0xD800;
	s12 =	rddreg [dreg:$0xb]  }
0x51: {  	[tilespmem:s13], [sflag:$0x7] =	stream.indirect_vreg.gather [hbm4b:s12+s4], $0x80, v4, vm0, $0xb8;
	[tilespmem:$0x1E080] =	vst v63  }
0x52: {  	s16 =	simm.s32 $0xE000;
	s14 =	rddreg [dreg:$0xc]  }
0x53: {  	[tilespmem:s16], [sflag:$0x7] =	stream.indirect_vreg.gather [hbm4b:s14+s4], $0x80, v4, vm0, $0xb8;
	[tilespmem:$0x1E080] =	vst v63  }
0x54: {  	s29 =	simm.s32 $0xE800;
	s26 =	rddreg [dreg:$0xd]  }
0x55: {  	[tilespmem:s29], [sflag:$0x7] =	stream.indirect_vreg.gather [hbm4b:s26+s4], $0x80, v4, vm0, $0xb8;
	[tilespmem:$0x1E080] =	vst v63  }
0x56: {  	s6 =	rddreg [dreg:$0xe];
	s7 =	simm.s32 $0xF000  }
0x57: {  	[tilespmem:s7], [sflag:$0x7] =	stream.indirect_vreg.gather [hbm4b:s6+s4], $0x80, v4, vm0, $0xb8;
	[tilespmem:$0x1E080] =	vst v63  }
0x58: {  	s8 =	rddreg [dreg:$0xf];
	s11 =	simm.s32 $0xF800  }
0x59: {  	[tilespmem:s11], [sflag:$0x7] =	stream.indirect_vreg.gather [hbm4b:s8+s4], $0x80, v4, vm0, $0xb8;
	[tilespmem:$0x1E080] =	vst v63  }
0x5a: {  	s12 =	rddreg [dreg:$0x10];
	s13 =	simm.s32 $0x10000  }
0x5b: {  	[tilespmem:s13], [sflag:$0x7] =	stream.indirect_vreg.gather [hbm4b:s12+s4], $0x80, v4, vm0, $0xb8;
	[tilespmem:$0x1E080] =	vst v63  }
0x5c: {  	s14 =	rddreg [dreg:$0x11];
	s16 =	simm.s32 $0x10800  }
0x5d: {  	[tilespmem:s16], [sflag:$0x7] =	stream.indirect_vreg.gather [hbm4b:s14+s4], $0x80, v4, vm0, $0xb8;
	[tilespmem:$0x1E080] =	vst v63  }
0x5e: {  	s26 =	rddreg [dreg:$0x12];
	s29 =	simm.s32 $0x11000  }
0x5f: {  	[tilespmem:s29], [sflag:$0x7] =	stream.indirect_vreg.gather [hbm4b:s26+s4], $0x80, v4, vm0, $0xb8;
	[tilespmem:$0x1E080] =	vst v63  }
0x60: {  	s6 =	rddreg [dreg:$0x13];
	s7 =	simm.s32 $0x11800;
	s8 =	simm.s32 $0x7  }
0x61: {  	[tilespmem:s7], [sflag:$0x7] =	stream.indirect_vreg.gather [hbm4b:s6+s4], $0x80, v4, vm0, $0xb8;
	[tilespmem:$0x1E080] =	vst v63  }
0x62: {  	_ =	swait.ge [sflag:s8], $0x6000  }
0x63: {  	[sflag:s8] =	ssyncset.done $0x0  }
0x64: {  	[sflag:s8] =	ssyncadd.s32 $0xFFFFA000  }
0x65: {  	[spmem:s21] =	stream.linear.scatter [tilespmem:s15], [sflag:$0x8], $0x6000, $0x38;
	[tilespmem:$0x1E080] =	vst v63  }
0x66: {  	_ =	swait.ge [sflag:s2], $0x6000  }
0x67: {  	[sflag:s2] =	ssyncset.done $0x0  }
0x68: {  	[sflag:s2] =	ssyncadd.s32 $0xFFFFA000  }
0x69: {  	[tilespmem:s15], [sflag:$0x5] =	stream.linear.gather [spmem:s21], $0x6000, $0x38;
	[tilespmem:$0x1E080] =	vst v63  }
0x6a: {  	_ = 	snop  }
0x6b: {  	[tilespmem:s18], [sflag:$0x6] =	stream.linear.gather [spmem:s21], $0x6000, $0x38;
	[tilespmem:$0x1E080] =	vst v63  }
0x6c: {  	_ =	swait.ge [sflag:s31], $0x6000  }
0x6d: {  	[sflag:s31] =	ssyncset.done $0x0  }
0x6e: {  	[sflag:s31] =	ssyncadd.s32 $0xFFFFA000  }
0x6f: {  	v4 =	vadd.s32 s4, v0;
	_ =	swait.ge [sflag:s19], $0x6000  }
0x70: {  	s11 =	sand.u32 $0x1800, s4;
	s12 =	sand.u32 $0x380, s4;
	v5 =	vshll.u32 v4, $0x3;
	[sflag:s19] =	ssyncset.done $0x0  }
0x71: {  	s6 =	sor.u32 s12, s11;
	v4 =	vand.u32 $0x7F, v4;
	v5 =	vand.u32 $0xFC00, v5;
	[sflag:s19] =	ssyncadd.s32 $0xFFFFA000  }
0x72: {  	v8 =	vor.u32 v4, v5;
	v6 =	vld [tilespmem:s6+$0x0];
	_ =	sdelay $0x2  }
0x73: {  	v4 =	vadd.s32 s4, v3  }
0x74: {  	v5 =	vshll.u32 v4, $0x3  }
0x75: {  	v4 =	vand.u32 $0x7F, v4;
	v5 =	vand.u32 $0xFC00, v5;
	[tilespmem:v8+s15+$0x0] =	vst.idx.add.f32.msk $0xffff, v6  }
0x76: {  	v9 =	vor.u32 v4, v5;
	v6 =	vld [tilespmem:s6+$0x10];
	_ =	sdelay $0x4  }
0x77: {  	[tilespmem:v9+s15+$0x0] =	vst.idx.add.f32.msk $0xffff, v6  }
0x78: {  	v5 =	vor.u32 $0x80, v8;
	v4 =	vld [tilespmem:s6+$0x20];
	_ =	sdelay $0x4  }
0x79: {  	[tilespmem:v5+s15+$0x0] =	vst.idx.add.f32.msk $0xffff, v4  }
0x7a: {  	v5 =	vor.u32 $0x80, v9;
	v4 =	vld [tilespmem:s6+$0x30];
	_ =	sdelay $0x4  }
0x7b: {  	[tilespmem:v5+s15+$0x0] =	vst.idx.add.f32.msk $0xffff, v4  }
0x7c: {  	v5 =	vor.u32 $0x100, v8;
	v4 =	vld [tilespmem:s6+$0x40];
	_ =	sdelay $0x3  }
0x7d: {  	s13 =	simm.s32 $0x60  }
0x7e: {  	s14 =	simm.s32 $0x80;
	s16 =	simm.s32 $0x100;
	v6 =	vadd.s32 s13, v0;
	[tilespmem:v5+s15+$0x0] =	vst.idx.add.f32.msk $0xffff, v4  }
0x7f: {  	s5 =	sand.u32 $0x1800, s16;
	s0 =	sand.u32 $0x380, s14;
	v10 =	vor.u32 $0x100, v9;
	v4 =	vshll.u32 v6, $0x3;
	v7 =	vld [tilespmem:s6+$0x50]  }
0x80: {  	s0 =	sor.u32 s0, s5;
	v5 =	vand.u32 $0x7F, v6;
	v4 =	vand.u32 $0xFC00, v4  }
0x81: {  	v6 =	vld [tilespmem:s0+$0x0];
	v5 =	vor.u32 v5, v4;
	_ =	sdelay $0x2  }
0x82: {  	v4 =	vadd.s32 s13, v3;
	[tilespmem:v10+s15+$0x0] =	vst.idx.add.f32.msk $0xffff, v7  }
0x83: {  	v11 =	vor.u32 $0x180, v8;
	v7 =	vshll.u32 v4, $0x3;
	v10 =	vld [tilespmem:s6+$0x60]  }
0x84: {  	v4 =	vand.u32 $0x7F, v4;
	[tilespmem:v5+s15+$0x0] =	vst.idx.add.f32.msk $0xffff, v6;
	v6 =	vand.u32 $0xFC00, v7  }
0x85: {  	v7 =	vld [tilespmem:s0+$0x10];
	v4 =	vor.u32 v4, v6;
	_ =	sdelay $0x2  }
0x86: {  	[tilespmem:v11+s15+$0x0] =	vst.idx.add.f32.msk $0xffff, v10  }
0x87: {  	v10 =	vor.u32 $0x180, v9;
	v6 =	vld [tilespmem:s6+$0x70]  }
0x88: {  	[tilespmem:v4+s15+$0x0] =	vst.idx.add.f32.msk $0xffff, v7  }
0x89: {  	v11 =	vor.u32 $0x80, v5;
	v7 =	vld [tilespmem:s0+$0x20];
	_ =	sdelay $0x2  }
0x8a: {  	[tilespmem:v10+s15+$0x0] =	vst.idx.add.f32.msk $0xffff, v6  }
0x8b: {  	v10 =	vor.u32 $0x200, v8;
	v6 =	vld [tilespmem:s6+$0x400]  }
0x8c: {  	[tilespmem:v11+s15+$0x0] =	vst.idx.add.f32.msk $0xffff, v7  }
0x8d: {  	v11 =	vor.u32 $0x80, v4;
	v7 =	vld [tilespmem:s0+$0x30];
	_ =	sdelay $0x2  }
0x8e: {  	[tilespmem:v10+s15+$0x0] =	vst.idx.add.f32.msk $0xffff, v6  }
0x8f: {  	v10 =	vor.u32 $0x200, v9;
	v6 =	vld [tilespmem:s6+$0x410]  }
0x90: {  	[tilespmem:v11+s15+$0x0] =	vst.idx.add.f32.msk $0xffff, v7  }
0x91: {  	v11 =	vor.u32 $0x100, v5;
	v7 =	vld [tilespmem:s0+$0x40];
	_ =	sdelay $0x2  }
0x92: {  	[tilespmem:v10+s15+$0x0] =	vst.idx.add.f32.msk $0xffff, v6  }
0x93: {  	s26 =	simm.s32 $0xC0;
	v12 =	vor.u32 $0x280, v8;
	v10 =	vld [tilespmem:s6+$0x420]  }
0x94: {  	s29 =	simm.s32 $0x100;
	s7 =	simm.s32 $0x200;
	v6 =	vadd.s32 s26, v0;
	[tilespmem:v11+s15+$0x0] =	vst.idx.add.f32.msk $0xffff, v7  }
0x95: {  	s5 =	sand.u32 $0x380, s29;
	s7 =	sand.u32 $0x1800, s7;
	v13 =	vor.u32 $0x100, v4;
	v7 =	vshll.u32 v6, $0x3;
	v11 =	vld [tilespmem:s0+$0x50]  }
0x96: {  	s5 =	sor.u32 s5, s7;
	v6 =	vand.u32 $0x7F, v6;
	v7 =	vand.u32 $0xFC00, v7  }
0x97: {  	v14 =	vld [tilespmem:s5+$0x0];
	v6 =	vor.u32 v6, v7  }
0x98: {  	[tilespmem:v12+s15+$0x0] =	vst.idx.add.f32.msk $0xffff, v10  }
0x99: {  	v12 =	vor.u32 $0x280, v9;
	v10 =	vld [tilespmem:s6+$0x430]  }
0x9a: {  	v7 =	vadd.s32 s26, v3;
	[tilespmem:v13+s15+$0x0] =	vst.idx.add.f32.msk $0xffff, v11  }
0x9b: {  	v15 =	vor.u32 $0x180, v5;
	v11 =	vshll.u32 v7, $0x3;
	v13 =	vld [tilespmem:s0+$0x60]  }
0x9c: {  	v7 =	vand.u32 $0x7F, v7;
	[tilespmem:v6+s15+$0x0] =	vst.idx.add.f32.msk $0xffff, v14;
	v11 =	vand.u32 $0xFC00, v11  }
0x9d: {  	v14 =	vld [tilespmem:s5+$0x10];
	v7 =	vor.u32 v7, v11  }
0x9e: {  	[tilespmem:v12+s15+$0x0] =	vst.idx.add.f32.msk $0xffff, v10  }
0x9f: {  	v11 =	vor.u32 $0x300, v8;
	v10 =	vld [tilespmem:s6+$0x440]  }
0xa0: {  	[tilespmem:v15+s15+$0x0] =	vst.idx.add.f32.msk $0xffff, v13  }
0xa1: {  	v13 =	vor.u32 $0x180, v4;
	v12 =	vld [tilespmem:s0+$0x70]  }
0xa2: {  	[tilespmem:v7+s15+$0x0] =	vst.idx.add.f32.msk $0xffff, v14  }
0xa3: {  	v15 =	vor.u32 $0x80, v6;
	v14 =	vld [tilespmem:s5+$0x20]  }
0xa4: {  	[tilespmem:v11+s15+$0x0] =	vst.idx.add.f32.msk $0xffff, v10  }
0xa5: {  	v11 =	vor.u32 $0x300, v9;
	v10 =	vld [tilespmem:s6+$0x450]  }
0xa6: {  	[tilespmem:v13+s15+$0x0] =	vst.idx.add.f32.msk $0xffff, v12  }
0xa7: {  	v13 =	vor.u32 $0x200, v5;
	v12 =	vld [tilespmem:s0+$0x400]  }
0xa8: {  	[tilespmem:v15+s15+$0x0] =	vst.idx.add.f32.msk $0xffff, v14  }
0xa9: {  	v15 =	vor.u32 $0x80, v7;
	v14 =	vld [tilespmem:s5+$0x30]  }
0xaa: {  	[tilespmem:v11+s15+$0x0] =	vst.idx.add.f32.msk $0xffff, v10  }
0xab: {  	v8 =	vor.u32 $0x380, v8;
	v10 =	vld [tilespmem:s6+$0x460]  }
0xac: {  	[tilespmem:v13+s15+$0x0] =	vst.idx.add.f32.msk $0xffff, v12  }
0xad: {  	v12 =	vor.u32 $0x200, v4;
	v11 =	vld [tilespmem:s0+$0x410]  }
0xae: {  	[tilespmem:v15+s15+$0x0] =	vst.idx.add.f32.msk $0xffff, v14  }
0xaf: {  	v14 =	vor.u32 $0x100, v6;
	v13 =	vld [tilespmem:s5+$0x40]  }
0xb0: {  	[tilespmem:v8+s15+$0x0] =	vst.idx.add.f32.msk $0xffff, v10  }
0xb1: {  	v9 =	vor.u32 $0x380, v9;
	v8 =	vld [tilespmem:s6+$0x470]  }
0xb2: {  	[tilespmem:v12+s15+$0x0] =	vst.idx.add.f32.msk $0xffff, v11  }
0xb3: {  	s6 =	simm.s32 $0x120;
	v11 =	vor.u32 $0x280, v5;
	v10 =	vld [tilespmem:s0+$0x420]  }
0xb4: {  	s7 =	simm.s32 $0x180;
	s8 =	simm.s32 $0x300;
	s2 =	simm.s32 $0x180;
	v12 =	vadd.s32 s6, v0;
	[tilespmem:v14+s15+$0x0] =	vst.idx.add.f32.msk $0xffff, v13  }
.LBB2_2:
0xb5: {  	p0 =	sne.s32 s7, $0xBA0;
	s11 =	sand.u32 $0x1800, s8;
	s12 =	sand.u32 $0x380, s2;
	v13 =	vshll.u32 v12, $0x3;
	v14 =	vld [tilespmem:s5+$0x50];
	v15 =	vor.u32 $0x100, v7  }
0xb6: {  	v12 =	vand.u32 $0x7F, v12;
	s11 =	sor.u32 s12, s11;
	v13 =	vand.u32 $0xFC00, v13;
	[tilespmem:v9+s15+$0x0] =	vst.idx.add.f32.msk $0xffff, v8  }
0xb7: {  	v8 =	vld [tilespmem:s11+$0x0];
	v9 =	vor.u32 v12, v13  }
0xb8: {  	[tilespmem:v11+s15+$0x0] =	vst.idx.add.f32.msk $0xffff, v10  }
0xb9: {  	v11 =	vor.u32 $0x280, v4;
	v10 =	vld [tilespmem:s0+$0x430]  }
0xba: {  	v12 =	vadd.s32 s6, v3;
	s6 =	smov.u32 s7;
	[tilespmem:v15+s15+$0x0] =	vst.idx.add.f32.msk $0xffff, v14  }
0xbb: {  	v13 =	vshll.u32 v12, $0x3;
	v15 =	vor.u32 $0x180, v6;
	v14 =	vld [tilespmem:s5+$0x60]  }
0xbc: {  	[tilespmem:v9+s15+$0x0] =	vst.idx.add.f32.msk $0xffff, v8;
	v8 =	vand.u32 $0x7F, v12;
	v12 =	vand.u32 $0xFC00, v13  }
0xbd: {  	v13 =	vld [tilespmem:s11+$0x10];
	v12 =	vor.u32 v8, v12  }
0xbe: {  	[tilespmem:v11+s15+$0x0] =	vst.idx.add.f32.msk $0xffff, v10  }
0xbf: {  	v10 =	vor.u32 $0x300, v5;
	v8 =	vld [tilespmem:s0+$0x440]  }
0xc0: {  	[tilespmem:v15+s15+$0x0] =	vst.idx.add.f32.msk $0xffff, v14  }
0xc1: {  	v14 =	vor.u32 $0x180, v7;
	v11 =	vld [tilespmem:s5+$0x70]  }
0xc2: {  	[tilespmem:v12+s15+$0x0] =	vst.idx.add.f32.msk $0xffff, v13  }
0xc3: {  	v15 =	vor.u32 $0x80, v9;
	v13 =	vld [tilespmem:s11+$0x20]  }
0xc4: {  	[tilespmem:v10+s15+$0x0] =	vst.idx.add.f32.msk $0xffff, v8  }
0xc5: {  	v10 =	vor.u32 $0x300, v4;
	v8 =	vld [tilespmem:s0+$0x450]  }
0xc6: {  	[tilespmem:v14+s15+$0x0] =	vst.idx.add.f32.msk $0xffff, v11  }
0xc7: {  	v14 =	vor.u32 $0x200, v6;
	v11 =	vld [tilespmem:s5+$0x400]  }
0xc8: {  	[tilespmem:v15+s15+$0x0] =	vst.idx.add.f32.msk $0xffff, v13  }
0xc9: {  	v15 =	vor.u32 $0x80, v12;
	v13 =	vld [tilespmem:s11+$0x30]  }
0xca: {  	[tilespmem:v10+s15+$0x0] =	vst.idx.add.f32.msk $0xffff, v8  }
0xcb: {  	v10 =	vor.u32 $0x380, v5;
	v5 =	vmov v6;
	v6 =	vmov v9;
	v8 =	vld [tilespmem:s0+$0x460]  }
0xcc: {  	[tilespmem:v14+s15+$0x0] =	vst.idx.add.f32.msk $0xffff, v11  }
0xcd: {  	v14 =	vor.u32 $0x200, v7;
	v11 =	vld [tilespmem:s5+$0x410]  }
0xce: {  	[tilespmem:v15+s15+$0x0] =	vst.idx.add.f32.msk $0xffff, v13  }
0xcf: {  	v15 =	vor.u32 $0x100, v6;
	v13 =	vld [tilespmem:s11+$0x40]  }
.Ltmp2:
0xd0: {  	[tilespmem:v10+s15+$0x0] =	vst.idx.add.f32.msk $0xffff, v8;
	(pc) =	sbr.rel @p0 .LBB2_2-.Ltmp2, $4  }
0xd1: {  	v9 =	vor.u32 $0x380, v4;
	v4 =	vmov v7;
	v7 =	vmov v12;
	v8 =	vld [tilespmem:s0+$0x470];
	s0 =	smov.u32 s5;
	s5 =	smov.u32 s11  }
0xd2: {  	[tilespmem:v14+s15+$0x0] =	vst.idx.add.f32.msk $0xffff, v11  }
0xd3: {  	v11 =	vor.u32 $0x280, v5;
	v10 =	vld [tilespmem:s0+$0x420]  }
0xd4: {  	s2 =	sadd.s32 $0x80, s2;
	s8 =	sadd.s32 $0x100, s8;
	s7 =	sadd.s32 $0x60, s7;
	v12 =	vadd.s32 s6, v0;
	[tilespmem:v15+s15+$0x0] =	vst.idx.add.f32.msk $0xffff, v13  }
0xd5: {  	s7 =	sand.u32 $0x1800, s8;
	s2 =	sand.u32 $0x380, s2;
	v13 =	vshll.u32 v12, $0x3  }
0xd6: {  	v12 =	vand.u32 $0x7F, v12;
	s2 =	sor.u32 s2, s7;
	v13 =	vand.u32 $0xFC00, v13  }
0xd7: {  	v14 =	vld [tilespmem:s2+$0x0];
	v12 =	vor.u32 v12, v13;
	_ =	sdelay $0x2  }
0xd8: {  	v13 =	vadd.s32 s6, v3  }
0xd9: {  	v15 =	vshll.u32 v13, $0x3  }
0xda: {  	v13 =	vand.u32 $0x7F, v13;
	[tilespmem:v12+s15+$0x0] =	vst.idx.add.f32.msk $0xffff, v14;
	v14 =	vand.u32 $0xFC00, v15  }
0xdb: {  	v15 =	vld [tilespmem:s2+$0x10];
	v13 =	vor.u32 v13, v14;
	_ =	sdelay $0x4  }
0xdc: {  	[tilespmem:v13+s15+$0x0] =	vst.idx.add.f32.msk $0xffff, v15  }
0xdd: {  	v15 =	vor.u32 $0x80, v12;
	v14 =	vld [tilespmem:s2+$0x20];
	_ =	sdelay $0x4  }
0xde: {  	[tilespmem:v15+s15+$0x0] =	vst.idx.add.f32.msk $0xffff, v14  }
0xdf: {  	v15 =	vor.u32 $0x80, v13;
	v14 =	vld [tilespmem:s2+$0x30];
	_ =	sdelay $0x4  }
0xe0: {  	[tilespmem:v15+s15+$0x0] =	vst.idx.add.f32.msk $0xffff, v14  }
0xe1: {  	v15 =	vor.u32 $0x100, v12;
	v14 =	vld [tilespmem:s2+$0x40];
	_ =	sdelay $0x3  }
0xe2: {  	v16 =	vld [tilespmem:s5+$0x50];
	v17 =	vor.u32 $0x100, v7  }
0xe3: {  	[tilespmem:v15+s15+$0x0] =	vst.idx.add.f32.msk $0xffff, v14  }
0xe4: {  	v15 =	vor.u32 $0x100, v13;
	v14 =	vld [tilespmem:s2+$0x50];
	_ =	sdelay $0x2  }
0xe5: {  	[tilespmem:v17+s15+$0x0] =	vst.idx.add.f32.msk $0xffff, v16  }
0xe6: {  	v56 =	vor.u32 $0x180, v6;
	v16 =	vld [tilespmem:s5+$0x60]  }
0xe7: {  	[tilespmem:v15+s15+$0x0] =	vst.idx.add.f32.msk $0xffff, v14  }
0xe8: {  	v15 =	vor.u32 $0x180, v12;
	v14 =	vld [tilespmem:s2+$0x60];
	_ =	sdelay $0x2  }
0xe9: {  	[tilespmem:v56+s15+$0x0] =	vst.idx.add.f32.msk $0xffff, v16  }
0xea: {  	v57 =	vor.u32 $0x180, v7;
	v16 =	vld [tilespmem:s5+$0x70]  }
0xeb: {  	[tilespmem:v15+s15+$0x0] =	vst.idx.add.f32.msk $0xffff, v14  }
0xec: {  	v15 =	vor.u32 $0x180, v13;
	v14 =	vld [tilespmem:s2+$0x70];
	_ =	sdelay $0x2  }
0xed: {  	[tilespmem:v57+s15+$0x0] =	vst.idx.add.f32.msk $0xffff, v16  }
0xee: {  	v58 =	vor.u32 $0x200, v6;
	v16 =	vld [tilespmem:s5+$0x400]  }
0xef: {  	[tilespmem:v15+s15+$0x0] =	vst.idx.add.f32.msk $0xffff, v14  }
0xf0: {  	v15 =	vor.u32 $0x200, v12;
	v14 =	vld [tilespmem:s2+$0x400];
	_ =	sdelay $0x2  }
0xf1: {  	[tilespmem:v58+s15+$0x0] =	vst.idx.add.f32.msk $0xffff, v16  }
0xf2: {  	v59 =	vor.u32 $0x200, v7;
	v16 =	vld [tilespmem:s5+$0x410]  }
0xf3: {  	[tilespmem:v15+s15+$0x0] =	vst.idx.add.f32.msk $0xffff, v14  }
0xf4: {  	v15 =	vor.u32 $0x200, v13;
	v14 =	vld [tilespmem:s2+$0x410];
	_ =	sdelay $0x2  }
0xf5: {  	[tilespmem:v59+s15+$0x0] =	vst.idx.add.f32.msk $0xffff, v16  }
0xf6: {  	v60 =	vor.u32 $0x280, v6;
	v16 =	vld [tilespmem:s5+$0x420]  }
0xf7: {  	[tilespmem:v15+s15+$0x0] =	vst.idx.add.f32.msk $0xffff, v14  }
0xf8: {  	v15 =	vor.u32 $0x280, v12;
	v14 =	vld [tilespmem:s2+$0x420]  }
0xf9: {  	[tilespmem:v11+s15+$0x0] =	vst.idx.add.f32.msk $0xffff, v10  }
0xfa: {  	v11 =	vor.u32 $0x280, v4;
	v10 =	vld [tilespmem:s0+$0x430]  }
0xfb: {  	[tilespmem:v60+s15+$0x0] =	vst.idx.add.f32.msk $0xffff, v16  }
0xfc: {  	v61 =	vor.u32 $0x280, v7;
	v16 =	vld [tilespmem:s5+$0x430]  }
0xfd: {  	[tilespmem:v15+s15+$0x0] =	vst.idx.add.f32.msk $0xffff, v14  }
0xfe: {  	v15 =	vor.u32 $0x280, v13;
	v14 =	vld [tilespmem:s2+$0x430]  }
0xff: {  	[tilespmem:v11+s15+$0x0] =	vst.idx.add.f32.msk $0xffff, v10  }
0x100: {  	v11 =	vor.u32 $0x300, v5;
	v10 =	vld [tilespmem:s0+$0x440]  }
0x101: {  	[tilespmem:v61+s15+$0x0] =	vst.idx.add.f32.msk $0xffff, v16  }
0x102: {  	v62 =	vor.u32 $0x300, v6;
	v16 =	vld [tilespmem:s5+$0x440]  }
0x103: {  	[tilespmem:v15+s15+$0x0] =	vst.idx.add.f32.msk $0xffff, v14  }
0x104: {  	v15 =	vor.u32 $0x300, v12;
	v14 =	vld [tilespmem:s2+$0x440]  }
0x105: {  	[tilespmem:v11+s15+$0x0] =	vst.idx.add.f32.msk $0xffff, v10  }
0x106: {  	v11 =	vor.u32 $0x300, v4;
	v10 =	vld [tilespmem:s0+$0x450]  }
0x107: {  	[tilespmem:v62+s15+$0x0] =	vst.idx.add.f32.msk $0xffff, v16  }
0x108: {  	v63 =	vor.u32 $0x300, v7;
	v16 =	vld [tilespmem:s5+$0x450]  }
0x109: {  	[tilespmem:v15+s15+$0x0] =	vst.idx.add.f32.msk $0xffff, v14  }
0x10a: {  	v15 =	vor.u32 $0x300, v13;
	v14 =	vld [tilespmem:s2+$0x450]  }
0x10b: {  	[tilespmem:v11+s15+$0x0] =	vst.idx.add.f32.msk $0xffff, v10  }
0x10c: {  	v5 =	vor.u32 $0x380, v5;
	v10 =	vld [tilespmem:s0+$0x460]  }
0x10d: {  	[tilespmem:v63+s15+$0x0] =	vst.idx.add.f32.msk $0xffff, v16  }
0x10e: {  	v6 =	vor.u32 $0x380, v6;
	v11 =	vld [tilespmem:s5+$0x460]  }
0x10f: {  	[tilespmem:v15+s15+$0x0] =	vst.idx.add.f32.msk $0xffff, v14  }
0x110: {  	v12 =	vor.u32 $0x380, v12;
	v14 =	vld [tilespmem:s2+$0x460]  }
0x111: {  	[tilespmem:v5+s15+$0x0] =	vst.idx.add.f32.msk $0xffff, v10  }
0x112: {  	v5 =	vld [tilespmem:s0+$0x470]  }
0x113: {  	[tilespmem:v6+s15+$0x0] =	vst.idx.add.f32.msk $0xffff, v11  }
0x114: {  	v4 =	vor.u32 $0x380, v4;
	v6 =	vld [tilespmem:s5+$0x470]  }
0x115: {  	v7 =	vor.u32 $0x380, v7;
	[tilespmem:v12+s15+$0x0] =	vst.idx.add.f32.msk $0xffff, v14  }
0x116: {  	v11 =	vor.u32 $0x380, v13;
	v10 =	vld [tilespmem:s2+$0x470];
	_ =	sdelay $0x1  }
0x117: {  	[tilespmem:v9+s15+$0x0] =	vst.idx.add.f32.msk $0xffff, v8;
	s7 =	simm.s32 $0x1  }
0x118: {  	s8 =	simm.s32 $0x0;
	[tilespmem:v4+s15+$0x0] =	vst.idx.add.f32.msk $0xffff, v5;
	v4 =	vadd.s32 s7, v0  }
0x119: {  	s11 =	sand.u32 $0x1800, s8;
	v5 =	vshll.u32 v4, $0x3;
	[tilespmem:v7+s15+$0x0] =	vst.idx.add.f32.msk $0xffff, v6;
	s2 =	sand.u32 $0x380, s8  }
0x11a: {  	v4 =	vand.u32 $0x7F, v4;
	v5 =	vand.u32 $0x7FFFFC00, v5;
	s6 =	sor.u32 s2, s11;
	[tilespmem:v11+s15+$0x0] =	vst.idx.add.f32.msk $0xffff, v10  }
0x11b: {  	v8 =	vor.u32 v4, v5;
	v6 =	vld [tilespmem:s6+$0x2000];
	_ =	sdelay $0x2  }
0x11c: {  	v4 =	vadd.s32 s7, v3  }
0x11d: {  	v5 =	vshll.u32 v4, $0x3  }
0x11e: {  	v4 =	vand.u32 $0x7F, v4;
	v5 =	vand.u32 $0x7FFFFC00, v5;
	[tilespmem:v8+s15+$0x0] =	vst.idx.add.f32.msk $0xffff, v6  }
0x11f: {  	v9 =	vor.u32 v4, v5;
	v6 =	vld [tilespmem:s6+$0x2010];
	_ =	sdelay $0x4  }
0x120: {  	[tilespmem:v9+s15+$0x0] =	vst.idx.add.f32.msk $0xffff, v6  }
0x121: {  	v5 =	vor.u32 $0x80, v8;
	v4 =	vld [tilespmem:s6+$0x2020];
	_ =	sdelay $0x4  }
0x122: {  	[tilespmem:v5+s15+$0x0] =	vst.idx.add.f32.msk $0xffff, v4  }
0x123: {  	v5 =	vor.u32 $0x80, v9;
	v4 =	vld [tilespmem:s6+$0x2030];
	_ =	sdelay $0x4  }
0x124: {  	[tilespmem:v5+s15+$0x0] =	vst.idx.add.f32.msk $0xffff, v4  }
0x125: {  	v5 =	vor.u32 $0x100, v8;
	v4 =	vld [tilespmem:s6+$0x2040];
	_ =	sdelay $0x3  }
0x126: {  	s12 =	simm.s32 $0x61  }
0x127: {  	s13 =	simm.s32 $0x80;
	s14 =	simm.s32 $0x100;
	v6 =	vadd.s32 s12, v0;
	[tilespmem:v5+s15+$0x0] =	vst.idx.add.f32.msk $0xffff, v4  }
0x128: {  	s0 =	sand.u32 $0x380, s13;
	s5 =	sand.u32 $0x1800, s14;
	v10 =	vor.u32 $0x100, v9;
	v4 =	vshll.u32 v6, $0x3;
	v7 =	vld [tilespmem:s6+$0x2050]  }
0x129: {  	s0 =	sor.u32 s0, s5;
	v5 =	vand.u32 $0x7F, v6;
	v4 =	vand.u32 $0x7FFFFC00, v4  }
0x12a: {  	v6 =	vld [tilespmem:s0+$0x2000];
	v5 =	vor.u32 v5, v4;
	_ =	sdelay $0x2  }
0x12b: {  	v4 =	vadd.s32 s12, v3;
	[tilespmem:v10+s15+$0x0] =	vst.idx.add.f32.msk $0xffff, v7  }
0x12c: {  	v11 =	vor.u32 $0x180, v8;
	v7 =	vshll.u32 v4, $0x3;
	v10 =	vld [tilespmem:s6+$0x2060]  }
0x12d: {  	v4 =	vand.u32 $0x7F, v4;
	[tilespmem:v5+s15+$0x0] =	vst.idx.add.f32.msk $0xffff, v6;
	v6 =	vand.u32 $0x7FFFFC00, v7  }
0x12e: {  	v7 =	vld [tilespmem:s0+$0x2010];
	v4 =	vor.u32 v4, v6;
	_ =	sdelay $0x2  }
0x12f: {  	[tilespmem:v11+s15+$0x0] =	vst.idx.add.f32.msk $0xffff, v10  }
0x130: {  	v10 =	vor.u32 $0x180, v9;
	v6 =	vld [tilespmem:s6+$0x2070]  }
0x131: {  	[tilespmem:v4+s15+$0x0] =	vst.idx.add.f32.msk $0xffff, v7  }
0x132: {  	v11 =	vor.u32 $0x80, v5;
	v7 =	vld [tilespmem:s0+$0x2020];
	_ =	sdelay $0x2  }
0x133: {  	[tilespmem:v10+s15+$0x0] =	vst.idx.add.f32.msk $0xffff, v6  }
0x134: {  	v10 =	vor.u32 $0x200, v8;
	v6 =	vld [tilespmem:s6+$0x2400]  }
0x135: {  	[tilespmem:v11+s15+$0x0] =	vst.idx.add.f32.msk $0xffff, v7  }
0x136: {  	v11 =	vor.u32 $0x80, v4;
	v7 =	vld [tilespmem:s0+$0x2030];
	_ =	sdelay $0x2  }
0x137: {  	[tilespmem:v10+s15+$0x0] =	vst.idx.add.f32.msk $0xffff, v6  }
0x138: {  	v10 =	vor.u32 $0x200, v9;
	v6 =	vld [tilespmem:s6+$0x2410]  }
0x139: {  	[tilespmem:v11+s15+$0x0] =	vst.idx.add.f32.msk $0xffff, v7  }
0x13a: {  	v11 =	vor.u32 $0x100, v5;
	v7 =	vld [tilespmem:s0+$0x2040];
	_ =	sdelay $0x2  }
0x13b: {  	[tilespmem:v10+s15+$0x0] =	vst.idx.add.f32.msk $0xffff, v6  }
0x13c: {  	s16 =	simm.s32 $0xC1;
	v12 =	vor.u32 $0x280, v8;
	v10 =	vld [tilespmem:s6+$0x2420]  }
0x13d: {  	s26 =	simm.s32 $0x100;
	s29 =	simm.s32 $0x200;
	v6 =	vadd.s32 s16, v0;
	[tilespmem:v11+s15+$0x0] =	vst.idx.add.f32.msk $0xffff, v7  }
0x13e: {  	s7 =	sand.u32 $0x1800, s29;
	s5 =	sand.u32 $0x380, s26;
	v13 =	vor.u32 $0x100, v4;
	v7 =	vshll.u32 v6, $0x3;
	v11 =	vld [tilespmem:s0+$0x2050]  }
0x13f: {  	s5 =	sor.u32 s5, s7;
	v6 =	vand.u32 $0x7F, v6;
	v7 =	vand.u32 $0x7FFFFC00, v7  }
0x140: {  	v14 =	vld [tilespmem:s5+$0x2000];
	v6 =	vor.u32 v6, v7  }
0x141: {  	[tilespmem:v12+s15+$0x0] =	vst.idx.add.f32.msk $0xffff, v10  }
0x142: {  	v12 =	vor.u32 $0x280, v9;
	v10 =	vld [tilespmem:s6+$0x2430]  }
0x143: {  	v7 =	vadd.s32 s16, v3;
	[tilespmem:v13+s15+$0x0] =	vst.idx.add.f32.msk $0xffff, v11  }
0x144: {  	v15 =	vor.u32 $0x180, v5;
	v11 =	vshll.u32 v7, $0x3;
	v13 =	vld [tilespmem:s0+$0x2060]  }
0x145: {  	v7 =	vand.u32 $0x7F, v7;
	[tilespmem:v6+s15+$0x0] =	vst.idx.add.f32.msk $0xffff, v14;
	v11 =	vand.u32 $0x7FFFFC00, v11  }
0x146: {  	v14 =	vld [tilespmem:s5+$0x2010];
	v7 =	vor.u32 v7, v11  }
0x147: {  	[tilespmem:v12+s15+$0x0] =	vst.idx.add.f32.msk $0xffff, v10  }
0x148: {  	v11 =	vor.u32 $0x300, v8;
	v10 =	vld [tilespmem:s6+$0x2440]  }
0x149: {  	[tilespmem:v15+s15+$0x0] =	vst.idx.add.f32.msk $0xffff, v13  }
0x14a: {  	v13 =	vor.u32 $0x180, v4;
	v12 =	vld [tilespmem:s0+$0x2070]  }
0x14b: {  	[tilespmem:v7+s15+$0x0] =	vst.idx.add.f32.msk $0xffff, v14  }
0x14c: {  	v15 =	vor.u32 $0x80, v6;
	v14 =	vld [tilespmem:s5+$0x2020]  }
0x14d: {  	[tilespmem:v11+s15+$0x0] =	vst.idx.add.f32.msk $0xffff, v10  }
0x14e: {  	v11 =	vor.u32 $0x300, v9;
	v10 =	vld [tilespmem:s6+$0x2450]  }
0x14f: {  	[tilespmem:v13+s15+$0x0] =	vst.idx.add.f32.msk $0xffff, v12  }
0x150: {  	v13 =	vor.u32 $0x200, v5;
	v12 =	vld [tilespmem:s0+$0x2400]  }
0x151: {  	[tilespmem:v15+s15+$0x0] =	vst.idx.add.f32.msk $0xffff, v14  }
0x152: {  	v15 =	vor.u32 $0x80, v7;
	v14 =	vld [tilespmem:s5+$0x2030]  }
0x153: {  	[tilespmem:v11+s15+$0x0] =	vst.idx.add.f32.msk $0xffff, v10  }
0x154: {  	v8 =	vor.u32 $0x380, v8;
	v10 =	vld [tilespmem:s6+$0x2460]  }
0x155: {  	[tilespmem:v13+s15+$0x0] =	vst.idx.add.f32.msk $0xffff, v12  }
0x156: {  	v12 =	vor.u32 $0x200, v4;
	v11 =	vld [tilespmem:s0+$0x2410]  }
0x157: {  	[tilespmem:v15+s15+$0x0] =	vst.idx.add.f32.msk $0xffff, v14  }
0x158: {  	v14 =	vor.u32 $0x100, v6;
	v13 =	vld [tilespmem:s5+$0x2040]  }
0x159: {  	[tilespmem:v8+s15+$0x0] =	vst.idx.add.f32.msk $0xffff, v10  }
0x15a: {  	v9 =	vor.u32 $0x380, v9;
	v8 =	vld [tilespmem:s6+$0x2470]  }
0x15b: {  	[tilespmem:v12+s15+$0x0] =	vst.idx.add.f32.msk $0xffff, v11  }
0x15c: {  	s14 =	simm.s32 $0x121;
	s26 =	simm.s32 $0x181;
	s7 =	smov.u32 s5;
	v11 =	vor.u32 $0x280, v5;
	v10 =	vld [tilespmem:s0+$0x2420]  }
0x15d: {  	s8 =	smov.u32 s0;
	s2 =	simm.s32 $0x300;
	s16 =	simm.s32 $0x180;
	v12 =	vadd.s32 s14, v0;
	[tilespmem:v14+s15+$0x0] =	vst.idx.add.f32.msk $0xffff, v13  }
.LBB2_4:
0x15e: {  	p0 =	sne.s32 s26, $0xBA1;
	s11 =	sand.u32 $0x1800, s2;
	s12 =	sand.u32 $0x380, s16;
	v13 =	vshll.u32 v12, $0x3;
	v14 =	vld [tilespmem:s7+$0x2050];
	v15 =	vor.u32 $0x100, v7  }
0x15f: {  	v12 =	vand.u32 $0x7F, v12;
	s11 =	sor.u32 s12, s11;
	v13 =	vand.u32 $0x7FFFFC00, v13;
	[tilespmem:v9+s15+$0x0] =	vst.idx.add.f32.msk $0xffff, v8  }
0x160: {  	v8 =	vld [tilespmem:s11+$0x2000];
	v9 =	vor.u32 v12, v13  }
0x161: {  	[tilespmem:v11+s15+$0x0] =	vst.idx.add.f32.msk $0xffff, v10  }
0x162: {  	v11 =	vor.u32 $0x280, v4;
	v10 =	vld [tilespmem:s8+$0x2430]  }
0x163: {  	v12 =	vadd.s32 s14, v3;
	s14 =	smov.u32 s26;
	[tilespmem:v15+s15+$0x0] =	vst.idx.add.f32.msk $0xffff, v14  }
0x164: {  	v13 =	vshll.u32 v12, $0x3;
	v15 =	vor.u32 $0x180, v6;
	v14 =	vld [tilespmem:s7+$0x2060]  }
0x165: {  	[tilespmem:v9+s15+$0x0] =	vst.idx.add.f32.msk $0xffff, v8;
	v8 =	vand.u32 $0x7F, v12;
	v12 =	vand.u32 $0x7FFFFC00, v13  }
0x166: {  	v13 =	vld [tilespmem:s11+$0x2010];
	v12 =	vor.u32 v8, v12  }
0x167: {  	[tilespmem:v11+s15+$0x0] =	vst.idx.add.f32.msk $0xffff, v10  }
0x168: {  	v10 =	vor.u32 $0x300, v5;
	v8 =	vld [tilespmem:s8+$0x2440]  }
0x169: {  	[tilespmem:v15+s15+$0x0] =	vst.idx.add.f32.msk $0xffff, v14  }
0x16a: {  	v14 =	vor.u32 $0x180, v7;
	v11 =	vld [tilespmem:s7+$0x2070]  }
0x16b: {  	[tilespmem:v12+s15+$0x0] =	vst.idx.add.f32.msk $0xffff, v13  }
0x16c: {  	v15 =	vor.u32 $0x80, v9;
	v13 =	vld [tilespmem:s11+$0x2020]  }
0x16d: {  	[tilespmem:v10+s15+$0x0] =	vst.idx.add.f32.msk $0xffff, v8  }
0x16e: {  	v10 =	vor.u32 $0x300, v4;
	v8 =	vld [tilespmem:s8+$0x2450]  }
0x16f: {  	[tilespmem:v14+s15+$0x0] =	vst.idx.add.f32.msk $0xffff, v11  }
0x170: {  	v14 =	vor.u32 $0x200, v6;
	v11 =	vld [tilespmem:s7+$0x2400]  }
0x171: {  	[tilespmem:v15+s15+$0x0] =	vst.idx.add.f32.msk $0xffff, v13  }
0x172: {  	v15 =	vor.u32 $0x80, v12;
	v13 =	vld [tilespmem:s11+$0x2030]  }
0x173: {  	[tilespmem:v10+s15+$0x0] =	vst.idx.add.f32.msk $0xffff, v8  }
0x174: {  	v10 =	vor.u32 $0x380, v5;
	v5 =	vmov v6;
	v6 =	vmov v9;
	v8 =	vld [tilespmem:s8+$0x2460]  }
0x175: {  	[tilespmem:v14+s15+$0x0] =	vst.idx.add.f32.msk $0xffff, v11  }
0x176: {  	v14 =	vor.u32 $0x200, v7;
	v11 =	vld [tilespmem:s7+$0x2410]  }
0x177: {  	[tilespmem:v15+s15+$0x0] =	vst.idx.add.f32.msk $0xffff, v13  }
0x178: {  	v15 =	vor.u32 $0x100, v6;
	v13 =	vld [tilespmem:s11+$0x2040]  }
.Ltmp3:
0x179: {  	[tilespmem:v10+s15+$0x0] =	vst.idx.add.f32.msk $0xffff, v8;
	(pc) =	sbr.rel @p0 .LBB2_4-.Ltmp3, $4  }
0x17a: {  	v9 =	vor.u32 $0x380, v4;
	v4 =	vmov v7;
	v7 =	vmov v12;
	v8 =	vld [tilespmem:s8+$0x2470];
	s8 =	smov.u32 s7;
	s7 =	smov.u32 s11  }
0x17b: {  	[tilespmem:v14+s15+$0x0] =	vst.idx.add.f32.msk $0xffff, v11  }
0x17c: {  	v11 =	vor.u32 $0x280, v5;
	v10 =	vld [tilespmem:s8+$0x2420]  }
0x17d: {  	s16 =	sadd.s32 $0x80, s16;
	s2 =	sadd.s32 $0x100, s2;
	s26 =	sadd.s32 $0x60, s26;
	v12 =	vadd.s32 s14, v0;
	[tilespmem:v15+s15+$0x0] =	vst.idx.add.f32.msk $0xffff, v13  }
0x17e: {  	s2 =	sand.u32 $0x1800, s2;
	s11 =	sand.u32 $0x380, s16;
	v13 =	vshll.u32 v12, $0x3  }
0x17f: {  	v12 =	vand.u32 $0x7F, v12;
	s2 =	sor.u32 s11, s2;
	v13 =	vand.u32 $0x7FFFFC00, v13  }
0x180: {  	v14 =	vld [tilespmem:s2+$0x2000];
	v12 =	vor.u32 v12, v13;
	_ =	sdelay $0x2  }
0x181: {  	v13 =	vadd.s32 s14, v3  }
0x182: {  	v15 =	vshll.u32 v13, $0x3  }
0x183: {  	v13 =	vand.u32 $0x7F, v13;
	[tilespmem:v12+s15+$0x0] =	vst.idx.add.f32.msk $0xffff, v14;
	v14 =	vand.u32 $0x7FFFFC00, v15  }
0x184: {  	v15 =	vld [tilespmem:s2+$0x2010];
	v13 =	vor.u32 v13, v14;
	_ =	sdelay $0x4  }
0x185: {  	[tilespmem:v13+s15+$0x0] =	vst.idx.add.f32.msk $0xffff, v15  }
0x186: {  	v15 =	vor.u32 $0x80, v12;
	v14 =	vld [tilespmem:s2+$0x2020];
	_ =	sdelay $0x4  }
0x187: {  	[tilespmem:v15+s15+$0x0] =	vst.idx.add.f32.msk $0xffff, v14  }
0x188: {  	v15 =	vor.u32 $0x80, v13;
	v14 =	vld [tilespmem:s2+$0x2030];
	_ =	sdelay $0x4  }
0x189: {  	[tilespmem:v15+s15+$0x0] =	vst.idx.add.f32.msk $0xffff, v14  }
0x18a: {  	v15 =	vor.u32 $0x100, v12;
	v14 =	vld [tilespmem:s2+$0x2040];
	_ =	sdelay $0x3  }
0x18b: {  	v16 =	vld [tilespmem:s7+$0x2050];
	v17 =	vor.u32 $0x100, v7  }
0x18c: {  	[tilespmem:v15+s15+$0x0] =	vst.idx.add.f32.msk $0xffff, v14  }
0x18d: {  	v15 =	vor.u32 $0x100, v13;
	v14 =	vld [tilespmem:s2+$0x2050];
	_ =	sdelay $0x2  }
0x18e: {  	[tilespmem:v17+s15+$0x0] =	vst.idx.add.f32.msk $0xffff, v16  }
0x18f: {  	v56 =	vor.u32 $0x180, v6;
	v16 =	vld [tilespmem:s7+$0x2060]  }
0x190: {  	[tilespmem:v15+s15+$0x0] =	vst.idx.add.f32.msk $0xffff, v14  }
0x191: {  	v15 =	vor.u32 $0x180, v12;
	v14 =	vld [tilespmem:s2+$0x2060];
	_ =	sdelay $0x2  }
0x192: {  	[tilespmem:v56+s15+$0x0] =	vst.idx.add.f32.msk $0xffff, v16  }
0x193: {  	v57 =	vor.u32 $0x180, v7;
	v16 =	vld [tilespmem:s7+$0x2070]  }
0x194: {  	[tilespmem:v15+s15+$0x0] =	vst.idx.add.f32.msk $0xffff, v14  }
0x195: {  	v15 =	vor.u32 $0x180, v13;
	v14 =	vld [tilespmem:s2+$0x2070];
	_ =	sdelay $0x2  }
0x196: {  	[tilespmem:v57+s15+$0x0] =	vst.idx.add.f32.msk $0xffff, v16  }
0x197: {  	v58 =	vor.u32 $0x200, v6;
	v16 =	vld [tilespmem:s7+$0x2400]  }
0x198: {  	[tilespmem:v15+s15+$0x0] =	vst.idx.add.f32.msk $0xffff, v14  }
0x199: {  	v15 =	vor.u32 $0x200, v12;
	v14 =	vld [tilespmem:s2+$0x2400];
	_ =	sdelay $0x2  }
0x19a: {  	[tilespmem:v58+s15+$0x0] =	vst.idx.add.f32.msk $0xffff, v16  }
0x19b: {  	v59 =	vor.u32 $0x200, v7;
	v16 =	vld [tilespmem:s7+$0x2410]  }
0x19c: {  	[tilespmem:v15+s15+$0x0] =	vst.idx.add.f32.msk $0xffff, v14  }
0x19d: {  	v15 =	vor.u32 $0x200, v13;
	v14 =	vld [tilespmem:s2+$0x2410];
	_ =	sdelay $0x2  }
0x19e: {  	[tilespmem:v59+s15+$0x0] =	vst.idx.add.f32.msk $0xffff, v16  }
0x19f: {  	v60 =	vor.u32 $0x280, v6;
	v16 =	vld [tilespmem:s7+$0x2420]  }
0x1a0: {  	[tilespmem:v15+s15+$0x0] =	vst.idx.add.f32.msk $0xffff, v14  }
0x1a1: {  	v15 =	vor.u32 $0x280, v12;
	v14 =	vld [tilespmem:s2+$0x2420]  }
0x1a2: {  	[tilespmem:v11+s15+$0x0] =	vst.idx.add.f32.msk $0xffff, v10  }
0x1a3: {  	v11 =	vor.u32 $0x280, v4;
	v10 =	vld [tilespmem:s8+$0x2430]  }
0x1a4: {  	[tilespmem:v60+s15+$0x0] =	vst.idx.add.f32.msk $0xffff, v16  }
0x1a5: {  	v61 =	vor.u32 $0x280, v7;
	v16 =	vld [tilespmem:s7+$0x2430]  }
0x1a6: {  	[tilespmem:v15+s15+$0x0] =	vst.idx.add.f32.msk $0xffff, v14  }
0x1a7: {  	v15 =	vor.u32 $0x280, v13;
	v14 =	vld [tilespmem:s2+$0x2430]  }
0x1a8: {  	[tilespmem:v11+s15+$0x0] =	vst.idx.add.f32.msk $0xffff, v10  }
0x1a9: {  	v11 =	vor.u32 $0x300, v5;
	v10 =	vld [tilespmem:s8+$0x2440]  }
0x1aa: {  	[tilespmem:v61+s15+$0x0] =	vst.idx.add.f32.msk $0xffff, v16  }
0x1ab: {  	v62 =	vor.u32 $0x300, v6;
	v16 =	vld [tilespmem:s7+$0x2440]  }
0x1ac: {  	[tilespmem:v15+s15+$0x0] =	vst.idx.add.f32.msk $0xffff, v14  }
0x1ad: {  	v15 =	vor.u32 $0x300, v12;
	v14 =	vld [tilespmem:s2+$0x2440]  }
0x1ae: {  	[tilespmem:v11+s15+$0x0] =	vst.idx.add.f32.msk $0xffff, v10  }
0x1af: {  	v11 =	vor.u32 $0x300, v4;
	v10 =	vld [tilespmem:s8+$0x2450]  }
0x1b0: {  	[tilespmem:v62+s15+$0x0] =	vst.idx.add.f32.msk $0xffff, v16  }
0x1b1: {  	v63 =	vor.u32 $0x300, v7;
	v16 =	vld [tilespmem:s7+$0x2450]  }
0x1b2: {  	[tilespmem:v15+s15+$0x0] =	vst.idx.add.f32.msk $0xffff, v14  }
0x1b3: {  	v15 =	vor.u32 $0x300, v13;
	v14 =	vld [tilespmem:s2+$0x2450]  }
0x1b4: {  	[tilespmem:v11+s15+$0x0] =	vst.idx.add.f32.msk $0xffff, v10  }
0x1b5: {  	v5 =	vor.u32 $0x380, v5;
	v10 =	vld [tilespmem:s8+$0x2460]  }
0x1b6: {  	[tilespmem:v63+s15+$0x0] =	vst.idx.add.f32.msk $0xffff, v16  }
0x1b7: {  	v6 =	vor.u32 $0x380, v6;
	v11 =	vld [tilespmem:s7+$0x2460]  }
0x1b8: {  	[tilespmem:v15+s15+$0x0] =	vst.idx.add.f32.msk $0xffff, v14  }
0x1b9: {  	v12 =	vor.u32 $0x380, v12;
	v14 =	vld [tilespmem:s2+$0x2460]  }
0x1ba: {  	[tilespmem:v5+s15+$0x0] =	vst.idx.add.f32.msk $0xffff, v10  }
0x1bb: {  	v5 =	vld [tilespmem:s8+$0x2470]  }
0x1bc: {  	[tilespmem:v6+s15+$0x0] =	vst.idx.add.f32.msk $0xffff, v11  }
0x1bd: {  	v4 =	vor.u32 $0x380, v4;
	v6 =	vld [tilespmem:s7+$0x2470]  }
0x1be: {  	v7 =	vor.u32 $0x380, v7;
	[tilespmem:v12+s15+$0x0] =	vst.idx.add.f32.msk $0xffff, v14  }
0x1bf: {  	v11 =	vor.u32 $0x380, v13;
	v10 =	vld [tilespmem:s2+$0x2470];
	_ =	sdelay $0x1  }
0x1c0: {  	s16 =	simm.s32 $0x2;
	[tilespmem:v9+s15+$0x0] =	vst.idx.add.f32.msk $0xffff, v8  }
0x1c1: {  	[tilespmem:v4+s15+$0x0] =	vst.idx.add.f32.msk $0xffff, v5;
	v4 =	vadd.s32 s16, v0  }
0x1c2: {  	v5 =	vshll.u32 v4, $0x3;
	[tilespmem:v7+s15+$0x0] =	vst.idx.add.f32.msk $0xffff, v6  }
0x1c3: {  	v4 =	vand.u32 $0x7F, v4;
	v5 =	vand.u32 $0x7FFFFC00, v5;
	[tilespmem:v11+s15+$0x0] =	vst.idx.add.f32.msk $0xffff, v10  }
0x1c4: {  	v8 =	vor.u32 v4, v5;
	v6 =	vld [tilespmem:s6+$0x4000];
	_ =	sdelay $0x2  }
0x1c5: {  	v4 =	vadd.s32 s16, v3  }
0x1c6: {  	v5 =	vshll.u32 v4, $0x3  }
0x1c7: {  	v4 =	vand.u32 $0x7F, v4;
	v5 =	vand.u32 $0x7FFFFC00, v5;
	[tilespmem:v8+s15+$0x0] =	vst.idx.add.f32.msk $0xffff, v6  }
0x1c8: {  	v9 =	vor.u32 v4, v5;
	v6 =	vld [tilespmem:s6+$0x4010];
	_ =	sdelay $0x4  }
0x1c9: {  	[tilespmem:v9+s15+$0x0] =	vst.idx.add.f32.msk $0xffff, v6  }
0x1ca: {  	v5 =	vor.u32 $0x80, v8;
	v4 =	vld [tilespmem:s6+$0x4020];
	_ =	sdelay $0x4  }
0x1cb: {  	[tilespmem:v5+s15+$0x0] =	vst.idx.add.f32.msk $0xffff, v4  }
0x1cc: {  	v5 =	vor.u32 $0x80, v9;
	v4 =	vld [tilespmem:s6+$0x4030];
	_ =	sdelay $0x4  }
0x1cd: {  	[tilespmem:v5+s15+$0x0] =	vst.idx.add.f32.msk $0xffff, v4  }
0x1ce: {  	v5 =	vor.u32 $0x100, v8;
	v4 =	vld [tilespmem:s6+$0x4040];
	_ =	sdelay $0x3  }
0x1cf: {  	s26 =	simm.s32 $0x62  }
0x1d0: {  	v6 =	vadd.s32 s26, v0;
	[tilespmem:v5+s15+$0x0] =	vst.idx.add.f32.msk $0xffff, v4  }
0x1d1: {  	v10 =	vor.u32 $0x100, v9;
	v4 =	vshll.u32 v6, $0x3;
	v7 =	vld [tilespmem:s6+$0x4050]  }
0x1d2: {  	v5 =	vand.u32 $0x7F, v6;
	v4 =	vand.u32 $0x7FFFFC00, v4  }
0x1d3: {  	v6 =	vld [tilespmem:s0+$0x4000];
	v5 =	vor.u32 v5, v4;
	_ =	sdelay $0x2  }
0x1d4: {  	v4 =	vadd.s32 s26, v3;
	[tilespmem:v10+s15+$0x0] =	vst.idx.add.f32.msk $0xffff, v7  }
0x1d5: {  	v11 =	vor.u32 $0x180, v8;
	v7 =	vshll.u32 v4, $0x3;
	v10 =	vld [tilespmem:s6+$0x4060]  }
0x1d6: {  	v4 =	vand.u32 $0x7F, v4;
	[tilespmem:v5+s15+$0x0] =	vst.idx.add.f32.msk $0xffff, v6;
	v6 =	vand.u32 $0x7FFFFC00, v7  }
0x1d7: {  	v7 =	vld [tilespmem:s0+$0x4010];
	v4 =	vor.u32 v4, v6;
	_ =	sdelay $0x2  }
0x1d8: {  	[tilespmem:v11+s15+$0x0] =	vst.idx.add.f32.msk $0xffff, v10  }
0x1d9: {  	v10 =	vor.u32 $0x180, v9;
	v6 =	vld [tilespmem:s6+$0x4070]  }
0x1da: {  	[tilespmem:v4+s15+$0x0] =	vst.idx.add.f32.msk $0xffff, v7  }
0x1db: {  	v11 =	vor.u32 $0x80, v5;
	v7 =	vld [tilespmem:s0+$0x4020];
	_ =	sdelay $0x2  }
0x1dc: {  	[tilespmem:v10+s15+$0x0] =	vst.idx.add.f32.msk $0xffff, v6  }
0x1dd: {  	v10 =	vor.u32 $0x200, v8;
	v6 =	vld [tilespmem:s6+$0x4400]  }
0x1de: {  	[tilespmem:v11+s15+$0x0] =	vst.idx.add.f32.msk $0xffff, v7  }
0x1df: {  	v11 =	vor.u32 $0x80, v4;
	v7 =	vld [tilespmem:s0+$0x4030];
	_ =	sdelay $0x2  }
0x1e0: {  	[tilespmem:v10+s15+$0x0] =	vst.idx.add.f32.msk $0xffff, v6  }
0x1e1: {  	v10 =	vor.u32 $0x200, v9;
	v6 =	vld [tilespmem:s6+$0x4410]  }
0x1e2: {  	[tilespmem:v11+s15+$0x0] =	vst.idx.add.f32.msk $0xffff, v7  }
0x1e3: {  	v11 =	vor.u32 $0x100, v5;
	v7 =	vld [tilespmem:s0+$0x4040];
	_ =	sdelay $0x2  }
0x1e4: {  	[tilespmem:v10+s15+$0x0] =	vst.idx.add.f32.msk $0xffff, v6  }
0x1e5: {  	s29 =	simm.s32 $0xC2;
	v12 =	vor.u32 $0x280, v8;
	v10 =	vld [tilespmem:s6+$0x4420]  }
0x1e6: {  	v6 =	vadd.s32 s29, v0;
	[tilespmem:v11+s15+$0x0] =	vst.idx.add.f32.msk $0xffff, v7  }
0x1e7: {  	v13 =	vor.u32 $0x100, v4;
	v7 =	vshll.u32 v6, $0x3;
	v11 =	vld [tilespmem:s0+$0x4050]  }
0x1e8: {  	v6 =	vand.u32 $0x7F, v6;
	v7 =	vand.u32 $0x7FFFFC00, v7  }
0x1e9: {  	v14 =	vld [tilespmem:s5+$0x4000];
	v6 =	vor.u32 v6, v7  }
0x1ea: {  	[tilespmem:v12+s15+$0x0] =	vst.idx.add.f32.msk $0xffff, v10  }
0x1eb: {  	v12 =	vor.u32 $0x280, v9;
	v10 =	vld [tilespmem:s6+$0x4430]  }
0x1ec: {  	v7 =	vadd.s32 s29, v3;
	[tilespmem:v13+s15+$0x0] =	vst.idx.add.f32.msk $0xffff, v11  }
0x1ed: {  	v15 =	vor.u32 $0x180, v5;
	v11 =	vshll.u32 v7, $0x3;
	v13 =	vld [tilespmem:s0+$0x4060]  }
0x1ee: {  	v7 =	vand.u32 $0x7F, v7;
	[tilespmem:v6+s15+$0x0] =	vst.idx.add.f32.msk $0xffff, v14;
	v11 =	vand.u32 $0x7FFFFC00, v11  }
0x1ef: {  	v14 =	vld [tilespmem:s5+$0x4010];
	v7 =	vor.u32 v7, v11  }
0x1f0: {  	[tilespmem:v12+s15+$0x0] =	vst.idx.add.f32.msk $0xffff, v10  }
0x1f1: {  	v11 =	vor.u32 $0x300, v8;
	v10 =	vld [tilespmem:s6+$0x4440]  }
0x1f2: {  	[tilespmem:v15+s15+$0x0] =	vst.idx.add.f32.msk $0xffff, v13  }
0x1f3: {  	v13 =	vor.u32 $0x180, v4;
	v12 =	vld [tilespmem:s0+$0x4070]  }
0x1f4: {  	[tilespmem:v7+s15+$0x0] =	vst.idx.add.f32.msk $0xffff, v14  }
0x1f5: {  	v15 =	vor.u32 $0x80, v6;
	v14 =	vld [tilespmem:s5+$0x4020]  }
0x1f6: {  	[tilespmem:v11+s15+$0x0] =	vst.idx.add.f32.msk $0xffff, v10  }
0x1f7: {  	v11 =	vor.u32 $0x300, v9;
	v10 =	vld [tilespmem:s6+$0x4450]  }
0x1f8: {  	[tilespmem:v13+s15+$0x0] =	vst.idx.add.f32.msk $0xffff, v12  }
0x1f9: {  	v13 =	vor.u32 $0x200, v5;
	v12 =	vld [tilespmem:s0+$0x4400]  }
0x1fa: {  	[tilespmem:v15+s15+$0x0] =	vst.idx.add.f32.msk $0xffff, v14  }
0x1fb: {  	v15 =	vor.u32 $0x80, v7;
	v14 =	vld [tilespmem:s5+$0x4030]  }
0x1fc: {  	[tilespmem:v11+s15+$0x0] =	vst.idx.add.f32.msk $0xffff, v10  }
0x1fd: {  	v8 =	vor.u32 $0x380, v8;
	v10 =	vld [tilespmem:s6+$0x4460]  }
0x1fe: {  	[tilespmem:v13+s15+$0x0] =	vst.idx.add.f32.msk $0xffff, v12  }
0x1ff: {  	v12 =	vor.u32 $0x200, v4;
	v11 =	vld [tilespmem:s0+$0x4410]  }
0x200: {  	[tilespmem:v15+s15+$0x0] =	vst.idx.add.f32.msk $0xffff, v14  }
0x201: {  	v14 =	vor.u32 $0x100, v6;
	v13 =	vld [tilespmem:s5+$0x4040]  }
0x202: {  	[tilespmem:v8+s15+$0x0] =	vst.idx.add.f32.msk $0xffff, v10  }
0x203: {  	v9 =	vor.u32 $0x380, v9;
	v8 =	vld [tilespmem:s6+$0x4470]  }
0x204: {  	[tilespmem:v12+s15+$0x0] =	vst.idx.add.f32.msk $0xffff, v11  }
0x205: {  	s6 =	simm.s32 $0x122;
	v11 =	vor.u32 $0x280, v5;
	v10 =	vld [tilespmem:s0+$0x4420]  }
0x206: {  	s8 =	simm.s32 $0x300;
	s7 =	simm.s32 $0x182;
	s2 =	simm.s32 $0x180;
	v12 =	vadd.s32 s6, v0;
	[tilespmem:v14+s15+$0x0] =	vst.idx.add.f32.msk $0xffff, v13  }
.LBB2_6:
0x207: {  	p0 =	sne.s32 s7, $0xBA2;
	s11 =	sand.u32 $0x1800, s8;
	s12 =	sand.u32 $0x380, s2;
	v13 =	vshll.u32 v12, $0x3;
	v14 =	vld [tilespmem:s5+$0x4050];
	v15 =	vor.u32 $0x100, v7  }
0x208: {  	v12 =	vand.u32 $0x7F, v12;
	s11 =	sor.u32 s12, s11;
	v13 =	vand.u32 $0x7FFFFC00, v13;
	[tilespmem:v9+s15+$0x0] =	vst.idx.add.f32.msk $0xffff, v8  }
0x209: {  	v8 =	vld [tilespmem:s11+$0x4000];
	v9 =	vor.u32 v12, v13  }
0x20a: {  	[tilespmem:v11+s15+$0x0] =	vst.idx.add.f32.msk $0xffff, v10  }
0x20b: {  	v11 =	vor.u32 $0x280, v4;
	v10 =	vld [tilespmem:s0+$0x4430]  }
0x20c: {  	v12 =	vadd.s32 s6, v3;
	s6 =	smov.u32 s7;
	[tilespmem:v15+s15+$0x0] =	vst.idx.add.f32.msk $0xffff, v14  }
0x20d: {  	v13 =	vshll.u32 v12, $0x3;
	v15 =	vor.u32 $0x180, v6;
	v14 =	vld [tilespmem:s5+$0x4060]  }
0x20e: {  	[tilespmem:v9+s15+$0x0] =	vst.idx.add.f32.msk $0xffff, v8;
	v8 =	vand.u32 $0x7F, v12;
	v12 =	vand.u32 $0x7FFFFC00, v13  }
0x20f: {  	v13 =	vld [tilespmem:s11+$0x4010];
	v12 =	vor.u32 v8, v12  }
0x210: {  	[tilespmem:v11+s15+$0x0] =	vst.idx.add.f32.msk $0xffff, v10  }
0x211: {  	v10 =	vor.u32 $0x300, v5;
	v8 =	vld [tilespmem:s0+$0x4440]  }
0x212: {  	[tilespmem:v15+s15+$0x0] =	vst.idx.add.f32.msk $0xffff, v14  }
0x213: {  	v14 =	vor.u32 $0x180, v7;
	v11 =	vld [tilespmem:s5+$0x4070]  }
0x214: {  	[tilespmem:v12+s15+$0x0] =	vst.idx.add.f32.msk $0xffff, v13  }
0x215: {  	v15 =	vor.u32 $0x80, v9;
	v13 =	vld [tilespmem:s11+$0x4020]  }
0x216: {  	[tilespmem:v10+s15+$0x0] =	vst.idx.add.f32.msk $0xffff, v8  }
0x217: {  	v10 =	vor.u32 $0x300, v4;
	v8 =	vld [tilespmem:s0+$0x4450]  }
0x218: {  	[tilespmem:v14+s15+$0x0] =	vst.idx.add.f32.msk $0xffff, v11  }
0x219: {  	v14 =	vor.u32 $0x200, v6;
	v11 =	vld [tilespmem:s5+$0x4400]  }
0x21a: {  	[tilespmem:v15+s15+$0x0] =	vst.idx.add.f32.msk $0xffff, v13  }
0x21b: {  	v15 =	vor.u32 $0x80, v12;
	v13 =	vld [tilespmem:s11+$0x4030]  }
0x21c: {  	[tilespmem:v10+s15+$0x0] =	vst.idx.add.f32.msk $0xffff, v8  }
0x21d: {  	v10 =	vor.u32 $0x380, v5;
	v5 =	vmov v6;
	v6 =	vmov v9;
	v8 =	vld [tilespmem:s0+$0x4460]  }
0x21e: {  	[tilespmem:v14+s15+$0x0] =	vst.idx.add.f32.msk $0xffff, v11  }
0x21f: {  	v14 =	vor.u32 $0x200, v7;
	v11 =	vld [tilespmem:s5+$0x4410]  }
0x220: {  	[tilespmem:v15+s15+$0x0] =	vst.idx.add.f32.msk $0xffff, v13  }
0x221: {  	v15 =	vor.u32 $0x100, v6;
	v13 =	vld [tilespmem:s11+$0x4040]  }
.Ltmp4:
0x222: {  	[tilespmem:v10+s15+$0x0] =	vst.idx.add.f32.msk $0xffff, v8;
	(pc) =	sbr.rel @p0 .LBB2_6-.Ltmp4, $4  }
0x223: {  	v9 =	vor.u32 $0x380, v4;
	v4 =	vmov v7;
	v7 =	vmov v12;
	v8 =	vld [tilespmem:s0+$0x4470];
	s0 =	smov.u32 s5;
	s5 =	smov.u32 s11  }
0x224: {  	[tilespmem:v14+s15+$0x0] =	vst.idx.add.f32.msk $0xffff, v11  }
0x225: {  	v11 =	vor.u32 $0x280, v5;
	v10 =	vld [tilespmem:s0+$0x4420]  }
0x226: {  	s2 =	sadd.s32 $0x80, s2;
	s8 =	sadd.s32 $0x100, s8;
	s7 =	sadd.s32 $0x60, s7;
	v12 =	vadd.s32 s6, v0;
	[tilespmem:v15+s15+$0x0] =	vst.idx.add.f32.msk $0xffff, v13  }
0x227: {  	s7 =	sand.u32 $0x1800, s8;
	s2 =	sand.u32 $0x380, s2;
	v13 =	vshll.u32 v12, $0x3  }
0x228: {  	v12 =	vand.u32 $0x7F, v12;
	s2 =	sor.u32 s2, s7;
	v13 =	vand.u32 $0x7FFFFC00, v13  }
0x229: {  	v14 =	vld [tilespmem:s2+$0x4000];
	v12 =	vor.u32 v12, v13;
	_ =	sdelay $0x2  }
0x22a: {  	v13 =	vadd.s32 s6, v3  }
0x22b: {  	v15 =	vshll.u32 v13, $0x3  }
0x22c: {  	v13 =	vand.u32 $0x7F, v13;
	[tilespmem:v12+s15+$0x0] =	vst.idx.add.f32.msk $0xffff, v14;
	v14 =	vand.u32 $0x7FFFFC00, v15  }
0x22d: {  	v15 =	vld [tilespmem:s2+$0x4010];
	v13 =	vor.u32 v13, v14;
	_ =	sdelay $0x4  }
0x22e: {  	[tilespmem:v13+s15+$0x0] =	vst.idx.add.f32.msk $0xffff, v15  }
0x22f: {  	v15 =	vor.u32 $0x80, v12;
	v14 =	vld [tilespmem:s2+$0x4020];
	_ =	sdelay $0x4  }
0x230: {  	[tilespmem:v15+s15+$0x0] =	vst.idx.add.f32.msk $0xffff, v14  }
0x231: {  	v15 =	vor.u32 $0x80, v13;
	v14 =	vld [tilespmem:s2+$0x4030];
	_ =	sdelay $0x4  }
0x232: {  	[tilespmem:v15+s15+$0x0] =	vst.idx.add.f32.msk $0xffff, v14  }
0x233: {  	v15 =	vor.u32 $0x100, v12;
	v14 =	vld [tilespmem:s2+$0x4040];
	_ =	sdelay $0x3  }
0x234: {  	v16 =	vld [tilespmem:s5+$0x4050];
	v17 =	vor.u32 $0x100, v7  }
0x235: {  	[tilespmem:v15+s15+$0x0] =	vst.idx.add.f32.msk $0xffff, v14  }
0x236: {  	v15 =	vor.u32 $0x100, v13;
	v14 =	vld [tilespmem:s2+$0x4050];
	_ =	sdelay $0x2  }
0x237: {  	[tilespmem:v17+s15+$0x0] =	vst.idx.add.f32.msk $0xffff, v16  }
0x238: {  	v56 =	vor.u32 $0x180, v6;
	v16 =	vld [tilespmem:s5+$0x4060]  }
0x239: {  	[tilespmem:v15+s15+$0x0] =	vst.idx.add.f32.msk $0xffff, v14  }
0x23a: {  	v15 =	vor.u32 $0x180, v12;
	v14 =	vld [tilespmem:s2+$0x4060];
	_ =	sdelay $0x2  }
0x23b: {  	[tilespmem:v56+s15+$0x0] =	vst.idx.add.f32.msk $0xffff, v16  }
0x23c: {  	v57 =	vor.u32 $0x180, v7;
	v16 =	vld [tilespmem:s5+$0x4070]  }
0x23d: {  	[tilespmem:v15+s15+$0x0] =	vst.idx.add.f32.msk $0xffff, v14  }
0x23e: {  	v15 =	vor.u32 $0x180, v13;
	v14 =	vld [tilespmem:s2+$0x4070];
	_ =	sdelay $0x2  }
0x23f: {  	[tilespmem:v57+s15+$0x0] =	vst.idx.add.f32.msk $0xffff, v16  }
0x240: {  	v58 =	vor.u32 $0x200, v6;
	v16 =	vld [tilespmem:s5+$0x4400]  }
0x241: {  	[tilespmem:v15+s15+$0x0] =	vst.idx.add.f32.msk $0xffff, v14  }
0x242: {  	v15 =	vor.u32 $0x200, v12;
	v14 =	vld [tilespmem:s2+$0x4400];
	_ =	sdelay $0x2  }
0x243: {  	[tilespmem:v58+s15+$0x0] =	vst.idx.add.f32.msk $0xffff, v16  }
0x244: {  	v59 =	vor.u32 $0x200, v7;
	v16 =	vld [tilespmem:s5+$0x4410]  }
0x245: {  	[tilespmem:v15+s15+$0x0] =	vst.idx.add.f32.msk $0xffff, v14  }
0x246: {  	v15 =	vor.u32 $0x200, v13;
	v14 =	vld [tilespmem:s2+$0x4410];
	_ =	sdelay $0x2  }
0x247: {  	[tilespmem:v59+s15+$0x0] =	vst.idx.add.f32.msk $0xffff, v16  }
0x248: {  	v60 =	vor.u32 $0x280, v6;
	v16 =	vld [tilespmem:s5+$0x4420]  }
0x249: {  	[tilespmem:v15+s15+$0x0] =	vst.idx.add.f32.msk $0xffff, v14  }
0x24a: {  	v15 =	vor.u32 $0x280, v12;
	v14 =	vld [tilespmem:s2+$0x4420]  }
0x24b: {  	[tilespmem:v11+s15+$0x0] =	vst.idx.add.f32.msk $0xffff, v10  }
0x24c: {  	v11 =	vor.u32 $0x280, v4;
	v10 =	vld [tilespmem:s0+$0x4430]  }
0x24d: {  	[tilespmem:v60+s15+$0x0] =	vst.idx.add.f32.msk $0xffff, v16  }
0x24e: {  	v61 =	vor.u32 $0x280, v7;
	v16 =	vld [tilespmem:s5+$0x4430]  }
0x24f: {  	[tilespmem:v15+s15+$0x0] =	vst.idx.add.f32.msk $0xffff, v14  }
0x250: {  	v15 =	vor.u32 $0x280, v13;
	v14 =	vld [tilespmem:s2+$0x4430]  }
0x251: {  	[tilespmem:v11+s15+$0x0] =	vst.idx.add.f32.msk $0xffff, v10  }
0x252: {  	v11 =	vor.u32 $0x300, v5;
	v10 =	vld [tilespmem:s0+$0x4440]  }
0x253: {  	[tilespmem:v61+s15+$0x0] =	vst.idx.add.f32.msk $0xffff, v16  }
0x254: {  	v62 =	vor.u32 $0x300, v6;
	v16 =	vld [tilespmem:s5+$0x4440]  }
0x255: {  	[tilespmem:v15+s15+$0x0] =	vst.idx.add.f32.msk $0xffff, v14  }
0x256: {  	v15 =	vor.u32 $0x300, v12;
	v14 =	vld [tilespmem:s2+$0x4440]  }
0x257: {  	[tilespmem:v11+s15+$0x0] =	vst.idx.add.f32.msk $0xffff, v10  }
0x258: {  	v11 =	vor.u32 $0x300, v4;
	v10 =	vld [tilespmem:s0+$0x4450]  }
0x259: {  	[tilespmem:v62+s15+$0x0] =	vst.idx.add.f32.msk $0xffff, v16  }
0x25a: {  	v63 =	vor.u32 $0x300, v7;
	v16 =	vld [tilespmem:s5+$0x4450]  }
0x25b: {  	[tilespmem:v15+s15+$0x0] =	vst.idx.add.f32.msk $0xffff, v14  }
0x25c: {  	v15 =	vor.u32 $0x300, v13;
	v14 =	vld [tilespmem:s2+$0x4450]  }
0x25d: {  	[tilespmem:v11+s15+$0x0] =	vst.idx.add.f32.msk $0xffff, v10  }
0x25e: {  	v5 =	vor.u32 $0x380, v5;
	v10 =	vld [tilespmem:s0+$0x4460]  }
0x25f: {  	[tilespmem:v63+s15+$0x0] =	vst.idx.add.f32.msk $0xffff, v16  }
0x260: {  	v6 =	vor.u32 $0x380, v6;
	v11 =	vld [tilespmem:s5+$0x4460]  }
0x261: {  	[tilespmem:v15+s15+$0x0] =	vst.idx.add.f32.msk $0xffff, v14  }
0x262: {  	v12 =	vor.u32 $0x380, v12;
	v14 =	vld [tilespmem:s2+$0x4460]  }
0x263: {  	[tilespmem:v5+s15+$0x0] =	vst.idx.add.f32.msk $0xffff, v10  }
0x264: {  	v5 =	vld [tilespmem:s0+$0x4470]  }
0x265: {  	[tilespmem:v6+s15+$0x0] =	vst.idx.add.f32.msk $0xffff, v11  }
0x266: {  	v4 =	vor.u32 $0x380, v4;
	v6 =	vld [tilespmem:s5+$0x4470]  }
0x267: {  	v7 =	vor.u32 $0x380, v7;
	[tilespmem:v12+s15+$0x0] =	vst.idx.add.f32.msk $0xffff, v14  }
0x268: {  	v11 =	vor.u32 $0x380, v13;
	v10 =	vld [tilespmem:s2+$0x4470];
	_ =	sdelay $0x1  }
0x269: {  	[tilespmem:v9+s15+$0x0] =	vst.idx.add.f32.msk $0xffff, v8  }
0x26a: {  	[tilespmem:v4+s15+$0x0] =	vst.idx.add.f32.msk $0xffff, v5  }
0x26b: {  	[tilespmem:v7+s15+$0x0] =	vst.idx.add.f32.msk $0xffff, v6  }
0x26c: {  	[tilespmem:v11+s15+$0x0] =	vst.idx.add.f32.msk $0xffff, v10  }
0x26d: {  	s13 =	simm.s32 $0x0;
	s14 =	rddreg [dreg:$0x14]  }
0x26e: {  	[hbm4b:s14+s13] =	stream.linear.scatter [tilespmem:s15], [sflag:$0x3], $0x6000, $0x38;
	[tilespmem:$0x1E080] =	vst v63  }
0x26f: {  	s16 =	rddreg [dreg:$0x15]  }
0x270: {  	[tilespmem:s13], [sflag:$0x1] =	stream.strided.gather [hbm4b:s16+s9], $0x2000, s10, s9, $0x38;
	[tilespmem:$0x1E080] =	vst v63  }
0x271: {  	s29 =	simm.s32 $0x2000;
	s26 =	sadd.s32 $0x8000, s16  }
0x272: {  	[tilespmem:s29], [sflag:$0x1] =	stream.strided.gather [hbm4b:s26+s9], $0x2000, s10, s9, $0x38;
	[tilespmem:$0x1E080] =	vst v63  }
0x273: {  	s7 =	simm.s32 $0x4000;
	s6 =	sadd.s32 $0x10000, s16  }
0x274: {  	[tilespmem:s7], [sflag:$0x1] =	stream.strided.gather [hbm4b:s6+s9], $0x2000, s10, s9, $0x38;
	[tilespmem:$0x1E080] =	vst v63  }
0x275: {  	_ =	swait.ge [sflag:s20], $0x6000  }
0x276: {  	[sflag:s20] =	ssyncset.done $0x0  }
0x277: {  	[sflag:s20] =	ssyncadd.s32 $0xFFFFA000  }
0x278: {  	v4 =	vadd.s32 s13, v0;
	_ =	swait.ge [sflag:s22], $0x6000  }
0x279: {  	s8 =	sand.u32 $0x1800, s13;
	s11 =	sand.u32 $0x380, s13;
	v5 =	vshll.u32 v4, $0x3;
	[sflag:s22] =	ssyncset.done $0x0  }
0x27a: {  	v4 =	vand.u32 $0x7F, v4;
	v5 =	vand.u32 $0xFC00, v5;
	s6 =	sor.u32 s11, s8;
	[sflag:s22] =	ssyncadd.s32 $0xFFFFA000  }
0x27b: {  	v8 =	vor.u32 v4, v5;
	v6 =	vld [tilespmem:s6+$0x6000];
	_ =	sdelay $0x2  }
0x27c: {  	v4 =	vadd.s32 s13, v3  }
0x27d: {  	v5 =	vshll.u32 v4, $0x3  }
0x27e: {  	v4 =	vand.u32 $0x7F, v4;
	v5 =	vand.u32 $0xFC00, v5;
	[tilespmem:v8+s18+$0x0] =	vst.idx.add.f32.msk $0xffff, v6  }
0x27f: {  	v9 =	vor.u32 v4, v5;
	v6 =	vld [tilespmem:s6+$0x6010];
	_ =	sdelay $0x4  }
0x280: {  	[tilespmem:v9+s18+$0x0] =	vst.idx.add.f32.msk $0xffff, v6  }
0x281: {  	v5 =	vor.u32 $0x80, v8;
	v4 =	vld [tilespmem:s6+$0x6020];
	_ =	sdelay $0x4  }
0x282: {  	[tilespmem:v5+s18+$0x0] =	vst.idx.add.f32.msk $0xffff, v4  }
0x283: {  	v5 =	vor.u32 $0x80, v9;
	v4 =	vld [tilespmem:s6+$0x6030];
	_ =	sdelay $0x4  }
0x284: {  	[tilespmem:v5+s18+$0x0] =	vst.idx.add.f32.msk $0xffff, v4  }
0x285: {  	v5 =	vor.u32 $0x100, v8;
	v4 =	vld [tilespmem:s6+$0x6040];
	_ =	sdelay $0x3  }
0x286: {  	s12 =	simm.s32 $0x60  }
0x287: {  	s14 =	simm.s32 $0x100;
	s13 =	simm.s32 $0x80;
	v6 =	vadd.s32 s12, v0;
	[tilespmem:v5+s18+$0x0] =	vst.idx.add.f32.msk $0xffff, v4  }
0x288: {  	v10 =	vor.u32 $0x100, v9;
	s5 =	sand.u32 $0x1800, s14;
	s0 =	sand.u32 $0x380, s13;
	v4 =	vshll.u32 v6, $0x3;
	v7 =	vld [tilespmem:s6+$0x6050]  }
0x289: {  	s0 =	sor.u32 s0, s5;
	v5 =	vand.u32 $0x7F, v6;
	v4 =	vand.u32 $0xFC00, v4  }
0x28a: {  	v6 =	vld [tilespmem:s0+$0x6000];
	v5 =	vor.u32 v5, v4;
	_ =	sdelay $0x2  }
0x28b: {  	v4 =	vadd.s32 s12, v3;
	[tilespmem:v10+s18+$0x0] =	vst.idx.add.f32.msk $0xffff, v7  }
0x28c: {  	v11 =	vor.u32 $0x180, v8;
	v7 =	vshll.u32 v4, $0x3;
	v10 =	vld [tilespmem:s6+$0x6060]  }
0x28d: {  	v4 =	vand.u32 $0x7F, v4;
	[tilespmem:v5+s18+$0x0] =	vst.idx.add.f32.msk $0xffff, v6;
	v6 =	vand.u32 $0xFC00, v7  }
0x28e: {  	v7 =	vld [tilespmem:s0+$0x6010];
	v4 =	vor.u32 v4, v6;
	_ =	sdelay $0x2  }
0x28f: {  	[tilespmem:v11+s18+$0x0] =	vst.idx.add.f32.msk $0xffff, v10  }
0x290: {  	v10 =	vor.u32 $0x180, v9;
	v6 =	vld [tilespmem:s6+$0x6070]  }
0x291: {  	[tilespmem:v4+s18+$0x0] =	vst.idx.add.f32.msk $0xffff, v7  }
0x292: {  	v11 =	vor.u32 $0x80, v5;
	v7 =	vld [tilespmem:s0+$0x6020];
	_ =	sdelay $0x2  }
0x293: {  	[tilespmem:v10+s18+$0x0] =	vst.idx.add.f32.msk $0xffff, v6  }
0x294: {  	v10 =	vor.u32 $0x200, v8;
	v6 =	vld [tilespmem:s6+$0x6400]  }
0x295: {  	[tilespmem:v11+s18+$0x0] =	vst.idx.add.f32.msk $0xffff, v7  }
0x296: {  	v11 =	vor.u32 $0x80, v4;
	v7 =	vld [tilespmem:s0+$0x6030];
	_ =	sdelay $0x2  }
0x297: {  	[tilespmem:v10+s18+$0x0] =	vst.idx.add.f32.msk $0xffff, v6  }
0x298: {  	v10 =	vor.u32 $0x200, v9;
	v6 =	vld [tilespmem:s6+$0x6410]  }
0x299: {  	[tilespmem:v11+s18+$0x0] =	vst.idx.add.f32.msk $0xffff, v7  }
0x29a: {  	v11 =	vor.u32 $0x100, v5;
	v7 =	vld [tilespmem:s0+$0x6040];
	_ =	sdelay $0x2  }
0x29b: {  	[tilespmem:v10+s18+$0x0] =	vst.idx.add.f32.msk $0xffff, v6  }
0x29c: {  	v12 =	vor.u32 $0x280, v8;
	s16 =	simm.s32 $0xC0;
	v10 =	vld [tilespmem:s6+$0x6420]  }
0x29d: {  	s26 =	simm.s32 $0x100;
	s29 =	simm.s32 $0x200;
	v6 =	vadd.s32 s16, v0;
	[tilespmem:v11+s18+$0x0] =	vst.idx.add.f32.msk $0xffff, v7  }
0x29e: {  	s5 =	sand.u32 $0x380, s26;
	s7 =	sand.u32 $0x1800, s29;
	v13 =	vor.u32 $0x100, v4;
	v7 =	vshll.u32 v6, $0x3;
	v11 =	vld [tilespmem:s0+$0x6050]  }
0x29f: {  	s5 =	sor.u32 s5, s7;
	v6 =	vand.u32 $0x7F, v6;
	v7 =	vand.u32 $0xFC00, v7  }
0x2a0: {  	v14 =	vld [tilespmem:s5+$0x6000];
	v6 =	vor.u32 v6, v7  }
0x2a1: {  	[tilespmem:v12+s18+$0x0] =	vst.idx.add.f32.msk $0xffff, v10  }
0x2a2: {  	v12 =	vor.u32 $0x280, v9;
	v10 =	vld [tilespmem:s6+$0x6430]  }
0x2a3: {  	v7 =	vadd.s32 s16, v3;
	[tilespmem:v13+s18+$0x0] =	vst.idx.add.f32.msk $0xffff, v11  }
0x2a4: {  	v15 =	vor.u32 $0x180, v5;
	v11 =	vshll.u32 v7, $0x3;
	v13 =	vld [tilespmem:s0+$0x6060]  }
0x2a5: {  	v7 =	vand.u32 $0x7F, v7;
	[tilespmem:v6+s18+$0x0] =	vst.idx.add.f32.msk $0xffff, v14;
	v11 =	vand.u32 $0xFC00, v11  }
0x2a6: {  	v14 =	vld [tilespmem:s5+$0x6010];
	v7 =	vor.u32 v7, v11  }
0x2a7: {  	[tilespmem:v12+s18+$0x0] =	vst.idx.add.f32.msk $0xffff, v10  }
0x2a8: {  	v11 =	vor.u32 $0x300, v8;
	v10 =	vld [tilespmem:s6+$0x6440]  }
0x2a9: {  	[tilespmem:v15+s18+$0x0] =	vst.idx.add.f32.msk $0xffff, v13  }
0x2aa: {  	v13 =	vor.u32 $0x180, v4;
	v12 =	vld [tilespmem:s0+$0x6070]  }
0x2ab: {  	[tilespmem:v7+s18+$0x0] =	vst.idx.add.f32.msk $0xffff, v14  }
0x2ac: {  	v15 =	vor.u32 $0x80, v6;
	v14 =	vld [tilespmem:s5+$0x6020]  }
0x2ad: {  	[tilespmem:v11+s18+$0x0] =	vst.idx.add.f32.msk $0xffff, v10  }
0x2ae: {  	v11 =	vor.u32 $0x300, v9;
	v10 =	vld [tilespmem:s6+$0x6450]  }
0x2af: {  	[tilespmem:v13+s18+$0x0] =	vst.idx.add.f32.msk $0xffff, v12  }
0x2b0: {  	v13 =	vor.u32 $0x200, v5;
	v12 =	vld [tilespmem:s0+$0x6400]  }
0x2b1: {  	[tilespmem:v15+s18+$0x0] =	vst.idx.add.f32.msk $0xffff, v14  }
0x2b2: {  	v15 =	vor.u32 $0x80, v7;
	v14 =	vld [tilespmem:s5+$0x6030]  }
0x2b3: {  	[tilespmem:v11+s18+$0x0] =	vst.idx.add.f32.msk $0xffff, v10  }
0x2b4: {  	v8 =	vor.u32 $0x380, v8;
	v10 =	vld [tilespmem:s6+$0x6460]  }
0x2b5: {  	[tilespmem:v13+s18+$0x0] =	vst.idx.add.f32.msk $0xffff, v12  }
0x2b6: {  	v12 =	vor.u32 $0x200, v4;
	v11 =	vld [tilespmem:s0+$0x6410]  }
0x2b7: {  	[tilespmem:v15+s18+$0x0] =	vst.idx.add.f32.msk $0xffff, v14  }
0x2b8: {  	v14 =	vor.u32 $0x100, v6;
	v13 =	vld [tilespmem:s5+$0x6040]  }
0x2b9: {  	[tilespmem:v8+s18+$0x0] =	vst.idx.add.f32.msk $0xffff, v10  }
0x2ba: {  	v9 =	vor.u32 $0x380, v9;
	v8 =	vld [tilespmem:s6+$0x6470]  }
0x2bb: {  	[tilespmem:v12+s18+$0x0] =	vst.idx.add.f32.msk $0xffff, v11  }
0x2bc: {  	s2 =	simm.s32 $0x300;
	s14 =	simm.s32 $0x120;
	s26 =	simm.s32 $0x180;
	v11 =	vor.u32 $0x280, v5;
	v10 =	vld [tilespmem:s0+$0x6420]  }
0x2bd: {  	s8 =	smov.u32 s0;
	s7 =	smov.u32 s5;
	s16 =	simm.s32 $0x180;
	v12 =	vadd.s32 s14, v0;
	[tilespmem:v14+s18+$0x0] =	vst.idx.add.f32.msk $0xffff, v13  }
.LBB2_8:
0x2be: {  	p0 =	sne.s32 s26, $0xBA0;
	s11 =	sand.u32 $0x1800, s2;
	s12 =	sand.u32 $0x380, s16;
	v13 =	vshll.u32 v12, $0x3;
	v14 =	vld [tilespmem:s7+$0x6050];
	v15 =	vor.u32 $0x100, v7  }
0x2bf: {  	v12 =	vand.u32 $0x7F, v12;
	s11 =	sor.u32 s12, s11;
	v13 =	vand.u32 $0xFC00, v13;
	[tilespmem:v9+s18+$0x0] =	vst.idx.add.f32.msk $0xffff, v8  }
0x2c0: {  	v8 =	vld [tilespmem:s11+$0x6000];
	v9 =	vor.u32 v12, v13  }
0x2c1: {  	[tilespmem:v11+s18+$0x0] =	vst.idx.add.f32.msk $0xffff, v10  }
0x2c2: {  	v11 =	vor.u32 $0x280, v4;
	v10 =	vld [tilespmem:s8+$0x6430]  }
0x2c3: {  	v12 =	vadd.s32 s14, v3;
	s14 =	smov.u32 s26;
	[tilespmem:v15+s18+$0x0] =	vst.idx.add.f32.msk $0xffff, v14  }
0x2c4: {  	v13 =	vshll.u32 v12, $0x3;
	v15 =	vor.u32 $0x180, v6;
	v14 =	vld [tilespmem:s7+$0x6060]  }
0x2c5: {  	[tilespmem:v9+s18+$0x0] =	vst.idx.add.f32.msk $0xffff, v8;
	v8 =	vand.u32 $0x7F, v12;
	v12 =	vand.u32 $0xFC00, v13  }
0x2c6: {  	v13 =	vld [tilespmem:s11+$0x6010];
	v12 =	vor.u32 v8, v12  }
0x2c7: {  	[tilespmem:v11+s18+$0x0] =	vst.idx.add.f32.msk $0xffff, v10  }
0x2c8: {  	v10 =	vor.u32 $0x300, v5;
	v8 =	vld [tilespmem:s8+$0x6440]  }
0x2c9: {  	[tilespmem:v15+s18+$0x0] =	vst.idx.add.f32.msk $0xffff, v14  }
0x2ca: {  	v14 =	vor.u32 $0x180, v7;
	v11 =	vld [tilespmem:s7+$0x6070]  }
0x2cb: {  	[tilespmem:v12+s18+$0x0] =	vst.idx.add.f32.msk $0xffff, v13  }
0x2cc: {  	v15 =	vor.u32 $0x80, v9;
	v13 =	vld [tilespmem:s11+$0x6020]  }
0x2cd: {  	[tilespmem:v10+s18+$0x0] =	vst.idx.add.f32.msk $0xffff, v8  }
0x2ce: {  	v10 =	vor.u32 $0x300, v4;
	v8 =	vld [tilespmem:s8+$0x6450]  }
0x2cf: {  	[tilespmem:v14+s18+$0x0] =	vst.idx.add.f32.msk $0xffff, v11  }
0x2d0: {  	v14 =	vor.u32 $0x200, v6;
	v11 =	vld [tilespmem:s7+$0x6400]  }
0x2d1: {  	[tilespmem:v15+s18+$0x0] =	vst.idx.add.f32.msk $0xffff, v13  }
0x2d2: {  	v15 =	vor.u32 $0x80, v12;
	v13 =	vld [tilespmem:s11+$0x6030]  }
0x2d3: {  	[tilespmem:v10+s18+$0x0] =	vst.idx.add.f32.msk $0xffff, v8  }
0x2d4: {  	v10 =	vor.u32 $0x380, v5;
	v5 =	vmov v6;
	v6 =	vmov v9;
	v8 =	vld [tilespmem:s8+$0x6460]  }
0x2d5: {  	[tilespmem:v14+s18+$0x0] =	vst.idx.add.f32.msk $0xffff, v11  }
0x2d6: {  	v14 =	vor.u32 $0x200, v7;
	v11 =	vld [tilespmem:s7+$0x6410]  }
0x2d7: {  	[tilespmem:v15+s18+$0x0] =	vst.idx.add.f32.msk $0xffff, v13  }
0x2d8: {  	v15 =	vor.u32 $0x100, v6;
	v13 =	vld [tilespmem:s11+$0x6040]  }
.Ltmp5:
0x2d9: {  	[tilespmem:v10+s18+$0x0] =	vst.idx.add.f32.msk $0xffff, v8;
	(pc) =	sbr.rel @p0 .LBB2_8-.Ltmp5, $4  }
0x2da: {  	v9 =	vor.u32 $0x380, v4;
	v4 =	vmov v7;
	v7 =	vmov v12;
	v8 =	vld [tilespmem:s8+$0x6470];
	s8 =	smov.u32 s7;
	s7 =	smov.u32 s11  }
0x2db: {  	[tilespmem:v14+s18+$0x0] =	vst.idx.add.f32.msk $0xffff, v11  }
0x2dc: {  	v11 =	vor.u32 $0x280, v5;
	v10 =	vld [tilespmem:s8+$0x6420]  }
0x2dd: {  	s16 =	sadd.s32 $0x80, s16;
	s2 =	sadd.s32 $0x100, s2;
	s26 =	sadd.s32 $0x60, s26;
	v12 =	vadd.s32 s14, v0;
	[tilespmem:v15+s18+$0x0] =	vst.idx.add.f32.msk $0xffff, v13  }
0x2de: {  	s2 =	sand.u32 $0x1800, s2;
	s11 =	sand.u32 $0x380, s16;
	v13 =	vshll.u32 v12, $0x3  }
0x2df: {  	v12 =	vand.u32 $0x7F, v12;
	s2 =	sor.u32 s11, s2;
	v13 =	vand.u32 $0xFC00, v13  }
0x2e0: {  	v14 =	vld [tilespmem:s2+$0x6000];
	v12 =	vor.u32 v12, v13;
	_ =	sdelay $0x2  }
0x2e1: {  	v13 =	vadd.s32 s14, v3  }
0x2e2: {  	v15 =	vshll.u32 v13, $0x3  }
0x2e3: {  	v13 =	vand.u32 $0x7F, v13;
	[tilespmem:v12+s18+$0x0] =	vst.idx.add.f32.msk $0xffff, v14;
	v14 =	vand.u32 $0xFC00, v15  }
0x2e4: {  	v15 =	vld [tilespmem:s2+$0x6010];
	v13 =	vor.u32 v13, v14;
	_ =	sdelay $0x4  }
0x2e5: {  	[tilespmem:v13+s18+$0x0] =	vst.idx.add.f32.msk $0xffff, v15  }
0x2e6: {  	v15 =	vor.u32 $0x80, v12;
	v14 =	vld [tilespmem:s2+$0x6020];
	_ =	sdelay $0x4  }
0x2e7: {  	[tilespmem:v15+s18+$0x0] =	vst.idx.add.f32.msk $0xffff, v14  }
0x2e8: {  	v15 =	vor.u32 $0x80, v13;
	v14 =	vld [tilespmem:s2+$0x6030];
	_ =	sdelay $0x4  }
0x2e9: {  	[tilespmem:v15+s18+$0x0] =	vst.idx.add.f32.msk $0xffff, v14  }
0x2ea: {  	v15 =	vor.u32 $0x100, v12;
	v14 =	vld [tilespmem:s2+$0x6040];
	_ =	sdelay $0x3  }
0x2eb: {  	v16 =	vld [tilespmem:s7+$0x6050];
	v17 =	vor.u32 $0x100, v7  }
0x2ec: {  	[tilespmem:v15+s18+$0x0] =	vst.idx.add.f32.msk $0xffff, v14  }
0x2ed: {  	v15 =	vor.u32 $0x100, v13;
	v14 =	vld [tilespmem:s2+$0x6050];
	_ =	sdelay $0x2  }
0x2ee: {  	[tilespmem:v17+s18+$0x0] =	vst.idx.add.f32.msk $0xffff, v16  }
0x2ef: {  	v56 =	vor.u32 $0x180, v6;
	v16 =	vld [tilespmem:s7+$0x6060]  }
0x2f0: {  	[tilespmem:v15+s18+$0x0] =	vst.idx.add.f32.msk $0xffff, v14  }
0x2f1: {  	v15 =	vor.u32 $0x180, v12;
	v14 =	vld [tilespmem:s2+$0x6060];
	_ =	sdelay $0x2  }
0x2f2: {  	[tilespmem:v56+s18+$0x0] =	vst.idx.add.f32.msk $0xffff, v16  }
0x2f3: {  	v57 =	vor.u32 $0x180, v7;
	v16 =	vld [tilespmem:s7+$0x6070]  }
0x2f4: {  	[tilespmem:v15+s18+$0x0] =	vst.idx.add.f32.msk $0xffff, v14  }
0x2f5: {  	v15 =	vor.u32 $0x180, v13;
	v14 =	vld [tilespmem:s2+$0x6070];
	_ =	sdelay $0x2  }
0x2f6: {  	[tilespmem:v57+s18+$0x0] =	vst.idx.add.f32.msk $0xffff, v16  }
0x2f7: {  	v58 =	vor.u32 $0x200, v6;
	v16 =	vld [tilespmem:s7+$0x6400]  }
0x2f8: {  	[tilespmem:v15+s18+$0x0] =	vst.idx.add.f32.msk $0xffff, v14  }
0x2f9: {  	v15 =	vor.u32 $0x200, v12;
	v14 =	vld [tilespmem:s2+$0x6400];
	_ =	sdelay $0x2  }
0x2fa: {  	[tilespmem:v58+s18+$0x0] =	vst.idx.add.f32.msk $0xffff, v16  }
0x2fb: {  	v59 =	vor.u32 $0x200, v7;
	v16 =	vld [tilespmem:s7+$0x6410]  }
0x2fc: {  	[tilespmem:v15+s18+$0x0] =	vst.idx.add.f32.msk $0xffff, v14  }
0x2fd: {  	v15 =	vor.u32 $0x200, v13;
	v14 =	vld [tilespmem:s2+$0x6410];
	_ =	sdelay $0x2  }
0x2fe: {  	[tilespmem:v59+s18+$0x0] =	vst.idx.add.f32.msk $0xffff, v16  }
0x2ff: {  	v60 =	vor.u32 $0x280, v6;
	v16 =	vld [tilespmem:s7+$0x6420]  }
0x300: {  	[tilespmem:v15+s18+$0x0] =	vst.idx.add.f32.msk $0xffff, v14  }
0x301: {  	v15 =	vor.u32 $0x280, v12;
	v14 =	vld [tilespmem:s2+$0x6420]  }
0x302: {  	[tilespmem:v11+s18+$0x0] =	vst.idx.add.f32.msk $0xffff, v10  }
0x303: {  	v11 =	vor.u32 $0x280, v4;
	v10 =	vld [tilespmem:s8+$0x6430]  }
0x304: {  	[tilespmem:v60+s18+$0x0] =	vst.idx.add.f32.msk $0xffff, v16  }
0x305: {  	v61 =	vor.u32 $0x280, v7;
	v16 =	vld [tilespmem:s7+$0x6430]  }
0x306: {  	[tilespmem:v15+s18+$0x0] =	vst.idx.add.f32.msk $0xffff, v14  }
0x307: {  	v15 =	vor.u32 $0x280, v13;
	v14 =	vld [tilespmem:s2+$0x6430]  }
0x308: {  	[tilespmem:v11+s18+$0x0] =	vst.idx.add.f32.msk $0xffff, v10  }
0x309: {  	v11 =	vor.u32 $0x300, v5;
	v10 =	vld [tilespmem:s8+$0x6440]  }
0x30a: {  	[tilespmem:v61+s18+$0x0] =	vst.idx.add.f32.msk $0xffff, v16  }
0x30b: {  	v62 =	vor.u32 $0x300, v6;
	v16 =	vld [tilespmem:s7+$0x6440]  }
0x30c: {  	[tilespmem:v15+s18+$0x0] =	vst.idx.add.f32.msk $0xffff, v14  }
0x30d: {  	v15 =	vor.u32 $0x300, v12;
	v14 =	vld [tilespmem:s2+$0x6440]  }
0x30e: {  	[tilespmem:v11+s18+$0x0] =	vst.idx.add.f32.msk $0xffff, v10  }
0x30f: {  	v11 =	vor.u32 $0x300, v4;
	v10 =	vld [tilespmem:s8+$0x6450]  }
0x310: {  	[tilespmem:v62+s18+$0x0] =	vst.idx.add.f32.msk $0xffff, v16  }
0x311: {  	v63 =	vor.u32 $0x300, v7;
	v16 =	vld [tilespmem:s7+$0x6450]  }
0x312: {  	[tilespmem:v15+s18+$0x0] =	vst.idx.add.f32.msk $0xffff, v14  }
0x313: {  	v15 =	vor.u32 $0x300, v13;
	v14 =	vld [tilespmem:s2+$0x6450]  }
0x314: {  	[tilespmem:v11+s18+$0x0] =	vst.idx.add.f32.msk $0xffff, v10  }
0x315: {  	v5 =	vor.u32 $0x380, v5;
	v10 =	vld [tilespmem:s8+$0x6460]  }
0x316: {  	[tilespmem:v63+s18+$0x0] =	vst.idx.add.f32.msk $0xffff, v16  }
0x317: {  	v6 =	vor.u32 $0x380, v6;
	v11 =	vld [tilespmem:s7+$0x6460]  }
0x318: {  	[tilespmem:v15+s18+$0x0] =	vst.idx.add.f32.msk $0xffff, v14  }
0x319: {  	v12 =	vor.u32 $0x380, v12;
	v14 =	vld [tilespmem:s2+$0x6460]  }
0x31a: {  	[tilespmem:v5+s18+$0x0] =	vst.idx.add.f32.msk $0xffff, v10  }
0x31b: {  	v5 =	vld [tilespmem:s8+$0x6470]  }
0x31c: {  	[tilespmem:v6+s18+$0x0] =	vst.idx.add.f32.msk $0xffff, v11  }
0x31d: {  	v4 =	vor.u32 $0x380, v4;
	v6 =	vld [tilespmem:s7+$0x6470]  }
0x31e: {  	v7 =	vor.u32 $0x380, v7;
	[tilespmem:v12+s18+$0x0] =	vst.idx.add.f32.msk $0xffff, v14  }
0x31f: {  	v11 =	vor.u32 $0x380, v13;
	v10 =	vld [tilespmem:s2+$0x6470];
	_ =	sdelay $0x1  }
0x320: {  	s16 =	simm.s32 $0x1;
	[tilespmem:v9+s18+$0x0] =	vst.idx.add.f32.msk $0xffff, v8  }
0x321: {  	[tilespmem:v4+s18+$0x0] =	vst.idx.add.f32.msk $0xffff, v5;
	v4 =	vadd.s32 s16, v0  }
0x322: {  	v5 =	vshll.u32 v4, $0x3;
	[tilespmem:v7+s18+$0x0] =	vst.idx.add.f32.msk $0xffff, v6  }
0x323: {  	v4 =	vand.u32 $0x7F, v4;
	v5 =	vand.u32 $0x7FFFFC00, v5;
	[tilespmem:v11+s18+$0x0] =	vst.idx.add.f32.msk $0xffff, v10  }
0x324: {  	v8 =	vor.u32 v4, v5;
	v6 =	vld [tilespmem:s6+$0x8000];
	_ =	sdelay $0x2  }
0x325: {  	v4 =	vadd.s32 s16, v3  }
0x326: {  	v5 =	vshll.u32 v4, $0x3  }
0x327: {  	v4 =	vand.u32 $0x7F, v4;
	v5 =	vand.u32 $0x7FFFFC00, v5;
	[tilespmem:v8+s18+$0x0] =	vst.idx.add.f32.msk $0xffff, v6  }
0x328: {  	v9 =	vor.u32 v4, v5;
	v6 =	vld [tilespmem:s6+$0x8010];
	_ =	sdelay $0x4  }
0x329: {  	[tilespmem:v9+s18+$0x0] =	vst.idx.add.f32.msk $0xffff, v6  }
0x32a: {  	v5 =	vor.u32 $0x80, v8;
	v4 =	vld [tilespmem:s6+$0x8020];
	_ =	sdelay $0x4  }
0x32b: {  	[tilespmem:v5+s18+$0x0] =	vst.idx.add.f32.msk $0xffff, v4  }
0x32c: {  	v5 =	vor.u32 $0x80, v9;
	v4 =	vld [tilespmem:s6+$0x8030];
	_ =	sdelay $0x4  }
0x32d: {  	[tilespmem:v5+s18+$0x0] =	vst.idx.add.f32.msk $0xffff, v4  }
0x32e: {  	v5 =	vor.u32 $0x100, v8;
	v4 =	vld [tilespmem:s6+$0x8040];
	_ =	sdelay $0x3  }
0x32f: {  	s26 =	simm.s32 $0x61  }
0x330: {  	v6 =	vadd.s32 s26, v0;
	[tilespmem:v5+s18+$0x0] =	vst.idx.add.f32.msk $0xffff, v4  }
0x331: {  	v10 =	vor.u32 $0x100, v9;
	v4 =	vshll.u32 v6, $0x3;
	v7 =	vld [tilespmem:s6+$0x8050]  }
0x332: {  	v5 =	vand.u32 $0x7F, v6;
	v4 =	vand.u32 $0x7FFFFC00, v4  }
0x333: {  	v6 =	vld [tilespmem:s0+$0x8000];
	v5 =	vor.u32 v5, v4;
	_ =	sdelay $0x2  }
0x334: {  	v4 =	vadd.s32 s26, v3;
	[tilespmem:v10+s18+$0x0] =	vst.idx.add.f32.msk $0xffff, v7  }
0x335: {  	v11 =	vor.u32 $0x180, v8;
	v7 =	vshll.u32 v4, $0x3;
	v10 =	vld [tilespmem:s6+$0x8060]  }
0x336: {  	v4 =	vand.u32 $0x7F, v4;
	[tilespmem:v5+s18+$0x0] =	vst.idx.add.f32.msk $0xffff, v6;
	v6 =	vand.u32 $0x7FFFFC00, v7  }
0x337: {  	v7 =	vld [tilespmem:s0+$0x8010];
	v4 =	vor.u32 v4, v6;
	_ =	sdelay $0x2  }
0x338: {  	[tilespmem:v11+s18+$0x0] =	vst.idx.add.f32.msk $0xffff, v10  }
0x339: {  	v10 =	vor.u32 $0x180, v9;
	v6 =	vld [tilespmem:s6+$0x8070]  }
0x33a: {  	[tilespmem:v4+s18+$0x0] =	vst.idx.add.f32.msk $0xffff, v7  }
0x33b: {  	v11 =	vor.u32 $0x80, v5;
	v7 =	vld [tilespmem:s0+$0x8020];
	_ =	sdelay $0x2  }
0x33c: {  	[tilespmem:v10+s18+$0x0] =	vst.idx.add.f32.msk $0xffff, v6  }
0x33d: {  	v10 =	vor.u32 $0x200, v8;
	v6 =	vld [tilespmem:s6+$0x8400]  }
0x33e: {  	[tilespmem:v11+s18+$0x0] =	vst.idx.add.f32.msk $0xffff, v7  }
0x33f: {  	v11 =	vor.u32 $0x80, v4;
	v7 =	vld [tilespmem:s0+$0x8030];
	_ =	sdelay $0x2  }
0x340: {  	[tilespmem:v10+s18+$0x0] =	vst.idx.add.f32.msk $0xffff, v6  }
0x341: {  	v10 =	vor.u32 $0x200, v9;
	v6 =	vld [tilespmem:s6+$0x8410]  }
0x342: {  	[tilespmem:v11+s18+$0x0] =	vst.idx.add.f32.msk $0xffff, v7  }
0x343: {  	v11 =	vor.u32 $0x100, v5;
	v7 =	vld [tilespmem:s0+$0x8040];
	_ =	sdelay $0x2  }
0x344: {  	[tilespmem:v10+s18+$0x0] =	vst.idx.add.f32.msk $0xffff, v6  }
0x345: {  	s29 =	simm.s32 $0xC1;
	v12 =	vor.u32 $0x280, v8;
	v10 =	vld [tilespmem:s6+$0x8420]  }
0x346: {  	v6 =	vadd.s32 s29, v0;
	[tilespmem:v11+s18+$0x0] =	vst.idx.add.f32.msk $0xffff, v7  }
0x347: {  	v13 =	vor.u32 $0x100, v4;
	v7 =	vshll.u32 v6, $0x3;
	v11 =	vld [tilespmem:s0+$0x8050]  }
0x348: {  	v6 =	vand.u32 $0x7F, v6;
	v7 =	vand.u32 $0x7FFFFC00, v7  }
0x349: {  	v14 =	vld [tilespmem:s5+$0x8000];
	v6 =	vor.u32 v6, v7  }
0x34a: {  	[tilespmem:v12+s18+$0x0] =	vst.idx.add.f32.msk $0xffff, v10  }
0x34b: {  	v12 =	vor.u32 $0x280, v9;
	v10 =	vld [tilespmem:s6+$0x8430]  }
0x34c: {  	v7 =	vadd.s32 s29, v3;
	[tilespmem:v13+s18+$0x0] =	vst.idx.add.f32.msk $0xffff, v11  }
0x34d: {  	v15 =	vor.u32 $0x180, v5;
	v11 =	vshll.u32 v7, $0x3;
	v13 =	vld [tilespmem:s0+$0x8060]  }
0x34e: {  	v7 =	vand.u32 $0x7F, v7;
	[tilespmem:v6+s18+$0x0] =	vst.idx.add.f32.msk $0xffff, v14;
	v11 =	vand.u32 $0x7FFFFC00, v11  }
0x34f: {  	v14 =	vld [tilespmem:s5+$0x8010];
	v7 =	vor.u32 v7, v11  }
0x350: {  	[tilespmem:v12+s18+$0x0] =	vst.idx.add.f32.msk $0xffff, v10  }
0x351: {  	v11 =	vor.u32 $0x300, v8;
	v10 =	vld [tilespmem:s6+$0x8440]  }
0x352: {  	[tilespmem:v15+s18+$0x0] =	vst.idx.add.f32.msk $0xffff, v13  }
0x353: {  	v13 =	vor.u32 $0x180, v4;
	v12 =	vld [tilespmem:s0+$0x8070]  }
0x354: {  	[tilespmem:v7+s18+$0x0] =	vst.idx.add.f32.msk $0xffff, v14  }
0x355: {  	v15 =	vor.u32 $0x80, v6;
	v14 =	vld [tilespmem:s5+$0x8020]  }
0x356: {  	[tilespmem:v11+s18+$0x0] =	vst.idx.add.f32.msk $0xffff, v10  }
0x357: {  	v11 =	vor.u32 $0x300, v9;
	v10 =	vld [tilespmem:s6+$0x8450]  }
0x358: {  	[tilespmem:v13+s18+$0x0] =	vst.idx.add.f32.msk $0xffff, v12  }
0x359: {  	v13 =	vor.u32 $0x200, v5;
	v12 =	vld [tilespmem:s0+$0x8400]  }
0x35a: {  	[tilespmem:v15+s18+$0x0] =	vst.idx.add.f32.msk $0xffff, v14  }
0x35b: {  	v15 =	vor.u32 $0x80, v7;
	v14 =	vld [tilespmem:s5+$0x8030]  }
0x35c: {  	[tilespmem:v11+s18+$0x0] =	vst.idx.add.f32.msk $0xffff, v10  }
0x35d: {  	v8 =	vor.u32 $0x380, v8;
	v10 =	vld [tilespmem:s6+$0x8460]  }
0x35e: {  	[tilespmem:v13+s18+$0x0] =	vst.idx.add.f32.msk $0xffff, v12  }
0x35f: {  	v12 =	vor.u32 $0x200, v4;
	v11 =	vld [tilespmem:s0+$0x8410]  }
0x360: {  	[tilespmem:v15+s18+$0x0] =	vst.idx.add.f32.msk $0xffff, v14  }
0x361: {  	v14 =	vor.u32 $0x100, v6;
	v13 =	vld [tilespmem:s5+$0x8040]  }
0x362: {  	[tilespmem:v8+s18+$0x0] =	vst.idx.add.f32.msk $0xffff, v10  }
0x363: {  	v9 =	vor.u32 $0x380, v9;
	v8 =	vld [tilespmem:s6+$0x8470]  }
0x364: {  	[tilespmem:v12+s18+$0x0] =	vst.idx.add.f32.msk $0xffff, v11  }
0x365: {  	s6 =	simm.s32 $0x121;
	v11 =	vor.u32 $0x280, v5;
	v10 =	vld [tilespmem:s0+$0x8420]  }
0x366: {  	s8 =	simm.s32 $0x300;
	s7 =	simm.s32 $0x181;
	s2 =	simm.s32 $0x180;
	v12 =	vadd.s32 s6, v0;
	[tilespmem:v14+s18+$0x0] =	vst.idx.add.f32.msk $0xffff, v13  }
.LBB2_10:
0x367: {  	p0 =	sne.s32 s7, $0xBA1;
	s11 =	sand.u32 $0x1800, s8;
	s12 =	sand.u32 $0x380, s2;
	v13 =	vshll.u32 v12, $0x3;
	v14 =	vld [tilespmem:s5+$0x8050];
	v15 =	vor.u32 $0x100, v7  }
0x368: {  	v12 =	vand.u32 $0x7F, v12;
	s11 =	sor.u32 s12, s11;
	v13 =	vand.u32 $0x7FFFFC00, v13;
	[tilespmem:v9+s18+$0x0] =	vst.idx.add.f32.msk $0xffff, v8  }
0x369: {  	v8 =	vld [tilespmem:s11+$0x8000];
	v9 =	vor.u32 v12, v13  }
0x36a: {  	[tilespmem:v11+s18+$0x0] =	vst.idx.add.f32.msk $0xffff, v10  }
0x36b: {  	v11 =	vor.u32 $0x280, v4;
	v10 =	vld [tilespmem:s0+$0x8430]  }
0x36c: {  	v12 =	vadd.s32 s6, v3;
	s6 =	smov.u32 s7;
	[tilespmem:v15+s18+$0x0] =	vst.idx.add.f32.msk $0xffff, v14  }
0x36d: {  	v13 =	vshll.u32 v12, $0x3;
	v15 =	vor.u32 $0x180, v6;
	v14 =	vld [tilespmem:s5+$0x8060]  }
0x36e: {  	[tilespmem:v9+s18+$0x0] =	vst.idx.add.f32.msk $0xffff, v8;
	v8 =	vand.u32 $0x7F, v12;
	v12 =	vand.u32 $0x7FFFFC00, v13  }
0x36f: {  	v13 =	vld [tilespmem:s11+$0x8010];
	v12 =	vor.u32 v8, v12  }
0x370: {  	[tilespmem:v11+s18+$0x0] =	vst.idx.add.f32.msk $0xffff, v10  }
0x371: {  	v10 =	vor.u32 $0x300, v5;
	v8 =	vld [tilespmem:s0+$0x8440]  }
0x372: {  	[tilespmem:v15+s18+$0x0] =	vst.idx.add.f32.msk $0xffff, v14  }
0x373: {  	v14 =	vor.u32 $0x180, v7;
	v11 =	vld [tilespmem:s5+$0x8070]  }
0x374: {  	[tilespmem:v12+s18+$0x0] =	vst.idx.add.f32.msk $0xffff, v13  }
0x375: {  	v15 =	vor.u32 $0x80, v9;
	v13 =	vld [tilespmem:s11+$0x8020]  }
0x376: {  	[tilespmem:v10+s18+$0x0] =	vst.idx.add.f32.msk $0xffff, v8  }
0x377: {  	v10 =	vor.u32 $0x300, v4;
	v8 =	vld [tilespmem:s0+$0x8450]  }
0x378: {  	[tilespmem:v14+s18+$0x0] =	vst.idx.add.f32.msk $0xffff, v11  }
0x379: {  	v14 =	vor.u32 $0x200, v6;
	v11 =	vld [tilespmem:s5+$0x8400]  }
0x37a: {  	[tilespmem:v15+s18+$0x0] =	vst.idx.add.f32.msk $0xffff, v13  }
0x37b: {  	v15 =	vor.u32 $0x80, v12;
	v13 =	vld [tilespmem:s11+$0x8030]  }
0x37c: {  	[tilespmem:v10+s18+$0x0] =	vst.idx.add.f32.msk $0xffff, v8  }
0x37d: {  	v10 =	vor.u32 $0x380, v5;
	v5 =	vmov v6;
	v6 =	vmov v9;
	v8 =	vld [tilespmem:s0+$0x8460]  }
0x37e: {  	[tilespmem:v14+s18+$0x0] =	vst.idx.add.f32.msk $0xffff, v11  }
0x37f: {  	v14 =	vor.u32 $0x200, v7;
	v11 =	vld [tilespmem:s5+$0x8410]  }
0x380: {  	[tilespmem:v15+s18+$0x0] =	vst.idx.add.f32.msk $0xffff, v13  }
0x381: {  	v15 =	vor.u32 $0x100, v6;
	v13 =	vld [tilespmem:s11+$0x8040]  }
.Ltmp6:
0x382: {  	[tilespmem:v10+s18+$0x0] =	vst.idx.add.f32.msk $0xffff, v8;
	(pc) =	sbr.rel @p0 .LBB2_10-.Ltmp6, $4  }
0x383: {  	v9 =	vor.u32 $0x380, v4;
	v4 =	vmov v7;
	v7 =	vmov v12;
	v8 =	vld [tilespmem:s0+$0x8470];
	s0 =	smov.u32 s5;
	s5 =	smov.u32 s11  }
0x384: {  	[tilespmem:v14+s18+$0x0] =	vst.idx.add.f32.msk $0xffff, v11  }
0x385: {  	v11 =	vor.u32 $0x280, v5;
	v10 =	vld [tilespmem:s0+$0x8420]  }
0x386: {  	s2 =	sadd.s32 $0x80, s2;
	s8 =	sadd.s32 $0x100, s8;
	s7 =	sadd.s32 $0x60, s7;
	v12 =	vadd.s32 s6, v0;
	[tilespmem:v15+s18+$0x0] =	vst.idx.add.f32.msk $0xffff, v13  }
0x387: {  	s7 =	sand.u32 $0x1800, s8;
	s2 =	sand.u32 $0x380, s2;
	v13 =	vshll.u32 v12, $0x3  }
0x388: {  	v12 =	vand.u32 $0x7F, v12;
	s2 =	sor.u32 s2, s7;
	v13 =	vand.u32 $0x7FFFFC00, v13  }
0x389: {  	v14 =	vld [tilespmem:s2+$0x8000];
	v12 =	vor.u32 v12, v13;
	_ =	sdelay $0x2  }
0x38a: {  	v13 =	vadd.s32 s6, v3  }
0x38b: {  	v15 =	vshll.u32 v13, $0x3  }
0x38c: {  	v13 =	vand.u32 $0x7F, v13;
	[tilespmem:v12+s18+$0x0] =	vst.idx.add.f32.msk $0xffff, v14;
	v14 =	vand.u32 $0x7FFFFC00, v15  }
0x38d: {  	v15 =	vld [tilespmem:s2+$0x8010];
	v13 =	vor.u32 v13, v14;
	_ =	sdelay $0x4  }
0x38e: {  	[tilespmem:v13+s18+$0x0] =	vst.idx.add.f32.msk $0xffff, v15  }
0x38f: {  	v15 =	vor.u32 $0x80, v12;
	v14 =	vld [tilespmem:s2+$0x8020];
	_ =	sdelay $0x4  }
0x390: {  	[tilespmem:v15+s18+$0x0] =	vst.idx.add.f32.msk $0xffff, v14  }
0x391: {  	v15 =	vor.u32 $0x80, v13;
	v14 =	vld [tilespmem:s2+$0x8030];
	_ =	sdelay $0x4  }
0x392: {  	[tilespmem:v15+s18+$0x0] =	vst.idx.add.f32.msk $0xffff, v14  }
0x393: {  	v15 =	vor.u32 $0x100, v12;
	v14 =	vld [tilespmem:s2+$0x8040];
	_ =	sdelay $0x3  }
0x394: {  	v16 =	vld [tilespmem:s5+$0x8050];
	v17 =	vor.u32 $0x100, v7  }
0x395: {  	[tilespmem:v15+s18+$0x0] =	vst.idx.add.f32.msk $0xffff, v14  }
0x396: {  	v15 =	vor.u32 $0x100, v13;
	v14 =	vld [tilespmem:s2+$0x8050];
	_ =	sdelay $0x2  }
0x397: {  	[tilespmem:v17+s18+$0x0] =	vst.idx.add.f32.msk $0xffff, v16  }
0x398: {  	v56 =	vor.u32 $0x180, v6;
	v16 =	vld [tilespmem:s5+$0x8060]  }
0x399: {  	[tilespmem:v15+s18+$0x0] =	vst.idx.add.f32.msk $0xffff, v14  }
0x39a: {  	v15 =	vor.u32 $0x180, v12;
	v14 =	vld [tilespmem:s2+$0x8060];
	_ =	sdelay $0x2  }
0x39b: {  	[tilespmem:v56+s18+$0x0] =	vst.idx.add.f32.msk $0xffff, v16  }
0x39c: {  	v57 =	vor.u32 $0x180, v7;
	v16 =	vld [tilespmem:s5+$0x8070]  }
0x39d: {  	[tilespmem:v15+s18+$0x0] =	vst.idx.add.f32.msk $0xffff, v14  }
0x39e: {  	v15 =	vor.u32 $0x180, v13;
	v14 =	vld [tilespmem:s2+$0x8070];
	_ =	sdelay $0x2  }
0x39f: {  	[tilespmem:v57+s18+$0x0] =	vst.idx.add.f32.msk $0xffff, v16  }
0x3a0: {  	v58 =	vor.u32 $0x200, v6;
	v16 =	vld [tilespmem:s5+$0x8400]  }
0x3a1: {  	[tilespmem:v15+s18+$0x0] =	vst.idx.add.f32.msk $0xffff, v14  }
0x3a2: {  	v15 =	vor.u32 $0x200, v12;
	v14 =	vld [tilespmem:s2+$0x8400];
	_ =	sdelay $0x2  }
0x3a3: {  	[tilespmem:v58+s18+$0x0] =	vst.idx.add.f32.msk $0xffff, v16  }
0x3a4: {  	v59 =	vor.u32 $0x200, v7;
	v16 =	vld [tilespmem:s5+$0x8410]  }
0x3a5: {  	[tilespmem:v15+s18+$0x0] =	vst.idx.add.f32.msk $0xffff, v14  }
0x3a6: {  	v15 =	vor.u32 $0x200, v13;
	v14 =	vld [tilespmem:s2+$0x8410];
	_ =	sdelay $0x2  }
0x3a7: {  	[tilespmem:v59+s18+$0x0] =	vst.idx.add.f32.msk $0xffff, v16  }
0x3a8: {  	v60 =	vor.u32 $0x280, v6;
	v16 =	vld [tilespmem:s5+$0x8420]  }
0x3a9: {  	[tilespmem:v15+s18+$0x0] =	vst.idx.add.f32.msk $0xffff, v14  }
0x3aa: {  	v15 =	vor.u32 $0x280, v12;
	v14 =	vld [tilespmem:s2+$0x8420]  }
0x3ab: {  	[tilespmem:v11+s18+$0x0] =	vst.idx.add.f32.msk $0xffff, v10  }
0x3ac: {  	v11 =	vor.u32 $0x280, v4;
	v10 =	vld [tilespmem:s0+$0x8430]  }
0x3ad: {  	[tilespmem:v60+s18+$0x0] =	vst.idx.add.f32.msk $0xffff, v16  }
0x3ae: {  	v61 =	vor.u32 $0x280, v7;
	v16 =	vld [tilespmem:s5+$0x8430]  }
0x3af: {  	[tilespmem:v15+s18+$0x0] =	vst.idx.add.f32.msk $0xffff, v14  }
0x3b0: {  	v15 =	vor.u32 $0x280, v13;
	v14 =	vld [tilespmem:s2+$0x8430]  }
0x3b1: {  	[tilespmem:v11+s18+$0x0] =	vst.idx.add.f32.msk $0xffff, v10  }
0x3b2: {  	v11 =	vor.u32 $0x300, v5;
	v10 =	vld [tilespmem:s0+$0x8440]  }
0x3b3: {  	[tilespmem:v61+s18+$0x0] =	vst.idx.add.f32.msk $0xffff, v16  }
0x3b4: {  	v62 =	vor.u32 $0x300, v6;
	v16 =	vld [tilespmem:s5+$0x8440]  }
0x3b5: {  	[tilespmem:v15+s18+$0x0] =	vst.idx.add.f32.msk $0xffff, v14  }
0x3b6: {  	v15 =	vor.u32 $0x300, v12;
	v14 =	vld [tilespmem:s2+$0x8440]  }
0x3b7: {  	[tilespmem:v11+s18+$0x0] =	vst.idx.add.f32.msk $0xffff, v10  }
0x3b8: {  	v11 =	vor.u32 $0x300, v4;
	v10 =	vld [tilespmem:s0+$0x8450]  }
0x3b9: {  	[tilespmem:v62+s18+$0x0] =	vst.idx.add.f32.msk $0xffff, v16  }
0x3ba: {  	v63 =	vor.u32 $0x300, v7;
	v16 =	vld [tilespmem:s5+$0x8450]  }
0x3bb: {  	[tilespmem:v15+s18+$0x0] =	vst.idx.add.f32.msk $0xffff, v14  }
0x3bc: {  	v15 =	vor.u32 $0x300, v13;
	v14 =	vld [tilespmem:s2+$0x8450]  }
0x3bd: {  	[tilespmem:v11+s18+$0x0] =	vst.idx.add.f32.msk $0xffff, v10  }
0x3be: {  	v5 =	vor.u32 $0x380, v5;
	v10 =	vld [tilespmem:s0+$0x8460]  }
0x3bf: {  	[tilespmem:v63+s18+$0x0] =	vst.idx.add.f32.msk $0xffff, v16  }
0x3c0: {  	v6 =	vor.u32 $0x380, v6;
	v11 =	vld [tilespmem:s5+$0x8460]  }
0x3c1: {  	[tilespmem:v15+s18+$0x0] =	vst.idx.add.f32.msk $0xffff, v14  }
0x3c2: {  	v12 =	vor.u32 $0x380, v12;
	v14 =	vld [tilespmem:s2+$0x8460]  }
0x3c3: {  	[tilespmem:v5+s18+$0x0] =	vst.idx.add.f32.msk $0xffff, v10  }
0x3c4: {  	v5 =	vld [tilespmem:s0+$0x8470]  }
0x3c5: {  	[tilespmem:v6+s18+$0x0] =	vst.idx.add.f32.msk $0xffff, v11  }
0x3c6: {  	v4 =	vor.u32 $0x380, v4;
	v6 =	vld [tilespmem:s5+$0x8470]  }
0x3c7: {  	v7 =	vor.u32 $0x380, v7;
	[tilespmem:v12+s18+$0x0] =	vst.idx.add.f32.msk $0xffff, v14  }
0x3c8: {  	v11 =	vor.u32 $0x380, v13;
	v10 =	vld [tilespmem:s2+$0x8470];
	_ =	sdelay $0x1  }
0x3c9: {  	[tilespmem:v9+s18+$0x0] =	vst.idx.add.f32.msk $0xffff, v8;
	s6 =	simm.s32 $0x2  }
0x3ca: {  	s7 =	simm.s32 $0x0;
	[tilespmem:v4+s18+$0x0] =	vst.idx.add.f32.msk $0xffff, v5;
	v4 =	vadd.s32 s6, v0  }
0x3cb: {  	s8 =	sand.u32 $0x1800, s7;
	v5 =	vshll.u32 v4, $0x3;
	[tilespmem:v7+s18+$0x0] =	vst.idx.add.f32.msk $0xffff, v6;
	s2 =	sand.u32 $0x380, s7  }
0x3cc: {  	v4 =	vand.u32 $0x7F, v4;
	v5 =	vand.u32 $0x7FFFFC00, v5;
	s11 =	sor.u32 s2, s8;
	[tilespmem:v11+s18+$0x0] =	vst.idx.add.f32.msk $0xffff, v10  }
0x3cd: {  	v8 =	vor.u32 v4, v5;
	v6 =	vld [tilespmem:s11+$0xA000];
	_ =	sdelay $0x2  }
0x3ce: {  	v4 =	vadd.s32 s6, v3  }
0x3cf: {  	v5 =	vshll.u32 v4, $0x3  }
0x3d0: {  	v4 =	vand.u32 $0x7F, v4;
	v5 =	vand.u32 $0x7FFFFC00, v5;
	[tilespmem:v8+s18+$0x0] =	vst.idx.add.f32.msk $0xffff, v6  }
0x3d1: {  	v9 =	vor.u32 v4, v5;
	v6 =	vld [tilespmem:s11+$0xA010];
	_ =	sdelay $0x4  }
0x3d2: {  	[tilespmem:v9+s18+$0x0] =	vst.idx.add.f32.msk $0xffff, v6  }
0x3d3: {  	v5 =	vor.u32 $0x80, v8;
	v4 =	vld [tilespmem:s11+$0xA020];
	_ =	sdelay $0x4  }
0x3d4: {  	[tilespmem:v5+s18+$0x0] =	vst.idx.add.f32.msk $0xffff, v4  }
0x3d5: {  	v5 =	vor.u32 $0x80, v9;
	v4 =	vld [tilespmem:s11+$0xA030];
	_ =	sdelay $0x4  }
0x3d6: {  	[tilespmem:v5+s18+$0x0] =	vst.idx.add.f32.msk $0xffff, v4  }
0x3d7: {  	v5 =	vor.u32 $0x100, v8;
	v4 =	vld [tilespmem:s11+$0xA040];
	_ =	sdelay $0x3  }
0x3d8: {  	s12 =	simm.s32 $0x62  }
0x3d9: {  	s13 =	simm.s32 $0x80;
	s14 =	simm.s32 $0x100;
	v6 =	vadd.s32 s12, v0;
	[tilespmem:v5+s18+$0x0] =	vst.idx.add.f32.msk $0xffff, v4  }
0x3da: {  	s0 =	sand.u32 $0x380, s13;
	s5 =	sand.u32 $0x1800, s14;
	v10 =	vor.u32 $0x100, v9;
	v4 =	vshll.u32 v6, $0x3;
	v7 =	vld [tilespmem:s11+$0xA050]  }
0x3db: {  	s0 =	sor.u32 s0, s5;
	v5 =	vand.u32 $0x7F, v6;
	v4 =	vand.u32 $0x7FFFFC00, v4  }
0x3dc: {  	v6 =	vld [tilespmem:s0+$0xA000];
	v5 =	vor.u32 v5, v4;
	_ =	sdelay $0x2  }
0x3dd: {  	v4 =	vadd.s32 s12, v3;
	[tilespmem:v10+s18+$0x0] =	vst.idx.add.f32.msk $0xffff, v7  }
0x3de: {  	v11 =	vor.u32 $0x180, v8;
	v7 =	vshll.u32 v4, $0x3;
	v10 =	vld [tilespmem:s11+$0xA060]  }
0x3df: {  	v4 =	vand.u32 $0x7F, v4;
	[tilespmem:v5+s18+$0x0] =	vst.idx.add.f32.msk $0xffff, v6;
	v6 =	vand.u32 $0x7FFFFC00, v7  }
0x3e0: {  	v7 =	vld [tilespmem:s0+$0xA010];
	v4 =	vor.u32 v4, v6;
	_ =	sdelay $0x2  }
0x3e1: {  	[tilespmem:v11+s18+$0x0] =	vst.idx.add.f32.msk $0xffff, v10  }
0x3e2: {  	v10 =	vor.u32 $0x180, v9;
	v6 =	vld [tilespmem:s11+$0xA070]  }
0x3e3: {  	[tilespmem:v4+s18+$0x0] =	vst.idx.add.f32.msk $0xffff, v7  }
0x3e4: {  	v11 =	vor.u32 $0x80, v5;
	v7 =	vld [tilespmem:s0+$0xA020];
	_ =	sdelay $0x2  }
0x3e5: {  	[tilespmem:v10+s18+$0x0] =	vst.idx.add.f32.msk $0xffff, v6  }
0x3e6: {  	v10 =	vor.u32 $0x200, v8;
	v6 =	vld [tilespmem:s11+$0xA400]  }
0x3e7: {  	[tilespmem:v11+s18+$0x0] =	vst.idx.add.f32.msk $0xffff, v7  }
0x3e8: {  	v11 =	vor.u32 $0x80, v4;
	v7 =	vld [tilespmem:s0+$0xA030];
	_ =	sdelay $0x2  }
0x3e9: {  	[tilespmem:v10+s18+$0x0] =	vst.idx.add.f32.msk $0xffff, v6  }
0x3ea: {  	v10 =	vor.u32 $0x200, v9;
	v6 =	vld [tilespmem:s11+$0xA410]  }
0x3eb: {  	[tilespmem:v11+s18+$0x0] =	vst.idx.add.f32.msk $0xffff, v7  }
0x3ec: {  	v11 =	vor.u32 $0x100, v5;
	v7 =	vld [tilespmem:s0+$0xA040];
	_ =	sdelay $0x2  }
0x3ed: {  	[tilespmem:v10+s18+$0x0] =	vst.idx.add.f32.msk $0xffff, v6  }
0x3ee: {  	s16 =	simm.s32 $0xC2;
	v12 =	vor.u32 $0x280, v8;
	v10 =	vld [tilespmem:s11+$0xA420]  }
0x3ef: {  	s26 =	simm.s32 $0x100;
	s29 =	simm.s32 $0x200;
	v6 =	vadd.s32 s16, v0;
	[tilespmem:v11+s18+$0x0] =	vst.idx.add.f32.msk $0xffff, v7  }
0x3f0: {  	s5 =	sand.u32 $0x380, s26;
	s7 =	sand.u32 $0x1800, s29;
	v13 =	vor.u32 $0x100, v4;
	v7 =	vshll.u32 v6, $0x3;
	v11 =	vld [tilespmem:s0+$0xA050]  }
0x3f1: {  	s5 =	sor.u32 s5, s7;
	v6 =	vand.u32 $0x7F, v6;
	v7 =	vand.u32 $0x7FFFFC00, v7  }
0x3f2: {  	v14 =	vld [tilespmem:s5+$0xA000];
	v6 =	vor.u32 v6, v7  }
0x3f3: {  	[tilespmem:v12+s18+$0x0] =	vst.idx.add.f32.msk $0xffff, v10  }
0x3f4: {  	v12 =	vor.u32 $0x280, v9;
	v10 =	vld [tilespmem:s11+$0xA430]  }
0x3f5: {  	v7 =	vadd.s32 s16, v3;
	[tilespmem:v13+s18+$0x0] =	vst.idx.add.f32.msk $0xffff, v11  }
0x3f6: {  	v15 =	vor.u32 $0x180, v5;
	v11 =	vshll.u32 v7, $0x3;
	v13 =	vld [tilespmem:s0+$0xA060]  }
0x3f7: {  	v7 =	vand.u32 $0x7F, v7;
	[tilespmem:v6+s18+$0x0] =	vst.idx.add.f32.msk $0xffff, v14;
	v11 =	vand.u32 $0x7FFFFC00, v11  }
0x3f8: {  	v14 =	vld [tilespmem:s5+$0xA010];
	v7 =	vor.u32 v7, v11  }
0x3f9: {  	[tilespmem:v12+s18+$0x0] =	vst.idx.add.f32.msk $0xffff, v10  }
0x3fa: {  	v11 =	vor.u32 $0x300, v8;
	v10 =	vld [tilespmem:s11+$0xA440]  }
0x3fb: {  	[tilespmem:v15+s18+$0x0] =	vst.idx.add.f32.msk $0xffff, v13  }
0x3fc: {  	v13 =	vor.u32 $0x180, v4;
	v12 =	vld [tilespmem:s0+$0xA070]  }
0x3fd: {  	[tilespmem:v7+s18+$0x0] =	vst.idx.add.f32.msk $0xffff, v14  }
0x3fe: {  	v15 =	vor.u32 $0x80, v6;
	v14 =	vld [tilespmem:s5+$0xA020]  }
0x3ff: {  	[tilespmem:v11+s18+$0x0] =	vst.idx.add.f32.msk $0xffff, v10  }
0x400: {  	v11 =	vor.u32 $0x300, v9;
	v10 =	vld [tilespmem:s11+$0xA450]  }
0x401: {  	[tilespmem:v13+s18+$0x0] =	vst.idx.add.f32.msk $0xffff, v12  }
0x402: {  	v13 =	vor.u32 $0x200, v5;
	v12 =	vld [tilespmem:s0+$0xA400]  }
0x403: {  	[tilespmem:v15+s18+$0x0] =	vst.idx.add.f32.msk $0xffff, v14  }
0x404: {  	v15 =	vor.u32 $0x80, v7;
	v14 =	vld [tilespmem:s5+$0xA030]  }
0x405: {  	[tilespmem:v11+s18+$0x0] =	vst.idx.add.f32.msk $0xffff, v10  }
0x406: {  	v8 =	vor.u32 $0x380, v8;
	v10 =	vld [tilespmem:s11+$0xA460]  }
0x407: {  	[tilespmem:v13+s18+$0x0] =	vst.idx.add.f32.msk $0xffff, v12  }
0x408: {  	v12 =	vor.u32 $0x200, v4;
	v11 =	vld [tilespmem:s0+$0xA410]  }
0x409: {  	[tilespmem:v15+s18+$0x0] =	vst.idx.add.f32.msk $0xffff, v14  }
0x40a: {  	v14 =	vor.u32 $0x100, v6;
	v13 =	vld [tilespmem:s5+$0xA040]  }
0x40b: {  	[tilespmem:v8+s18+$0x0] =	vst.idx.add.f32.msk $0xffff, v10  }
0x40c: {  	v9 =	vor.u32 $0x380, v9;
	v8 =	vld [tilespmem:s11+$0xA470]  }
0x40d: {  	[tilespmem:v12+s18+$0x0] =	vst.idx.add.f32.msk $0xffff, v11  }
0x40e: {  	s6 =	simm.s32 $0x122;
	v11 =	vor.u32 $0x280, v5;
	v10 =	vld [tilespmem:s0+$0xA420]  }
0x40f: {  	s7 =	simm.s32 $0x182;
	s2 =	simm.s32 $0x180;
	s8 =	simm.s32 $0x300;
	v12 =	vadd.s32 s6, v0;
	[tilespmem:v14+s18+$0x0] =	vst.idx.add.f32.msk $0xffff, v13  }
.LBB2_12:
0x410: {  	p0 =	sne.s32 s7, $0xBA2;
	s11 =	sand.u32 $0x1800, s8;
	s12 =	sand.u32 $0x380, s2;
	v13 =	vshll.u32 v12, $0x3;
	v14 =	vld [tilespmem:s5+$0xA050];
	v15 =	vor.u32 $0x100, v7  }
0x411: {  	v12 =	vand.u32 $0x7F, v12;
	s11 =	sor.u32 s12, s11;
	v13 =	vand.u32 $0x7FFFFC00, v13;
	[tilespmem:v9+s18+$0x0] =	vst.idx.add.f32.msk $0xffff, v8  }
0x412: {  	v8 =	vld [tilespmem:s11+$0xA000];
	v9 =	vor.u32 v12, v13  }
0x413: {  	[tilespmem:v11+s18+$0x0] =	vst.idx.add.f32.msk $0xffff, v10  }
0x414: {  	v11 =	vor.u32 $0x280, v4;
	v10 =	vld [tilespmem:s0+$0xA430]  }
0x415: {  	v12 =	vadd.s32 s6, v3;
	s6 =	smov.u32 s7;
	[tilespmem:v15+s18+$0x0] =	vst.idx.add.f32.msk $0xffff, v14  }
0x416: {  	v13 =	vshll.u32 v12, $0x3;
	v15 =	vor.u32 $0x180, v6;
	v14 =	vld [tilespmem:s5+$0xA060]  }
0x417: {  	[tilespmem:v9+s18+$0x0] =	vst.idx.add.f32.msk $0xffff, v8;
	v8 =	vand.u32 $0x7F, v12;
	v12 =	vand.u32 $0x7FFFFC00, v13  }
0x418: {  	v13 =	vld [tilespmem:s11+$0xA010];
	v12 =	vor.u32 v8, v12  }
0x419: {  	[tilespmem:v11+s18+$0x0] =	vst.idx.add.f32.msk $0xffff, v10  }
0x41a: {  	v10 =	vor.u32 $0x300, v5;
	v8 =	vld [tilespmem:s0+$0xA440]  }
0x41b: {  	[tilespmem:v15+s18+$0x0] =	vst.idx.add.f32.msk $0xffff, v14  }
0x41c: {  	v14 =	vor.u32 $0x180, v7;
	v11 =	vld [tilespmem:s5+$0xA070]  }
0x41d: {  	[tilespmem:v12+s18+$0x0] =	vst.idx.add.f32.msk $0xffff, v13  }
0x41e: {  	v15 =	vor.u32 $0x80, v9;
	v13 =	vld [tilespmem:s11+$0xA020]  }
0x41f: {  	[tilespmem:v10+s18+$0x0] =	vst.idx.add.f32.msk $0xffff, v8  }
0x420: {  	v10 =	vor.u32 $0x300, v4;
	v8 =	vld [tilespmem:s0+$0xA450]  }
0x421: {  	[tilespmem:v14+s18+$0x0] =	vst.idx.add.f32.msk $0xffff, v11  }
0x422: {  	v14 =	vor.u32 $0x200, v6;
	v11 =	vld [tilespmem:s5+$0xA400]  }
0x423: {  	[tilespmem:v15+s18+$0x0] =	vst.idx.add.f32.msk $0xffff, v13  }
0x424: {  	v15 =	vor.u32 $0x80, v12;
	v13 =	vld [tilespmem:s11+$0xA030]  }
0x425: {  	[tilespmem:v10+s18+$0x0] =	vst.idx.add.f32.msk $0xffff, v8  }
0x426: {  	v10 =	vor.u32 $0x380, v5;
	v5 =	vmov v6;
	v6 =	vmov v9;
	v8 =	vld [tilespmem:s0+$0xA460]  }
0x427: {  	[tilespmem:v14+s18+$0x0] =	vst.idx.add.f32.msk $0xffff, v11  }
0x428: {  	v14 =	vor.u32 $0x200, v7;
	v11 =	vld [tilespmem:s5+$0xA410]  }
0x429: {  	[tilespmem:v15+s18+$0x0] =	vst.idx.add.f32.msk $0xffff, v13  }
0x42a: {  	v15 =	vor.u32 $0x100, v6;
	v13 =	vld [tilespmem:s11+$0xA040]  }
.Ltmp7:
0x42b: {  	[tilespmem:v10+s18+$0x0] =	vst.idx.add.f32.msk $0xffff, v8;
	(pc) =	sbr.rel @p0 .LBB2_12-.Ltmp7, $4  }
0x42c: {  	v9 =	vor.u32 $0x380, v4;
	v4 =	vmov v7;
	v7 =	vmov v12;
	v8 =	vld [tilespmem:s0+$0xA470];
	s0 =	smov.u32 s5;
	s5 =	smov.u32 s11  }
0x42d: {  	[tilespmem:v14+s18+$0x0] =	vst.idx.add.f32.msk $0xffff, v11  }
0x42e: {  	v11 =	vor.u32 $0x280, v5;
	v10 =	vld [tilespmem:s0+$0xA420]  }
0x42f: {  	s2 =	sadd.s32 $0x80, s2;
	s8 =	sadd.s32 $0x100, s8;
	s7 =	sadd.s32 $0x60, s7;
	v12 =	vadd.s32 s6, v0;
	[tilespmem:v15+s18+$0x0] =	vst.idx.add.f32.msk $0xffff, v13  }
0x430: {  	s7 =	sand.u32 $0x1800, s8;
	s2 =	sand.u32 $0x380, s2;
	v13 =	vshll.u32 v12, $0x3  }
0x431: {  	v31 =	vand.u32 $0x7F, v12;
	s2 =	sor.u32 s2, s7;
	v13 =	vand.u32 $0x7FFFFC00, v13  }
0x432: {  	v14 =	vld [tilespmem:s2+$0xA000];
	v12 =	vor.u32 v31, v13;
	_ =	sdelay $0x2  }
0x433: {  	v32 =	vadd.s32 s6, v3  }
0x434: {  	v15 =	vshll.u32 v32, $0x3  }
0x435: {  	v13 =	vand.u32 $0x7F, v32;
	v33 =	vand.u32 $0x7FFFFC00, v15;
	[tilespmem:v12+s18+$0x0] =	vst.idx.add.f32.msk $0xffff, v14  }
0x436: {  	v13 =	vor.u32 v13, v33;
	v34 =	vld [tilespmem:s2+$0xA010];
	_ =	sdelay $0x4  }
0x437: {  	[tilespmem:v13+s18+$0x0] =	vst.idx.add.f32.msk $0xffff, v34  }
0x438: {  	v36 =	vor.u32 $0x80, v12;
	v35 =	vld [tilespmem:s2+$0xA020];
	_ =	sdelay $0x4  }
0x439: {  	[tilespmem:v36+s18+$0x0] =	vst.idx.add.f32.msk $0xffff, v35  }
0x43a: {  	v37 =	vor.u32 $0x80, v13;
	v14 =	vld [tilespmem:s2+$0xA030];
	_ =	sdelay $0x4  }
0x43b: {  	[tilespmem:v37+s18+$0x0] =	vst.idx.add.f32.msk $0xffff, v14  }
0x43c: {  	v38 =	vor.u32 $0x100, v12;
	v14 =	vld [tilespmem:s2+$0xA040];
	_ =	sdelay $0x3  }
0x43d: {  	v16 =	vld [tilespmem:s5+$0xA050];
	v17 =	vor.u32 $0x100, v7  }
0x43e: {  	[tilespmem:v38+s18+$0x0] =	vst.idx.add.f32.msk $0xffff, v14  }
0x43f: {  	v39 =	vor.u32 $0x100, v13;
	v14 =	vld [tilespmem:s2+$0xA050];
	_ =	sdelay $0x2  }
0x440: {  	[tilespmem:v17+s18+$0x0] =	vst.idx.add.f32.msk $0xffff, v16  }
0x441: {  	v40 =	vor.u32 $0x180, v6;
	v16 =	vld [tilespmem:s5+$0xA060]  }
0x442: {  	[tilespmem:v39+s18+$0x0] =	vst.idx.add.f32.msk $0xffff, v14  }
0x443: {  	v41 =	vor.u32 $0x180, v12;
	v14 =	vld [tilespmem:s2+$0xA060];
	_ =	sdelay $0x2  }
0x444: {  	[tilespmem:v40+s18+$0x0] =	vst.idx.add.f32.msk $0xffff, v16  }
0x445: {  	v42 =	vor.u32 $0x180, v7;
	v16 =	vld [tilespmem:s5+$0xA070]  }
0x446: {  	[tilespmem:v41+s18+$0x0] =	vst.idx.add.f32.msk $0xffff, v14  }
0x447: {  	v43 =	vor.u32 $0x180, v13;
	v14 =	vld [tilespmem:s2+$0xA070];
	_ =	sdelay $0x2  }
0x448: {  	[tilespmem:v42+s18+$0x0] =	vst.idx.add.f32.msk $0xffff, v16  }
0x449: {  	v44 =	vor.u32 $0x200, v6;
	v16 =	vld [tilespmem:s5+$0xA400]  }
0x44a: {  	[tilespmem:v43+s18+$0x0] =	vst.idx.add.f32.msk $0xffff, v14  }
0x44b: {  	v45 =	vor.u32 $0x200, v12;
	v14 =	vld [tilespmem:s2+$0xA400];
	_ =	sdelay $0x2  }
0x44c: {  	[tilespmem:v44+s18+$0x0] =	vst.idx.add.f32.msk $0xffff, v16  }
0x44d: {  	v46 =	vor.u32 $0x200, v7;
	v16 =	vld [tilespmem:s5+$0xA410]  }
0x44e: {  	[tilespmem:v45+s18+$0x0] =	vst.idx.add.f32.msk $0xffff, v14  }
0x44f: {  	v47 =	vor.u32 $0x200, v13;
	v14 =	vld [tilespmem:s2+$0xA410];
	_ =	sdelay $0x2  }
0x450: {  	[tilespmem:v46+s18+$0x0] =	vst.idx.add.f32.msk $0xffff, v16  }
0x451: {  	v48 =	vor.u32 $0x280, v6;
	v16 =	vld [tilespmem:s5+$0xA420]  }
0x452: {  	[tilespmem:v47+s18+$0x0] =	vst.idx.add.f32.msk $0xffff, v14  }
0x453: {  	v49 =	vor.u32 $0x280, v12;
	v14 =	vld [tilespmem:s2+$0xA420]  }
0x454: {  	[tilespmem:v11+s18+$0x0] =	vst.idx.add.f32.msk $0xffff, v10  }
0x455: {  	v50 =	vor.u32 $0x280, v4;
	v10 =	vld [tilespmem:s0+$0xA430]  }
0x456: {  	[tilespmem:v48+s18+$0x0] =	vst.idx.add.f32.msk $0xffff, v16  }
0x457: {  	v51 =	vor.u32 $0x280, v7;
	v16 =	vld [tilespmem:s5+$0xA430]  }
0x458: {  	[tilespmem:v49+s18+$0x0] =	vst.idx.add.f32.msk $0xffff, v14  }
0x459: {  	v52 =	vor.u32 $0x280, v13;
	v14 =	vld [tilespmem:s2+$0xA430]  }
0x45a: {  	[tilespmem:v50+s18+$0x0] =	vst.idx.add.f32.msk $0xffff, v10  }
0x45b: {  	v53 =	vor.u32 $0x300, v5;
	v10 =	vld [tilespmem:s0+$0xA440]  }
0x45c: {  	[tilespmem:v51+s18+$0x0] =	vst.idx.add.f32.msk $0xffff, v16  }
0x45d: {  	v54 =	vor.u32 $0x300, v6;
	v16 =	vld [tilespmem:s5+$0xA440]  }
0x45e: {  	[tilespmem:v52+s18+$0x0] =	vst.idx.add.f32.msk $0xffff, v14  }
0x45f: {  	v55 =	vor.u32 $0x300, v12;
	v14 =	vld [tilespmem:s2+$0xA440]  }
0x460: {  	[tilespmem:v53+s18+$0x0] =	vst.idx.add.f32.msk $0xffff, v10  }
0x461: {  	v56 =	vor.u32 $0x300, v4;
	v10 =	vld [tilespmem:s0+$0xA450]  }
0x462: {  	[tilespmem:v54+s18+$0x0] =	vst.idx.add.f32.msk $0xffff, v16  }
0x463: {  	v57 =	vor.u32 $0x300, v7;
	v16 =	vld [tilespmem:s5+$0xA450]  }
0x464: {  	[tilespmem:v55+s18+$0x0] =	vst.idx.add.f32.msk $0xffff, v14  }
0x465: {  	v58 =	vor.u32 $0x300, v13;
	v14 =	vld [tilespmem:s2+$0xA450]  }
0x466: {  	[tilespmem:v56+s18+$0x0] =	vst.idx.add.f32.msk $0xffff, v10  }
0x467: {  	v5 =	vor.u32 $0x380, v5;
	v10 =	vld [tilespmem:s0+$0xA460]  }
0x468: {  	[tilespmem:v57+s18+$0x0] =	vst.idx.add.f32.msk $0xffff, v16  }
0x469: {  	v60 =	vor.u32 $0x380, v6;
	v59 =	vld [tilespmem:s5+$0xA460]  }
0x46a: {  	[tilespmem:v58+s18+$0x0] =	vst.idx.add.f32.msk $0xffff, v14  }
0x46b: {  	v12 =	vor.u32 $0x380, v12;
	v14 =	vld [tilespmem:s2+$0xA460]  }
0x46c: {  	[tilespmem:v5+s18+$0x0] =	vst.idx.add.f32.msk $0xffff, v10  }
0x46d: {  	v5 =	vld [tilespmem:s0+$0xA470]  }
0x46e: {  	[tilespmem:v60+s18+$0x0] =	vst.idx.add.f32.msk $0xffff, v59  }
0x46f: {  	v4 =	vor.u32 $0x380, v4;
	v6 =	vld [tilespmem:s5+$0xA470]  }
0x470: {  	v61 =	vor.u32 $0x380, v7;
	[tilespmem:v12+s18+$0x0] =	vst.idx.add.f32.msk $0xffff, v14  }
0x471: {  	v63 =	vor.u32 $0x380, v13;
	v62 =	vld [tilespmem:s2+$0xA470];
	_ =	sdelay $0x1  }
0x472: {  	[tilespmem:v9+s18+$0x0] =	vst.idx.add.f32.msk $0xffff, v8  }
0x473: {  	[tilespmem:v4+s18+$0x0] =	vst.idx.add.f32.msk $0xffff, v5  }
0x474: {  	[tilespmem:v61+s18+$0x0] =	vst.idx.add.f32.msk $0xffff, v6  }
0x475: {  	[tilespmem:v63+s18+$0x0] =	vst.idx.add.f32.msk $0xffff, v62  }
0x476: {  	s11 =	rddreg [dreg:$0x16]  }
0x477: {  	[hbm4b:s11+s4] =	stream.linear.scatter [tilespmem:s18], [sflag:$0x4], $0x6000, $0x38;
	[tilespmem:$0x1E080] =	vst v63  }
0x478: {  	s13 =	simm.s32 $0x6000;
	s12 =	rddreg [dreg:$0x17]  }
0x479: {  	[tilespmem:s13], [sflag:$0x2] =	stream.strided.gather [hbm4b:s12+s9], $0x2000, s10, s9, $0x38;
	[tilespmem:$0x1E080] =	vst v63  }
0x47a: {  	s16 =	simm.s32 $0x8000;
	s14 =	sadd.s32 $0x8000, s12  }
0x47b: {  	[tilespmem:s16], [sflag:$0x2] =	stream.strided.gather [hbm4b:s14+s9], $0x2000, s10, s9, $0x38;
	[tilespmem:$0x1E080] =	vst v63  }
0x47c: {  	s29 =	simm.s32 $0xA000;
	s0 =	simm.s32 $0x1;
	s26 =	sadd.s32 $0x10000, s12  }
0x47d: {  	[tilespmem:s29], [sflag:$0x2] =	stream.strided.gather [hbm4b:s26+s9], $0x2000, s10, s9, $0x38;
	[tilespmem:$0x1E080] =	vst v63  }
.LBB2_14:
0x47e: {  	_ =	swait.ge [sflag:s28], $0x6000  }
0x47f: {  	[sflag:s28] =	ssyncset.done $0x0  }
0x480: {  	[sflag:s28] =	ssyncadd.s32 $0xFFFFA000  }
0x481: {  	[tilespmem:s15], [sflag:$0x5] =	stream.linear.gather [spmem:s21], $0x6000, $0x38;
	[tilespmem:$0x1E080] =	vst v63  }
0x482: {  	_ =	swait.ge [sflag:s30], $0x6000  }
0x483: {  	[sflag:s30] =	ssyncset.done $0x0  }
0x484: {  	[sflag:s30] =	ssyncadd.s32 $0xFFFFA000  }
0x485: {  	[tilespmem:s18], [sflag:$0x6] =	stream.linear.gather [spmem:s21], $0x6000, $0x38;
	[tilespmem:$0x1E080] =	vst v63  }
0x486: {  	_ =	swait.ge [sflag:s31], $0x6000  }
0x487: {  	[sflag:s31] =	ssyncset.done $0x0  }
0x488: {  	s2 =	simm.s32 $0x0;
	[sflag:s31] =	ssyncadd.s32 $0xFFFFA000  }
0x489: {  	v4 =	vadd.s32 s2, v0;
	_ =	swait.ge [sflag:s19], $0x6000  }
0x48a: {  	s5 =	sand.u32 $0x1800, s2;
	s6 =	sand.u32 $0x380, s2;
	v5 =	vshll.u32 v4, $0x3;
	[sflag:s19] =	ssyncset.done $0x0  }
0x48b: {  	s6 =	sor.u32 s6, s5;
	v4 =	vand.u32 $0x7F, v4;
	v5 =	vand.u32 $0xFC00, v5;
	[sflag:s19] =	ssyncadd.s32 $0xFFFFA000  }
0x48c: {  	v8 =	vor.u32 v4, v5;
	v6 =	vld [tilespmem:s6+$0x0];
	_ =	sdelay $0x2  }
0x48d: {  	v4 =	vadd.s32 s2, v3  }
0x48e: {  	v5 =	vshll.u32 v4, $0x3  }
0x48f: {  	v4 =	vand.u32 $0x7F, v4;
	v5 =	vand.u32 $0xFC00, v5;
	[tilespmem:v8+s15+$0x0] =	vst.idx.add.f32.msk $0xffff, v6  }
0x490: {  	v9 =	vor.u32 v4, v5;
	v6 =	vld [tilespmem:s6+$0x10];
	_ =	sdelay $0x4  }
0x491: {  	[tilespmem:v9+s15+$0x0] =	vst.idx.add.f32.msk $0xffff, v6  }
0x492: {  	v5 =	vor.u32 $0x80, v8;
	v4 =	vld [tilespmem:s6+$0x20];
	_ =	sdelay $0x4  }
0x493: {  	[tilespmem:v5+s15+$0x0] =	vst.idx.add.f32.msk $0xffff, v4  }
0x494: {  	v5 =	vor.u32 $0x80, v9;
	v4 =	vld [tilespmem:s6+$0x30];
	_ =	sdelay $0x4  }
0x495: {  	[tilespmem:v5+s15+$0x0] =	vst.idx.add.f32.msk $0xffff, v4  }
0x496: {  	v5 =	vor.u32 $0x100, v8;
	v4 =	vld [tilespmem:s6+$0x40];
	_ =	sdelay $0x3  }
0x497: {  	s13 =	simm.s32 $0x60  }
0x498: {  	s14 =	simm.s32 $0x80;
	s7 =	simm.s32 $0x100;
	v6 =	vadd.s32 s13, v0;
	[tilespmem:v5+s15+$0x0] =	vst.idx.add.f32.msk $0xffff, v4  }
0x499: {  	s7 =	sand.u32 $0x1800, s7;
	s5 =	sand.u32 $0x380, s14;
	v10 =	vor.u32 $0x100, v9;
	v4 =	vshll.u32 v6, $0x3;
	v7 =	vld [tilespmem:s6+$0x50]  }
0x49a: {  	s5 =	sor.u32 s5, s7;
	v5 =	vand.u32 $0x7F, v6;
	v4 =	vand.u32 $0xFC00, v4  }
0x49b: {  	v6 =	vld [tilespmem:s5+$0x0];
	v5 =	vor.u32 v5, v4;
	_ =	sdelay $0x2  }
0x49c: {  	v4 =	vadd.s32 s13, v3;
	[tilespmem:v10+s15+$0x0] =	vst.idx.add.f32.msk $0xffff, v7  }
0x49d: {  	v11 =	vor.u32 $0x180, v8;
	v7 =	vshll.u32 v4, $0x3;
	v10 =	vld [tilespmem:s6+$0x60]  }
0x49e: {  	v4 =	vand.u32 $0x7F, v4;
	[tilespmem:v5+s15+$0x0] =	vst.idx.add.f32.msk $0xffff, v6;
	v6 =	vand.u32 $0xFC00, v7  }
0x49f: {  	v7 =	vld [tilespmem:s5+$0x10];
	v4 =	vor.u32 v4, v6;
	_ =	sdelay $0x2  }
0x4a0: {  	[tilespmem:v11+s15+$0x0] =	vst.idx.add.f32.msk $0xffff, v10  }
0x4a1: {  	v10 =	vor.u32 $0x180, v9;
	v6 =	vld [tilespmem:s6+$0x70]  }
0x4a2: {  	[tilespmem:v4+s15+$0x0] =	vst.idx.add.f32.msk $0xffff, v7  }
0x4a3: {  	v11 =	vor.u32 $0x80, v5;
	v7 =	vld [tilespmem:s5+$0x20];
	_ =	sdelay $0x2  }
0x4a4: {  	[tilespmem:v10+s15+$0x0] =	vst.idx.add.f32.msk $0xffff, v6  }
0x4a5: {  	v10 =	vor.u32 $0x200, v8;
	v6 =	vld [tilespmem:s6+$0x400]  }
0x4a6: {  	[tilespmem:v11+s15+$0x0] =	vst.idx.add.f32.msk $0xffff, v7  }
0x4a7: {  	v11 =	vor.u32 $0x80, v4;
	v7 =	vld [tilespmem:s5+$0x30];
	_ =	sdelay $0x2  }
0x4a8: {  	[tilespmem:v10+s15+$0x0] =	vst.idx.add.f32.msk $0xffff, v6  }
0x4a9: {  	v10 =	vor.u32 $0x200, v9;
	v6 =	vld [tilespmem:s6+$0x410]  }
0x4aa: {  	[tilespmem:v11+s15+$0x0] =	vst.idx.add.f32.msk $0xffff, v7  }
0x4ab: {  	v11 =	vor.u32 $0x100, v5;
	v7 =	vld [tilespmem:s5+$0x40];
	_ =	sdelay $0x2  }
0x4ac: {  	[tilespmem:v10+s15+$0x0] =	vst.idx.add.f32.msk $0xffff, v6  }
0x4ad: {  	s16 =	simm.s32 $0xC0;
	v12 =	vor.u32 $0x280, v8;
	v10 =	vld [tilespmem:s6+$0x420]  }
0x4ae: {  	s26 =	simm.s32 $0x100;
	s8 =	simm.s32 $0x200;
	v6 =	vadd.s32 s16, v0;
	[tilespmem:v11+s15+$0x0] =	vst.idx.add.f32.msk $0xffff, v7  }
0x4af: {  	s8 =	sand.u32 $0x1800, s8;
	s7 =	sand.u32 $0x380, s26;
	v13 =	vor.u32 $0x100, v4;
	v7 =	vshll.u32 v6, $0x3;
	v11 =	vld [tilespmem:s5+$0x50]  }
0x4b0: {  	s8 =	sor.u32 s7, s8;
	v6 =	vand.u32 $0x7F, v6;
	v7 =	vand.u32 $0xFC00, v7  }
0x4b1: {  	v14 =	vld [tilespmem:s8+$0x0];
	v6 =	vor.u32 v6, v7  }
0x4b2: {  	[tilespmem:v12+s15+$0x0] =	vst.idx.add.f32.msk $0xffff, v10  }
0x4b3: {  	v12 =	vor.u32 $0x280, v9;
	v10 =	vld [tilespmem:s6+$0x430]  }
0x4b4: {  	v7 =	vadd.s32 s16, v3;
	[tilespmem:v13+s15+$0x0] =	vst.idx.add.f32.msk $0xffff, v11  }
0x4b5: {  	v15 =	vor.u32 $0x180, v5;
	v11 =	vshll.u32 v7, $0x3;
	v13 =	vld [tilespmem:s5+$0x60]  }
0x4b6: {  	v7 =	vand.u32 $0x7F, v7;
	[tilespmem:v6+s15+$0x0] =	vst.idx.add.f32.msk $0xffff, v14;
	v11 =	vand.u32 $0xFC00, v11  }
0x4b7: {  	v14 =	vld [tilespmem:s8+$0x10];
	v7 =	vor.u32 v7, v11  }
0x4b8: {  	[tilespmem:v12+s15+$0x0] =	vst.idx.add.f32.msk $0xffff, v10  }
0x4b9: {  	v11 =	vor.u32 $0x300, v8;
	v10 =	vld [tilespmem:s6+$0x440]  }
0x4ba: {  	[tilespmem:v15+s15+$0x0] =	vst.idx.add.f32.msk $0xffff, v13  }
0x4bb: {  	v13 =	vor.u32 $0x180, v4;
	v12 =	vld [tilespmem:s5+$0x70]  }
0x4bc: {  	[tilespmem:v7+s15+$0x0] =	vst.idx.add.f32.msk $0xffff, v14  }
0x4bd: {  	v15 =	vor.u32 $0x80, v6;
	v14 =	vld [tilespmem:s8+$0x20]  }
0x4be: {  	[tilespmem:v11+s15+$0x0] =	vst.idx.add.f32.msk $0xffff, v10  }
0x4bf: {  	v11 =	vor.u32 $0x300, v9;
	v10 =	vld [tilespmem:s6+$0x450]  }
0x4c0: {  	[tilespmem:v13+s15+$0x0] =	vst.idx.add.f32.msk $0xffff, v12  }
0x4c1: {  	v13 =	vor.u32 $0x200, v5;
	v12 =	vld [tilespmem:s5+$0x400]  }
0x4c2: {  	[tilespmem:v15+s15+$0x0] =	vst.idx.add.f32.msk $0xffff, v14  }
0x4c3: {  	v15 =	vor.u32 $0x80, v7;
	v14 =	vld [tilespmem:s8+$0x30]  }
0x4c4: {  	[tilespmem:v11+s15+$0x0] =	vst.idx.add.f32.msk $0xffff, v10  }
0x4c5: {  	v8 =	vor.u32 $0x380, v8;
	v10 =	vld [tilespmem:s6+$0x460]  }
0x4c6: {  	[tilespmem:v13+s15+$0x0] =	vst.idx.add.f32.msk $0xffff, v12  }
0x4c7: {  	v12 =	vor.u32 $0x200, v4;
	v11 =	vld [tilespmem:s5+$0x410]  }
0x4c8: {  	[tilespmem:v15+s15+$0x0] =	vst.idx.add.f32.msk $0xffff, v14  }
0x4c9: {  	v14 =	vor.u32 $0x100, v6;
	v13 =	vld [tilespmem:s8+$0x40]  }
0x4ca: {  	[tilespmem:v8+s15+$0x0] =	vst.idx.add.f32.msk $0xffff, v10  }
0x4cb: {  	v9 =	vor.u32 $0x380, v9;
	v8 =	vld [tilespmem:s6+$0x470]  }
0x4cc: {  	[tilespmem:v12+s15+$0x0] =	vst.idx.add.f32.msk $0xffff, v11  }
0x4cd: {  	s29 =	simm.s32 $0x180;
	s14 =	simm.s32 $0x120;
	s26 =	simm.s32 $0x180;
	v11 =	vor.u32 $0x280, v5;
	v10 =	vld [tilespmem:s5+$0x420]  }
0x4ce: {  	s2 =	simm.s32 $0x300;
	s7 =	smov.u32 s8;
	s16 =	smov.u32 s5;
	v12 =	vadd.s32 s14, v0;
	[tilespmem:v14+s15+$0x0] =	vst.idx.add.f32.msk $0xffff, v13  }
.LBB2_15:
0x4cf: {  	p0 =	sne.s32 s29, $0xBA0;
	s11 =	sand.u32 $0x1800, s2;
	s12 =	sand.u32 $0x380, s26;
	v13 =	vshll.u32 v12, $0x3;
	v14 =	vld [tilespmem:s7+$0x50];
	v15 =	vor.u32 $0x100, v7  }
0x4d0: {  	v12 =	vand.u32 $0x7F, v12;
	s11 =	sor.u32 s12, s11;
	v13 =	vand.u32 $0xFC00, v13;
	[tilespmem:v9+s15+$0x0] =	vst.idx.add.f32.msk $0xffff, v8  }
0x4d1: {  	v8 =	vld [tilespmem:s11+$0x0];
	v9 =	vor.u32 v12, v13  }
0x4d2: {  	[tilespmem:v11+s15+$0x0] =	vst.idx.add.f32.msk $0xffff, v10  }
0x4d3: {  	v11 =	vor.u32 $0x280, v4;
	v10 =	vld [tilespmem:s16+$0x430]  }
0x4d4: {  	v12 =	vadd.s32 s14, v3;
	s14 =	smov.u32 s29;
	[tilespmem:v15+s15+$0x0] =	vst.idx.add.f32.msk $0xffff, v14  }
0x4d5: {  	v13 =	vshll.u32 v12, $0x3;
	v15 =	vor.u32 $0x180, v6;
	v14 =	vld [tilespmem:s7+$0x60]  }
0x4d6: {  	[tilespmem:v9+s15+$0x0] =	vst.idx.add.f32.msk $0xffff, v8;
	v8 =	vand.u32 $0x7F, v12;
	v12 =	vand.u32 $0xFC00, v13  }
0x4d7: {  	v13 =	vld [tilespmem:s11+$0x10];
	v12 =	vor.u32 v8, v12  }
0x4d8: {  	[tilespmem:v11+s15+$0x0] =	vst.idx.add.f32.msk $0xffff, v10  }
0x4d9: {  	v10 =	vor.u32 $0x300, v5;
	v8 =	vld [tilespmem:s16+$0x440]  }
0x4da: {  	[tilespmem:v15+s15+$0x0] =	vst.idx.add.f32.msk $0xffff, v14  }
0x4db: {  	v14 =	vor.u32 $0x180, v7;
	v11 =	vld [tilespmem:s7+$0x70]  }
0x4dc: {  	[tilespmem:v12+s15+$0x0] =	vst.idx.add.f32.msk $0xffff, v13  }
0x4dd: {  	v15 =	vor.u32 $0x80, v9;
	v13 =	vld [tilespmem:s11+$0x20]  }
0x4de: {  	[tilespmem:v10+s15+$0x0] =	vst.idx.add.f32.msk $0xffff, v8  }
0x4df: {  	v10 =	vor.u32 $0x300, v4;
	v8 =	vld [tilespmem:s16+$0x450]  }
0x4e0: {  	[tilespmem:v14+s15+$0x0] =	vst.idx.add.f32.msk $0xffff, v11  }
0x4e1: {  	v14 =	vor.u32 $0x200, v6;
	v11 =	vld [tilespmem:s7+$0x400]  }
0x4e2: {  	[tilespmem:v15+s15+$0x0] =	vst.idx.add.f32.msk $0xffff, v13  }
0x4e3: {  	v15 =	vor.u32 $0x80, v12;
	v13 =	vld [tilespmem:s11+$0x30]  }
0x4e4: {  	[tilespmem:v10+s15+$0x0] =	vst.idx.add.f32.msk $0xffff, v8  }
0x4e5: {  	v10 =	vor.u32 $0x380, v5;
	v5 =	vmov v6;
	v6 =	vmov v9;
	v8 =	vld [tilespmem:s16+$0x460]  }
0x4e6: {  	[tilespmem:v14+s15+$0x0] =	vst.idx.add.f32.msk $0xffff, v11  }
0x4e7: {  	v14 =	vor.u32 $0x200, v7;
	v11 =	vld [tilespmem:s7+$0x410]  }
0x4e8: {  	[tilespmem:v15+s15+$0x0] =	vst.idx.add.f32.msk $0xffff, v13  }
0x4e9: {  	v15 =	vor.u32 $0x100, v6;
	v13 =	vld [tilespmem:s11+$0x40]  }
.Ltmp8:
0x4ea: {  	[tilespmem:v10+s15+$0x0] =	vst.idx.add.f32.msk $0xffff, v8;
	(pc) =	sbr.rel @p0 .LBB2_15-.Ltmp8, $4  }
0x4eb: {  	v9 =	vor.u32 $0x380, v4;
	v4 =	vmov v7;
	v7 =	vmov v12;
	v8 =	vld [tilespmem:s16+$0x470];
	s16 =	smov.u32 s7;
	s7 =	smov.u32 s11  }
0x4ec: {  	[tilespmem:v14+s15+$0x0] =	vst.idx.add.f32.msk $0xffff, v11  }
0x4ed: {  	v11 =	vor.u32 $0x280, v5;
	v10 =	vld [tilespmem:s16+$0x420]  }
0x4ee: {  	s26 =	sadd.s32 $0x80, s26;
	s2 =	sadd.s32 $0x100, s2;
	s29 =	sadd.s32 $0x60, s29;
	v12 =	vadd.s32 s14, v0;
	[tilespmem:v15+s15+$0x0] =	vst.idx.add.f32.msk $0xffff, v13  }
0x4ef: {  	s2 =	sand.u32 $0x1800, s2;
	s11 =	sand.u32 $0x380, s26;
	v13 =	vshll.u32 v12, $0x3  }
0x4f0: {  	v12 =	vand.u32 $0x7F, v12;
	s2 =	sor.u32 s11, s2;
	v13 =	vand.u32 $0xFC00, v13  }
0x4f1: {  	v14 =	vld [tilespmem:s2+$0x0];
	v12 =	vor.u32 v12, v13;
	_ =	sdelay $0x2  }
0x4f2: {  	v13 =	vadd.s32 s14, v3  }
0x4f3: {  	v15 =	vshll.u32 v13, $0x3  }
0x4f4: {  	v13 =	vand.u32 $0x7F, v13;
	[tilespmem:v12+s15+$0x0] =	vst.idx.add.f32.msk $0xffff, v14;
	v14 =	vand.u32 $0xFC00, v15  }
0x4f5: {  	v15 =	vld [tilespmem:s2+$0x10];
	v13 =	vor.u32 v13, v14;
	_ =	sdelay $0x4  }
0x4f6: {  	[tilespmem:v13+s15+$0x0] =	vst.idx.add.f32.msk $0xffff, v15  }
0x4f7: {  	v15 =	vor.u32 $0x80, v12;
	v14 =	vld [tilespmem:s2+$0x20];
	_ =	sdelay $0x4  }
0x4f8: {  	[tilespmem:v15+s15+$0x0] =	vst.idx.add.f32.msk $0xffff, v14  }
0x4f9: {  	v15 =	vor.u32 $0x80, v13;
	v14 =	vld [tilespmem:s2+$0x30];
	_ =	sdelay $0x4  }
0x4fa: {  	[tilespmem:v15+s15+$0x0] =	vst.idx.add.f32.msk $0xffff, v14  }
0x4fb: {  	v15 =	vor.u32 $0x100, v12;
	v14 =	vld [tilespmem:s2+$0x40];
	_ =	sdelay $0x3  }
0x4fc: {  	v16 =	vld [tilespmem:s7+$0x50];
	v17 =	vor.u32 $0x100, v7  }
0x4fd: {  	[tilespmem:v15+s15+$0x0] =	vst.idx.add.f32.msk $0xffff, v14  }
0x4fe: {  	v15 =	vor.u32 $0x100, v13;
	v14 =	vld [tilespmem:s2+$0x50];
	_ =	sdelay $0x2  }
0x4ff: {  	[tilespmem:v17+s15+$0x0] =	vst.idx.add.f32.msk $0xffff, v16  }
0x500: {  	v56 =	vor.u32 $0x180, v6;
	v16 =	vld [tilespmem:s7+$0x60]  }
0x501: {  	[tilespmem:v15+s15+$0x0] =	vst.idx.add.f32.msk $0xffff, v14  }
0x502: {  	v15 =	vor.u32 $0x180, v12;
	v14 =	vld [tilespmem:s2+$0x60];
	_ =	sdelay $0x2  }
0x503: {  	[tilespmem:v56+s15+$0x0] =	vst.idx.add.f32.msk $0xffff, v16  }
0x504: {  	v57 =	vor.u32 $0x180, v7;
	v16 =	vld [tilespmem:s7+$0x70]  }
0x505: {  	[tilespmem:v15+s15+$0x0] =	vst.idx.add.f32.msk $0xffff, v14  }
0x506: {  	v15 =	vor.u32 $0x180, v13;
	v14 =	vld [tilespmem:s2+$0x70];
	_ =	sdelay $0x2  }
0x507: {  	[tilespmem:v57+s15+$0x0] =	vst.idx.add.f32.msk $0xffff, v16  }
0x508: {  	v58 =	vor.u32 $0x200, v6;
	v16 =	vld [tilespmem:s7+$0x400]  }
0x509: {  	[tilespmem:v15+s15+$0x0] =	vst.idx.add.f32.msk $0xffff, v14  }
0x50a: {  	v15 =	vor.u32 $0x200, v12;
	v14 =	vld [tilespmem:s2+$0x400];
	_ =	sdelay $0x2  }
0x50b: {  	[tilespmem:v58+s15+$0x0] =	vst.idx.add.f32.msk $0xffff, v16  }
0x50c: {  	v59 =	vor.u32 $0x200, v7;
	v16 =	vld [tilespmem:s7+$0x410]  }
0x50d: {  	[tilespmem:v15+s15+$0x0] =	vst.idx.add.f32.msk $0xffff, v14  }
0x50e: {  	v15 =	vor.u32 $0x200, v13;
	v14 =	vld [tilespmem:s2+$0x410];
	_ =	sdelay $0x2  }
0x50f: {  	[tilespmem:v59+s15+$0x0] =	vst.idx.add.f32.msk $0xffff, v16  }
0x510: {  	v60 =	vor.u32 $0x280, v6;
	v16 =	vld [tilespmem:s7+$0x420]  }
0x511: {  	[tilespmem:v15+s15+$0x0] =	vst.idx.add.f32.msk $0xffff, v14  }
0x512: {  	v15 =	vor.u32 $0x280, v12;
	v14 =	vld [tilespmem:s2+$0x420]  }
0x513: {  	[tilespmem:v11+s15+$0x0] =	vst.idx.add.f32.msk $0xffff, v10  }
0x514: {  	v11 =	vor.u32 $0x280, v4;
	v10 =	vld [tilespmem:s16+$0x430]  }
0x515: {  	[tilespmem:v60+s15+$0x0] =	vst.idx.add.f32.msk $0xffff, v16  }
0x516: {  	v61 =	vor.u32 $0x280, v7;
	v16 =	vld [tilespmem:s7+$0x430]  }
0x517: {  	[tilespmem:v15+s15+$0x0] =	vst.idx.add.f32.msk $0xffff, v14  }
0x518: {  	v15 =	vor.u32 $0x280, v13;
	v14 =	vld [tilespmem:s2+$0x430]  }
0x519: {  	[tilespmem:v11+s15+$0x0] =	vst.idx.add.f32.msk $0xffff, v10  }
0x51a: {  	v11 =	vor.u32 $0x300, v5;
	v10 =	vld [tilespmem:s16+$0x440]  }
0x51b: {  	[tilespmem:v61+s15+$0x0] =	vst.idx.add.f32.msk $0xffff, v16  }
0x51c: {  	v62 =	vor.u32 $0x300, v6;
	v16 =	vld [tilespmem:s7+$0x440]  }
0x51d: {  	[tilespmem:v15+s15+$0x0] =	vst.idx.add.f32.msk $0xffff, v14  }
0x51e: {  	v15 =	vor.u32 $0x300, v12;
	v14 =	vld [tilespmem:s2+$0x440]  }
0x51f: {  	[tilespmem:v11+s15+$0x0] =	vst.idx.add.f32.msk $0xffff, v10  }
0x520: {  	v11 =	vor.u32 $0x300, v4;
	v10 =	vld [tilespmem:s16+$0x450]  }
0x521: {  	[tilespmem:v62+s15+$0x0] =	vst.idx.add.f32.msk $0xffff, v16  }
0x522: {  	v63 =	vor.u32 $0x300, v7;
	v16 =	vld [tilespmem:s7+$0x450]  }
0x523: {  	[tilespmem:v15+s15+$0x0] =	vst.idx.add.f32.msk $0xffff, v14  }
0x524: {  	v15 =	vor.u32 $0x300, v13;
	v14 =	vld [tilespmem:s2+$0x450]  }
0x525: {  	[tilespmem:v11+s15+$0x0] =	vst.idx.add.f32.msk $0xffff, v10  }
0x526: {  	v5 =	vor.u32 $0x380, v5;
	v10 =	vld [tilespmem:s16+$0x460]  }
0x527: {  	[tilespmem:v63+s15+$0x0] =	vst.idx.add.f32.msk $0xffff, v16  }
0x528: {  	v6 =	vor.u32 $0x380, v6;
	v11 =	vld [tilespmem:s7+$0x460]  }
0x529: {  	[tilespmem:v15+s15+$0x0] =	vst.idx.add.f32.msk $0xffff, v14  }
0x52a: {  	v12 =	vor.u32 $0x380, v12;
	v14 =	vld [tilespmem:s2+$0x460]  }
0x52b: {  	[tilespmem:v5+s15+$0x0] =	vst.idx.add.f32.msk $0xffff, v10  }
0x52c: {  	v5 =	vld [tilespmem:s16+$0x470]  }
0x52d: {  	[tilespmem:v6+s15+$0x0] =	vst.idx.add.f32.msk $0xffff, v11  }
0x52e: {  	v4 =	vor.u32 $0x380, v4;
	v6 =	vld [tilespmem:s7+$0x470]  }
0x52f: {  	v7 =	vor.u32 $0x380, v7;
	[tilespmem:v12+s15+$0x0] =	vst.idx.add.f32.msk $0xffff, v14  }
0x530: {  	v11 =	vor.u32 $0x380, v13;
	v10 =	vld [tilespmem:s2+$0x470];
	_ =	sdelay $0x1  }
0x531: {  	[tilespmem:v9+s15+$0x0] =	vst.idx.add.f32.msk $0xffff, v8;
	s16 =	simm.s32 $0x1  }
0x532: {  	[tilespmem:v4+s15+$0x0] =	vst.idx.add.f32.msk $0xffff, v5;
	v4 =	vadd.s32 s16, v0  }
0x533: {  	v5 =	vshll.u32 v4, $0x3;
	[tilespmem:v7+s15+$0x0] =	vst.idx.add.f32.msk $0xffff, v6  }
0x534: {  	v4 =	vand.u32 $0x7F, v4;
	v5 =	vand.u32 $0x7FFFFC00, v5;
	[tilespmem:v11+s15+$0x0] =	vst.idx.add.f32.msk $0xffff, v10  }
0x535: {  	v8 =	vor.u32 v4, v5;
	v6 =	vld [tilespmem:s6+$0x2000];
	_ =	sdelay $0x2  }
0x536: {  	v4 =	vadd.s32 s16, v3  }
0x537: {  	v5 =	vshll.u32 v4, $0x3  }
0x538: {  	v4 =	vand.u32 $0x7F, v4;
	v5 =	vand.u32 $0x7FFFFC00, v5;
	[tilespmem:v8+s15+$0x0] =	vst.idx.add.f32.msk $0xffff, v6  }
0x539: {  	v9 =	vor.u32 v4, v5;
	v6 =	vld [tilespmem:s6+$0x2010];
	_ =	sdelay $0x4  }
0x53a: {  	[tilespmem:v9+s15+$0x0] =	vst.idx.add.f32.msk $0xffff, v6  }
0x53b: {  	v5 =	vor.u32 $0x80, v8;
	v4 =	vld [tilespmem:s6+$0x2020];
	_ =	sdelay $0x4  }
0x53c: {  	[tilespmem:v5+s15+$0x0] =	vst.idx.add.f32.msk $0xffff, v4  }
0x53d: {  	v5 =	vor.u32 $0x80, v9;
	v4 =	vld [tilespmem:s6+$0x2030];
	_ =	sdelay $0x4  }
0x53e: {  	[tilespmem:v5+s15+$0x0] =	vst.idx.add.f32.msk $0xffff, v4  }
0x53f: {  	v5 =	vor.u32 $0x100, v8;
	v4 =	vld [tilespmem:s6+$0x2040];
	_ =	sdelay $0x3  }
0x540: {  	s26 =	simm.s32 $0x61  }
0x541: {  	v6 =	vadd.s32 s26, v0;
	[tilespmem:v5+s15+$0x0] =	vst.idx.add.f32.msk $0xffff, v4  }
0x542: {  	v10 =	vor.u32 $0x100, v9;
	v4 =	vshll.u32 v6, $0x3;
	v7 =	vld [tilespmem:s6+$0x2050]  }
0x543: {  	v5 =	vand.u32 $0x7F, v6;
	v4 =	vand.u32 $0x7FFFFC00, v4  }
0x544: {  	v6 =	vld [tilespmem:s5+$0x2000];
	v5 =	vor.u32 v5, v4;
	_ =	sdelay $0x2  }
0x545: {  	v4 =	vadd.s32 s26, v3;
	[tilespmem:v10+s15+$0x0] =	vst.idx.add.f32.msk $0xffff, v7  }
0x546: {  	v11 =	vor.u32 $0x180, v8;
	v7 =	vshll.u32 v4, $0x3;
	v10 =	vld [tilespmem:s6+$0x2060]  }
0x547: {  	v4 =	vand.u32 $0x7F, v4;
	[tilespmem:v5+s15+$0x0] =	vst.idx.add.f32.msk $0xffff, v6;
	v6 =	vand.u32 $0x7FFFFC00, v7  }
0x548: {  	v7 =	vld [tilespmem:s5+$0x2010];
	v4 =	vor.u32 v4, v6;
	_ =	sdelay $0x2  }
0x549: {  	[tilespmem:v11+s15+$0x0] =	vst.idx.add.f32.msk $0xffff, v10  }
0x54a: {  	v10 =	vor.u32 $0x180, v9;
	v6 =	vld [tilespmem:s6+$0x2070]  }
0x54b: {  	[tilespmem:v4+s15+$0x0] =	vst.idx.add.f32.msk $0xffff, v7  }
0x54c: {  	v11 =	vor.u32 $0x80, v5;
	v7 =	vld [tilespmem:s5+$0x2020];
	_ =	sdelay $0x2  }
0x54d: {  	[tilespmem:v10+s15+$0x0] =	vst.idx.add.f32.msk $0xffff, v6  }
0x54e: {  	v10 =	vor.u32 $0x200, v8;
	v6 =	vld [tilespmem:s6+$0x2400]  }
0x54f: {  	[tilespmem:v11+s15+$0x0] =	vst.idx.add.f32.msk $0xffff, v7  }
0x550: {  	v11 =	vor.u32 $0x80, v4;
	v7 =	vld [tilespmem:s5+$0x2030];
	_ =	sdelay $0x2  }
0x551: {  	[tilespmem:v10+s15+$0x0] =	vst.idx.add.f32.msk $0xffff, v6  }
0x552: {  	v10 =	vor.u32 $0x200, v9;
	v6 =	vld [tilespmem:s6+$0x2410]  }
0x553: {  	[tilespmem:v11+s15+$0x0] =	vst.idx.add.f32.msk $0xffff, v7  }
0x554: {  	v11 =	vor.u32 $0x100, v5;
	v7 =	vld [tilespmem:s5+$0x2040];
	_ =	sdelay $0x2  }
0x555: {  	[tilespmem:v10+s15+$0x0] =	vst.idx.add.f32.msk $0xffff, v6  }
0x556: {  	s29 =	simm.s32 $0xC1;
	v12 =	vor.u32 $0x280, v8;
	v10 =	vld [tilespmem:s6+$0x2420]  }
0x557: {  	v6 =	vadd.s32 s29, v0;
	[tilespmem:v11+s15+$0x0] =	vst.idx.add.f32.msk $0xffff, v7  }
0x558: {  	v13 =	vor.u32 $0x100, v4;
	v7 =	vshll.u32 v6, $0x3;
	v11 =	vld [tilespmem:s5+$0x2050]  }
0x559: {  	v6 =	vand.u32 $0x7F, v6;
	v7 =	vand.u32 $0x7FFFFC00, v7  }
0x55a: {  	v14 =	vld [tilespmem:s8+$0x2000];
	v6 =	vor.u32 v6, v7  }
0x55b: {  	[tilespmem:v12+s15+$0x0] =	vst.idx.add.f32.msk $0xffff, v10  }
0x55c: {  	v12 =	vor.u32 $0x280, v9;
	v10 =	vld [tilespmem:s6+$0x2430]  }
0x55d: {  	v7 =	vadd.s32 s29, v3;
	[tilespmem:v13+s15+$0x0] =	vst.idx.add.f32.msk $0xffff, v11  }
0x55e: {  	v15 =	vor.u32 $0x180, v5;
	v11 =	vshll.u32 v7, $0x3;
	v13 =	vld [tilespmem:s5+$0x2060]  }
0x55f: {  	v7 =	vand.u32 $0x7F, v7;
	[tilespmem:v6+s15+$0x0] =	vst.idx.add.f32.msk $0xffff, v14;
	v11 =	vand.u32 $0x7FFFFC00, v11  }
0x560: {  	v14 =	vld [tilespmem:s8+$0x2010];
	v7 =	vor.u32 v7, v11  }
0x561: {  	[tilespmem:v12+s15+$0x0] =	vst.idx.add.f32.msk $0xffff, v10  }
0x562: {  	v11 =	vor.u32 $0x300, v8;
	v10 =	vld [tilespmem:s6+$0x2440]  }
0x563: {  	[tilespmem:v15+s15+$0x0] =	vst.idx.add.f32.msk $0xffff, v13  }
0x564: {  	v13 =	vor.u32 $0x180, v4;
	v12 =	vld [tilespmem:s5+$0x2070]  }
0x565: {  	[tilespmem:v7+s15+$0x0] =	vst.idx.add.f32.msk $0xffff, v14  }
0x566: {  	v15 =	vor.u32 $0x80, v6;
	v14 =	vld [tilespmem:s8+$0x2020]  }
0x567: {  	[tilespmem:v11+s15+$0x0] =	vst.idx.add.f32.msk $0xffff, v10  }
0x568: {  	v11 =	vor.u32 $0x300, v9;
	v10 =	vld [tilespmem:s6+$0x2450]  }
0x569: {  	[tilespmem:v13+s15+$0x0] =	vst.idx.add.f32.msk $0xffff, v12  }
0x56a: {  	v13 =	vor.u32 $0x200, v5;
	v12 =	vld [tilespmem:s5+$0x2400]  }
0x56b: {  	[tilespmem:v15+s15+$0x0] =	vst.idx.add.f32.msk $0xffff, v14  }
0x56c: {  	v15 =	vor.u32 $0x80, v7;
	v14 =	vld [tilespmem:s8+$0x2030]  }
0x56d: {  	[tilespmem:v11+s15+$0x0] =	vst.idx.add.f32.msk $0xffff, v10  }
0x56e: {  	v8 =	vor.u32 $0x380, v8;
	v10 =	vld [tilespmem:s6+$0x2460]  }
0x56f: {  	[tilespmem:v13+s15+$0x0] =	vst.idx.add.f32.msk $0xffff, v12  }
0x570: {  	v12 =	vor.u32 $0x200, v4;
	v11 =	vld [tilespmem:s5+$0x2410]  }
0x571: {  	[tilespmem:v15+s15+$0x0] =	vst.idx.add.f32.msk $0xffff, v14  }
0x572: {  	v14 =	vor.u32 $0x100, v6;
	v13 =	vld [tilespmem:s8+$0x2040]  }
0x573: {  	[tilespmem:v8+s15+$0x0] =	vst.idx.add.f32.msk $0xffff, v10  }
0x574: {  	v9 =	vor.u32 $0x380, v9;
	v8 =	vld [tilespmem:s6+$0x2470]  }
0x575: {  	[tilespmem:v12+s15+$0x0] =	vst.idx.add.f32.msk $0xffff, v11  }
0x576: {  	s6 =	simm.s32 $0x121;
	v11 =	vor.u32 $0x280, v5;
	v10 =	vld [tilespmem:s5+$0x2420]  }
0x577: {  	s11 =	simm.s32 $0x300;
	s7 =	simm.s32 $0x181;
	s2 =	simm.s32 $0x180;
	v12 =	vadd.s32 s6, v0;
	[tilespmem:v14+s15+$0x0] =	vst.idx.add.f32.msk $0xffff, v13  }
.LBB2_17:
0x578: {  	p0 =	sne.s32 s7, $0xBA1;
	s12 =	sand.u32 $0x1800, s11;
	s14 =	sand.u32 $0x380, s2;
	v13 =	vshll.u32 v12, $0x3;
	v14 =	vld [tilespmem:s8+$0x2050];
	v15 =	vor.u32 $0x100, v7  }
0x579: {  	v12 =	vand.u32 $0x7F, v12;
	s14 =	sor.u32 s14, s12;
	v13 =	vand.u32 $0x7FFFFC00, v13;
	[tilespmem:v9+s15+$0x0] =	vst.idx.add.f32.msk $0xffff, v8  }
0x57a: {  	v8 =	vld [tilespmem:s14+$0x2000];
	v9 =	vor.u32 v12, v13  }
0x57b: {  	[tilespmem:v11+s15+$0x0] =	vst.idx.add.f32.msk $0xffff, v10  }
0x57c: {  	v11 =	vor.u32 $0x280, v4;
	v10 =	vld [tilespmem:s5+$0x2430]  }
0x57d: {  	v12 =	vadd.s32 s6, v3;
	s6 =	smov.u32 s7;
	[tilespmem:v15+s15+$0x0] =	vst.idx.add.f32.msk $0xffff, v14  }
0x57e: {  	v13 =	vshll.u32 v12, $0x3;
	v15 =	vor.u32 $0x180, v6;
	v14 =	vld [tilespmem:s8+$0x2060]  }
0x57f: {  	[tilespmem:v9+s15+$0x0] =	vst.idx.add.f32.msk $0xffff, v8;
	v8 =	vand.u32 $0x7F, v12;
	v12 =	vand.u32 $0x7FFFFC00, v13  }
0x580: {  	v13 =	vld [tilespmem:s14+$0x2010];
	v12 =	vor.u32 v8, v12  }
0x581: {  	[tilespmem:v11+s15+$0x0] =	vst.idx.add.f32.msk $0xffff, v10  }
0x582: {  	v10 =	vor.u32 $0x300, v5;
	v8 =	vld [tilespmem:s5+$0x2440]  }
0x583: {  	[tilespmem:v15+s15+$0x0] =	vst.idx.add.f32.msk $0xffff, v14  }
0x584: {  	v14 =	vor.u32 $0x180, v7;
	v11 =	vld [tilespmem:s8+$0x2070]  }
0x585: {  	[tilespmem:v12+s15+$0x0] =	vst.idx.add.f32.msk $0xffff, v13  }
0x586: {  	v15 =	vor.u32 $0x80, v9;
	v13 =	vld [tilespmem:s14+$0x2020]  }
0x587: {  	[tilespmem:v10+s15+$0x0] =	vst.idx.add.f32.msk $0xffff, v8  }
0x588: {  	v10 =	vor.u32 $0x300, v4;
	v8 =	vld [tilespmem:s5+$0x2450]  }
0x589: {  	[tilespmem:v14+s15+$0x0] =	vst.idx.add.f32.msk $0xffff, v11  }
0x58a: {  	v14 =	vor.u32 $0x200, v6;
	v11 =	vld [tilespmem:s8+$0x2400]  }
0x58b: {  	[tilespmem:v15+s15+$0x0] =	vst.idx.add.f32.msk $0xffff, v13  }
0x58c: {  	v15 =	vor.u32 $0x80, v12;
	v13 =	vld [tilespmem:s14+$0x2030]  }
0x58d: {  	[tilespmem:v10+s15+$0x0] =	vst.idx.add.f32.msk $0xffff, v8  }
0x58e: {  	v10 =	vor.u32 $0x380, v5;
	v5 =	vmov v6;
	v6 =	vmov v9;
	v8 =	vld [tilespmem:s5+$0x2460]  }
0x58f: {  	[tilespmem:v14+s15+$0x0] =	vst.idx.add.f32.msk $0xffff, v11  }
0x590: {  	v14 =	vor.u32 $0x200, v7;
	v11 =	vld [tilespmem:s8+$0x2410]  }
0x591: {  	[tilespmem:v15+s15+$0x0] =	vst.idx.add.f32.msk $0xffff, v13  }
0x592: {  	v15 =	vor.u32 $0x100, v6;
	v13 =	vld [tilespmem:s14+$0x2040]  }
.Ltmp9:
0x593: {  	[tilespmem:v10+s15+$0x0] =	vst.idx.add.f32.msk $0xffff, v8;
	(pc) =	sbr.rel @p0 .LBB2_17-.Ltmp9, $4  }
0x594: {  	v9 =	vor.u32 $0x380, v4;
	v4 =	vmov v7;
	v7 =	vmov v12;
	v8 =	vld [tilespmem:s5+$0x2470];
	s5 =	smov.u32 s8;
	s8 =	smov.u32 s14  }
0x595: {  	[tilespmem:v14+s15+$0x0] =	vst.idx.add.f32.msk $0xffff, v11  }
0x596: {  	v11 =	vor.u32 $0x280, v5;
	v10 =	vld [tilespmem:s5+$0x2420]  }
0x597: {  	s2 =	sadd.s32 $0x80, s2;
	s11 =	sadd.s32 $0x100, s11;
	s7 =	sadd.s32 $0x60, s7;
	v12 =	vadd.s32 s6, v0;
	[tilespmem:v15+s15+$0x0] =	vst.idx.add.f32.msk $0xffff, v13  }
0x598: {  	s7 =	sand.u32 $0x1800, s11;
	s2 =	sand.u32 $0x380, s2;
	v13 =	vshll.u32 v12, $0x3  }
0x599: {  	v12 =	vand.u32 $0x7F, v12;
	s2 =	sor.u32 s2, s7;
	v13 =	vand.u32 $0x7FFFFC00, v13  }
0x59a: {  	v14 =	vld [tilespmem:s2+$0x2000];
	v12 =	vor.u32 v12, v13;
	_ =	sdelay $0x2  }
0x59b: {  	v13 =	vadd.s32 s6, v3  }
0x59c: {  	v15 =	vshll.u32 v13, $0x3  }
0x59d: {  	v13 =	vand.u32 $0x7F, v13;
	[tilespmem:v12+s15+$0x0] =	vst.idx.add.f32.msk $0xffff, v14;
	v14 =	vand.u32 $0x7FFFFC00, v15  }
0x59e: {  	v15 =	vld [tilespmem:s2+$0x2010];
	v13 =	vor.u32 v13, v14;
	_ =	sdelay $0x4  }
0x59f: {  	[tilespmem:v13+s15+$0x0] =	vst.idx.add.f32.msk $0xffff, v15  }
0x5a0: {  	v15 =	vor.u32 $0x80, v12;
	v14 =	vld [tilespmem:s2+$0x2020];
	_ =	sdelay $0x4  }
0x5a1: {  	[tilespmem:v15+s15+$0x0] =	vst.idx.add.f32.msk $0xffff, v14  }
0x5a2: {  	v15 =	vor.u32 $0x80, v13;
	v14 =	vld [tilespmem:s2+$0x2030];
	_ =	sdelay $0x4  }
0x5a3: {  	[tilespmem:v15+s15+$0x0] =	vst.idx.add.f32.msk $0xffff, v14  }
0x5a4: {  	v15 =	vor.u32 $0x100, v12;
	v14 =	vld [tilespmem:s2+$0x2040];
	_ =	sdelay $0x3  }
0x5a5: {  	v16 =	vld [tilespmem:s8+$0x2050];
	v17 =	vor.u32 $0x100, v7  }
0x5a6: {  	[tilespmem:v15+s15+$0x0] =	vst.idx.add.f32.msk $0xffff, v14  }
0x5a7: {  	v15 =	vor.u32 $0x100, v13;
	v14 =	vld [tilespmem:s2+$0x2050];
	_ =	sdelay $0x2  }
0x5a8: {  	[tilespmem:v17+s15+$0x0] =	vst.idx.add.f32.msk $0xffff, v16  }
0x5a9: {  	v56 =	vor.u32 $0x180, v6;
	v16 =	vld [tilespmem:s8+$0x2060]  }
0x5aa: {  	[tilespmem:v15+s15+$0x0] =	vst.idx.add.f32.msk $0xffff, v14  }
0x5ab: {  	v15 =	vor.u32 $0x180, v12;
	v14 =	vld [tilespmem:s2+$0x2060];
	_ =	sdelay $0x2  }
0x5ac: {  	[tilespmem:v56+s15+$0x0] =	vst.idx.add.f32.msk $0xffff, v16  }
0x5ad: {  	v57 =	vor.u32 $0x180, v7;
	v16 =	vld [tilespmem:s8+$0x2070]  }
0x5ae: {  	[tilespmem:v15+s15+$0x0] =	vst.idx.add.f32.msk $0xffff, v14  }
0x5af: {  	v15 =	vor.u32 $0x180, v13;
	v14 =	vld [tilespmem:s2+$0x2070];
	_ =	sdelay $0x2  }
0x5b0: {  	[tilespmem:v57+s15+$0x0] =	vst.idx.add.f32.msk $0xffff, v16  }
0x5b1: {  	v58 =	vor.u32 $0x200, v6;
	v16 =	vld [tilespmem:s8+$0x2400]  }
0x5b2: {  	[tilespmem:v15+s15+$0x0] =	vst.idx.add.f32.msk $0xffff, v14  }
0x5b3: {  	v15 =	vor.u32 $0x200, v12;
	v14 =	vld [tilespmem:s2+$0x2400];
	_ =	sdelay $0x2  }
0x5b4: {  	[tilespmem:v58+s15+$0x0] =	vst.idx.add.f32.msk $0xffff, v16  }
0x5b5: {  	v59 =	vor.u32 $0x200, v7;
	v16 =	vld [tilespmem:s8+$0x2410]  }
0x5b6: {  	[tilespmem:v15+s15+$0x0] =	vst.idx.add.f32.msk $0xffff, v14  }
0x5b7: {  	v15 =	vor.u32 $0x200, v13;
	v14 =	vld [tilespmem:s2+$0x2410];
	_ =	sdelay $0x2  }
0x5b8: {  	[tilespmem:v59+s15+$0x0] =	vst.idx.add.f32.msk $0xffff, v16  }
0x5b9: {  	v60 =	vor.u32 $0x280, v6;
	v16 =	vld [tilespmem:s8+$0x2420]  }
0x5ba: {  	[tilespmem:v15+s15+$0x0] =	vst.idx.add.f32.msk $0xffff, v14  }
0x5bb: {  	v15 =	vor.u32 $0x280, v12;
	v14 =	vld [tilespmem:s2+$0x2420]  }
0x5bc: {  	[tilespmem:v11+s15+$0x0] =	vst.idx.add.f32.msk $0xffff, v10  }
0x5bd: {  	v11 =	vor.u32 $0x280, v4;
	v10 =	vld [tilespmem:s5+$0x2430]  }
0x5be: {  	[tilespmem:v60+s15+$0x0] =	vst.idx.add.f32.msk $0xffff, v16  }
0x5bf: {  	v61 =	vor.u32 $0x280, v7;
	v16 =	vld [tilespmem:s8+$0x2430]  }
0x5c0: {  	[tilespmem:v15+s15+$0x0] =	vst.idx.add.f32.msk $0xffff, v14  }
0x5c1: {  	v15 =	vor.u32 $0x280, v13;
	v14 =	vld [tilespmem:s2+$0x2430]  }
0x5c2: {  	[tilespmem:v11+s15+$0x0] =	vst.idx.add.f32.msk $0xffff, v10  }
0x5c3: {  	v11 =	vor.u32 $0x300, v5;
	v10 =	vld [tilespmem:s5+$0x2440]  }
0x5c4: {  	[tilespmem:v61+s15+$0x0] =	vst.idx.add.f32.msk $0xffff, v16  }
0x5c5: {  	v62 =	vor.u32 $0x300, v6;
	v16 =	vld [tilespmem:s8+$0x2440]  }
0x5c6: {  	[tilespmem:v15+s15+$0x0] =	vst.idx.add.f32.msk $0xffff, v14  }
0x5c7: {  	v15 =	vor.u32 $0x300, v12;
	v14 =	vld [tilespmem:s2+$0x2440]  }
0x5c8: {  	[tilespmem:v11+s15+$0x0] =	vst.idx.add.f32.msk $0xffff, v10  }
0x5c9: {  	v11 =	vor.u32 $0x300, v4;
	v10 =	vld [tilespmem:s5+$0x2450]  }
0x5ca: {  	[tilespmem:v62+s15+$0x0] =	vst.idx.add.f32.msk $0xffff, v16  }
0x5cb: {  	v63 =	vor.u32 $0x300, v7;
	v16 =	vld [tilespmem:s8+$0x2450]  }
0x5cc: {  	[tilespmem:v15+s15+$0x0] =	vst.idx.add.f32.msk $0xffff, v14  }
0x5cd: {  	v15 =	vor.u32 $0x300, v13;
	v14 =	vld [tilespmem:s2+$0x2450]  }
0x5ce: {  	[tilespmem:v11+s15+$0x0] =	vst.idx.add.f32.msk $0xffff, v10  }
0x5cf: {  	v5 =	vor.u32 $0x380, v5;
	v10 =	vld [tilespmem:s5+$0x2460]  }
0x5d0: {  	[tilespmem:v63+s15+$0x0] =	vst.idx.add.f32.msk $0xffff, v16  }
0x5d1: {  	v6 =	vor.u32 $0x380, v6;
	v11 =	vld [tilespmem:s8+$0x2460]  }
0x5d2: {  	[tilespmem:v15+s15+$0x0] =	vst.idx.add.f32.msk $0xffff, v14  }
0x5d3: {  	v12 =	vor.u32 $0x380, v12;
	v14 =	vld [tilespmem:s2+$0x2460]  }
0x5d4: {  	[tilespmem:v5+s15+$0x0] =	vst.idx.add.f32.msk $0xffff, v10  }
0x5d5: {  	v5 =	vld [tilespmem:s5+$0x2470]  }
0x5d6: {  	[tilespmem:v6+s15+$0x0] =	vst.idx.add.f32.msk $0xffff, v11  }
0x5d7: {  	v4 =	vor.u32 $0x380, v4;
	v6 =	vld [tilespmem:s8+$0x2470]  }
0x5d8: {  	v7 =	vor.u32 $0x380, v7;
	[tilespmem:v12+s15+$0x0] =	vst.idx.add.f32.msk $0xffff, v14  }
0x5d9: {  	v11 =	vor.u32 $0x380, v13;
	v10 =	vld [tilespmem:s2+$0x2470];
	_ =	sdelay $0x1  }
0x5da: {  	s29 =	simm.s32 $0x2;
	[tilespmem:v9+s15+$0x0] =	vst.idx.add.f32.msk $0xffff, v8  }
0x5db: {  	s7 =	simm.s32 $0x0;
	[tilespmem:v4+s15+$0x0] =	vst.idx.add.f32.msk $0xffff, v5;
	v4 =	vadd.s32 s29, v0  }
0x5dc: {  	s5 =	sand.u32 $0x380, s7;
	v5 =	vshll.u32 v4, $0x3;
	s8 =	sand.u32 $0x1800, s7;
	[tilespmem:v7+s15+$0x0] =	vst.idx.add.f32.msk $0xffff, v6  }
0x5dd: {  	v4 =	vand.u32 $0x7F, v4;
	v5 =	vand.u32 $0x7FFFFC00, v5;
	s11 =	sor.u32 s5, s8;
	[tilespmem:v11+s15+$0x0] =	vst.idx.add.f32.msk $0xffff, v10  }
0x5de: {  	v8 =	vor.u32 v4, v5;
	v6 =	vld [tilespmem:s11+$0x4000];
	_ =	sdelay $0x2  }
0x5df: {  	v4 =	vadd.s32 s29, v3  }
0x5e0: {  	v5 =	vshll.u32 v4, $0x3  }
0x5e1: {  	v4 =	vand.u32 $0x7F, v4;
	v5 =	vand.u32 $0x7FFFFC00, v5;
	[tilespmem:v8+s15+$0x0] =	vst.idx.add.f32.msk $0xffff, v6  }
0x5e2: {  	v9 =	vor.u32 v4, v5;
	v6 =	vld [tilespmem:s11+$0x4010];
	_ =	sdelay $0x4  }
0x5e3: {  	[tilespmem:v9+s15+$0x0] =	vst.idx.add.f32.msk $0xffff, v6  }
0x5e4: {  	v5 =	vor.u32 $0x80, v8;
	v4 =	vld [tilespmem:s11+$0x4020];
	_ =	sdelay $0x4  }
0x5e5: {  	[tilespmem:v5+s15+$0x0] =	vst.idx.add.f32.msk $0xffff, v4  }
0x5e6: {  	v5 =	vor.u32 $0x80, v9;
	v4 =	vld [tilespmem:s11+$0x4030];
	_ =	sdelay $0x4  }
0x5e7: {  	[tilespmem:v5+s15+$0x0] =	vst.idx.add.f32.msk $0xffff, v4  }
0x5e8: {  	v5 =	vor.u32 $0x100, v8;
	v4 =	vld [tilespmem:s11+$0x4040];
	_ =	sdelay $0x3  }
0x5e9: {  	s12 =	simm.s32 $0x62  }
0x5ea: {  	s13 =	simm.s32 $0x80;
	s14 =	simm.s32 $0x100;
	v6 =	vadd.s32 s12, v0;
	[tilespmem:v5+s15+$0x0] =	vst.idx.add.f32.msk $0xffff, v4  }
0x5eb: {  	s6 =	sand.u32 $0x1800, s14;
	s5 =	sand.u32 $0x380, s13;
	v10 =	vor.u32 $0x100, v9;
	v4 =	vshll.u32 v6, $0x3;
	v7 =	vld [tilespmem:s11+$0x4050]  }
0x5ec: {  	s5 =	sor.u32 s5, s6;
	v5 =	vand.u32 $0x7F, v6;
	v4 =	vand.u32 $0x7FFFFC00, v4  }
0x5ed: {  	v6 =	vld [tilespmem:s5+$0x4000];
	v5 =	vor.u32 v5, v4;
	_ =	sdelay $0x2  }
0x5ee: {  	v4 =	vadd.s32 s12, v3;
	[tilespmem:v10+s15+$0x0] =	vst.idx.add.f32.msk $0xffff, v7  }
0x5ef: {  	v11 =	vor.u32 $0x180, v8;
	v7 =	vshll.u32 v4, $0x3;
	v10 =	vld [tilespmem:s11+$0x4060]  }
0x5f0: {  	v4 =	vand.u32 $0x7F, v4;
	[tilespmem:v5+s15+$0x0] =	vst.idx.add.f32.msk $0xffff, v6;
	v6 =	vand.u32 $0x7FFFFC00, v7  }
0x5f1: {  	v7 =	vld [tilespmem:s5+$0x4010];
	v4 =	vor.u32 v4, v6;
	_ =	sdelay $0x2  }
0x5f2: {  	[tilespmem:v11+s15+$0x0] =	vst.idx.add.f32.msk $0xffff, v10  }
0x5f3: {  	v10 =	vor.u32 $0x180, v9;
	v6 =	vld [tilespmem:s11+$0x4070]  }
0x5f4: {  	[tilespmem:v4+s15+$0x0] =	vst.idx.add.f32.msk $0xffff, v7  }
0x5f5: {  	v11 =	vor.u32 $0x80, v5;
	v7 =	vld [tilespmem:s5+$0x4020];
	_ =	sdelay $0x2  }
0x5f6: {  	[tilespmem:v10+s15+$0x0] =	vst.idx.add.f32.msk $0xffff, v6  }
0x5f7: {  	v10 =	vor.u32 $0x200, v8;
	v6 =	vld [tilespmem:s11+$0x4400]  }
0x5f8: {  	[tilespmem:v11+s15+$0x0] =	vst.idx.add.f32.msk $0xffff, v7  }
0x5f9: {  	v11 =	vor.u32 $0x80, v4;
	v7 =	vld [tilespmem:s5+$0x4030];
	_ =	sdelay $0x2  }
0x5fa: {  	[tilespmem:v10+s15+$0x0] =	vst.idx.add.f32.msk $0xffff, v6  }
0x5fb: {  	v10 =	vor.u32 $0x200, v9;
	v6 =	vld [tilespmem:s11+$0x4410]  }
0x5fc: {  	[tilespmem:v11+s15+$0x0] =	vst.idx.add.f32.msk $0xffff, v7  }
0x5fd: {  	v11 =	vor.u32 $0x100, v5;
	v7 =	vld [tilespmem:s5+$0x4040];
	_ =	sdelay $0x2  }
0x5fe: {  	[tilespmem:v10+s15+$0x0] =	vst.idx.add.f32.msk $0xffff, v6  }
0x5ff: {  	s16 =	simm.s32 $0xC2;
	v12 =	vor.u32 $0x280, v8;
	v10 =	vld [tilespmem:s11+$0x4420]  }
0x600: {  	s26 =	simm.s32 $0x100;
	s29 =	simm.s32 $0x200;
	v6 =	vadd.s32 s16, v0;
	[tilespmem:v11+s15+$0x0] =	vst.idx.add.f32.msk $0xffff, v7  }
0x601: {  	s8 =	sand.u32 $0x1800, s29;
	s6 =	sand.u32 $0x380, s26;
	v13 =	vor.u32 $0x100, v4;
	v7 =	vshll.u32 v6, $0x3;
	v11 =	vld [tilespmem:s5+$0x4050]  }
0x602: {  	s6 =	sor.u32 s6, s8;
	v6 =	vand.u32 $0x7F, v6;
	v7 =	vand.u32 $0x7FFFFC00, v7  }
0x603: {  	v14 =	vld [tilespmem:s6+$0x4000];
	v6 =	vor.u32 v6, v7  }
0x604: {  	[tilespmem:v12+s15+$0x0] =	vst.idx.add.f32.msk $0xffff, v10  }
0x605: {  	v12 =	vor.u32 $0x280, v9;
	v10 =	vld [tilespmem:s11+$0x4430]  }
0x606: {  	v7 =	vadd.s32 s16, v3;
	[tilespmem:v13+s15+$0x0] =	vst.idx.add.f32.msk $0xffff, v11  }
0x607: {  	v15 =	vor.u32 $0x180, v5;
	v11 =	vshll.u32 v7, $0x3;
	v13 =	vld [tilespmem:s5+$0x4060]  }
0x608: {  	v7 =	vand.u32 $0x7F, v7;
	[tilespmem:v6+s15+$0x0] =	vst.idx.add.f32.msk $0xffff, v14;
	v11 =	vand.u32 $0x7FFFFC00, v11  }
0x609: {  	v14 =	vld [tilespmem:s6+$0x4010];
	v7 =	vor.u32 v7, v11  }
0x60a: {  	[tilespmem:v12+s15+$0x0] =	vst.idx.add.f32.msk $0xffff, v10  }
0x60b: {  	v11 =	vor.u32 $0x300, v8;
	v10 =	vld [tilespmem:s11+$0x4440]  }
0x60c: {  	[tilespmem:v15+s15+$0x0] =	vst.idx.add.f32.msk $0xffff, v13  }
0x60d: {  	v13 =	vor.u32 $0x180, v4;
	v12 =	vld [tilespmem:s5+$0x4070]  }
0x60e: {  	[tilespmem:v7+s15+$0x0] =	vst.idx.add.f32.msk $0xffff, v14  }
0x60f: {  	v15 =	vor.u32 $0x80, v6;
	v14 =	vld [tilespmem:s6+$0x4020]  }
0x610: {  	[tilespmem:v11+s15+$0x0] =	vst.idx.add.f32.msk $0xffff, v10  }
0x611: {  	v11 =	vor.u32 $0x300, v9;
	v10 =	vld [tilespmem:s11+$0x4450]  }
0x612: {  	[tilespmem:v13+s15+$0x0] =	vst.idx.add.f32.msk $0xffff, v12  }
0x613: {  	v13 =	vor.u32 $0x200, v5;
	v12 =	vld [tilespmem:s5+$0x4400]  }
0x614: {  	[tilespmem:v15+s15+$0x0] =	vst.idx.add.f32.msk $0xffff, v14  }
0x615: {  	v15 =	vor.u32 $0x80, v7;
	v14 =	vld [tilespmem:s6+$0x4030]  }
0x616: {  	[tilespmem:v11+s15+$0x0] =	vst.idx.add.f32.msk $0xffff, v10  }
0x617: {  	v8 =	vor.u32 $0x380, v8;
	v10 =	vld [tilespmem:s11+$0x4460]  }
0x618: {  	[tilespmem:v13+s15+$0x0] =	vst.idx.add.f32.msk $0xffff, v12  }
0x619: {  	v12 =	vor.u32 $0x200, v4;
	v11 =	vld [tilespmem:s5+$0x4410]  }
0x61a: {  	[tilespmem:v15+s15+$0x0] =	vst.idx.add.f32.msk $0xffff, v14  }
0x61b: {  	v14 =	vor.u32 $0x100, v6;
	v13 =	vld [tilespmem:s6+$0x4040]  }
0x61c: {  	[tilespmem:v8+s15+$0x0] =	vst.idx.add.f32.msk $0xffff, v10  }
0x61d: {  	v9 =	vor.u32 $0x380, v9;
	v8 =	vld [tilespmem:s11+$0x4470]  }
0x61e: {  	[tilespmem:v12+s15+$0x0] =	vst.idx.add.f32.msk $0xffff, v11  }
0x61f: {  	s7 =	simm.s32 $0x122;
	v11 =	vor.u32 $0x280, v5;
	v10 =	vld [tilespmem:s5+$0x4420]  }
0x620: {  	s8 =	simm.s32 $0x182;
	s2 =	simm.s32 $0x180;
	v12 =	vadd.s32 s7, v0;
	s11 =	simm.s32 $0x300;
	[tilespmem:v14+s15+$0x0] =	vst.idx.add.f32.msk $0xffff, v13  }
.LBB2_19:
0x621: {  	p0 =	sne.s32 s8, $0xBA2;
	s12 =	sand.u32 $0x1800, s11;
	s14 =	sand.u32 $0x380, s2;
	v13 =	vshll.u32 v12, $0x3;
	v14 =	vld [tilespmem:s6+$0x4050];
	v15 =	vor.u32 $0x100, v7  }
0x622: {  	v12 =	vand.u32 $0x7F, v12;
	s14 =	sor.u32 s14, s12;
	v13 =	vand.u32 $0x7FFFFC00, v13;
	[tilespmem:v9+s15+$0x0] =	vst.idx.add.f32.msk $0xffff, v8  }
0x623: {  	v8 =	vld [tilespmem:s14+$0x4000];
	v9 =	vor.u32 v12, v13  }
0x624: {  	[tilespmem:v11+s15+$0x0] =	vst.idx.add.f32.msk $0xffff, v10  }
0x625: {  	v11 =	vor.u32 $0x280, v4;
	v10 =	vld [tilespmem:s5+$0x4430]  }
0x626: {  	v12 =	vadd.s32 s7, v3;
	s7 =	smov.u32 s8;
	[tilespmem:v15+s15+$0x0] =	vst.idx.add.f32.msk $0xffff, v14  }
0x627: {  	v13 =	vshll.u32 v12, $0x3;
	v15 =	vor.u32 $0x180, v6;
	v14 =	vld [tilespmem:s6+$0x4060]  }
0x628: {  	[tilespmem:v9+s15+$0x0] =	vst.idx.add.f32.msk $0xffff, v8;
	v8 =	vand.u32 $0x7F, v12;
	v12 =	vand.u32 $0x7FFFFC00, v13  }
0x629: {  	v13 =	vld [tilespmem:s14+$0x4010];
	v12 =	vor.u32 v8, v12  }
0x62a: {  	[tilespmem:v11+s15+$0x0] =	vst.idx.add.f32.msk $0xffff, v10  }
0x62b: {  	v10 =	vor.u32 $0x300, v5;
	v8 =	vld [tilespmem:s5+$0x4440]  }
0x62c: {  	[tilespmem:v15+s15+$0x0] =	vst.idx.add.f32.msk $0xffff, v14  }
0x62d: {  	v14 =	vor.u32 $0x180, v7;
	v11 =	vld [tilespmem:s6+$0x4070]  }
0x62e: {  	[tilespmem:v12+s15+$0x0] =	vst.idx.add.f32.msk $0xffff, v13  }
0x62f: {  	v15 =	vor.u32 $0x80, v9;
	v13 =	vld [tilespmem:s14+$0x4020]  }
0x630: {  	[tilespmem:v10+s15+$0x0] =	vst.idx.add.f32.msk $0xffff, v8  }
0x631: {  	v10 =	vor.u32 $0x300, v4;
	v8 =	vld [tilespmem:s5+$0x4450]  }
0x632: {  	[tilespmem:v14+s15+$0x0] =	vst.idx.add.f32.msk $0xffff, v11  }
0x633: {  	v14 =	vor.u32 $0x200, v6;
	v11 =	vld [tilespmem:s6+$0x4400]  }
0x634: {  	[tilespmem:v15+s15+$0x0] =	vst.idx.add.f32.msk $0xffff, v13  }
0x635: {  	v15 =	vor.u32 $0x80, v12;
	v13 =	vld [tilespmem:s14+$0x4030]  }
0x636: {  	[tilespmem:v10+s15+$0x0] =	vst.idx.add.f32.msk $0xffff, v8  }
0x637: {  	v10 =	vor.u32 $0x380, v5;
	v5 =	vmov v6;
	v6 =	vmov v9;
	v8 =	vld [tilespmem:s5+$0x4460]  }
0x638: {  	[tilespmem:v14+s15+$0x0] =	vst.idx.add.f32.msk $0xffff, v11  }
0x639: {  	v14 =	vor.u32 $0x200, v7;
	v11 =	vld [tilespmem:s6+$0x4410]  }
0x63a: {  	[tilespmem:v15+s15+$0x0] =	vst.idx.add.f32.msk $0xffff, v13  }
0x63b: {  	v15 =	vor.u32 $0x100, v6;
	v13 =	vld [tilespmem:s14+$0x4040]  }
.Ltmp10:
0x63c: {  	[tilespmem:v10+s15+$0x0] =	vst.idx.add.f32.msk $0xffff, v8;
	(pc) =	sbr.rel @p0 .LBB2_19-.Ltmp10, $4  }
0x63d: {  	v9 =	vor.u32 $0x380, v4;
	v4 =	vmov v7;
	v7 =	vmov v12;
	v8 =	vld [tilespmem:s5+$0x4470];
	s5 =	smov.u32 s6;
	s6 =	smov.u32 s14  }
0x63e: {  	[tilespmem:v14+s15+$0x0] =	vst.idx.add.f32.msk $0xffff, v11  }
0x63f: {  	v11 =	vor.u32 $0x280, v5;
	v10 =	vld [tilespmem:s5+$0x4420]  }
0x640: {  	s2 =	sadd.s32 $0x80, s2;
	s11 =	sadd.s32 $0x100, s11;
	s8 =	sadd.s32 $0x60, s8;
	v12 =	vadd.s32 s7, v0;
	[tilespmem:v15+s15+$0x0] =	vst.idx.add.f32.msk $0xffff, v13  }
0x641: {  	s8 =	sand.u32 $0x1800, s11;
	s2 =	sand.u32 $0x380, s2;
	v13 =	vshll.u32 v12, $0x3  }
0x642: {  	v12 =	vand.u32 $0x7F, v12;
	s2 =	sor.u32 s2, s8;
	v13 =	vand.u32 $0x7FFFFC00, v13  }
0x643: {  	v14 =	vld [tilespmem:s2+$0x4000];
	v12 =	vor.u32 v12, v13;
	_ =	sdelay $0x2  }
0x644: {  	v13 =	vadd.s32 s7, v3  }
0x645: {  	v15 =	vshll.u32 v13, $0x3  }
0x646: {  	v13 =	vand.u32 $0x7F, v13;
	[tilespmem:v12+s15+$0x0] =	vst.idx.add.f32.msk $0xffff, v14;
	v14 =	vand.u32 $0x7FFFFC00, v15  }
0x647: {  	v15 =	vld [tilespmem:s2+$0x4010];
	v13 =	vor.u32 v13, v14;
	_ =	sdelay $0x4  }
0x648: {  	[tilespmem:v13+s15+$0x0] =	vst.idx.add.f32.msk $0xffff, v15  }
0x649: {  	v15 =	vor.u32 $0x80, v12;
	v14 =	vld [tilespmem:s2+$0x4020];
	_ =	sdelay $0x4  }
0x64a: {  	[tilespmem:v15+s15+$0x0] =	vst.idx.add.f32.msk $0xffff, v14  }
0x64b: {  	v15 =	vor.u32 $0x80, v13;
	v14 =	vld [tilespmem:s2+$0x4030];
	_ =	sdelay $0x4  }
0x64c: {  	[tilespmem:v15+s15+$0x0] =	vst.idx.add.f32.msk $0xffff, v14  }
0x64d: {  	v15 =	vor.u32 $0x100, v12;
	v14 =	vld [tilespmem:s2+$0x4040];
	_ =	sdelay $0x3  }
0x64e: {  	v16 =	vld [tilespmem:s6+$0x4050];
	v17 =	vor.u32 $0x100, v7  }
0x64f: {  	[tilespmem:v15+s15+$0x0] =	vst.idx.add.f32.msk $0xffff, v14  }
0x650: {  	v15 =	vor.u32 $0x100, v13;
	v14 =	vld [tilespmem:s2+$0x4050];
	_ =	sdelay $0x2  }
0x651: {  	[tilespmem:v17+s15+$0x0] =	vst.idx.add.f32.msk $0xffff, v16  }
0x652: {  	v56 =	vor.u32 $0x180, v6;
	v16 =	vld [tilespmem:s6+$0x4060]  }
0x653: {  	[tilespmem:v15+s15+$0x0] =	vst.idx.add.f32.msk $0xffff, v14  }
0x654: {  	v15 =	vor.u32 $0x180, v12;
	v14 =	vld [tilespmem:s2+$0x4060];
	_ =	sdelay $0x2  }
0x655: {  	[tilespmem:v56+s15+$0x0] =	vst.idx.add.f32.msk $0xffff, v16  }
0x656: {  	v57 =	vor.u32 $0x180, v7;
	v16 =	vld [tilespmem:s6+$0x4070]  }
0x657: {  	[tilespmem:v15+s15+$0x0] =	vst.idx.add.f32.msk $0xffff, v14  }
0x658: {  	v15 =	vor.u32 $0x180, v13;
	v14 =	vld [tilespmem:s2+$0x4070];
	_ =	sdelay $0x2  }
0x659: {  	[tilespmem:v57+s15+$0x0] =	vst.idx.add.f32.msk $0xffff, v16  }
0x65a: {  	v58 =	vor.u32 $0x200, v6;
	v16 =	vld [tilespmem:s6+$0x4400]  }
0x65b: {  	[tilespmem:v15+s15+$0x0] =	vst.idx.add.f32.msk $0xffff, v14  }
0x65c: {  	v15 =	vor.u32 $0x200, v12;
	v14 =	vld [tilespmem:s2+$0x4400];
	_ =	sdelay $0x2  }
0x65d: {  	[tilespmem:v58+s15+$0x0] =	vst.idx.add.f32.msk $0xffff, v16  }
0x65e: {  	v59 =	vor.u32 $0x200, v7;
	v16 =	vld [tilespmem:s6+$0x4410]  }
0x65f: {  	[tilespmem:v15+s15+$0x0] =	vst.idx.add.f32.msk $0xffff, v14  }
0x660: {  	v15 =	vor.u32 $0x200, v13;
	v14 =	vld [tilespmem:s2+$0x4410];
	_ =	sdelay $0x2  }
0x661: {  	[tilespmem:v59+s15+$0x0] =	vst.idx.add.f32.msk $0xffff, v16  }
0x662: {  	v60 =	vor.u32 $0x280, v6;
	v16 =	vld [tilespmem:s6+$0x4420]  }
0x663: {  	[tilespmem:v15+s15+$0x0] =	vst.idx.add.f32.msk $0xffff, v14  }
0x664: {  	v15 =	vor.u32 $0x280, v12;
	v14 =	vld [tilespmem:s2+$0x4420]  }
0x665: {  	[tilespmem:v11+s15+$0x0] =	vst.idx.add.f32.msk $0xffff, v10  }
0x666: {  	v11 =	vor.u32 $0x280, v4;
	v10 =	vld [tilespmem:s5+$0x4430]  }
0x667: {  	[tilespmem:v60+s15+$0x0] =	vst.idx.add.f32.msk $0xffff, v16  }
0x668: {  	v61 =	vor.u32 $0x280, v7;
	v16 =	vld [tilespmem:s6+$0x4430]  }
0x669: {  	[tilespmem:v15+s15+$0x0] =	vst.idx.add.f32.msk $0xffff, v14  }
0x66a: {  	v15 =	vor.u32 $0x280, v13;
	v14 =	vld [tilespmem:s2+$0x4430]  }
0x66b: {  	[tilespmem:v11+s15+$0x0] =	vst.idx.add.f32.msk $0xffff, v10  }
0x66c: {  	v11 =	vor.u32 $0x300, v5;
	v10 =	vld [tilespmem:s5+$0x4440]  }
0x66d: {  	[tilespmem:v61+s15+$0x0] =	vst.idx.add.f32.msk $0xffff, v16  }
0x66e: {  	v62 =	vor.u32 $0x300, v6;
	v16 =	vld [tilespmem:s6+$0x4440]  }
0x66f: {  	[tilespmem:v15+s15+$0x0] =	vst.idx.add.f32.msk $0xffff, v14  }
0x670: {  	v15 =	vor.u32 $0x300, v12;
	v14 =	vld [tilespmem:s2+$0x4440]  }
0x671: {  	[tilespmem:v11+s15+$0x0] =	vst.idx.add.f32.msk $0xffff, v10  }
0x672: {  	v11 =	vor.u32 $0x300, v4;
	v10 =	vld [tilespmem:s5+$0x4450]  }
0x673: {  	[tilespmem:v62+s15+$0x0] =	vst.idx.add.f32.msk $0xffff, v16  }
0x674: {  	v63 =	vor.u32 $0x300, v7;
	v16 =	vld [tilespmem:s6+$0x4450]  }
0x675: {  	[tilespmem:v15+s15+$0x0] =	vst.idx.add.f32.msk $0xffff, v14  }
0x676: {  	v15 =	vor.u32 $0x300, v13;
	v14 =	vld [tilespmem:s2+$0x4450]  }
0x677: {  	[tilespmem:v11+s15+$0x0] =	vst.idx.add.f32.msk $0xffff, v10  }
0x678: {  	v5 =	vor.u32 $0x380, v5;
	v10 =	vld [tilespmem:s5+$0x4460]  }
0x679: {  	[tilespmem:v63+s15+$0x0] =	vst.idx.add.f32.msk $0xffff, v16  }
0x67a: {  	v6 =	vor.u32 $0x380, v6;
	v11 =	vld [tilespmem:s6+$0x4460]  }
0x67b: {  	[tilespmem:v15+s15+$0x0] =	vst.idx.add.f32.msk $0xffff, v14  }
0x67c: {  	v12 =	vor.u32 $0x380, v12;
	v14 =	vld [tilespmem:s2+$0x4460]  }
0x67d: {  	[tilespmem:v5+s15+$0x0] =	vst.idx.add.f32.msk $0xffff, v10  }
0x67e: {  	v5 =	vld [tilespmem:s5+$0x4470]  }
0x67f: {  	[tilespmem:v6+s15+$0x0] =	vst.idx.add.f32.msk $0xffff, v11  }
0x680: {  	v4 =	vor.u32 $0x380, v4;
	v6 =	vld [tilespmem:s6+$0x4470]  }
0x681: {  	v7 =	vor.u32 $0x380, v7;
	[tilespmem:v12+s15+$0x0] =	vst.idx.add.f32.msk $0xffff, v14  }
0x682: {  	v11 =	vor.u32 $0x380, v13;
	v10 =	vld [tilespmem:s2+$0x4470]  }
0x683: {  	s5 =	smul.u32 $0x180000, s0  }
0x684: {  	[tilespmem:v9+s15+$0x0] =	vst.idx.add.f32.msk $0xffff, v8  }
0x685: {  	s12 =	sadd.s32 s17, s5;
	[tilespmem:v4+s15+$0x0] =	vst.idx.add.f32.msk $0xffff, v5  }
0x686: {  	[tilespmem:v7+s15+$0x0] =	vst.idx.add.f32.msk $0xffff, v6;
	s2 =	sshrl.u32 s12, $0x3  }
0x687: {  	p0 =	seq.s32 s0, $0xF;
	s2 =	sadd.s32 s3, s2;
	[tilespmem:v11+s15+$0x0] =	vst.idx.add.f32.msk $0xffff, v10  }
0x688: {  	[hbm4b:s2+s4] =	stream.linear.scatter [tilespmem:s15], [sflag:$0x3], $0x6000, $0x38;
	[tilespmem:$0x1E080] =	vst v63  }
0x689: {  	s2 =	sadd.s32 @!p0 s5, s23  }
0x68a: {  	s8 =	simm.s32 @!p0 $0x0;
	s2 =	sshrl.u32 @!p0 s2, $0x3  }
0x68b: {  	s7 =	simm.s32 @!p0 $0x1000;
	s6 =	simm.s32 @!p0 $0x800;
	s2 =	sadd.s32 @!p0 s1, s2  }
0x68c: {  	[tilespmem:s8], [sflag:$0x1] =	stream.strided.gather @!p0 [hbm4b:s2+s6], $0x2000, s7, s6, $0x38;
	[tilespmem:$0x1E080] =	vst v63  }
0x68d: {  	s11 =	simm.s32 @!p0 $0x2000;
	s8 =	sadd.s32 @!p0 $0x8000, s2  }
0x68e: {  	[tilespmem:s11], [sflag:$0x1] =	stream.strided.gather @!p0 [hbm4b:s8+s6], $0x2000, s7, s6, $0x38;
	[tilespmem:$0x1E080] =	vst v63  }
0x68f: {  	s2 =	sadd.s32 @!p0 $0x10000, s2;
	s8 =	simm.s32 @!p0 $0x4000  }
0x690: {  	[tilespmem:s8], [sflag:$0x1] =	stream.strided.gather @!p0 [hbm4b:s2+s6], $0x2000, s7, s6, $0x38;
	[tilespmem:$0x1E080] =	vst v63  }
0x691: {  	_ =	swait.ge [sflag:s20], $0x6000  }
0x692: {  	[sflag:s20] =	ssyncset.done $0x0  }
0x693: {  	s13 =	simm.s32 $0x0;
	[sflag:s20] =	ssyncadd.s32 $0xFFFFA000  }
0x694: {  	v4 =	vadd.s32 s13, v0;
	_ =	swait.ge [sflag:s22], $0x6000  }
0x695: {  	s14 =	sand.u32 $0x1800, s13;
	s16 =	sand.u32 $0x380, s13;
	v5 =	vshll.u32 v4, $0x3;
	[sflag:s22] =	ssyncset.done $0x0  }
0x696: {  	v4 =	vand.u32 $0x7F, v4;
	v5 =	vand.u32 $0xFC00, v5;
	s7 =	sor.u32 s16, s14;
	[sflag:s22] =	ssyncadd.s32 $0xFFFFA000  }
0x697: {  	v8 =	vor.u32 v4, v5;
	v6 =	vld [tilespmem:s7+$0x6000];
	_ =	sdelay $0x2  }
0x698: {  	v4 =	vadd.s32 s13, v3  }
0x699: {  	v5 =	vshll.u32 v4, $0x3  }
0x69a: {  	v4 =	vand.u32 $0x7F, v4;
	v5 =	vand.u32 $0xFC00, v5;
	[tilespmem:v8+s18+$0x0] =	vst.idx.add.f32.msk $0xffff, v6  }
0x69b: {  	v9 =	vor.u32 v4, v5;
	v6 =	vld [tilespmem:s7+$0x6010];
	_ =	sdelay $0x4  }
0x69c: {  	[tilespmem:v9+s18+$0x0] =	vst.idx.add.f32.msk $0xffff, v6  }
0x69d: {  	v5 =	vor.u32 $0x80, v8;
	v4 =	vld [tilespmem:s7+$0x6020];
	_ =	sdelay $0x4  }
0x69e: {  	[tilespmem:v5+s18+$0x0] =	vst.idx.add.f32.msk $0xffff, v4  }
0x69f: {  	v5 =	vor.u32 $0x80, v9;
	v4 =	vld [tilespmem:s7+$0x6030];
	_ =	sdelay $0x4  }
0x6a0: {  	[tilespmem:v5+s18+$0x0] =	vst.idx.add.f32.msk $0xffff, v4  }
0x6a1: {  	v5 =	vor.u32 $0x100, v8;
	v4 =	vld [tilespmem:s7+$0x6040];
	_ =	sdelay $0x3  }
0x6a2: {  	s26 =	simm.s32 $0x60  }
0x6a3: {  	s12 =	simm.s32 $0x100;
	s11 =	simm.s32 $0x80;
	v6 =	vadd.s32 s26, v0;
	[tilespmem:v5+s18+$0x0] =	vst.idx.add.f32.msk $0xffff, v4  }
0x6a4: {  	v10 =	vor.u32 $0x100, v9;
	s8 =	sand.u32 $0x1800, s12;
	s6 =	sand.u32 $0x380, s11;
	v4 =	vshll.u32 v6, $0x3;
	v7 =	vld [tilespmem:s7+$0x6050]  }
0x6a5: {  	s14 =	sor.u32 s6, s8;
	v5 =	vand.u32 $0x7F, v6;
	v4 =	vand.u32 $0xFC00, v4  }
0x6a6: {  	v6 =	vld [tilespmem:s14+$0x6000];
	v5 =	vor.u32 v5, v4;
	_ =	sdelay $0x2  }
0x6a7: {  	v4 =	vadd.s32 s26, v3;
	[tilespmem:v10+s18+$0x0] =	vst.idx.add.f32.msk $0xffff, v7  }
0x6a8: {  	v11 =	vor.u32 $0x180, v8;
	v7 =	vshll.u32 v4, $0x3;
	v10 =	vld [tilespmem:s7+$0x6060]  }
0x6a9: {  	v4 =	vand.u32 $0x7F, v4;
	[tilespmem:v5+s18+$0x0] =	vst.idx.add.f32.msk $0xffff, v6;
	v6 =	vand.u32 $0xFC00, v7  }
0x6aa: {  	v7 =	vld [tilespmem:s14+$0x6010];
	v4 =	vor.u32 v4, v6;
	_ =	sdelay $0x2  }
0x6ab: {  	[tilespmem:v11+s18+$0x0] =	vst.idx.add.f32.msk $0xffff, v10  }
0x6ac: {  	v10 =	vor.u32 $0x180, v9;
	v6 =	vld [tilespmem:s7+$0x6070]  }
0x6ad: {  	[tilespmem:v4+s18+$0x0] =	vst.idx.add.f32.msk $0xffff, v7  }
0x6ae: {  	v11 =	vor.u32 $0x80, v5;
	v7 =	vld [tilespmem:s14+$0x6020];
	_ =	sdelay $0x2  }
0x6af: {  	[tilespmem:v10+s18+$0x0] =	vst.idx.add.f32.msk $0xffff, v6  }
0x6b0: {  	v10 =	vor.u32 $0x200, v8;
	v6 =	vld [tilespmem:s7+$0x6400]  }
0x6b1: {  	[tilespmem:v11+s18+$0x0] =	vst.idx.add.f32.msk $0xffff, v7  }
0x6b2: {  	v11 =	vor.u32 $0x80, v4;
	v7 =	vld [tilespmem:s14+$0x6030];
	_ =	sdelay $0x2  }
0x6b3: {  	[tilespmem:v10+s18+$0x0] =	vst.idx.add.f32.msk $0xffff, v6  }
0x6b4: {  	v10 =	vor.u32 $0x200, v9;
	v6 =	vld [tilespmem:s7+$0x6410]  }
0x6b5: {  	[tilespmem:v11+s18+$0x0] =	vst.idx.add.f32.msk $0xffff, v7  }
0x6b6: {  	v11 =	vor.u32 $0x100, v5;
	v7 =	vld [tilespmem:s14+$0x6040];
	_ =	sdelay $0x2  }
0x6b7: {  	[tilespmem:v10+s18+$0x0] =	vst.idx.add.f32.msk $0xffff, v6  }
0x6b8: {  	s13 =	simm.s32 $0xC0;
	v12 =	vor.u32 $0x280, v8;
	v10 =	vld [tilespmem:s7+$0x6420]  }
0x6b9: {  	s16 =	simm.s32 $0x100;
	s26 =	simm.s32 $0x200;
	v6 =	vadd.s32 s13, v0;
	[tilespmem:v11+s18+$0x0] =	vst.idx.add.f32.msk $0xffff, v7  }
0x6ba: {  	s6 =	sand.u32 $0x380, s16;
	s8 =	sand.u32 $0x1800, s26;
	v13 =	vor.u32 $0x100, v4;
	v7 =	vshll.u32 v6, $0x3;
	v11 =	vld [tilespmem:s14+$0x6050]  }
0x6bb: {  	s16 =	sor.u32 s6, s8;
	v6 =	vand.u32 $0x7F, v6;
	v7 =	vand.u32 $0xFC00, v7  }
0x6bc: {  	v14 =	vld [tilespmem:s16+$0x6000];
	v6 =	vor.u32 v6, v7  }
0x6bd: {  	[tilespmem:v12+s18+$0x0] =	vst.idx.add.f32.msk $0xffff, v10  }
0x6be: {  	v12 =	vor.u32 $0x280, v9;
	v10 =	vld [tilespmem:s7+$0x6430]  }
0x6bf: {  	v7 =	vadd.s32 s13, v3;
	[tilespmem:v13+s18+$0x0] =	vst.idx.add.f32.msk $0xffff, v11  }
0x6c0: {  	v15 =	vor.u32 $0x180, v5;
	v11 =	vshll.u32 v7, $0x3;
	v13 =	vld [tilespmem:s14+$0x6060]  }
0x6c1: {  	v7 =	vand.u32 $0x7F, v7;
	[tilespmem:v6+s18+$0x0] =	vst.idx.add.f32.msk $0xffff, v14;
	v11 =	vand.u32 $0xFC00, v11  }
0x6c2: {  	v14 =	vld [tilespmem:s16+$0x6010];
	v7 =	vor.u32 v7, v11  }
0x6c3: {  	[tilespmem:v12+s18+$0x0] =	vst.idx.add.f32.msk $0xffff, v10  }
0x6c4: {  	v11 =	vor.u32 $0x300, v8;
	v10 =	vld [tilespmem:s7+$0x6440]  }
0x6c5: {  	[tilespmem:v15+s18+$0x0] =	vst.idx.add.f32.msk $0xffff, v13  }
0x6c6: {  	v13 =	vor.u32 $0x180, v4;
	v12 =	vld [tilespmem:s14+$0x6070]  }
0x6c7: {  	[tilespmem:v7+s18+$0x0] =	vst.idx.add.f32.msk $0xffff, v14  }
0x6c8: {  	v15 =	vor.u32 $0x80, v6;
	v14 =	vld [tilespmem:s16+$0x6020]  }
0x6c9: {  	[tilespmem:v11+s18+$0x0] =	vst.idx.add.f32.msk $0xffff, v10  }
0x6ca: {  	v11 =	vor.u32 $0x300, v9;
	v10 =	vld [tilespmem:s7+$0x6450]  }
0x6cb: {  	[tilespmem:v13+s18+$0x0] =	vst.idx.add.f32.msk $0xffff, v12  }
0x6cc: {  	v13 =	vor.u32 $0x200, v5;
	v12 =	vld [tilespmem:s14+$0x6400]  }
0x6cd: {  	[tilespmem:v15+s18+$0x0] =	vst.idx.add.f32.msk $0xffff, v14  }
0x6ce: {  	v15 =	vor.u32 $0x80, v7;
	v14 =	vld [tilespmem:s16+$0x6030]  }
0x6cf: {  	[tilespmem:v11+s18+$0x0] =	vst.idx.add.f32.msk $0xffff, v10  }
0x6d0: {  	v8 =	vor.u32 $0x380, v8;
	v10 =	vld [tilespmem:s7+$0x6460]  }
0x6d1: {  	[tilespmem:v13+s18+$0x0] =	vst.idx.add.f32.msk $0xffff, v12  }
0x6d2: {  	v12 =	vor.u32 $0x200, v4;
	v11 =	vld [tilespmem:s14+$0x6410]  }
0x6d3: {  	[tilespmem:v15+s18+$0x0] =	vst.idx.add.f32.msk $0xffff, v14  }
0x6d4: {  	v14 =	vor.u32 $0x100, v6;
	v13 =	vld [tilespmem:s16+$0x6040]  }
0x6d5: {  	[tilespmem:v8+s18+$0x0] =	vst.idx.add.f32.msk $0xffff, v10  }
0x6d6: {  	v9 =	vor.u32 $0x380, v9;
	v8 =	vld [tilespmem:s7+$0x6470]  }
0x6d7: {  	[tilespmem:v12+s18+$0x0] =	vst.idx.add.f32.msk $0xffff, v11  }
0x6d8: {  	s29 =	simm.s32 $0x180;
	s2 =	simm.s32 $0x180;
	s26 =	simm.s32 $0x120;
	v11 =	vor.u32 $0x280, v5;
	v10 =	vld [tilespmem:s14+$0x6420]  }
0x6d9: {  	s11 =	simm.s32 $0x300;
	s8 =	smov.u32 s14;
	s6 =	smov.u32 s16;
	v12 =	vadd.s32 s26, v0;
	[tilespmem:v14+s18+$0x0] =	vst.idx.add.f32.msk $0xffff, v13  }
.LBB2_21:
0x6da: {  	p1 =	sne.s32 s2, $0xBA0;
	s12 =	sand.u32 $0x1800, s11;
	s13 =	sand.u32 $0x380, s29;
	v13 =	vshll.u32 v12, $0x3;
	v14 =	vld [tilespmem:s6+$0x6050];
	v15 =	vor.u32 $0x100, v7  }
0x6db: {  	v12 =	vand.u32 $0x7F, v12;
	s12 =	sor.u32 s13, s12;
	v13 =	vand.u32 $0xFC00, v13;
	[tilespmem:v9+s18+$0x0] =	vst.idx.add.f32.msk $0xffff, v8  }
0x6dc: {  	v8 =	vld [tilespmem:s12+$0x6000];
	v9 =	vor.u32 v12, v13  }
0x6dd: {  	[tilespmem:v11+s18+$0x0] =	vst.idx.add.f32.msk $0xffff, v10  }
0x6de: {  	v11 =	vor.u32 $0x280, v4;
	v10 =	vld [tilespmem:s8+$0x6430]  }
0x6df: {  	v12 =	vadd.s32 s26, v3;
	s26 =	smov.u32 s2;
	[tilespmem:v15+s18+$0x0] =	vst.idx.add.f32.msk $0xffff, v14  }
0x6e0: {  	v13 =	vshll.u32 v12, $0x3;
	v15 =	vor.u32 $0x180, v6;
	v14 =	vld [tilespmem:s6+$0x6060]  }
0x6e1: {  	[tilespmem:v9+s18+$0x0] =	vst.idx.add.f32.msk $0xffff, v8;
	v8 =	vand.u32 $0x7F, v12;
	v12 =	vand.u32 $0xFC00, v13  }
0x6e2: {  	v13 =	vld [tilespmem:s12+$0x6010];
	v12 =	vor.u32 v8, v12  }
0x6e3: {  	[tilespmem:v11+s18+$0x0] =	vst.idx.add.f32.msk $0xffff, v10  }
0x6e4: {  	v10 =	vor.u32 $0x300, v5;
	v8 =	vld [tilespmem:s8+$0x6440]  }
0x6e5: {  	[tilespmem:v15+s18+$0x0] =	vst.idx.add.f32.msk $0xffff, v14  }
0x6e6: {  	v14 =	vor.u32 $0x180, v7;
	v11 =	vld [tilespmem:s6+$0x6070]  }
0x6e7: {  	[tilespmem:v12+s18+$0x0] =	vst.idx.add.f32.msk $0xffff, v13  }
0x6e8: {  	v15 =	vor.u32 $0x80, v9;
	v13 =	vld [tilespmem:s12+$0x6020]  }
0x6e9: {  	[tilespmem:v10+s18+$0x0] =	vst.idx.add.f32.msk $0xffff, v8  }
0x6ea: {  	v10 =	vor.u32 $0x300, v4;
	v8 =	vld [tilespmem:s8+$0x6450]  }
0x6eb: {  	[tilespmem:v14+s18+$0x0] =	vst.idx.add.f32.msk $0xffff, v11  }
0x6ec: {  	v14 =	vor.u32 $0x200, v6;
	v11 =	vld [tilespmem:s6+$0x6400]  }
0x6ed: {  	[tilespmem:v15+s18+$0x0] =	vst.idx.add.f32.msk $0xffff, v13  }
0x6ee: {  	v15 =	vor.u32 $0x80, v12;
	v13 =	vld [tilespmem:s12+$0x6030]  }
0x6ef: {  	[tilespmem:v10+s18+$0x0] =	vst.idx.add.f32.msk $0xffff, v8  }
0x6f0: {  	v10 =	vor.u32 $0x380, v5;
	v5 =	vmov v6;
	v6 =	vmov v9;
	v8 =	vld [tilespmem:s8+$0x6460]  }
0x6f1: {  	[tilespmem:v14+s18+$0x0] =	vst.idx.add.f32.msk $0xffff, v11  }
0x6f2: {  	v14 =	vor.u32 $0x200, v7;
	v11 =	vld [tilespmem:s6+$0x6410]  }
0x6f3: {  	[tilespmem:v15+s18+$0x0] =	vst.idx.add.f32.msk $0xffff, v13  }
0x6f4: {  	v15 =	vor.u32 $0x100, v6;
	v13 =	vld [tilespmem:s12+$0x6040]  }
.Ltmp11:
0x6f5: {  	[tilespmem:v10+s18+$0x0] =	vst.idx.add.f32.msk $0xffff, v8;
	(pc) =	sbr.rel @p1 .LBB2_21-.Ltmp11, $4  }
0x6f6: {  	v9 =	vor.u32 $0x380, v4;
	v4 =	vmov v7;
	v7 =	vmov v12;
	v8 =	vld [tilespmem:s8+$0x6470];
	s8 =	smov.u32 s6;
	s6 =	smov.u32 s12  }
0x6f7: {  	[tilespmem:v14+s18+$0x0] =	vst.idx.add.f32.msk $0xffff, v11  }
0x6f8: {  	v11 =	vor.u32 $0x280, v5;
	v10 =	vld [tilespmem:s8+$0x6420]  }
0x6f9: {  	s29 =	sadd.s32 $0x80, s29;
	s11 =	sadd.s32 $0x100, s11;
	s2 =	sadd.s32 $0x60, s2;
	v12 =	vadd.s32 s26, v0;
	[tilespmem:v15+s18+$0x0] =	vst.idx.add.f32.msk $0xffff, v13  }
0x6fa: {  	s2 =	sand.u32 $0x1800, s11;
	s12 =	sand.u32 $0x380, s29;
	v13 =	vshll.u32 v12, $0x3  }
0x6fb: {  	v12 =	vand.u32 $0x7F, v12;
	s2 =	sor.u32 s12, s2;
	v13 =	vand.u32 $0xFC00, v13  }
0x6fc: {  	v14 =	vld [tilespmem:s2+$0x6000];
	v12 =	vor.u32 v12, v13;
	_ =	sdelay $0x2  }
0x6fd: {  	v13 =	vadd.s32 s26, v3  }
0x6fe: {  	v15 =	vshll.u32 v13, $0x3  }
0x6ff: {  	v13 =	vand.u32 $0x7F, v13;
	[tilespmem:v12+s18+$0x0] =	vst.idx.add.f32.msk $0xffff, v14;
	v14 =	vand.u32 $0xFC00, v15  }
0x700: {  	v15 =	vld [tilespmem:s2+$0x6010];
	v13 =	vor.u32 v13, v14;
	_ =	sdelay $0x4  }
0x701: {  	[tilespmem:v13+s18+$0x0] =	vst.idx.add.f32.msk $0xffff, v15  }
0x702: {  	v15 =	vor.u32 $0x80, v12;
	v14 =	vld [tilespmem:s2+$0x6020];
	_ =	sdelay $0x4  }
0x703: {  	[tilespmem:v15+s18+$0x0] =	vst.idx.add.f32.msk $0xffff, v14  }
0x704: {  	v15 =	vor.u32 $0x80, v13;
	v14 =	vld [tilespmem:s2+$0x6030];
	_ =	sdelay $0x4  }
0x705: {  	[tilespmem:v15+s18+$0x0] =	vst.idx.add.f32.msk $0xffff, v14  }
0x706: {  	v15 =	vor.u32 $0x100, v12;
	v14 =	vld [tilespmem:s2+$0x6040];
	_ =	sdelay $0x3  }
0x707: {  	v16 =	vld [tilespmem:s6+$0x6050];
	v17 =	vor.u32 $0x100, v7  }
0x708: {  	[tilespmem:v15+s18+$0x0] =	vst.idx.add.f32.msk $0xffff, v14  }
0x709: {  	v15 =	vor.u32 $0x100, v13;
	v14 =	vld [tilespmem:s2+$0x6050];
	_ =	sdelay $0x2  }
0x70a: {  	[tilespmem:v17+s18+$0x0] =	vst.idx.add.f32.msk $0xffff, v16  }
0x70b: {  	v56 =	vor.u32 $0x180, v6;
	v16 =	vld [tilespmem:s6+$0x6060]  }
0x70c: {  	[tilespmem:v15+s18+$0x0] =	vst.idx.add.f32.msk $0xffff, v14  }
0x70d: {  	v15 =	vor.u32 $0x180, v12;
	v14 =	vld [tilespmem:s2+$0x6060];
	_ =	sdelay $0x2  }
0x70e: {  	[tilespmem:v56+s18+$0x0] =	vst.idx.add.f32.msk $0xffff, v16  }
0x70f: {  	v57 =	vor.u32 $0x180, v7;
	v16 =	vld [tilespmem:s6+$0x6070]  }
0x710: {  	[tilespmem:v15+s18+$0x0] =	vst.idx.add.f32.msk $0xffff, v14  }
0x711: {  	v15 =	vor.u32 $0x180, v13;
	v14 =	vld [tilespmem:s2+$0x6070];
	_ =	sdelay $0x2  }
0x712: {  	[tilespmem:v57+s18+$0x0] =	vst.idx.add.f32.msk $0xffff, v16  }
0x713: {  	v58 =	vor.u32 $0x200, v6;
	v16 =	vld [tilespmem:s6+$0x6400]  }
0x714: {  	[tilespmem:v15+s18+$0x0] =	vst.idx.add.f32.msk $0xffff, v14  }
0x715: {  	v15 =	vor.u32 $0x200, v12;
	v14 =	vld [tilespmem:s2+$0x6400];
	_ =	sdelay $0x2  }
0x716: {  	[tilespmem:v58+s18+$0x0] =	vst.idx.add.f32.msk $0xffff, v16  }
0x717: {  	v59 =	vor.u32 $0x200, v7;
	v16 =	vld [tilespmem:s6+$0x6410]  }
0x718: {  	[tilespmem:v15+s18+$0x0] =	vst.idx.add.f32.msk $0xffff, v14  }
0x719: {  	v15 =	vor.u32 $0x200, v13;
	v14 =	vld [tilespmem:s2+$0x6410];
	_ =	sdelay $0x2  }
0x71a: {  	[tilespmem:v59+s18+$0x0] =	vst.idx.add.f32.msk $0xffff, v16  }
0x71b: {  	v60 =	vor.u32 $0x280, v6;
	v16 =	vld [tilespmem:s6+$0x6420]  }
0x71c: {  	[tilespmem:v15+s18+$0x0] =	vst.idx.add.f32.msk $0xffff, v14  }
0x71d: {  	v15 =	vor.u32 $0x280, v12;
	v14 =	vld [tilespmem:s2+$0x6420]  }
0x71e: {  	[tilespmem:v11+s18+$0x0] =	vst.idx.add.f32.msk $0xffff, v10  }
0x71f: {  	v11 =	vor.u32 $0x280, v4;
	v10 =	vld [tilespmem:s8+$0x6430]  }
0x720: {  	[tilespmem:v60+s18+$0x0] =	vst.idx.add.f32.msk $0xffff, v16  }
0x721: {  	v61 =	vor.u32 $0x280, v7;
	v16 =	vld [tilespmem:s6+$0x6430]  }
0x722: {  	[tilespmem:v15+s18+$0x0] =	vst.idx.add.f32.msk $0xffff, v14  }
0x723: {  	v15 =	vor.u32 $0x280, v13;
	v14 =	vld [tilespmem:s2+$0x6430]  }
0x724: {  	[tilespmem:v11+s18+$0x0] =	vst.idx.add.f32.msk $0xffff, v10  }
0x725: {  	v11 =	vor.u32 $0x300, v5;
	v10 =	vld [tilespmem:s8+$0x6440]  }
0x726: {  	[tilespmem:v61+s18+$0x0] =	vst.idx.add.f32.msk $0xffff, v16  }
0x727: {  	v62 =	vor.u32 $0x300, v6;
	v16 =	vld [tilespmem:s6+$0x6440]  }
0x728: {  	[tilespmem:v15+s18+$0x0] =	vst.idx.add.f32.msk $0xffff, v14  }
0x729: {  	v15 =	vor.u32 $0x300, v12;
	v14 =	vld [tilespmem:s2+$0x6440]  }
0x72a: {  	[tilespmem:v11+s18+$0x0] =	vst.idx.add.f32.msk $0xffff, v10  }
0x72b: {  	v11 =	vor.u32 $0x300, v4;
	v10 =	vld [tilespmem:s8+$0x6450]  }
0x72c: {  	[tilespmem:v62+s18+$0x0] =	vst.idx.add.f32.msk $0xffff, v16  }
0x72d: {  	v63 =	vor.u32 $0x300, v7;
	v16 =	vld [tilespmem:s6+$0x6450]  }
0x72e: {  	[tilespmem:v15+s18+$0x0] =	vst.idx.add.f32.msk $0xffff, v14  }
0x72f: {  	v15 =	vor.u32 $0x300, v13;
	v14 =	vld [tilespmem:s2+$0x6450]  }
0x730: {  	[tilespmem:v11+s18+$0x0] =	vst.idx.add.f32.msk $0xffff, v10  }
0x731: {  	v5 =	vor.u32 $0x380, v5;
	v10 =	vld [tilespmem:s8+$0x6460]  }
0x732: {  	[tilespmem:v63+s18+$0x0] =	vst.idx.add.f32.msk $0xffff, v16  }
0x733: {  	v6 =	vor.u32 $0x380, v6;
	v11 =	vld [tilespmem:s6+$0x6460]  }
0x734: {  	[tilespmem:v15+s18+$0x0] =	vst.idx.add.f32.msk $0xffff, v14  }
0x735: {  	v12 =	vor.u32 $0x380, v12;
	v14 =	vld [tilespmem:s2+$0x6460]  }
0x736: {  	[tilespmem:v5+s18+$0x0] =	vst.idx.add.f32.msk $0xffff, v10  }
0x737: {  	v5 =	vld [tilespmem:s8+$0x6470]  }
0x738: {  	[tilespmem:v6+s18+$0x0] =	vst.idx.add.f32.msk $0xffff, v11  }
0x739: {  	v4 =	vor.u32 $0x380, v4;
	v6 =	vld [tilespmem:s6+$0x6470]  }
0x73a: {  	v7 =	vor.u32 $0x380, v7;
	[tilespmem:v12+s18+$0x0] =	vst.idx.add.f32.msk $0xffff, v14  }
0x73b: {  	v11 =	vor.u32 $0x380, v13;
	v10 =	vld [tilespmem:s2+$0x6470];
	_ =	sdelay $0x1  }
0x73c: {  	s13 =	simm.s32 $0x1;
	[tilespmem:v9+s18+$0x0] =	vst.idx.add.f32.msk $0xffff, v8  }
0x73d: {  	[tilespmem:v4+s18+$0x0] =	vst.idx.add.f32.msk $0xffff, v5;
	v4 =	vadd.s32 s13, v0  }
0x73e: {  	v5 =	vshll.u32 v4, $0x3;
	[tilespmem:v7+s18+$0x0] =	vst.idx.add.f32.msk $0xffff, v6  }
0x73f: {  	v4 =	vand.u32 $0x7F, v4;
	v5 =	vand.u32 $0x7FFFFC00, v5;
	[tilespmem:v11+s18+$0x0] =	vst.idx.add.f32.msk $0xffff, v10  }
0x740: {  	v8 =	vor.u32 v4, v5;
	v6 =	vld [tilespmem:s7+$0x8000];
	_ =	sdelay $0x2  }
0x741: {  	v4 =	vadd.s32 s13, v3  }
0x742: {  	v5 =	vshll.u32 v4, $0x3  }
0x743: {  	v4 =	vand.u32 $0x7F, v4;
	v5 =	vand.u32 $0x7FFFFC00, v5;
	[tilespmem:v8+s18+$0x0] =	vst.idx.add.f32.msk $0xffff, v6  }
0x744: {  	v9 =	vor.u32 v4, v5;
	v6 =	vld [tilespmem:s7+$0x8010];
	_ =	sdelay $0x4  }
0x745: {  	[tilespmem:v9+s18+$0x0] =	vst.idx.add.f32.msk $0xffff, v6  }
0x746: {  	v5 =	vor.u32 $0x80, v8;
	v4 =	vld [tilespmem:s7+$0x8020];
	_ =	sdelay $0x4  }
0x747: {  	[tilespmem:v5+s18+$0x0] =	vst.idx.add.f32.msk $0xffff, v4  }
0x748: {  	v5 =	vor.u32 $0x80, v9;
	v4 =	vld [tilespmem:s7+$0x8030];
	_ =	sdelay $0x4  }
0x749: {  	[tilespmem:v5+s18+$0x0] =	vst.idx.add.f32.msk $0xffff, v4  }
0x74a: {  	v5 =	vor.u32 $0x100, v8;
	v4 =	vld [tilespmem:s7+$0x8040];
	_ =	sdelay $0x3  }
0x74b: {  	s26 =	simm.s32 $0x61  }
0x74c: {  	v6 =	vadd.s32 s26, v0;
	[tilespmem:v5+s18+$0x0] =	vst.idx.add.f32.msk $0xffff, v4  }
0x74d: {  	v10 =	vor.u32 $0x100, v9;
	v4 =	vshll.u32 v6, $0x3;
	v7 =	vld [tilespmem:s7+$0x8050]  }
0x74e: {  	v5 =	vand.u32 $0x7F, v6;
	v4 =	vand.u32 $0x7FFFFC00, v4  }
0x74f: {  	v6 =	vld [tilespmem:s14+$0x8000];
	v5 =	vor.u32 v5, v4;
	_ =	sdelay $0x2  }
0x750: {  	v4 =	vadd.s32 s26, v3;
	[tilespmem:v10+s18+$0x0] =	vst.idx.add.f32.msk $0xffff, v7  }
0x751: {  	v11 =	vor.u32 $0x180, v8;
	v7 =	vshll.u32 v4, $0x3;
	v10 =	vld [tilespmem:s7+$0x8060]  }
0x752: {  	v4 =	vand.u32 $0x7F, v4;
	[tilespmem:v5+s18+$0x0] =	vst.idx.add.f32.msk $0xffff, v6;
	v6 =	vand.u32 $0x7FFFFC00, v7  }
0x753: {  	v7 =	vld [tilespmem:s14+$0x8010];
	v4 =	vor.u32 v4, v6;
	_ =	sdelay $0x2  }
0x754: {  	[tilespmem:v11+s18+$0x0] =	vst.idx.add.f32.msk $0xffff, v10  }
0x755: {  	v10 =	vor.u32 $0x180, v9;
	v6 =	vld [tilespmem:s7+$0x8070]  }
0x756: {  	[tilespmem:v4+s18+$0x0] =	vst.idx.add.f32.msk $0xffff, v7  }
0x757: {  	v11 =	vor.u32 $0x80, v5;
	v7 =	vld [tilespmem:s14+$0x8020];
	_ =	sdelay $0x2  }
0x758: {  	[tilespmem:v10+s18+$0x0] =	vst.idx.add.f32.msk $0xffff, v6  }
0x759: {  	v10 =	vor.u32 $0x200, v8;
	v6 =	vld [tilespmem:s7+$0x8400]  }
0x75a: {  	[tilespmem:v11+s18+$0x0] =	vst.idx.add.f32.msk $0xffff, v7  }
0x75b: {  	v11 =	vor.u32 $0x80, v4;
	v7 =	vld [tilespmem:s14+$0x8030];
	_ =	sdelay $0x2  }
0x75c: {  	[tilespmem:v10+s18+$0x0] =	vst.idx.add.f32.msk $0xffff, v6  }
0x75d: {  	v10 =	vor.u32 $0x200, v9;
	v6 =	vld [tilespmem:s7+$0x8410]  }
0x75e: {  	[tilespmem:v11+s18+$0x0] =	vst.idx.add.f32.msk $0xffff, v7  }
0x75f: {  	v11 =	vor.u32 $0x100, v5;
	v7 =	vld [tilespmem:s14+$0x8040];
	_ =	sdelay $0x2  }
0x760: {  	[tilespmem:v10+s18+$0x0] =	vst.idx.add.f32.msk $0xffff, v6  }
0x761: {  	s29 =	simm.s32 $0xC1;
	v12 =	vor.u32 $0x280, v8;
	v10 =	vld [tilespmem:s7+$0x8420]  }
0x762: {  	v6 =	vadd.s32 s29, v0;
	[tilespmem:v11+s18+$0x0] =	vst.idx.add.f32.msk $0xffff, v7  }
0x763: {  	v13 =	vor.u32 $0x100, v4;
	v7 =	vshll.u32 v6, $0x3;
	v11 =	vld [tilespmem:s14+$0x8050]  }
0x764: {  	v6 =	vand.u32 $0x7F, v6;
	v7 =	vand.u32 $0x7FFFFC00, v7  }
0x765: {  	v14 =	vld [tilespmem:s16+$0x8000];
	v6 =	vor.u32 v6, v7  }
0x766: {  	[tilespmem:v12+s18+$0x0] =	vst.idx.add.f32.msk $0xffff, v10  }
0x767: {  	v12 =	vor.u32 $0x280, v9;
	v10 =	vld [tilespmem:s7+$0x8430]  }
0x768: {  	v7 =	vadd.s32 s29, v3;
	[tilespmem:v13+s18+$0x0] =	vst.idx.add.f32.msk $0xffff, v11  }
0x769: {  	v15 =	vor.u32 $0x180, v5;
	v11 =	vshll.u32 v7, $0x3;
	v13 =	vld [tilespmem:s14+$0x8060]  }
0x76a: {  	v7 =	vand.u32 $0x7F, v7;
	[tilespmem:v6+s18+$0x0] =	vst.idx.add.f32.msk $0xffff, v14;
	v11 =	vand.u32 $0x7FFFFC00, v11  }
0x76b: {  	v14 =	vld [tilespmem:s16+$0x8010];
	v7 =	vor.u32 v7, v11  }
0x76c: {  	[tilespmem:v12+s18+$0x0] =	vst.idx.add.f32.msk $0xffff, v10  }
0x76d: {  	v11 =	vor.u32 $0x300, v8;
	v10 =	vld [tilespmem:s7+$0x8440]  }
0x76e: {  	[tilespmem:v15+s18+$0x0] =	vst.idx.add.f32.msk $0xffff, v13  }
0x76f: {  	v13 =	vor.u32 $0x180, v4;
	v12 =	vld [tilespmem:s14+$0x8070]  }
0x770: {  	[tilespmem:v7+s18+$0x0] =	vst.idx.add.f32.msk $0xffff, v14  }
0x771: {  	v15 =	vor.u32 $0x80, v6;
	v14 =	vld [tilespmem:s16+$0x8020]  }
0x772: {  	[tilespmem:v11+s18+$0x0] =	vst.idx.add.f32.msk $0xffff, v10  }
0x773: {  	v11 =	vor.u32 $0x300, v9;
	v10 =	vld [tilespmem:s7+$0x8450]  }
0x774: {  	[tilespmem:v13+s18+$0x0] =	vst.idx.add.f32.msk $0xffff, v12  }
0x775: {  	v13 =	vor.u32 $0x200, v5;
	v12 =	vld [tilespmem:s14+$0x8400]  }
0x776: {  	[tilespmem:v15+s18+$0x0] =	vst.idx.add.f32.msk $0xffff, v14  }
0x777: {  	v15 =	vor.u32 $0x80, v7;
	v14 =	vld [tilespmem:s16+$0x8030]  }
0x778: {  	[tilespmem:v11+s18+$0x0] =	vst.idx.add.f32.msk $0xffff, v10  }
0x779: {  	v8 =	vor.u32 $0x380, v8;
	v10 =	vld [tilespmem:s7+$0x8460]  }
0x77a: {  	[tilespmem:v13+s18+$0x0] =	vst.idx.add.f32.msk $0xffff, v12  }
0x77b: {  	v12 =	vor.u32 $0x200, v4;
	v11 =	vld [tilespmem:s14+$0x8410]  }
0x77c: {  	[tilespmem:v15+s18+$0x0] =	vst.idx.add.f32.msk $0xffff, v14  }
0x77d: {  	v14 =	vor.u32 $0x100, v6;
	v13 =	vld [tilespmem:s16+$0x8040]  }
0x77e: {  	[tilespmem:v8+s18+$0x0] =	vst.idx.add.f32.msk $0xffff, v10  }
0x77f: {  	v9 =	vor.u32 $0x380, v9;
	v8 =	vld [tilespmem:s7+$0x8470]  }
0x780: {  	[tilespmem:v12+s18+$0x0] =	vst.idx.add.f32.msk $0xffff, v11  }
0x781: {  	s6 =	simm.s32 $0x121;
	v11 =	vor.u32 $0x280, v5;
	v10 =	vld [tilespmem:s14+$0x8420]  }
0x782: {  	s8 =	simm.s32 $0x300;
	s2 =	simm.s32 $0x180;
	v12 =	vadd.s32 s6, v0;
	s7 =	simm.s32 $0x181;
	[tilespmem:v14+s18+$0x0] =	vst.idx.add.f32.msk $0xffff, v13  }
.LBB2_23:
0x783: {  	p1 =	sne.s32 s7, $0xBA1;
	s11 =	sand.u32 $0x1800, s8;
	s12 =	sand.u32 $0x380, s2;
	v13 =	vshll.u32 v12, $0x3;
	v14 =	vld [tilespmem:s16+$0x8050];
	v15 =	vor.u32 $0x100, v7  }
0x784: {  	v12 =	vand.u32 $0x7F, v12;
	s11 =	sor.u32 s12, s11;
	v13 =	vand.u32 $0x7FFFFC00, v13;
	[tilespmem:v9+s18+$0x0] =	vst.idx.add.f32.msk $0xffff, v8  }
0x785: {  	v8 =	vld [tilespmem:s11+$0x8000];
	v9 =	vor.u32 v12, v13  }
0x786: {  	[tilespmem:v11+s18+$0x0] =	vst.idx.add.f32.msk $0xffff, v10  }
0x787: {  	v11 =	vor.u32 $0x280, v4;
	v10 =	vld [tilespmem:s14+$0x8430]  }
0x788: {  	v12 =	vadd.s32 s6, v3;
	s6 =	smov.u32 s7;
	[tilespmem:v15+s18+$0x0] =	vst.idx.add.f32.msk $0xffff, v14  }
0x789: {  	v13 =	vshll.u32 v12, $0x3;
	v15 =	vor.u32 $0x180, v6;
	v14 =	vld [tilespmem:s16+$0x8060]  }
0x78a: {  	[tilespmem:v9+s18+$0x0] =	vst.idx.add.f32.msk $0xffff, v8;
	v8 =	vand.u32 $0x7F, v12;
	v12 =	vand.u32 $0x7FFFFC00, v13  }
0x78b: {  	v13 =	vld [tilespmem:s11+$0x8010];
	v12 =	vor.u32 v8, v12  }
0x78c: {  	[tilespmem:v11+s18+$0x0] =	vst.idx.add.f32.msk $0xffff, v10  }
0x78d: {  	v10 =	vor.u32 $0x300, v5;
	v8 =	vld [tilespmem:s14+$0x8440]  }
0x78e: {  	[tilespmem:v15+s18+$0x0] =	vst.idx.add.f32.msk $0xffff, v14  }
0x78f: {  	v14 =	vor.u32 $0x180, v7;
	v11 =	vld [tilespmem:s16+$0x8070]  }
0x790: {  	[tilespmem:v12+s18+$0x0] =	vst.idx.add.f32.msk $0xffff, v13  }
0x791: {  	v15 =	vor.u32 $0x80, v9;
	v13 =	vld [tilespmem:s11+$0x8020]  }
0x792: {  	[tilespmem:v10+s18+$0x0] =	vst.idx.add.f32.msk $0xffff, v8  }
0x793: {  	v10 =	vor.u32 $0x300, v4;
	v8 =	vld [tilespmem:s14+$0x8450]  }
0x794: {  	[tilespmem:v14+s18+$0x0] =	vst.idx.add.f32.msk $0xffff, v11  }
0x795: {  	v14 =	vor.u32 $0x200, v6;
	v11 =	vld [tilespmem:s16+$0x8400]  }
0x796: {  	[tilespmem:v15+s18+$0x0] =	vst.idx.add.f32.msk $0xffff, v13  }
0x797: {  	v15 =	vor.u32 $0x80, v12;
	v13 =	vld [tilespmem:s11+$0x8030]  }
0x798: {  	[tilespmem:v10+s18+$0x0] =	vst.idx.add.f32.msk $0xffff, v8  }
0x799: {  	v10 =	vor.u32 $0x380, v5;
	v5 =	vmov v6;
	v6 =	vmov v9;
	v8 =	vld [tilespmem:s14+$0x8460]  }
0x79a: {  	[tilespmem:v14+s18+$0x0] =	vst.idx.add.f32.msk $0xffff, v11  }
0x79b: {  	v14 =	vor.u32 $0x200, v7;
	v11 =	vld [tilespmem:s16+$0x8410]  }
0x79c: {  	[tilespmem:v15+s18+$0x0] =	vst.idx.add.f32.msk $0xffff, v13  }
0x79d: {  	v15 =	vor.u32 $0x100, v6;
	v13 =	vld [tilespmem:s11+$0x8040]  }
.Ltmp12:
0x79e: {  	[tilespmem:v10+s18+$0x0] =	vst.idx.add.f32.msk $0xffff, v8;
	(pc) =	sbr.rel @p1 .LBB2_23-.Ltmp12, $4  }
0x79f: {  	v9 =	vor.u32 $0x380, v4;
	v4 =	vmov v7;
	v7 =	vmov v12;
	v8 =	vld [tilespmem:s14+$0x8470];
	s14 =	smov.u32 s16;
	s16 =	smov.u32 s11  }
0x7a0: {  	[tilespmem:v14+s18+$0x0] =	vst.idx.add.f32.msk $0xffff, v11  }
0x7a1: {  	v11 =	vor.u32 $0x280, v5;
	v10 =	vld [tilespmem:s14+$0x8420]  }
0x7a2: {  	s2 =	sadd.s32 $0x80, s2;
	s8 =	sadd.s32 $0x100, s8;
	s7 =	sadd.s32 $0x60, s7;
	v12 =	vadd.s32 s6, v0;
	[tilespmem:v15+s18+$0x0] =	vst.idx.add.f32.msk $0xffff, v13  }
0x7a3: {  	s7 =	sand.u32 $0x1800, s8;
	s2 =	sand.u32 $0x380, s2;
	v13 =	vshll.u32 v12, $0x3  }
0x7a4: {  	v12 =	vand.u32 $0x7F, v12;
	s2 =	sor.u32 s2, s7;
	v13 =	vand.u32 $0x7FFFFC00, v13  }
0x7a5: {  	v14 =	vld [tilespmem:s2+$0x8000];
	v12 =	vor.u32 v12, v13;
	_ =	sdelay $0x2  }
0x7a6: {  	v13 =	vadd.s32 s6, v3  }
0x7a7: {  	v15 =	vshll.u32 v13, $0x3  }
0x7a8: {  	v13 =	vand.u32 $0x7F, v13;
	[tilespmem:v12+s18+$0x0] =	vst.idx.add.f32.msk $0xffff, v14;
	v14 =	vand.u32 $0x7FFFFC00, v15  }
0x7a9: {  	v15 =	vld [tilespmem:s2+$0x8010];
	v13 =	vor.u32 v13, v14;
	_ =	sdelay $0x4  }
0x7aa: {  	[tilespmem:v13+s18+$0x0] =	vst.idx.add.f32.msk $0xffff, v15  }
0x7ab: {  	v15 =	vor.u32 $0x80, v12;
	v14 =	vld [tilespmem:s2+$0x8020];
	_ =	sdelay $0x4  }
0x7ac: {  	[tilespmem:v15+s18+$0x0] =	vst.idx.add.f32.msk $0xffff, v14  }
0x7ad: {  	v15 =	vor.u32 $0x80, v13;
	v14 =	vld [tilespmem:s2+$0x8030];
	_ =	sdelay $0x4  }
0x7ae: {  	[tilespmem:v15+s18+$0x0] =	vst.idx.add.f32.msk $0xffff, v14  }
0x7af: {  	v15 =	vor.u32 $0x100, v12;
	v14 =	vld [tilespmem:s2+$0x8040];
	_ =	sdelay $0x3  }
0x7b0: {  	v16 =	vld [tilespmem:s16+$0x8050];
	v17 =	vor.u32 $0x100, v7  }
0x7b1: {  	[tilespmem:v15+s18+$0x0] =	vst.idx.add.f32.msk $0xffff, v14  }
0x7b2: {  	v15 =	vor.u32 $0x100, v13;
	v14 =	vld [tilespmem:s2+$0x8050];
	_ =	sdelay $0x2  }
0x7b3: {  	[tilespmem:v17+s18+$0x0] =	vst.idx.add.f32.msk $0xffff, v16  }
0x7b4: {  	v56 =	vor.u32 $0x180, v6;
	v16 =	vld [tilespmem:s16+$0x8060]  }
0x7b5: {  	[tilespmem:v15+s18+$0x0] =	vst.idx.add.f32.msk $0xffff, v14  }
0x7b6: {  	v15 =	vor.u32 $0x180, v12;
	v14 =	vld [tilespmem:s2+$0x8060];
	_ =	sdelay $0x2  }
0x7b7: {  	[tilespmem:v56+s18+$0x0] =	vst.idx.add.f32.msk $0xffff, v16  }
0x7b8: {  	v57 =	vor.u32 $0x180, v7;
	v16 =	vld [tilespmem:s16+$0x8070]  }
0x7b9: {  	[tilespmem:v15+s18+$0x0] =	vst.idx.add.f32.msk $0xffff, v14  }
0x7ba: {  	v15 =	vor.u32 $0x180, v13;
	v14 =	vld [tilespmem:s2+$0x8070];
	_ =	sdelay $0x2  }
0x7bb: {  	[tilespmem:v57+s18+$0x0] =	vst.idx.add.f32.msk $0xffff, v16  }
0x7bc: {  	v58 =	vor.u32 $0x200, v6;
	v16 =	vld [tilespmem:s16+$0x8400]  }
0x7bd: {  	[tilespmem:v15+s18+$0x0] =	vst.idx.add.f32.msk $0xffff, v14  }
0x7be: {  	v15 =	vor.u32 $0x200, v12;
	v14 =	vld [tilespmem:s2+$0x8400];
	_ =	sdelay $0x2  }
0x7bf: {  	[tilespmem:v58+s18+$0x0] =	vst.idx.add.f32.msk $0xffff, v16  }
0x7c0: {  	v59 =	vor.u32 $0x200, v7;
	v16 =	vld [tilespmem:s16+$0x8410]  }
0x7c1: {  	[tilespmem:v15+s18+$0x0] =	vst.idx.add.f32.msk $0xffff, v14  }
0x7c2: {  	v15 =	vor.u32 $0x200, v13;
	v14 =	vld [tilespmem:s2+$0x8410];
	_ =	sdelay $0x2  }
0x7c3: {  	[tilespmem:v59+s18+$0x0] =	vst.idx.add.f32.msk $0xffff, v16  }
0x7c4: {  	v60 =	vor.u32 $0x280, v6;
	v16 =	vld [tilespmem:s16+$0x8420]  }
0x7c5: {  	[tilespmem:v15+s18+$0x0] =	vst.idx.add.f32.msk $0xffff, v14  }
0x7c6: {  	v15 =	vor.u32 $0x280, v12;
	v14 =	vld [tilespmem:s2+$0x8420]  }
0x7c7: {  	[tilespmem:v11+s18+$0x0] =	vst.idx.add.f32.msk $0xffff, v10  }
0x7c8: {  	v11 =	vor.u32 $0x280, v4;
	v10 =	vld [tilespmem:s14+$0x8430]  }
0x7c9: {  	[tilespmem:v60+s18+$0x0] =	vst.idx.add.f32.msk $0xffff, v16  }
0x7ca: {  	v61 =	vor.u32 $0x280, v7;
	v16 =	vld [tilespmem:s16+$0x8430]  }
0x7cb: {  	[tilespmem:v15+s18+$0x0] =	vst.idx.add.f32.msk $0xffff, v14  }
0x7cc: {  	v15 =	vor.u32 $0x280, v13;
	v14 =	vld [tilespmem:s2+$0x8430]  }
0x7cd: {  	[tilespmem:v11+s18+$0x0] =	vst.idx.add.f32.msk $0xffff, v10  }
0x7ce: {  	v11 =	vor.u32 $0x300, v5;
	v10 =	vld [tilespmem:s14+$0x8440]  }
0x7cf: {  	[tilespmem:v61+s18+$0x0] =	vst.idx.add.f32.msk $0xffff, v16  }
0x7d0: {  	v62 =	vor.u32 $0x300, v6;
	v16 =	vld [tilespmem:s16+$0x8440]  }
0x7d1: {  	[tilespmem:v15+s18+$0x0] =	vst.idx.add.f32.msk $0xffff, v14  }
0x7d2: {  	v15 =	vor.u32 $0x300, v12;
	v14 =	vld [tilespmem:s2+$0x8440]  }
0x7d3: {  	[tilespmem:v11+s18+$0x0] =	vst.idx.add.f32.msk $0xffff, v10  }
0x7d4: {  	v11 =	vor.u32 $0x300, v4;
	v10 =	vld [tilespmem:s14+$0x8450]  }
0x7d5: {  	[tilespmem:v62+s18+$0x0] =	vst.idx.add.f32.msk $0xffff, v16  }
0x7d6: {  	v63 =	vor.u32 $0x300, v7;
	v16 =	vld [tilespmem:s16+$0x8450]  }
0x7d7: {  	[tilespmem:v15+s18+$0x0] =	vst.idx.add.f32.msk $0xffff, v14  }
0x7d8: {  	v15 =	vor.u32 $0x300, v13;
	v14 =	vld [tilespmem:s2+$0x8450]  }
0x7d9: {  	[tilespmem:v11+s18+$0x0] =	vst.idx.add.f32.msk $0xffff, v10  }
0x7da: {  	v5 =	vor.u32 $0x380, v5;
	v10 =	vld [tilespmem:s14+$0x8460]  }
0x7db: {  	[tilespmem:v63+s18+$0x0] =	vst.idx.add.f32.msk $0xffff, v16  }
0x7dc: {  	v6 =	vor.u32 $0x380, v6;
	v11 =	vld [tilespmem:s16+$0x8460]  }
0x7dd: {  	[tilespmem:v15+s18+$0x0] =	vst.idx.add.f32.msk $0xffff, v14  }
0x7de: {  	v12 =	vor.u32 $0x380, v12;
	v14 =	vld [tilespmem:s2+$0x8460]  }
0x7df: {  	[tilespmem:v5+s18+$0x0] =	vst.idx.add.f32.msk $0xffff, v10  }
0x7e0: {  	v5 =	vld [tilespmem:s14+$0x8470]  }
0x7e1: {  	[tilespmem:v6+s18+$0x0] =	vst.idx.add.f32.msk $0xffff, v11  }
0x7e2: {  	v4 =	vor.u32 $0x380, v4;
	v6 =	vld [tilespmem:s16+$0x8470]  }
0x7e3: {  	v7 =	vor.u32 $0x380, v7;
	[tilespmem:v12+s18+$0x0] =	vst.idx.add.f32.msk $0xffff, v14  }
0x7e4: {  	v11 =	vor.u32 $0x380, v13;
	v10 =	vld [tilespmem:s2+$0x8470];
	_ =	sdelay $0x1  }
0x7e5: {  	s29 =	simm.s32 $0x2;
	[tilespmem:v9+s18+$0x0] =	vst.idx.add.f32.msk $0xffff, v8  }
0x7e6: {  	s8 =	simm.s32 $0x0;
	[tilespmem:v4+s18+$0x0] =	vst.idx.add.f32.msk $0xffff, v5;
	v4 =	vadd.s32 s29, v0  }
0x7e7: {  	s11 =	sand.u32 $0x1800, s8;
	s6 =	sand.u32 $0x380, s8;
	v5 =	vshll.u32 v4, $0x3;
	[tilespmem:v7+s18+$0x0] =	vst.idx.add.f32.msk $0xffff, v6  }
0x7e8: {  	s12 =	sor.u32 s6, s11;
	v4 =	vand.u32 $0x7F, v4;
	v5 =	vand.u32 $0x7FFFFC00, v5;
	[tilespmem:v11+s18+$0x0] =	vst.idx.add.f32.msk $0xffff, v10  }
0x7e9: {  	v8 =	vor.u32 v4, v5;
	v6 =	vld [tilespmem:s12+$0xA000];
	_ =	sdelay $0x2  }
0x7ea: {  	v4 =	vadd.s32 s29, v3  }
0x7eb: {  	v5 =	vshll.u32 v4, $0x3  }
0x7ec: {  	v4 =	vand.u32 $0x7F, v4;
	v5 =	vand.u32 $0x7FFFFC00, v5;
	[tilespmem:v8+s18+$0x0] =	vst.idx.add.f32.msk $0xffff, v6  }
0x7ed: {  	v9 =	vor.u32 v4, v5;
	v6 =	vld [tilespmem:s12+$0xA010];
	_ =	sdelay $0x4  }
0x7ee: {  	[tilespmem:v9+s18+$0x0] =	vst.idx.add.f32.msk $0xffff, v6  }
0x7ef: {  	v5 =	vor.u32 $0x80, v8;
	v4 =	vld [tilespmem:s12+$0xA020];
	_ =	sdelay $0x4  }
0x7f0: {  	[tilespmem:v5+s18+$0x0] =	vst.idx.add.f32.msk $0xffff, v4  }
0x7f1: {  	v5 =	vor.u32 $0x80, v9;
	v4 =	vld [tilespmem:s12+$0xA030];
	_ =	sdelay $0x4  }
0x7f2: {  	[tilespmem:v5+s18+$0x0] =	vst.idx.add.f32.msk $0xffff, v4  }
0x7f3: {  	v5 =	vor.u32 $0x100, v8;
	v4 =	vld [tilespmem:s12+$0xA040];
	_ =	sdelay $0x3  }
0x7f4: {  	s13 =	simm.s32 $0x62  }
0x7f5: {  	s14 =	simm.s32 $0x80;
	s16 =	simm.s32 $0x100;
	v6 =	vadd.s32 s13, v0;
	[tilespmem:v5+s18+$0x0] =	vst.idx.add.f32.msk $0xffff, v4  }
0x7f6: {  	s6 =	sand.u32 $0x380, s14;
	s7 =	sand.u32 $0x1800, s16;
	v10 =	vor.u32 $0x100, v9;
	v4 =	vshll.u32 v6, $0x3;
	v7 =	vld [tilespmem:s12+$0xA050]  }
0x7f7: {  	s6 =	sor.u32 s6, s7;
	v5 =	vand.u32 $0x7F, v6;
	v4 =	vand.u32 $0x7FFFFC00, v4  }
0x7f8: {  	v6 =	vld [tilespmem:s6+$0xA000];
	v5 =	vor.u32 v5, v4;
	_ =	sdelay $0x2  }
0x7f9: {  	v4 =	vadd.s32 s13, v3;
	[tilespmem:v10+s18+$0x0] =	vst.idx.add.f32.msk $0xffff, v7  }
0x7fa: {  	v11 =	vor.u32 $0x180, v8;
	v7 =	vshll.u32 v4, $0x3;
	v10 =	vld [tilespmem:s12+$0xA060]  }
0x7fb: {  	v4 =	vand.u32 $0x7F, v4;
	[tilespmem:v5+s18+$0x0] =	vst.idx.add.f32.msk $0xffff, v6;
	v6 =	vand.u32 $0x7FFFFC00, v7  }
0x7fc: {  	v7 =	vld [tilespmem:s6+$0xA010];
	v4 =	vor.u32 v4, v6;
	_ =	sdelay $0x2  }
0x7fd: {  	[tilespmem:v11+s18+$0x0] =	vst.idx.add.f32.msk $0xffff, v10  }
0x7fe: {  	v10 =	vor.u32 $0x180, v9;
	v6 =	vld [tilespmem:s12+$0xA070]  }
0x7ff: {  	[tilespmem:v4+s18+$0x0] =	vst.idx.add.f32.msk $0xffff, v7  }
0x800: {  	v11 =	vor.u32 $0x80, v5;
	v7 =	vld [tilespmem:s6+$0xA020];
	_ =	sdelay $0x2  }
0x801: {  	[tilespmem:v10+s18+$0x0] =	vst.idx.add.f32.msk $0xffff, v6  }
0x802: {  	v10 =	vor.u32 $0x200, v8;
	v6 =	vld [tilespmem:s12+$0xA400]  }
0x803: {  	[tilespmem:v11+s18+$0x0] =	vst.idx.add.f32.msk $0xffff, v7  }
0x804: {  	v11 =	vor.u32 $0x80, v4;
	v7 =	vld [tilespmem:s6+$0xA030];
	_ =	sdelay $0x2  }
0x805: {  	[tilespmem:v10+s18+$0x0] =	vst.idx.add.f32.msk $0xffff, v6  }
0x806: {  	v10 =	vor.u32 $0x200, v9;
	v6 =	vld [tilespmem:s12+$0xA410]  }
0x807: {  	[tilespmem:v11+s18+$0x0] =	vst.idx.add.f32.msk $0xffff, v7  }
0x808: {  	v11 =	vor.u32 $0x100, v5;
	v7 =	vld [tilespmem:s6+$0xA040];
	_ =	sdelay $0x2  }
0x809: {  	[tilespmem:v10+s18+$0x0] =	vst.idx.add.f32.msk $0xffff, v6  }
0x80a: {  	s26 =	simm.s32 $0xC2;
	v12 =	vor.u32 $0x280, v8;
	v10 =	vld [tilespmem:s12+$0xA420]  }
0x80b: {  	s11 =	simm.s32 $0x200;
	s29 =	simm.s32 $0x100;
	v6 =	vadd.s32 s26, v0;
	[tilespmem:v11+s18+$0x0] =	vst.idx.add.f32.msk $0xffff, v7  }
0x80c: {  	s11 =	sand.u32 $0x1800, s11;
	s7 =	sand.u32 $0x380, s29;
	v13 =	vor.u32 $0x100, v4;
	v7 =	vshll.u32 v6, $0x3;
	v11 =	vld [tilespmem:s6+$0xA050]  }
0x80d: {  	s7 =	sor.u32 s7, s11;
	v6 =	vand.u32 $0x7F, v6;
	v7 =	vand.u32 $0x7FFFFC00, v7  }
0x80e: {  	v14 =	vld [tilespmem:s7+$0xA000];
	v6 =	vor.u32 v6, v7  }
0x80f: {  	[tilespmem:v12+s18+$0x0] =	vst.idx.add.f32.msk $0xffff, v10  }
0x810: {  	v12 =	vor.u32 $0x280, v9;
	v10 =	vld [tilespmem:s12+$0xA430]  }
0x811: {  	v7 =	vadd.s32 s26, v3;
	[tilespmem:v13+s18+$0x0] =	vst.idx.add.f32.msk $0xffff, v11  }
0x812: {  	v15 =	vor.u32 $0x180, v5;
	v11 =	vshll.u32 v7, $0x3;
	v13 =	vld [tilespmem:s6+$0xA060]  }
0x813: {  	v7 =	vand.u32 $0x7F, v7;
	[tilespmem:v6+s18+$0x0] =	vst.idx.add.f32.msk $0xffff, v14;
	v11 =	vand.u32 $0x7FFFFC00, v11  }
0x814: {  	v14 =	vld [tilespmem:s7+$0xA010];
	v7 =	vor.u32 v7, v11  }
0x815: {  	[tilespmem:v12+s18+$0x0] =	vst.idx.add.f32.msk $0xffff, v10  }
0x816: {  	v11 =	vor.u32 $0x300, v8;
	v10 =	vld [tilespmem:s12+$0xA440]  }
0x817: {  	[tilespmem:v15+s18+$0x0] =	vst.idx.add.f32.msk $0xffff, v13  }
0x818: {  	v13 =	vor.u32 $0x180, v4;
	v12 =	vld [tilespmem:s6+$0xA070]  }
0x819: {  	[tilespmem:v7+s18+$0x0] =	vst.idx.add.f32.msk $0xffff, v14  }
0x81a: {  	v15 =	vor.u32 $0x80, v6;
	v14 =	vld [tilespmem:s7+$0xA020]  }
0x81b: {  	[tilespmem:v11+s18+$0x0] =	vst.idx.add.f32.msk $0xffff, v10  }
0x81c: {  	v11 =	vor.u32 $0x300, v9;
	v10 =	vld [tilespmem:s12+$0xA450]  }
0x81d: {  	[tilespmem:v13+s18+$0x0] =	vst.idx.add.f32.msk $0xffff, v12  }
0x81e: {  	v13 =	vor.u32 $0x200, v5;
	v12 =	vld [tilespmem:s6+$0xA400]  }
0x81f: {  	[tilespmem:v15+s18+$0x0] =	vst.idx.add.f32.msk $0xffff, v14  }
0x820: {  	v15 =	vor.u32 $0x80, v7;
	v14 =	vld [tilespmem:s7+$0xA030]  }
0x821: {  	[tilespmem:v11+s18+$0x0] =	vst.idx.add.f32.msk $0xffff, v10  }
0x822: {  	v8 =	vor.u32 $0x380, v8;
	v10 =	vld [tilespmem:s12+$0xA460]  }
0x823: {  	[tilespmem:v13+s18+$0x0] =	vst.idx.add.f32.msk $0xffff, v12  }
0x824: {  	v12 =	vor.u32 $0x200, v4;
	v11 =	vld [tilespmem:s6+$0xA410]  }
0x825: {  	[tilespmem:v15+s18+$0x0] =	vst.idx.add.f32.msk $0xffff, v14  }
0x826: {  	v14 =	vor.u32 $0x100, v6;
	v13 =	vld [tilespmem:s7+$0xA040]  }
0x827: {  	[tilespmem:v8+s18+$0x0] =	vst.idx.add.f32.msk $0xffff, v10  }
0x828: {  	v9 =	vor.u32 $0x380, v9;
	v8 =	vld [tilespmem:s12+$0xA470]  }
0x829: {  	[tilespmem:v12+s18+$0x0] =	vst.idx.add.f32.msk $0xffff, v11  }
0x82a: {  	s8 =	simm.s32 $0x122;
	v11 =	vor.u32 $0x280, v5;
	v10 =	vld [tilespmem:s6+$0xA420]  }
0x82b: {  	s14 =	simm.s32 $0x182;
	s11 =	simm.s32 $0x300;
	s2 =	simm.s32 $0x180;
	v12 =	vadd.s32 s8, v0;
	[tilespmem:v14+s18+$0x0] =	vst.idx.add.f32.msk $0xffff, v13  }
.LBB2_25:
0x82c: {  	p1 =	sne.s32 s14, $0xBA2;
	s12 =	sand.u32 $0x1800, s11;
	s13 =	sand.u32 $0x380, s2;
	v13 =	vshll.u32 v12, $0x3;
	v14 =	vld [tilespmem:s7+$0xA050];
	v15 =	vor.u32 $0x100, v7  }
0x82d: {  	v12 =	vand.u32 $0x7F, v12;
	s12 =	sor.u32 s13, s12;
	v13 =	vand.u32 $0x7FFFFC00, v13;
	[tilespmem:v9+s18+$0x0] =	vst.idx.add.f32.msk $0xffff, v8  }
0x82e: {  	v8 =	vld [tilespmem:s12+$0xA000];
	v9 =	vor.u32 v12, v13  }
0x82f: {  	[tilespmem:v11+s18+$0x0] =	vst.idx.add.f32.msk $0xffff, v10  }
0x830: {  	v11 =	vor.u32 $0x280, v4;
	v10 =	vld [tilespmem:s6+$0xA430]  }
0x831: {  	v12 =	vadd.s32 s8, v3;
	s8 =	smov.u32 s14;
	[tilespmem:v15+s18+$0x0] =	vst.idx.add.f32.msk $0xffff, v14  }
0x832: {  	v13 =	vshll.u32 v12, $0x3;
	v15 =	vor.u32 $0x180, v6;
	v14 =	vld [tilespmem:s7+$0xA060]  }
0x833: {  	[tilespmem:v9+s18+$0x0] =	vst.idx.add.f32.msk $0xffff, v8;
	v8 =	vand.u32 $0x7F, v12;
	v12 =	vand.u32 $0x7FFFFC00, v13  }
0x834: {  	v13 =	vld [tilespmem:s12+$0xA010];
	v12 =	vor.u32 v8, v12  }
0x835: {  	[tilespmem:v11+s18+$0x0] =	vst.idx.add.f32.msk $0xffff, v10  }
0x836: {  	v10 =	vor.u32 $0x300, v5;
	v8 =	vld [tilespmem:s6+$0xA440]  }
0x837: {  	[tilespmem:v15+s18+$0x0] =	vst.idx.add.f32.msk $0xffff, v14  }
0x838: {  	v14 =	vor.u32 $0x180, v7;
	v11 =	vld [tilespmem:s7+$0xA070]  }
0x839: {  	[tilespmem:v12+s18+$0x0] =	vst.idx.add.f32.msk $0xffff, v13  }
0x83a: {  	v15 =	vor.u32 $0x80, v9;
	v13 =	vld [tilespmem:s12+$0xA020]  }
0x83b: {  	[tilespmem:v10+s18+$0x0] =	vst.idx.add.f32.msk $0xffff, v8  }
0x83c: {  	v10 =	vor.u32 $0x300, v4;
	v8 =	vld [tilespmem:s6+$0xA450]  }
0x83d: {  	[tilespmem:v14+s18+$0x0] =	vst.idx.add.f32.msk $0xffff, v11  }
0x83e: {  	v14 =	vor.u32 $0x200, v6;
	v11 =	vld [tilespmem:s7+$0xA400]  }
0x83f: {  	[tilespmem:v15+s18+$0x0] =	vst.idx.add.f32.msk $0xffff, v13  }
0x840: {  	v15 =	vor.u32 $0x80, v12;
	v13 =	vld [tilespmem:s12+$0xA030]  }
0x841: {  	[tilespmem:v10+s18+$0x0] =	vst.idx.add.f32.msk $0xffff, v8  }
0x842: {  	v10 =	vor.u32 $0x380, v5;
	v5 =	vmov v6;
	v6 =	vmov v9;
	v8 =	vld [tilespmem:s6+$0xA460]  }
0x843: {  	[tilespmem:v14+s18+$0x0] =	vst.idx.add.f32.msk $0xffff, v11  }
0x844: {  	v14 =	vor.u32 $0x200, v7;
	v11 =	vld [tilespmem:s7+$0xA410]  }
0x845: {  	[tilespmem:v15+s18+$0x0] =	vst.idx.add.f32.msk $0xffff, v13  }
0x846: {  	v15 =	vor.u32 $0x100, v6;
	v13 =	vld [tilespmem:s12+$0xA040]  }
.Ltmp13:
0x847: {  	[tilespmem:v10+s18+$0x0] =	vst.idx.add.f32.msk $0xffff, v8;
	(pc) =	sbr.rel @p1 .LBB2_25-.Ltmp13, $4  }
0x848: {  	v9 =	vor.u32 $0x380, v4;
	v4 =	vmov v7;
	v7 =	vmov v12;
	v8 =	vld [tilespmem:s6+$0xA470];
	s6 =	smov.u32 s7;
	s7 =	smov.u32 s12  }
0x849: {  	[tilespmem:v14+s18+$0x0] =	vst.idx.add.f32.msk $0xffff, v11  }
0x84a: {  	v11 =	vor.u32 $0x280, v5;
	v10 =	vld [tilespmem:s6+$0xA420]  }
0x84b: {  	s2 =	sadd.s32 $0x80, s2;
	s11 =	sadd.s32 $0x100, s11;
	s14 =	sadd.s32 $0x60, s14;
	v12 =	vadd.s32 s8, v0;
	[tilespmem:v15+s18+$0x0] =	vst.idx.add.f32.msk $0xffff, v13  }
0x84c: {  	s11 =	sand.u32 $0x1800, s11;
	s2 =	sand.u32 $0x380, s2;
	v13 =	vshll.u32 v12, $0x3  }
0x84d: {  	v31 =	vand.u32 $0x7F, v12;
	s2 =	sor.u32 s2, s11;
	v13 =	vand.u32 $0x7FFFFC00, v13  }
0x84e: {  	v14 =	vld [tilespmem:s2+$0xA000];
	v12 =	vor.u32 v31, v13;
	_ =	sdelay $0x2  }
0x84f: {  	v32 =	vadd.s32 s8, v3  }
0x850: {  	v15 =	vshll.u32 v32, $0x3  }
0x851: {  	v13 =	vand.u32 $0x7F, v32;
	v33 =	vand.u32 $0x7FFFFC00, v15;
	[tilespmem:v12+s18+$0x0] =	vst.idx.add.f32.msk $0xffff, v14  }
0x852: {  	v13 =	vor.u32 v13, v33;
	v34 =	vld [tilespmem:s2+$0xA010];
	_ =	sdelay $0x4  }
0x853: {  	[tilespmem:v13+s18+$0x0] =	vst.idx.add.f32.msk $0xffff, v34  }
0x854: {  	v36 =	vor.u32 $0x80, v12;
	v35 =	vld [tilespmem:s2+$0xA020];
	_ =	sdelay $0x4  }
0x855: {  	[tilespmem:v36+s18+$0x0] =	vst.idx.add.f32.msk $0xffff, v35  }
0x856: {  	v37 =	vor.u32 $0x80, v13;
	v14 =	vld [tilespmem:s2+$0xA030];
	_ =	sdelay $0x4  }
0x857: {  	[tilespmem:v37+s18+$0x0] =	vst.idx.add.f32.msk $0xffff, v14  }
0x858: {  	v38 =	vor.u32 $0x100, v12;
	v14 =	vld [tilespmem:s2+$0xA040];
	_ =	sdelay $0x3  }
0x859: {  	v16 =	vld [tilespmem:s7+$0xA050];
	v17 =	vor.u32 $0x100, v7  }
0x85a: {  	[tilespmem:v38+s18+$0x0] =	vst.idx.add.f32.msk $0xffff, v14  }
0x85b: {  	v39 =	vor.u32 $0x100, v13;
	v14 =	vld [tilespmem:s2+$0xA050];
	_ =	sdelay $0x2  }
0x85c: {  	[tilespmem:v17+s18+$0x0] =	vst.idx.add.f32.msk $0xffff, v16  }
0x85d: {  	v40 =	vor.u32 $0x180, v6;
	v16 =	vld [tilespmem:s7+$0xA060]  }
0x85e: {  	[tilespmem:v39+s18+$0x0] =	vst.idx.add.f32.msk $0xffff, v14  }
0x85f: {  	v41 =	vor.u32 $0x180, v12;
	v14 =	vld [tilespmem:s2+$0xA060];
	_ =	sdelay $0x2  }
0x860: {  	[tilespmem:v40+s18+$0x0] =	vst.idx.add.f32.msk $0xffff, v16  }
0x861: {  	v42 =	vor.u32 $0x180, v7;
	v16 =	vld [tilespmem:s7+$0xA070]  }
0x862: {  	[tilespmem:v41+s18+$0x0] =	vst.idx.add.f32.msk $0xffff, v14  }
0x863: {  	v43 =	vor.u32 $0x180, v13;
	v14 =	vld [tilespmem:s2+$0xA070];
	_ =	sdelay $0x2  }
0x864: {  	[tilespmem:v42+s18+$0x0] =	vst.idx.add.f32.msk $0xffff, v16  }
0x865: {  	v44 =	vor.u32 $0x200, v6;
	v16 =	vld [tilespmem:s7+$0xA400]  }
0x866: {  	[tilespmem:v43+s18+$0x0] =	vst.idx.add.f32.msk $0xffff, v14  }
0x867: {  	v45 =	vor.u32 $0x200, v12;
	v14 =	vld [tilespmem:s2+$0xA400];
	_ =	sdelay $0x2  }
0x868: {  	[tilespmem:v44+s18+$0x0] =	vst.idx.add.f32.msk $0xffff, v16  }
0x869: {  	v46 =	vor.u32 $0x200, v7;
	v16 =	vld [tilespmem:s7+$0xA410]  }
0x86a: {  	[tilespmem:v45+s18+$0x0] =	vst.idx.add.f32.msk $0xffff, v14  }
0x86b: {  	v47 =	vor.u32 $0x200, v13;
	v14 =	vld [tilespmem:s2+$0xA410];
	_ =	sdelay $0x2  }
0x86c: {  	[tilespmem:v46+s18+$0x0] =	vst.idx.add.f32.msk $0xffff, v16  }
0x86d: {  	v48 =	vor.u32 $0x280, v6;
	v16 =	vld [tilespmem:s7+$0xA420]  }
0x86e: {  	[tilespmem:v47+s18+$0x0] =	vst.idx.add.f32.msk $0xffff, v14  }
0x86f: {  	v49 =	vor.u32 $0x280, v12;
	v14 =	vld [tilespmem:s2+$0xA420]  }
0x870: {  	[tilespmem:v11+s18+$0x0] =	vst.idx.add.f32.msk $0xffff, v10  }
0x871: {  	v50 =	vor.u32 $0x280, v4;
	v10 =	vld [tilespmem:s6+$0xA430]  }
0x872: {  	[tilespmem:v48+s18+$0x0] =	vst.idx.add.f32.msk $0xffff, v16  }
0x873: {  	v51 =	vor.u32 $0x280, v7;
	v16 =	vld [tilespmem:s7+$0xA430]  }
0x874: {  	[tilespmem:v49+s18+$0x0] =	vst.idx.add.f32.msk $0xffff, v14  }
0x875: {  	v52 =	vor.u32 $0x280, v13;
	v14 =	vld [tilespmem:s2+$0xA430]  }
0x876: {  	[tilespmem:v50+s18+$0x0] =	vst.idx.add.f32.msk $0xffff, v10  }
0x877: {  	v53 =	vor.u32 $0x300, v5;
	v10 =	vld [tilespmem:s6+$0xA440]  }
0x878: {  	[tilespmem:v51+s18+$0x0] =	vst.idx.add.f32.msk $0xffff, v16  }
0x879: {  	v54 =	vor.u32 $0x300, v6;
	v16 =	vld [tilespmem:s7+$0xA440]  }
0x87a: {  	[tilespmem:v52+s18+$0x0] =	vst.idx.add.f32.msk $0xffff, v14  }
0x87b: {  	v55 =	vor.u32 $0x300, v12;
	v14 =	vld [tilespmem:s2+$0xA440]  }
0x87c: {  	[tilespmem:v53+s18+$0x0] =	vst.idx.add.f32.msk $0xffff, v10  }
0x87d: {  	v56 =	vor.u32 $0x300, v4;
	v10 =	vld [tilespmem:s6+$0xA450]  }
0x87e: {  	[tilespmem:v54+s18+$0x0] =	vst.idx.add.f32.msk $0xffff, v16  }
0x87f: {  	v57 =	vor.u32 $0x300, v7;
	v16 =	vld [tilespmem:s7+$0xA450]  }
0x880: {  	[tilespmem:v55+s18+$0x0] =	vst.idx.add.f32.msk $0xffff, v14  }
0x881: {  	v58 =	vor.u32 $0x300, v13;
	v14 =	vld [tilespmem:s2+$0xA450]  }
0x882: {  	[tilespmem:v56+s18+$0x0] =	vst.idx.add.f32.msk $0xffff, v10  }
0x883: {  	v5 =	vor.u32 $0x380, v5;
	v10 =	vld [tilespmem:s6+$0xA460]  }
0x884: {  	[tilespmem:v57+s18+$0x0] =	vst.idx.add.f32.msk $0xffff, v16  }
0x885: {  	v60 =	vor.u32 $0x380, v6;
	v59 =	vld [tilespmem:s7+$0xA460]  }
0x886: {  	[tilespmem:v58+s18+$0x0] =	vst.idx.add.f32.msk $0xffff, v14  }
0x887: {  	v12 =	vor.u32 $0x380, v12;
	v14 =	vld [tilespmem:s2+$0xA460]  }
0x888: {  	[tilespmem:v5+s18+$0x0] =	vst.idx.add.f32.msk $0xffff, v10  }
0x889: {  	v5 =	vld [tilespmem:s6+$0xA470]  }
0x88a: {  	[tilespmem:v60+s18+$0x0] =	vst.idx.add.f32.msk $0xffff, v59  }
0x88b: {  	v4 =	vor.u32 $0x380, v4;
	v6 =	vld [tilespmem:s7+$0xA470]  }
0x88c: {  	v61 =	vor.u32 $0x380, v7;
	[tilespmem:v12+s18+$0x0] =	vst.idx.add.f32.msk $0xffff, v14  }
0x88d: {  	v63 =	vor.u32 $0x380, v13;
	v62 =	vld [tilespmem:s2+$0xA470];
	_ =	sdelay $0x1  }
.Ltmp14:
0x88e: {  	[tilespmem:v9+s18+$0x0] =	vst.idx.add.f32.msk $0xffff, v8;
	(pc) =	sbr.rel @p0 .LBB2_28-.Ltmp14, $4  }
0x88f: {  	s29 =	sadd.s32 s5, s24;
	[tilespmem:v4+s18+$0x0] =	vst.idx.add.f32.msk $0xffff, v5  }
0x890: {  	[tilespmem:v61+s18+$0x0] =	vst.idx.add.f32.msk $0xffff, v6;
	s2 =	sshrl.u32 s29, $0x3  }
0x891: {  	s2 =	sadd.s32 s3, s2;
	[tilespmem:v63+s18+$0x0] =	vst.idx.add.f32.msk $0xffff, v62  }
0x892: {  	[hbm4b:s2+s4] =	stream.linear.scatter [tilespmem:s18], [sflag:$0x4], $0x6000, $0x38;
	[tilespmem:$0x1E080] =	vst v63  }
0x893: {  	s2 =	sadd.s32 s5, s25  }
0x894: {  	s2 =	sshrl.u32 s2, $0x3  }
0x895: {  	s16 =	simm.s32 $0x6000;
	s2 =	sadd.s32 s1, s2  }
0x896: {  	[tilespmem:s16], [sflag:$0x2] =	stream.strided.gather [hbm4b:s2+s9], $0x2000, s10, s9, $0x38;
	[tilespmem:$0x1E080] =	vst v63  }
.Ltmp15:
0x897: {  	_ = 	snop;
	(pc) =	sbr.rel .LBB2_14-.Ltmp15, $4  }
0x898: {  	s6 =	simm.s32 $0x8000;
	s26 =	sadd.s32 $0x8000, s2  }
0x899: {  	[tilespmem:s6], [sflag:$0x2] =	stream.strided.gather [hbm4b:s26+s9], $0x2000, s10, s9, $0x38;
	[tilespmem:$0x1E080] =	vst v63  }
0x89a: {  	s29 =	simm.s32 $0xA000;
	s0 =	sadd.s32 $0x1, s0;
	s2 =	sadd.s32 $0x10000, s2  }
0x89b: {  	[tilespmem:s29], [sflag:$0x2] =	stream.strided.gather [hbm4b:s2+s9], $0x2000, s10, s9, $0x38;
	[tilespmem:$0x1E080] =	vst v63  }
.LBB2_29:
0x89c: {  	_ =	sfence.sel $0x180000  }
0x89d: {  	[bflag:$0x0] =	sbarrier.arrive $0xFFFF  }
0x89e: {  	_ =	strace $0x90000047  }
0x89f: {  	s0 =	stileid.u32;
	[bflag:$0x2] =	sbarrier.arrive $0xFFFF  }
0x8a0: {  	p0 =	sne.s32 s0, $0x0;
	s0 =	rddreg [dreg:$0x4]  }
0x8a1: {  	s0 =	sadd.s32 @!p0 $0x100000, s0  }
0x8a2: {  	[sflag:s0] =	ssyncadd.tile.s32 @!p0 $0x1;
	_ =	shalt  }
.Lfunc_end2:
_tile_overlayer_lowered:
.L_overlay_start_2:
0x8a3: {  	(tag) =	ssettag $0x2  }
0x8a4: {  	s0 =	rddreg [dreg:$0x0];
	s2 =	stileid.u32  }
0x8a5: {  	s1 =	rddreg [dreg:$0x1];
	p0 =	sne.s32 s2, $0x0  }
0x8a6: {  	s3 =	rddreg [dreg:$0x2];
	[bflag:$0x3] =	sbarrier.arrive $0xFFFF;
	s2 =	simm.s32 @!p0 $0x1C08  }
0x8a7: {  	[timem:s3], [sflag:s2] =	dma.local @!p0 [hbm:s0], s1  }
0x8a8: {  	s0 =	simm.s32 @!p0 $0x8  }
0x8a9: {  	_ =	swait.ge @!p0 [sflag:s0], s1  }
0x8aa: {  	s1 =	ssub.s32 @!p0 $0x0, s1;
	[sflag:s0] =	ssyncset.done @!p0 $0x0  }
0x8ab: {  	[sflag:s0] =	ssyncadd.s32 @!p0 s1  }
0x8ac: {  	[bflag:$0x3] =	sbarrier.arrive $0xFFFF  }
0x8ad: {  	_ =	shalt  }

</sc_bundles>
